<compile_context>
chip_gen: v7x
topology: tpu7x:2x2x1
jax: 0.10.2.dev20260603
libtpu: 0.0.44.dev20260713+nightly
codegen_flags: <defaults>
</compile_context>

<pallas_src>
import functools

import jax
import jax.numpy as jnp
from jax import lax
from jax.experimental import pallas as pl
from jax.experimental.pallas import tpu as pltpu
from jax.experimental.pallas import tpu_sc as plsc

D_MODEL = 4096
N_EXP = 64
TOP_K = 8
TOKENS = 32768

NC = 2
NS = 16
NW = NC * NS
LANES = 16

CHUNKS = (16384, 16384)

BT = 512
HB = BT // 2


def _matmul_body(x_ref, w_ref, o_ref):
    logits = lax.dot_general(
        x_ref[...], w_ref[...],
        dimension_numbers=(((1,), (1,)), ((), ())),
        preferred_element_type=jnp.float32,
    )
    o_ref[...] = jnp.concatenate([logits[:HB], logits[HB:]], axis=1)


def _logits_tc(x, W, off, ch):
    return pl.pallas_call(
        _matmul_body,
        grid=(ch // BT,),
        in_specs=[
            pl.BlockSpec((BT, D_MODEL),
                         lambda i, off=off: (off // BT + i, 0)),
            pl.BlockSpec((N_EXP, D_MODEL), lambda i: (0, 0)),
        ],
        out_specs=pl.BlockSpec((BT // 2, 2 * N_EXP), lambda i: (i, 0)),
        out_shape=jax.ShapeDtypeStruct((ch // 2, 2 * N_EXP), jnp.float32),
    )(x, W)


_mesh = plsc.VectorSubcoreMesh(
    core_axis_name="c", subcore_axis_name="s", num_cores=NC, num_subcores=NS)


def _routing_loop(lv, pvT, ivT, tpw):
    lane = lax.iota(jnp.int32, LANES)
    lo_mask = lane < TOP_K
    rows = jnp.bitwise_and(lane, TOP_K - 1)

    def merge(va, ia, vb, ib):
        vbr = lax.rev(vb, (0,))
        ibr = lax.rev(ib, (0,))
        vm = jnp.where(lo_mask, va, vbr)
        im = jnp.where(lo_mask, ia, ibr)
        return plsc.sort_key_val(vm, im, descending=True)

    def one_token(r, h):
        sv = []
        si = []
        for g in range(N_EXP // LANES):
            v = lv[r, pl.ds(h * N_EXP + g * LANES, LANES)]
            s_v, s_i = plsc.sort_key_val(
                v, lane + g * LANES, descending=True)
            sv.append(s_v)
            si.append(s_i)
        v01, i01 = merge(sv[0], si[0], sv[1], si[1])
        v23, i23 = merge(sv[2], si[2], sv[3], si[3])
        v, i = merge(v01, i01, v23, i23)

        m = lax.reduce_max(v, axes=(0,))
        e = jnp.where(lo_mask, jnp.exp(v - m), 0.0)
        s = lax.reduce_sum(e, axes=(0,))
        p = e / s

        t = (r // HB) * BT + h * HB + lax.rem(r, HB)
        cols = jnp.full((LANES,), t, jnp.int32)
        plsc.store_scatter(pvT, [rows, cols], p, mask=lo_mask)
        plsc.store_scatter(ivT, [rows, cols], i, mask=lo_mask)

    @plsc.parallel_loop(0, tpw // 2, unroll=2)
    def body(r):
        one_token(r, 0)
        one_token(r, 1)


@functools.lru_cache(maxsize=None)
def _make_topk_sc(ch):
    tpw = ch // NW
    rpw = tpw // 2
    assert tpw % BT == 0

    @functools.partial(
        pl.kernel,
        mesh=_mesh,
        out_type=[
            jax.ShapeDtypeStruct((TOP_K, ch), jnp.float32),
            jax.ShapeDtypeStruct((TOP_K, ch), jnp.int32),
        ],
        scratch_types=[
            pltpu.VMEM((rpw, 2 * N_EXP), jnp.float32),
            pltpu.VMEM((TOP_K, tpw), jnp.float32),
            pltpu.VMEM((TOP_K, tpw), jnp.int32),
        ],
        compiler_params=pltpu.CompilerParams(
            needs_layout_passes=False, use_tc_tiling_on_sc=False),
    )
    def _topk_sc(logits_hbm, probs_hbm, idx_hbm, lv, pvT, ivT):
        wid = lax.axis_index("s") * NC + lax.axis_index("c")
        pltpu.sync_copy(logits_hbm.at[pl.ds(wid * rpw, rpw), :], lv)
        _routing_loop(lv, pvT, ivT, tpw)
        pltpu.sync_copy(pvT, probs_hbm.at[:, pl.ds(wid * tpw, tpw)])
        pltpu.sync_copy(ivT, idx_hbm.at[:, pl.ds(wid * tpw, tpw)])

    return _topk_sc


@functools.lru_cache(maxsize=None)
def _make_topk_sc_merge(ch, prev):
    tpw = ch // NW
    rpw = tpw // 2
    cpt = prev // NW
    assert tpw % BT == 0

    @functools.partial(
        pl.kernel,
        mesh=_mesh,
        out_type=[
            jax.ShapeDtypeStruct((TOP_K, prev + ch), jnp.float32),
            jax.ShapeDtypeStruct((TOP_K, prev + ch), jnp.int32),
        ],
        scratch_types=[
            pltpu.VMEM((rpw, 2 * N_EXP), jnp.float32),
            pltpu.VMEM((TOP_K, tpw), jnp.float32),
            pltpu.VMEM((TOP_K, tpw), jnp.int32),
            pltpu.VMEM((TOP_K, cpt), jnp.float32),
            pltpu.VMEM((TOP_K, cpt), jnp.int32),
        ],
        compiler_params=pltpu.CompilerParams(
            needs_layout_passes=False, use_tc_tiling_on_sc=False),
    )
    def _topk_sc(logits_hbm, p0_hbm, i0_hbm, probs_hbm, idx_hbm,
                 lv, pvT, ivT, cpf, cpi):
        wid = lax.axis_index("s") * NC + lax.axis_index("c")
        pltpu.sync_copy(logits_hbm.at[pl.ds(wid * rpw, rpw), :], lv)

        pltpu.sync_copy(p0_hbm.at[:, pl.ds(wid * cpt, cpt)], cpf)
        pltpu.sync_copy(cpf, probs_hbm.at[:, pl.ds(wid * cpt, cpt)])
        pltpu.sync_copy(i0_hbm.at[:, pl.ds(wid * cpt, cpt)], cpi)
        pltpu.sync_copy(cpi, idx_hbm.at[:, pl.ds(wid * cpt, cpt)])

        _routing_loop(lv, pvT, ivT, tpw)

        pltpu.sync_copy(pvT, probs_hbm.at[:, pl.ds(prev + wid * tpw, tpw)])
        pltpu.sync_copy(ivT, idx_hbm.at[:, pl.ds(prev + wid * tpw, tpw)])

    return _topk_sc


def kernel(x, W):
    ch0, ch1 = CHUNKS
    logits0 = _logits_tc(x, W, 0, ch0)
    p0, i0 = _make_topk_sc(ch0)(logits0)
    logits1 = _logits_tc(x, W, ch0, ch1)
    pT, iT = _make_topk_sc_merge(ch1, ch0)(logits1, p0, i0)
    return (pT.T, iT.T)

# --- scband reference (transcript-rebuilt; emitter-appended) ---
"""Pipeline reference for scband-mo-erouter-50697793962044 (READ-ONLY COPY).

The authoritative reference and input builder live on the scoring server;
editing this copy changes nothing except your own understanding.
"""

import jax, jax.numpy as jnp
import numpy as np

D_MODEL = 4096
NUM_EXPERTS = 64
TOP_K = 8
TOKENS = 32768


def setup_inputs(seed: int = 0) -> dict:
    key = jax.random.key(seed)
    kx, kw = jax.random.split(key)
    x = jax.random.normal(kx, (TOKENS, D_MODEL), dtype=jnp.float32)
    # torch nn.Linear(d_model, num_experts, bias=False): weight shape [num_experts, d_model]
    bound = 1.0 / np.sqrt(D_MODEL)
    W = jax.random.uniform(kw, (NUM_EXPERTS, D_MODEL), dtype=jnp.float32, minval=-bound, maxval=bound)
    return {"x": x, "W": W}


def reference(x, W):
    # logits = self.router(x)  -> x @ W.T
    logits = jnp.dot(x, W.T)
    # torch.topk(logits, top_k, dim=-1)
    top_k_logits, top_k_indices = jax.lax.top_k(logits, TOP_K)
    # softmax over the top-k logits
    top_k_probs = jax.nn.softmax(top_k_logits, axis=-1)
    return (top_k_probs, top_k_indices)

if __name__ == "__main__":
    import jax
    _d = setup_inputs()
    print(jax.jit(kernel)(*tuple(_d.values())))

</pallas_src>

<mosaic_0001>
#map = affine_map<(d0, d1) -> (0, 0)>
module attributes {stable_mosaic.version = 14 : i64} {
  func.func @_topk_sc(%arg0: i32, %arg1: i32, %arg2: memref<8192x128xf32, #tpu.memory_space<hbm>>, %arg3: memref<8x16384xf32, #tpu.memory_space<hbm>>, %arg4: memref<8x16384xi32, #tpu.memory_space<hbm>>, %arg5: memref<8x32768xf32, #tpu.memory_space<hbm>>, %arg6: memref<8x32768xi32, #tpu.memory_space<hbm>>, %arg7: memref<256x128xf32, #tpu.memory_space<vmem>>, %arg8: memref<8x512xf32, #tpu.memory_space<vmem>>, %arg9: memref<8x512xi32, #tpu.memory_space<vmem>>, %arg10: memref<8x512xf32, #tpu.memory_space<vmem>>, %arg11: memref<8x512xi32, #tpu.memory_space<vmem>>) attributes {dimension_semantics = [#tpu.dimension_semantics<core_parallel>, #tpu.dimension_semantics<subcore_parallel>], iteration_bounds = array<i64: 2, 16>, scalar_prefetch = 0 : i64, scratch_operands = 5 : i64, tpu.core_type = #tpu.core_type<sc_vector_subcore>, window_params = [{transform_indices = #map}, {transform_indices = #map}, {transform_indices = #map}, {transform_indices = #map}, {transform_indices = #map}]} {
    %mul3A = arith.constant 2 : i32
    %mul3A_0 = arith.muli %arg1, %mul3A : i32
    %add3A = arith.addi %mul3A_0, %arg0 : i32
    %mul3A_1 = arith.constant 256 : i32
    %mul3A_2 = arith.muli %add3A, %mul3A_1 : i32
    "tpu.region"() ({
      %run_scoped3A = tpu.sem_alloc : memref<!tpu.dma_semaphore, #tpu.memory_space<semaphore_mem>>
      %dma_start3A = arith.constant 0 : i32
      %dma_start3A_25 = tpu.memref_slice %arg2[%mul3A_2, %dma_start3A] : memref<8192x128xf32, #tpu.memory_space<hbm>> -> memref<256x128xf32, #tpu.memory_space<hbm>>
      %dma_start3A_26 = arith.constant 0 : i32
      %dma_start3A_27 = tpu.memref_slice %arg2[%mul3A_2, %dma_start3A_26] : memref<8192x128xf32, #tpu.memory_space<hbm>> -> memref<256x128xf32, #tpu.memory_space<hbm>>
      tpu.enqueue_dma source(%dma_start3A_27 : memref<256x128xf32, #tpu.memory_space<hbm>>) target(%arg7 : memref<256x128xf32, #tpu.memory_space<vmem>>) target_semaphore(%run_scoped3A : memref<!tpu.dma_semaphore, #tpu.memory_space<semaphore_mem>>)
      %dma_wait3A = arith.constant 0 : i32
      %dma_wait3A_28 = tpu.memref_slice %arg2[%mul3A_2, %dma_wait3A] : memref<8192x128xf32, #tpu.memory_space<hbm>> -> memref<256x128xf32, #tpu.memory_space<hbm>>
      %dma_wait3A_29 = arith.constant 0 : i32
      %dma_wait3A_30 = tpu.memref_slice %arg2[%mul3A_2, %dma_wait3A_29] : memref<8192x128xf32, #tpu.memory_space<hbm>> -> memref<256x128xf32, #tpu.memory_space<hbm>>
      tpu.wait_dma2 semaphore(%run_scoped3A : memref<!tpu.dma_semaphore, #tpu.memory_space<semaphore_mem>>) src(%dma_wait3A_30 : memref<256x128xf32, #tpu.memory_space<hbm>>) dst(%arg7 : memref<256x128xf32, #tpu.memory_space<vmem>>)
      tpu.yield
    }) : () -> ()
    %mul3A_3 = arith.constant 512 : i32
    %mul3A_4 = arith.muli %add3A, %mul3A_3 : i32
    "tpu.region"() ({
      %run_scoped3A = tpu.sem_alloc : memref<!tpu.dma_semaphore, #tpu.memory_space<semaphore_mem>>
      %dma_start3A = arith.constant 0 : i32
      %dma_start3A_25 = tpu.memref_slice %arg3[%dma_start3A, %mul3A_4] : memref<8x16384xf32, #tpu.memory_space<hbm>> -> memref<8x512xf32, #tpu.memory_space<hbm>>
      %dma_start3A_26 = arith.constant 0 : i32
      %dma_start3A_27 = tpu.memref_slice %arg3[%dma_start3A_26, %mul3A_4] : memref<8x16384xf32, #tpu.memory_space<hbm>> -> memref<8x512xf32, #tpu.memory_space<hbm>>
      tpu.enqueue_dma source(%dma_start3A_27 : memref<8x512xf32, #tpu.memory_space<hbm>>) target(%arg10 : memref<8x512xf32, #tpu.memory_space<vmem>>) target_semaphore(%run_scoped3A : memref<!tpu.dma_semaphore, #tpu.memory_space<semaphore_mem>>)
      %dma_wait3A = arith.constant 0 : i32
      %dma_wait3A_28 = tpu.memref_slice %arg3[%dma_wait3A, %mul3A_4] : memref<8x16384xf32, #tpu.memory_space<hbm>> -> memref<8x512xf32, #tpu.memory_space<hbm>>
      %dma_wait3A_29 = arith.constant 0 : i32
      %dma_wait3A_30 = tpu.memref_slice %arg3[%dma_wait3A_29, %mul3A_4] : memref<8x16384xf32, #tpu.memory_space<hbm>> -> memref<8x512xf32, #tpu.memory_space<hbm>>
      tpu.wait_dma2 semaphore(%run_scoped3A : memref<!tpu.dma_semaphore, #tpu.memory_space<semaphore_mem>>) src(%dma_wait3A_30 : memref<8x512xf32, #tpu.memory_space<hbm>>) dst(%arg10 : memref<8x512xf32, #tpu.memory_space<vmem>>)
      tpu.yield
    }) : () -> ()
    %mul3A_5 = arith.constant 512 : i32
    %mul3A_6 = arith.muli %add3A, %mul3A_5 : i32
    "tpu.region"() ({
      %run_scoped3A = tpu.sem_alloc : memref<!tpu.dma_semaphore, #tpu.memory_space<semaphore_mem>>
      %dma_start3A = arith.constant 0 : i32
      %dma_start3A_25 = tpu.memref_slice %arg5[%dma_start3A, %mul3A_6] : memref<8x32768xf32, #tpu.memory_space<hbm>> -> memref<8x512xf32, #tpu.memory_space<hbm>>
      %dma_start3A_26 = arith.constant 0 : i32
      %dma_start3A_27 = tpu.memref_slice %arg5[%dma_start3A_26, %mul3A_6] : memref<8x32768xf32, #tpu.memory_space<hbm>> -> memref<8x512xf32, #tpu.memory_space<hbm>>
      tpu.enqueue_dma source(%arg10 : memref<8x512xf32, #tpu.memory_space<vmem>>) target(%dma_start3A_27 : memref<8x512xf32, #tpu.memory_space<hbm>>) target_semaphore(%run_scoped3A : memref<!tpu.dma_semaphore, #tpu.memory_space<semaphore_mem>>)
      %dma_wait3A = arith.constant 0 : i32
      %dma_wait3A_28 = tpu.memref_slice %arg5[%dma_wait3A, %mul3A_6] : memref<8x32768xf32, #tpu.memory_space<hbm>> -> memref<8x512xf32, #tpu.memory_space<hbm>>
      %dma_wait3A_29 = arith.constant 0 : i32
      %dma_wait3A_30 = tpu.memref_slice %arg5[%dma_wait3A_29, %mul3A_6] : memref<8x32768xf32, #tpu.memory_space<hbm>> -> memref<8x512xf32, #tpu.memory_space<hbm>>
      tpu.wait_dma2 semaphore(%run_scoped3A : memref<!tpu.dma_semaphore, #tpu.memory_space<semaphore_mem>>) src(%arg10 : memref<8x512xf32, #tpu.memory_space<vmem>>) dst(%dma_wait3A_30 : memref<8x512xf32, #tpu.memory_space<hbm>>)
      tpu.yield
    }) : () -> ()
    %mul3A_7 = arith.constant 512 : i32
    %mul3A_8 = arith.muli %add3A, %mul3A_7 : i32
    "tpu.region"() ({
      %run_scoped3A = tpu.sem_alloc : memref<!tpu.dma_semaphore, #tpu.memory_space<semaphore_mem>>
      %dma_start3A = arith.constant 0 : i32
      %dma_start3A_25 = tpu.memref_slice %arg4[%dma_start3A, %mul3A_8] : memref<8x16384xi32, #tpu.memory_space<hbm>> -> memref<8x512xi32, #tpu.memory_space<hbm>>
      %dma_start3A_26 = arith.constant 0 : i32
      %dma_start3A_27 = tpu.memref_slice %arg4[%dma_start3A_26, %mul3A_8] : memref<8x16384xi32, #tpu.memory_space<hbm>> -> memref<8x512xi32, #tpu.memory_space<hbm>>
      tpu.enqueue_dma source(%dma_start3A_27 : memref<8x512xi32, #tpu.memory_space<hbm>>) target(%arg11 : memref<8x512xi32, #tpu.memory_space<vmem>>) target_semaphore(%run_scoped3A : memref<!tpu.dma_semaphore, #tpu.memory_space<semaphore_mem>>)
      %dma_wait3A = arith.constant 0 : i32
      %dma_wait3A_28 = tpu.memref_slice %arg4[%dma_wait3A, %mul3A_8] : memref<8x16384xi32, #tpu.memory_space<hbm>> -> memref<8x512xi32, #tpu.memory_space<hbm>>
      %dma_wait3A_29 = arith.constant 0 : i32
      %dma_wait3A_30 = tpu.memref_slice %arg4[%dma_wait3A_29, %mul3A_8] : memref<8x16384xi32, #tpu.memory_space<hbm>> -> memref<8x512xi32, #tpu.memory_space<hbm>>
      tpu.wait_dma2 semaphore(%run_scoped3A : memref<!tpu.dma_semaphore, #tpu.memory_space<semaphore_mem>>) src(%dma_wait3A_30 : memref<8x512xi32, #tpu.memory_space<hbm>>) dst(%arg11 : memref<8x512xi32, #tpu.memory_space<vmem>>)
      tpu.yield
    }) : () -> ()
    %mul3A_9 = arith.constant 512 : i32
    %mul3A_10 = arith.muli %add3A, %mul3A_9 : i32
    "tpu.region"() ({
      %run_scoped3A = tpu.sem_alloc : memref<!tpu.dma_semaphore, #tpu.memory_space<semaphore_mem>>
      %dma_start3A = arith.constant 0 : i32
      %dma_start3A_25 = tpu.memref_slice %arg6[%dma_start3A, %mul3A_10] : memref<8x32768xi32, #tpu.memory_space<hbm>> -> memref<8x512xi32, #tpu.memory_space<hbm>>
      %dma_start3A_26 = arith.constant 0 : i32
      %dma_start3A_27 = tpu.memref_slice %arg6[%dma_start3A_26, %mul3A_10] : memref<8x32768xi32, #tpu.memory_space<hbm>> -> memref<8x512xi32, #tpu.memory_space<hbm>>
      tpu.enqueue_dma source(%arg11 : memref<8x512xi32, #tpu.memory_space<vmem>>) target(%dma_start3A_27 : memref<8x512xi32, #tpu.memory_space<hbm>>) target_semaphore(%run_scoped3A : memref<!tpu.dma_semaphore, #tpu.memory_space<semaphore_mem>>)
      %dma_wait3A = arith.constant 0 : i32
      %dma_wait3A_28 = tpu.memref_slice %arg6[%dma_wait3A, %mul3A_10] : memref<8x32768xi32, #tpu.memory_space<hbm>> -> memref<8x512xi32, #tpu.memory_space<hbm>>
      %dma_wait3A_29 = arith.constant 0 : i32
      %dma_wait3A_30 = tpu.memref_slice %arg6[%dma_wait3A_29, %mul3A_10] : memref<8x32768xi32, #tpu.memory_space<hbm>> -> memref<8x512xi32, #tpu.memory_space<hbm>>
      tpu.wait_dma2 semaphore(%run_scoped3A : memref<!tpu.dma_semaphore, #tpu.memory_space<semaphore_mem>>) src(%arg11 : memref<8x512xi32, #tpu.memory_space<vmem>>) dst(%dma_wait3A_30 : memref<8x512xi32, #tpu.memory_space<hbm>>)
      tpu.yield
    }) : () -> ()
    %iota3A = tpu.iota {dimensions = array<i32: 0>} : vector<16xi32>
    %lt3A = arith.constant 8 : i32
    %lt3A_11 = vector.broadcast %lt3A : i32 to vector<16xi32>
    %lt3A_12 = arith.cmpi slt, %iota3A, %lt3A_11 : vector<16xi32>
    %and3A = arith.constant 7 : i32
    %and3A_13 = vector.broadcast %and3A : i32 to vector<16xi32>
    %and3A_14 = arith.andi %iota3A, %and3A_13 : vector<16xi32>
    %parallel_loop3A = arith.constant 0 : i32
    %parallel_loop3A_15 = arith.constant 256 : i32
    %parallel_loop3A_16 = arith.constant 1 : i32
    scf.for %parallel_loop3A_25 = %parallel_loop3A to %parallel_loop3A_15 step %parallel_loop3A_16  : i32 {
      %parallel_loop3A_26 = arith.index_cast %parallel_loop3A_25 : i32 to index
      %parallel_loop3A_27 = arith.constant 0 : index
      %parallel_loop3A_28 = tpu.vector_load %arg7[%parallel_loop3A_26, %parallel_loop3A_27] {strides = array<i32>} : memref<256x128xf32, #tpu.memory_space<vmem>>, vector<16xf32>,
      %parallel_loop3A_29 = arith.constant 0 : i32
      %parallel_loop3A_30 = vector.broadcast %parallel_loop3A_29 : i32 to vector<16xi32>
      %parallel_loop3A_31 = arith.addi %iota3A, %parallel_loop3A_30 : vector<16xi32>
      %parallel_loop3A_32 = arith.constant dense<true> : vector<16xi1>
      %parallel_loop3A_33, %parallel_loop3A_34, %parallel_loop3A_35 = tpu.sort %parallel_loop3A_28, %parallel_loop3A_31 masked %parallel_loop3A_32 {descending = true} : (vector<16xf32>, vector<16xi32>, vector<16xi1>) -> (vector<16xi1>, vector<16xf32>, vector<16xi32>)
      %parallel_loop3A_36 = arith.index_cast %parallel_loop3A_25 : i32 to index
      %parallel_loop3A_37 = arith.constant 16 : index
      %parallel_loop3A_38 = tpu.vector_load %arg7[%parallel_loop3A_36, %parallel_loop3A_37] {strides = array<i32>} : memref<256x128xf32, #tpu.memory_space<vmem>>, vector<16xf32>,
      %parallel_loop3A_39 = arith.constant 16 : i32
      %parallel_loop3A_40 = vector.broadcast %parallel_loop3A_39 : i32 to vector<16xi32>
      %parallel_loop3A_41 = arith.addi %iota3A, %parallel_loop3A_40 : vector<16xi32>
      %parallel_loop3A_42 = arith.constant dense<true> : vector<16xi1>
      %parallel_loop3A_43, %parallel_loop3A_44, %parallel_loop3A_45 = tpu.sort %parallel_loop3A_38, %parallel_loop3A_41 masked %parallel_loop3A_42 {descending = true} : (vector<16xf32>, vector<16xi32>, vector<16xi1>) -> (vector<16xi1>, vector<16xf32>, vector<16xi32>)
      %parallel_loop3A_46 = arith.index_cast %parallel_loop3A_25 : i32 to index
      %parallel_loop3A_47 = arith.constant 32 : index
      %parallel_loop3A_48 = tpu.vector_load %arg7[%parallel_loop3A_46, %parallel_loop3A_47] {strides = array<i32>} : memref<256x128xf32, #tpu.memory_space<vmem>>, vector<16xf32>,
      %parallel_loop3A_49 = arith.constant 32 : i32
      %parallel_loop3A_50 = vector.broadcast %parallel_loop3A_49 : i32 to vector<16xi32>
      %parallel_loop3A_51 = arith.addi %iota3A, %parallel_loop3A_50 : vector<16xi32>
      %parallel_loop3A_52 = arith.constant dense<true> : vector<16xi1>
      %parallel_loop3A_53, %parallel_loop3A_54, %parallel_loop3A_55 = tpu.sort %parallel_loop3A_48, %parallel_loop3A_51 masked %parallel_loop3A_52 {descending = true} : (vector<16xf32>, vector<16xi32>, vector<16xi1>) -> (vector<16xi1>, vector<16xf32>, vector<16xi32>)
      %parallel_loop3A_56 = arith.index_cast %parallel_loop3A_25 : i32 to index
      %parallel_loop3A_57 = arith.constant 48 : index
      %parallel_loop3A_58 = tpu.vector_load %arg7[%parallel_loop3A_56, %parallel_loop3A_57] {strides = array<i32>} : memref<256x128xf32, #tpu.memory_space<vmem>>, vector<16xf32>,
      %parallel_loop3A_59 = arith.constant 48 : i32
      %parallel_loop3A_60 = vector.broadcast %parallel_loop3A_59 : i32 to vector<16xi32>
      %parallel_loop3A_61 = arith.addi %iota3A, %parallel_loop3A_60 : vector<16xi32>
      %parallel_loop3A_62 = arith.constant dense<true> : vector<16xi1>
      %parallel_loop3A_63, %parallel_loop3A_64, %parallel_loop3A_65 = tpu.sort %parallel_loop3A_58, %parallel_loop3A_61 masked %parallel_loop3A_62 {descending = true} : (vector<16xf32>, vector<16xi32>, vector<16xi1>) -> (vector<16xi1>, vector<16xf32>, vector<16xi32>)
      %parallel_loop3A_66 = arith.constant 15 : i32
      %parallel_loop3A_67 = vector.broadcast %parallel_loop3A_66 : i32 to vector<16xi32>
      %parallel_loop3A_68 = tpu.iota {dimensions = array<i32: 0>} : vector<16xi32>
      %parallel_loop3A_69 = arith.subi %parallel_loop3A_67, %parallel_loop3A_68 : vector<16xi32>
      %parallel_loop3A_70 = tpu.dynamic_gather %parallel_loop3A_44[%parallel_loop3A_69] in [0] : vector<16xf32>, vector<16xi32> -> vector<16xf32>
      %parallel_loop3A_71 = arith.constant 15 : i32
      %parallel_loop3A_72 = vector.broadcast %parallel_loop3A_71 : i32 to vector<16xi32>
      %parallel_loop3A_73 = tpu.iota {dimensions = array<i32: 0>} : vector<16xi32>
      %parallel_loop3A_74 = arith.subi %parallel_loop3A_72, %parallel_loop3A_73 : vector<16xi32>
      %parallel_loop3A_75 = tpu.dynamic_gather %parallel_loop3A_45[%parallel_loop3A_74] in [0] : vector<16xi32>, vector<16xi32> -> vector<16xi32>
      %parallel_loop3A_76 = arith.select %lt3A_12, %parallel_loop3A_34, %parallel_loop3A_70 : vector<16xi1>, vector<16xf32>
      %parallel_loop3A_77 = arith.select %lt3A_12, %parallel_loop3A_35, %parallel_loop3A_75 : vector<16xi1>, vector<16xi32>
      %parallel_loop3A_78 = arith.constant dense<true> : vector<16xi1>
      %parallel_loop3A_79, %parallel_loop3A_80, %parallel_loop3A_81 = tpu.sort %parallel_loop3A_76, %parallel_loop3A_77 masked %parallel_loop3A_78 {descending = true} : (vector<16xf32>, vector<16xi32>, vector<16xi1>) -> (vector<16xi1>, vector<16xf32>, vector<16xi32>)
      %parallel_loop3A_82 = arith.constant 15 : i32
      %parallel_loop3A_83 = vector.broadcast %parallel_loop3A_82 : i32 to vector<16xi32>
      %parallel_loop3A_84 = tpu.iota {dimensions = array<i32: 0>} : vector<16xi32>
      %parallel_loop3A_85 = arith.subi %parallel_loop3A_83, %parallel_loop3A_84 : vector<16xi32>
      %parallel_loop3A_86 = tpu.dynamic_gather %parallel_loop3A_64[%parallel_loop3A_85] in [0] : vector<16xf32>, vector<16xi32> -> vector<16xf32>
      %parallel_loop3A_87 = arith.constant 15 : i32
      %parallel_loop3A_88 = vector.broadcast %parallel_loop3A_87 : i32 to vector<16xi32>
      %parallel_loop3A_89 = tpu.iota {dimensions = array<i32: 0>} : vector<16xi32>
      %parallel_loop3A_90 = arith.subi %parallel_loop3A_88, %parallel_loop3A_89 : vector<16xi32>
      %parallel_loop3A_91 = tpu.dynamic_gather %parallel_loop3A_65[%parallel_loop3A_90] in [0] : vector<16xi32>, vector<16xi32> -> vector<16xi32>
      %parallel_loop3A_92 = arith.select %lt3A_12, %parallel_loop3A_54, %parallel_loop3A_86 : vector<16xi1>, vector<16xf32>
      %parallel_loop3A_93 = arith.select %lt3A_12, %parallel_loop3A_55, %parallel_loop3A_91 : vector<16xi1>, vector<16xi32>
      %parallel_loop3A_94 = arith.constant dense<true> : vector<16xi1>
      %parallel_loop3A_95, %parallel_loop3A_96, %parallel_loop3A_97 = tpu.sort %parallel_loop3A_92, %parallel_loop3A_93 masked %parallel_loop3A_94 {descending = true} : (vector<16xf32>, vector<16xi32>, vector<16xi1>) -> (vector<16xi1>, vector<16xf32>, vector<16xi32>)
      %parallel_loop3A_98 = arith.constant 15 : i32
      %parallel_loop3A_99 = vector.broadcast %parallel_loop3A_98 : i32 to vector<16xi32>
      %parallel_loop3A_100 = tpu.iota {dimensions = array<i32: 0>} : vector<16xi32>
      %parallel_loop3A_101 = arith.subi %parallel_loop3A_99, %parallel_loop3A_100 : vector<16xi32>
      %parallel_loop3A_102 = tpu.dynamic_gather %parallel_loop3A_96[%parallel_loop3A_101] in [0] : vector<16xf32>, vector<16xi32> -> vector<16xf32>
      %parallel_loop3A_103 = arith.constant 15 : i32
      %parallel_loop3A_104 = vector.broadcast %parallel_loop3A_103 : i32 to vector<16xi32>
      %parallel_loop3A_105 = tpu.iota {dimensions = array<i32: 0>} : vector<16xi32>
      %parallel_loop3A_106 = arith.subi %parallel_loop3A_104, %parallel_loop3A_105 : vector<16xi32>
      %parallel_loop3A_107 = tpu.dynamic_gather %parallel_loop3A_97[%parallel_loop3A_106] in [0] : vector<16xi32>, vector<16xi32> -> vector<16xi32>
      %parallel_loop3A_108 = arith.select %lt3A_12, %parallel_loop3A_80, %parallel_loop3A_102 : vector<16xi1>, vector<16xf32>
      %parallel_loop3A_109 = arith.select %lt3A_12, %parallel_loop3A_81, %parallel_loop3A_107 : vector<16xi1>, vector<16xi32>
      %parallel_loop3A_110 = arith.constant dense<true> : vector<16xi1>
      %parallel_loop3A_111, %parallel_loop3A_112, %parallel_loop3A_113 = tpu.sort %parallel_loop3A_108, %parallel_loop3A_109 masked %parallel_loop3A_110 {descending = true} : (vector<16xf32>, vector<16xi32>, vector<16xi1>) -> (vector<16xi1>, vector<16xf32>, vector<16xi32>)
      %parallel_loop3A_114 = arith.constant true
      %parallel_loop3A_115 = vector.broadcast %parallel_loop3A_114 : i1 to vector<16xi1>
      %parallel_loop3A_116 = tpu.scan <max>, %parallel_loop3A_112 masked %parallel_loop3A_115 : vector<16xf32>, vector<16xi1> -> vector<16xf32>
      %parallel_loop3A_117 = vector.extract %parallel_loop3A_116[15] : f32 from vector<16xf32>
      %parallel_loop3A_118 = vector.broadcast %parallel_loop3A_117 : f32 to vector<16xf32>
      %parallel_loop3A_119 = arith.subf %parallel_loop3A_112, %parallel_loop3A_118 : vector<16xf32>
      %parallel_loop3A_120 = math.exp %parallel_loop3A_119 : vector<16xf32>
      %parallel_loop3A_121 = arith.constant 0.000000e+00 : f32
      %parallel_loop3A_122 = vector.broadcast %parallel_loop3A_121 : f32 to vector<16xf32>
      %parallel_loop3A_123 = arith.select %lt3A_12, %parallel_loop3A_120, %parallel_loop3A_122 : vector<16xi1>, vector<16xf32>
      %parallel_loop3A_124 = arith.constant true
      %parallel_loop3A_125 = vector.broadcast %parallel_loop3A_124 : i1 to vector<16xi1>
      %parallel_loop3A_126 = tpu.scan <sum>, %parallel_loop3A_123 masked %parallel_loop3A_125 : vector<16xf32>, vector<16xi1> -> vector<16xf32>
      %parallel_loop3A_127 = vector.extract %parallel_loop3A_126[15] : f32 from vector<16xf32>
      %parallel_loop3A_128 = vector.broadcast %parallel_loop3A_127 : f32 to vector<16xf32>
      %parallel_loop3A_129 = arith.divf %parallel_loop3A_123, %parallel_loop3A_128 : vector<16xf32>
      %parallel_loop3A_130 = arith.constant 256 : i32
      %parallel_loop3A_131 = arith.divsi %parallel_loop3A_25, %parallel_loop3A_130 : i32
      %parallel_loop3A_132 = arith.constant 0 : i32
      %parallel_loop3A_133 = arith.cmpi sgt, %parallel_loop3A_25, %parallel_loop3A_132 : i32
      %parallel_loop3A_134 = arith.extui %parallel_loop3A_133 : i1 to i32
      %parallel_loop3A_135 = arith.constant 0 : i32
      %parallel_loop3A_136 = arith.cmpi slt, %parallel_loop3A_25, %parallel_loop3A_135 : i32
      %parallel_loop3A_137 = arith.extui %parallel_loop3A_136 : i1 to i32
      %parallel_loop3A_138 = arith.subi %parallel_loop3A_134, %parallel_loop3A_137 : i32
      %parallel_loop3A_139 = arith.constant 0 : i32
      %parallel_loop3A_140 = arith.cmpi sgt, %parallel_loop3A_130, %parallel_loop3A_139 : i32
      %parallel_loop3A_141 = arith.extui %parallel_loop3A_140 : i1 to i32
      %parallel_loop3A_142 = arith.constant 0 : i32
      %parallel_loop3A_143 = arith.cmpi slt, %parallel_loop3A_130, %parallel_loop3A_142 : i32
      %parallel_loop3A_144 = arith.extui %parallel_loop3A_143 : i1 to i32
      %parallel_loop3A_145 = arith.subi %parallel_loop3A_141, %parallel_loop3A_144 : i32
      %parallel_loop3A_146 = arith.cmpi ne, %parallel_loop3A_138, %parallel_loop3A_145 : i32
      %parallel_loop3A_147 = arith.remsi %parallel_loop3A_25, %parallel_loop3A_130 : i32
      %parallel_loop3A_148 = arith.constant 0 : i32
      %parallel_loop3A_149 = arith.cmpi ne, %parallel_loop3A_147, %parallel_loop3A_148 : i32
      %parallel_loop3A_150 = arith.andi %parallel_loop3A_146, %parallel_loop3A_149 : i1
      %parallel_loop3A_151 = arith.constant 1 : i32
      %parallel_loop3A_152 = arith.subi %parallel_loop3A_131, %parallel_loop3A_151 : i32
      %parallel_loop3A_153 = arith.select %parallel_loop3A_150, %parallel_loop3A_152, %parallel_loop3A_131 : i32
      %parallel_loop3A_154 = arith.constant 512 : i32
      %parallel_loop3A_155 = arith.muli %parallel_loop3A_153, %parallel_loop3A_154 : i32
      %parallel_loop3A_156 = arith.constant 0 : i32
      %parallel_loop3A_157 = arith.addi %parallel_loop3A_155, %parallel_loop3A_156 : i32
      %parallel_loop3A_158 = arith.constant 256 : i32
      %parallel_loop3A_159 = arith.remsi %parallel_loop3A_25, %parallel_loop3A_158 : i32
      %parallel_loop3A_160 = arith.addi %parallel_loop3A_157, %parallel_loop3A_159 : i32
      %parallel_loop3A_161 = vector.broadcast %parallel_loop3A_160 : i32 to vector<16xi32>
      tpu.vector_store_idx %arg8[%and3A_14, %parallel_loop3A_161], %parallel_loop3A_129 masked %lt3A_12 : memref<8x512xf32, #tpu.memory_space<vmem>>[vector<16xi32>, vector<16xi32>], vector<16xf32>, vector<16xi1>
      tpu.vector_store_idx %arg9[%and3A_14, %parallel_loop3A_161], %parallel_loop3A_113 masked %lt3A_12 : memref<8x512xi32, #tpu.memory_space<vmem>>[vector<16xi32>, vector<16xi32>], vector<16xi32>, vector<16xi1>
      %parallel_loop3A_162 = arith.index_cast %parallel_loop3A_25 : i32 to index
      %parallel_loop3A_163 = arith.constant 64 : index
      %parallel_loop3A_164 = tpu.vector_load %arg7[%parallel_loop3A_162, %parallel_loop3A_163] {strides = array<i32>} : memref<256x128xf32, #tpu.memory_space<vmem>>, vector<16xf32>,
      %parallel_loop3A_165 = arith.constant 0 : i32
      %parallel_loop3A_166 = vector.broadcast %parallel_loop3A_165 : i32 to vector<16xi32>
      %parallel_loop3A_167 = arith.addi %iota3A, %parallel_loop3A_166 : vector<16xi32>
      %parallel_loop3A_168 = arith.constant dense<true> : vector<16xi1>
      %parallel_loop3A_169, %parallel_loop3A_170, %parallel_loop3A_171 = tpu.sort %parallel_loop3A_164, %parallel_loop3A_167 masked %parallel_loop3A_168 {descending = true} : (vector<16xf32>, vector<16xi32>, vector<16xi1>) -> (vector<16xi1>, vector<16xf32>, vector<16xi32>)
      %parallel_loop3A_172 = arith.index_cast %parallel_loop3A_25 : i32 to index
      %parallel_loop3A_173 = arith.constant 80 : index
      %parallel_loop3A_174 = tpu.vector_load %arg7[%parallel_loop3A_172, %parallel_loop3A_173] {strides = array<i32>} : memref<256x128xf32, #tpu.memory_space<vmem>>, vector<16xf32>,
      %parallel_loop3A_175 = arith.constant 16 : i32
      %parallel_loop3A_176 = vector.broadcast %parallel_loop3A_175 : i32 to vector<16xi32>
      %parallel_loop3A_177 = arith.addi %iota3A, %parallel_loop3A_176 : vector<16xi32>
      %parallel_loop3A_178 = arith.constant dense<true> : vector<16xi1>
      %parallel_loop3A_179, %parallel_loop3A_180, %parallel_loop3A_181 = tpu.sort %parallel_loop3A_174, %parallel_loop3A_177 masked %parallel_loop3A_178 {descending = true} : (vector<16xf32>, vector<16xi32>, vector<16xi1>) -> (vector<16xi1>, vector<16xf32>, vector<16xi32>)
      %parallel_loop3A_182 = arith.index_cast %parallel_loop3A_25 : i32 to index
      %parallel_loop3A_183 = arith.constant 96 : index
      %parallel_loop3A_184 = tpu.vector_load %arg7[%parallel_loop3A_182, %parallel_loop3A_183] {strides = array<i32>} : memref<256x128xf32, #tpu.memory_space<vmem>>, vector<16xf32>,
      %parallel_loop3A_185 = arith.constant 32 : i32
      %parallel_loop3A_186 = vector.broadcast %parallel_loop3A_185 : i32 to vector<16xi32>
      %parallel_loop3A_187 = arith.addi %iota3A, %parallel_loop3A_186 : vector<16xi32>
      %parallel_loop3A_188 = arith.constant dense<true> : vector<16xi1>
      %parallel_loop3A_189, %parallel_loop3A_190, %parallel_loop3A_191 = tpu.sort %parallel_loop3A_184, %parallel_loop3A_187 masked %parallel_loop3A_188 {descending = true} : (vector<16xf32>, vector<16xi32>, vector<16xi1>) -> (vector<16xi1>, vector<16xf32>, vector<16xi32>)
      %parallel_loop3A_192 = arith.index_cast %parallel_loop3A_25 : i32 to index
      %parallel_loop3A_193 = arith.constant 112 : index
      %parallel_loop3A_194 = tpu.vector_load %arg7[%parallel_loop3A_192, %parallel_loop3A_193] {strides = array<i32>} : memref<256x128xf32, #tpu.memory_space<vmem>>, vector<16xf32>,
      %parallel_loop3A_195 = arith.constant 48 : i32
      %parallel_loop3A_196 = vector.broadcast %parallel_loop3A_195 : i32 to vector<16xi32>
      %parallel_loop3A_197 = arith.addi %iota3A, %parallel_loop3A_196 : vector<16xi32>
      %parallel_loop3A_198 = arith.constant dense<true> : vector<16xi1>
      %parallel_loop3A_199, %parallel_loop3A_200, %parallel_loop3A_201 = tpu.sort %parallel_loop3A_194, %parallel_loop3A_197 masked %parallel_loop3A_198 {descending = true} : (vector<16xf32>, vector<16xi32>, vector<16xi1>) -> (vector<16xi1>, vector<16xf32>, vector<16xi32>)
      %parallel_loop3A_202 = arith.constant 15 : i32
      %parallel_loop3A_203 = vector.broadcast %parallel_loop3A_202 : i32 to vector<16xi32>
      %parallel_loop3A_204 = tpu.iota {dimensions = array<i32: 0>} : vector<16xi32>
      %parallel_loop3A_205 = arith.subi %parallel_loop3A_203, %parallel_loop3A_204 : vector<16xi32>
      %parallel_loop3A_206 = tpu.dynamic_gather %parallel_loop3A_180[%parallel_loop3A_205] in [0] : vector<16xf32>, vector<16xi32> -> vector<16xf32>
      %parallel_loop3A_207 = arith.constant 15 : i32
      %parallel_loop3A_208 = vector.broadcast %parallel_loop3A_207 : i32 to vector<16xi32>
      %parallel_loop3A_209 = tpu.iota {dimensions = array<i32: 0>} : vector<16xi32>
      %parallel_loop3A_210 = arith.subi %parallel_loop3A_208, %parallel_loop3A_209 : vector<16xi32>
      %parallel_loop3A_211 = tpu.dynamic_gather %parallel_loop3A_181[%parallel_loop3A_210] in [0] : vector<16xi32>, vector<16xi32> -> vector<16xi32>
      %parallel_loop3A_212 = arith.select %lt3A_12, %parallel_loop3A_170, %parallel_loop3A_206 : vector<16xi1>, vector<16xf32>
      %parallel_loop3A_213 = arith.select %lt3A_12, %parallel_loop3A_171, %parallel_loop3A_211 : vector<16xi1>, vector<16xi32>
      %parallel_loop3A_214 = arith.constant dense<true> : vector<16xi1>
      %parallel_loop3A_215, %parallel_loop3A_216, %parallel_loop3A_217 = tpu.sort %parallel_loop3A_212, %parallel_loop3A_213 masked %parallel_loop3A_214 {descending = true} : (vector<16xf32>, vector<16xi32>, vector<16xi1>) -> (vector<16xi1>, vector<16xf32>, vector<16xi32>)
      %parallel_loop3A_218 = arith.constant 15 : i32
      %parallel_loop3A_219 = vector.broadcast %parallel_loop3A_218 : i32 to vector<16xi32>
      %parallel_loop3A_220 = tpu.iota {dimensions = array<i32: 0>} : vector<16xi32>
      %parallel_loop3A_221 = arith.subi %parallel_loop3A_219, %parallel_loop3A_220 : vector<16xi32>
      %parallel_loop3A_222 = tpu.dynamic_gather %parallel_loop3A_200[%parallel_loop3A_221] in [0] : vector<16xf32>, vector<16xi32> -> vector<16xf32>
      %parallel_loop3A_223 = arith.constant 15 : i32
      %parallel_loop3A_224 = vector.broadcast %parallel_loop3A_223 : i32 to vector<16xi32>
      %parallel_loop3A_225 = tpu.iota {dimensions = array<i32: 0>} : vector<16xi32>
      %parallel_loop3A_226 = arith.subi %parallel_loop3A_224, %parallel_loop3A_225 : vector<16xi32>
      %parallel_loop3A_227 = tpu.dynamic_gather %parallel_loop3A_201[%parallel_loop3A_226] in [0] : vector<16xi32>, vector<16xi32> -> vector<16xi32>
      %parallel_loop3A_228 = arith.select %lt3A_12, %parallel_loop3A_190, %parallel_loop3A_222 : vector<16xi1>, vector<16xf32>
      %parallel_loop3A_229 = arith.select %lt3A_12, %parallel_loop3A_191, %parallel_loop3A_227 : vector<16xi1>, vector<16xi32>
      %parallel_loop3A_230 = arith.constant dense<true> : vector<16xi1>
      %parallel_loop3A_231, %parallel_loop3A_232, %parallel_loop3A_233 = tpu.sort %parallel_loop3A_228, %parallel_loop3A_229 masked %parallel_loop3A_230 {descending = true} : (vector<16xf32>, vector<16xi32>, vector<16xi1>) -> (vector<16xi1>, vector<16xf32>, vector<16xi32>)
      %parallel_loop3A_234 = arith.constant 15 : i32
      %parallel_loop3A_235 = vector.broadcast %parallel_loop3A_234 : i32 to vector<16xi32>
      %parallel_loop3A_236 = tpu.iota {dimensions = array<i32: 0>} : vector<16xi32>
      %parallel_loop3A_237 = arith.subi %parallel_loop3A_235, %parallel_loop3A_236 : vector<16xi32>
      %parallel_loop3A_238 = tpu.dynamic_gather %parallel_loop3A_232[%parallel_loop3A_237] in [0] : vector<16xf32>, vector<16xi32> -> vector<16xf32>
      %parallel_loop3A_239 = arith.constant 15 : i32
      %parallel_loop3A_240 = vector.broadcast %parallel_loop3A_239 : i32 to vector<16xi32>
      %parallel_loop3A_241 = tpu.iota {dimensions = array<i32: 0>} : vector<16xi32>
      %parallel_loop3A_242 = arith.subi %parallel_loop3A_240, %parallel_loop3A_241 : vector<16xi32>
      %parallel_loop3A_243 = tpu.dynamic_gather %parallel_loop3A_233[%parallel_loop3A_242] in [0] : vector<16xi32>, vector<16xi32> -> vector<16xi32>
      %parallel_loop3A_244 = arith.select %lt3A_12, %parallel_loop3A_216, %parallel_loop3A_238 : vector<16xi1>, vector<16xf32>
      %parallel_loop3A_245 = arith.select %lt3A_12, %parallel_loop3A_217, %parallel_loop3A_243 : vector<16xi1>, vector<16xi32>
      %parallel_loop3A_246 = arith.constant dense<true> : vector<16xi1>
      %parallel_loop3A_247, %parallel_loop3A_248, %parallel_loop3A_249 = tpu.sort %parallel_loop3A_244, %parallel_loop3A_245 masked %parallel_loop3A_246 {descending = true} : (vector<16xf32>, vector<16xi32>, vector<16xi1>) -> (vector<16xi1>, vector<16xf32>, vector<16xi32>)
      %parallel_loop3A_250 = arith.constant true
      %parallel_loop3A_251 = vector.broadcast %parallel_loop3A_250 : i1 to vector<16xi1>
      %parallel_loop3A_252 = tpu.scan <max>, %parallel_loop3A_248 masked %parallel_loop3A_251 : vector<16xf32>, vector<16xi1> -> vector<16xf32>
      %parallel_loop3A_253 = vector.extract %parallel_loop3A_252[15] : f32 from vector<16xf32>
      %parallel_loop3A_254 = vector.broadcast %parallel_loop3A_253 : f32 to vector<16xf32>
      %parallel_loop3A_255 = arith.subf %parallel_loop3A_248, %parallel_loop3A_254 : vector<16xf32>
      %parallel_loop3A_256 = math.exp %parallel_loop3A_255 : vector<16xf32>
      %parallel_loop3A_257 = arith.constant 0.000000e+00 : f32
      %parallel_loop3A_258 = vector.broadcast %parallel_loop3A_257 : f32 to vector<16xf32>
      %parallel_loop3A_259 = arith.select %lt3A_12, %parallel_loop3A_256, %parallel_loop3A_258 : vector<16xi1>, vector<16xf32>
      %parallel_loop3A_260 = arith.constant true
      %parallel_loop3A_261 = vector.broadcast %parallel_loop3A_260 : i1 to vector<16xi1>
      %parallel_loop3A_262 = tpu.scan <sum>, %parallel_loop3A_259 masked %parallel_loop3A_261 : vector<16xf32>, vector<16xi1> -> vector<16xf32>
      %parallel_loop3A_263 = vector.extract %parallel_loop3A_262[15] : f32 from vector<16xf32>
      %parallel_loop3A_264 = vector.broadcast %parallel_loop3A_263 : f32 to vector<16xf32>
      %parallel_loop3A_265 = arith.divf %parallel_loop3A_259, %parallel_loop3A_264 : vector<16xf32>
      %parallel_loop3A_266 = arith.constant 256 : i32
      %parallel_loop3A_267 = arith.divsi %parallel_loop3A_25, %parallel_loop3A_266 : i32
      %parallel_loop3A_268 = arith.constant 0 : i32
      %parallel_loop3A_269 = arith.cmpi sgt, %parallel_loop3A_25, %parallel_loop3A_268 : i32
      %parallel_loop3A_270 = arith.extui %parallel_loop3A_269 : i1 to i32
      %parallel_loop3A_271 = arith.constant 0 : i32
      %parallel_loop3A_272 = arith.cmpi slt, %parallel_loop3A_25, %parallel_loop3A_271 : i32
      %parallel_loop3A_273 = arith.extui %parallel_loop3A_272 : i1 to i32
      %parallel_loop3A_274 = arith.subi %parallel_loop3A_270, %parallel_loop3A_273 : i32
      %parallel_loop3A_275 = arith.constant 0 : i32
      %parallel_loop3A_276 = arith.cmpi sgt, %parallel_loop3A_266, %parallel_loop3A_275 : i32
      %parallel_loop3A_277 = arith.extui %parallel_loop3A_276 : i1 to i32
      %parallel_loop3A_278 = arith.constant 0 : i32
      %parallel_loop3A_279 = arith.cmpi slt, %parallel_loop3A_266, %parallel_loop3A_278 : i32
      %parallel_loop3A_280 = arith.extui %parallel_loop3A_279 : i1 to i32
      %parallel_loop3A_281 = arith.subi %parallel_loop3A_277, %parallel_loop3A_280 : i32
      %parallel_loop3A_282 = arith.cmpi ne, %parallel_loop3A_274, %parallel_loop3A_281 : i32
      %parallel_loop3A_283 = arith.remsi %parallel_loop3A_25, %parallel_loop3A_266 : i32
      %parallel_loop3A_284 = arith.constant 0 : i32
      %parallel_loop3A_285 = arith.cmpi ne, %parallel_loop3A_283, %parallel_loop3A_284 : i32
      %parallel_loop3A_286 = arith.andi %parallel_loop3A_282, %parallel_loop3A_285 : i1
      %parallel_loop3A_287 = arith.constant 1 : i32
      %parallel_loop3A_288 = arith.subi %parallel_loop3A_267, %parallel_loop3A_287 : i32
      %parallel_loop3A_289 = arith.select %parallel_loop3A_286, %parallel_loop3A_288, %parallel_loop3A_267 : i32
      %parallel_loop3A_290 = arith.constant 512 : i32
      %parallel_loop3A_291 = arith.muli %parallel_loop3A_289, %parallel_loop3A_290 : i32
      %parallel_loop3A_292 = arith.constant 256 : i32
      %parallel_loop3A_293 = arith.addi %parallel_loop3A_291, %parallel_loop3A_292 : i32
      %parallel_loop3A_294 = arith.constant 256 : i32
      %parallel_loop3A_295 = arith.remsi %parallel_loop3A_25, %parallel_loop3A_294 : i32
      %parallel_loop3A_296 = arith.addi %parallel_loop3A_293, %parallel_loop3A_295 : i32
      %parallel_loop3A_297 = vector.broadcast %parallel_loop3A_296 : i32 to vector<16xi32>
      tpu.vector_store_idx %arg8[%and3A_14, %parallel_loop3A_297], %parallel_loop3A_265 masked %lt3A_12 : memref<8x512xf32, #tpu.memory_space<vmem>>[vector<16xi32>, vector<16xi32>], vector<16xf32>, vector<16xi1>
      tpu.vector_store_idx %arg9[%and3A_14, %parallel_loop3A_297], %parallel_loop3A_249 masked %lt3A_12 : memref<8x512xi32, #tpu.memory_space<vmem>>[vector<16xi32>, vector<16xi32>], vector<16xi32>, vector<16xi1>
    } {sc.loop_unroll_factor = 2 : i64, sc.parallel_access}
    %mul3A_17 = arith.constant 512 : i32
    %mul3A_18 = arith.muli %add3A, %mul3A_17 : i32
    %add3A_19 = arith.constant 16384 : i32
    %add3A_20 = arith.addi %add3A_19, %mul3A_18 : i32
    "tpu.region"() ({
      %run_scoped3A = tpu.sem_alloc : memref<!tpu.dma_semaphore, #tpu.memory_space<semaphore_mem>>
      %dma_start3A = arith.constant 0 : i32
      %dma_start3A_25 = tpu.memref_slice %arg5[%dma_start3A, %add3A_20] : memref<8x32768xf32, #tpu.memory_space<hbm>> -> memref<8x512xf32, #tpu.memory_space<hbm>>
      %dma_start3A_26 = arith.constant 0 : i32
      %dma_start3A_27 = tpu.memref_slice %arg5[%dma_start3A_26, %add3A_20] : memref<8x32768xf32, #tpu.memory_space<hbm>> -> memref<8x512xf32, #tpu.memory_space<hbm>>
      tpu.enqueue_dma source(%arg8 : memref<8x512xf32, #tpu.memory_space<vmem>>) target(%dma_start3A_27 : memref<8x512xf32, #tpu.memory_space<hbm>>) target_semaphore(%run_scoped3A : memref<!tpu.dma_semaphore, #tpu.memory_space<semaphore_mem>>)
      %dma_wait3A = arith.constant 0 : i32
      %dma_wait3A_28 = tpu.memref_slice %arg5[%dma_wait3A, %add3A_20] : memref<8x32768xf32, #tpu.memory_space<hbm>> -> memref<8x512xf32, #tpu.memory_space<hbm>>
      %dma_wait3A_29 = arith.constant 0 : i32
      %dma_wait3A_30 = tpu.memref_slice %arg5[%dma_wait3A_29, %add3A_20] : memref<8x32768xf32, #tpu.memory_space<hbm>> -> memref<8x512xf32, #tpu.memory_space<hbm>>
      tpu.wait_dma2 semaphore(%run_scoped3A : memref<!tpu.dma_semaphore, #tpu.memory_space<semaphore_mem>>) src(%arg8 : memref<8x512xf32, #tpu.memory_space<vmem>>) dst(%dma_wait3A_30 : memref<8x512xf32, #tpu.memory_space<hbm>>)
      tpu.yield
    }) : () -> ()
    %mul3A_21 = arith.constant 512 : i32
    %mul3A_22 = arith.muli %add3A, %mul3A_21 : i32
    %add3A_23 = arith.constant 16384 : i32
    %add3A_24 = arith.addi %add3A_23, %mul3A_22 : i32
    "tpu.region"() ({
      %run_scoped3A = tpu.sem_alloc : memref<!tpu.dma_semaphore, #tpu.memory_space<semaphore_mem>>
      %dma_start3A = arith.constant 0 : i32
      %dma_start3A_25 = tpu.memref_slice %arg6[%dma_start3A, %add3A_24] : memref<8x32768xi32, #tpu.memory_space<hbm>> -> memref<8x512xi32, #tpu.memory_space<hbm>>
      %dma_start3A_26 = arith.constant 0 : i32
      %dma_start3A_27 = tpu.memref_slice %arg6[%dma_start3A_26, %add3A_24] : memref<8x32768xi32, #tpu.memory_space<hbm>> -> memref<8x512xi32, #tpu.memory_space<hbm>>
      tpu.enqueue_dma source(%arg9 : memref<8x512xi32, #tpu.memory_space<vmem>>) target(%dma_start3A_27 : memref<8x512xi32, #tpu.memory_space<hbm>>) target_semaphore(%run_scoped3A : memref<!tpu.dma_semaphore, #tpu.memory_space<semaphore_mem>>)
      %dma_wait3A = arith.constant 0 : i32
      %dma_wait3A_28 = tpu.memref_slice %arg6[%dma_wait3A, %add3A_24] : memref<8x32768xi32, #tpu.memory_space<hbm>> -> memref<8x512xi32, #tpu.memory_space<hbm>>
      %dma_wait3A_29 = arith.constant 0 : i32
      %dma_wait3A_30 = tpu.memref_slice %arg6[%dma_wait3A_29, %add3A_24] : memref<8x32768xi32, #tpu.memory_space<hbm>> -> memref<8x512xi32, #tpu.memory_space<hbm>>
      tpu.wait_dma2 semaphore(%run_scoped3A : memref<!tpu.dma_semaphore, #tpu.memory_space<semaphore_mem>>) src(%arg9 : memref<8x512xi32, #tpu.memory_space<vmem>>) dst(%dma_wait3A_30 : memref<8x512xi32, #tpu.memory_space<hbm>>)
      tpu.yield
    }) : () -> ()
    return
  }
}

#map = affine_map<(d0, d1) -> (0, 0)>
module attributes {stable_mosaic.version = 14 : i64} {
  func.func @_topk_sc(%arg0: i32, %arg1: i32, %arg2: memref<8192x128xf32, #tpu.memory_space<hbm>>, %arg3: memref<8x16384xf32, #tpu.memory_space<hbm>>, %arg4: memref<8x16384xi32, #tpu.memory_space<hbm>>, %arg5: memref<256x128xf32, #tpu.memory_space<vmem>>, %arg6: memref<8x512xf32, #tpu.memory_space<vmem>>, %arg7: memref<8x512xi32, #tpu.memory_space<vmem>>) attributes {dimension_semantics = [#tpu.dimension_semantics<core_parallel>, #tpu.dimension_semantics<subcore_parallel>], iteration_bounds = array<i64: 2, 16>, scalar_prefetch = 0 : i64, scratch_operands = 3 : i64, tpu.core_type = #tpu.core_type<sc_vector_subcore>, window_params = [{transform_indices = #map}, {transform_indices = #map}, {transform_indices = #map}]} {
    %mul3A = arith.constant 2 : i32
    %mul3A_0 = arith.muli %arg1, %mul3A : i32
    %add3A = arith.addi %mul3A_0, %arg0 : i32
    %mul3A_1 = arith.constant 256 : i32
    %mul3A_2 = arith.muli %add3A, %mul3A_1 : i32
    "tpu.region"() ({
      %run_scoped3A = tpu.sem_alloc : memref<!tpu.dma_semaphore, #tpu.memory_space<semaphore_mem>>
      %dma_start3A = arith.constant 0 : i32
      %dma_start3A_13 = tpu.memref_slice %arg2[%mul3A_2, %dma_start3A] : memref<8192x128xf32, #tpu.memory_space<hbm>> -> memref<256x128xf32, #tpu.memory_space<hbm>>
      %dma_start3A_14 = arith.constant 0 : i32
      %dma_start3A_15 = tpu.memref_slice %arg2[%mul3A_2, %dma_start3A_14] : memref<8192x128xf32, #tpu.memory_space<hbm>> -> memref<256x128xf32, #tpu.memory_space<hbm>>
      tpu.enqueue_dma source(%dma_start3A_15 : memref<256x128xf32, #tpu.memory_space<hbm>>) target(%arg5 : memref<256x128xf32, #tpu.memory_space<vmem>>) target_semaphore(%run_scoped3A : memref<!tpu.dma_semaphore, #tpu.memory_space<semaphore_mem>>)
      %dma_wait3A = arith.constant 0 : i32
      %dma_wait3A_16 = tpu.memref_slice %arg2[%mul3A_2, %dma_wait3A] : memref<8192x128xf32, #tpu.memory_space<hbm>> -> memref<256x128xf32, #tpu.memory_space<hbm>>
      %dma_wait3A_17 = arith.constant 0 : i32
      %dma_wait3A_18 = tpu.memref_slice %arg2[%mul3A_2, %dma_wait3A_17] : memref<8192x128xf32, #tpu.memory_space<hbm>> -> memref<256x128xf32, #tpu.memory_space<hbm>>
      tpu.wait_dma2 semaphore(%run_scoped3A : memref<!tpu.dma_semaphore, #tpu.memory_space<semaphore_mem>>) src(%dma_wait3A_18 : memref<256x128xf32, #tpu.memory_space<hbm>>) dst(%arg5 : memref<256x128xf32, #tpu.memory_space<vmem>>)
      tpu.yield
    }) : () -> ()
    %iota3A = tpu.iota {dimensions = array<i32: 0>} : vector<16xi32>
    %lt3A = arith.constant 8 : i32
    %lt3A_3 = vector.broadcast %lt3A : i32 to vector<16xi32>
    %lt3A_4 = arith.cmpi slt, %iota3A, %lt3A_3 : vector<16xi32>
    %and3A = arith.constant 7 : i32
    %and3A_5 = vector.broadcast %and3A : i32 to vector<16xi32>
    %and3A_6 = arith.andi %iota3A, %and3A_5 : vector<16xi32>
    %parallel_loop3A = arith.constant 0 : i32
    %parallel_loop3A_7 = arith.constant 256 : i32
    %parallel_loop3A_8 = arith.constant 1 : i32
    scf.for %parallel_loop3A_13 = %parallel_loop3A to %parallel_loop3A_7 step %parallel_loop3A_8  : i32 {
      %parallel_loop3A_14 = arith.index_cast %parallel_loop3A_13 : i32 to index
      %parallel_loop3A_15 = arith.constant 0 : index
      %parallel_loop3A_16 = tpu.vector_load %arg5[%parallel_loop3A_14, %parallel_loop3A_15] {strides = array<i32>} : memref<256x128xf32, #tpu.memory_space<vmem>>, vector<16xf32>,
      %parallel_loop3A_17 = arith.constant 0 : i32
      %parallel_loop3A_18 = vector.broadcast %parallel_loop3A_17 : i32 to vector<16xi32>
      %parallel_loop3A_19 = arith.addi %iota3A, %parallel_loop3A_18 : vector<16xi32>
      %parallel_loop3A_20 = arith.constant dense<true> : vector<16xi1>
      %parallel_loop3A_21, %parallel_loop3A_22, %parallel_loop3A_23 = tpu.sort %parallel_loop3A_16, %parallel_loop3A_19 masked %parallel_loop3A_20 {descending = true} : (vector<16xf32>, vector<16xi32>, vector<16xi1>) -> (vector<16xi1>, vector<16xf32>, vector<16xi32>)
      %parallel_loop3A_24 = arith.index_cast %parallel_loop3A_13 : i32 to index
      %parallel_loop3A_25 = arith.constant 16 : index
      %parallel_loop3A_26 = tpu.vector_load %arg5[%parallel_loop3A_24, %parallel_loop3A_25] {strides = array<i32>} : memref<256x128xf32, #tpu.memory_space<vmem>>, vector<16xf32>,
      %parallel_loop3A_27 = arith.constant 16 : i32
      %parallel_loop3A_28 = vector.broadcast %parallel_loop3A_27 : i32 to vector<16xi32>
      %parallel_loop3A_29 = arith.addi %iota3A, %parallel_loop3A_28 : vector<16xi32>
      %parallel_loop3A_30 = arith.constant dense<true> : vector<16xi1>
      %parallel_loop3A_31, %parallel_loop3A_32, %parallel_loop3A_33 = tpu.sort %parallel_loop3A_26, %parallel_loop3A_29 masked %parallel_loop3A_30 {descending = true} : (vector<16xf32>, vector<16xi32>, vector<16xi1>) -> (vector<16xi1>, vector<16xf32>, vector<16xi32>)
      %parallel_loop3A_34 = arith.index_cast %parallel_loop3A_13 : i32 to index
      %parallel_loop3A_35 = arith.constant 32 : index
      %parallel_loop3A_36 = tpu.vector_load %arg5[%parallel_loop3A_34, %parallel_loop3A_35] {strides = array<i32>} : memref<256x128xf32, #tpu.memory_space<vmem>>, vector<16xf32>,
      %parallel_loop3A_37 = arith.constant 32 : i32
      %parallel_loop3A_38 = vector.broadcast %parallel_loop3A_37 : i32 to vector<16xi32>
      %parallel_loop3A_39 = arith.addi %iota3A, %parallel_loop3A_38 : vector<16xi32>
      %parallel_loop3A_40 = arith.constant dense<true> : vector<16xi1>
      %parallel_loop3A_41, %parallel_loop3A_42, %parallel_loop3A_43 = tpu.sort %parallel_loop3A_36, %parallel_loop3A_39 masked %parallel_loop3A_40 {descending = true} : (vector<16xf32>, vector<16xi32>, vector<16xi1>) -> (vector<16xi1>, vector<16xf32>, vector<16xi32>)
      %parallel_loop3A_44 = arith.index_cast %parallel_loop3A_13 : i32 to index
      %parallel_loop3A_45 = arith.constant 48 : index
      %parallel_loop3A_46 = tpu.vector_load %arg5[%parallel_loop3A_44, %parallel_loop3A_45] {strides = array<i32>} : memref<256x128xf32, #tpu.memory_space<vmem>>, vector<16xf32>,
      %parallel_loop3A_47 = arith.constant 48 : i32
      %parallel_loop3A_48 = vector.broadcast %parallel_loop3A_47 : i32 to vector<16xi32>
      %parallel_loop3A_49 = arith.addi %iota3A, %parallel_loop3A_48 : vector<16xi32>
      %parallel_loop3A_50 = arith.constant dense<true> : vector<16xi1>
      %parallel_loop3A_51, %parallel_loop3A_52, %parallel_loop3A_53 = tpu.sort %parallel_loop3A_46, %parallel_loop3A_49 masked %parallel_loop3A_50 {descending = true} : (vector<16xf32>, vector<16xi32>, vector<16xi1>) -> (vector<16xi1>, vector<16xf32>, vector<16xi32>)
      %parallel_loop3A_54 = arith.constant 15 : i32
      %parallel_loop3A_55 = vector.broadcast %parallel_loop3A_54 : i32 to vector<16xi32>
      %parallel_loop3A_56 = tpu.iota {dimensions = array<i32: 0>} : vector<16xi32>
      %parallel_loop3A_57 = arith.subi %parallel_loop3A_55, %parallel_loop3A_56 : vector<16xi32>
      %parallel_loop3A_58 = tpu.dynamic_gather %parallel_loop3A_32[%parallel_loop3A_57] in [0] : vector<16xf32>, vector<16xi32> -> vector<16xf32>
      %parallel_loop3A_59 = arith.constant 15 : i32
      %parallel_loop3A_60 = vector.broadcast %parallel_loop3A_59 : i32 to vector<16xi32>
      %parallel_loop3A_61 = tpu.iota {dimensions = array<i32: 0>} : vector<16xi32>
      %parallel_loop3A_62 = arith.subi %parallel_loop3A_60, %parallel_loop3A_61 : vector<16xi32>
      %parallel_loop3A_63 = tpu.dynamic_gather %parallel_loop3A_33[%parallel_loop3A_62] in [0] : vector<16xi32>, vector<16xi32> -> vector<16xi32>
      %parallel_loop3A_64 = arith.select %lt3A_4, %parallel_loop3A_22, %parallel_loop3A_58 : vector<16xi1>, vector<16xf32>
      %parallel_loop3A_65 = arith.select %lt3A_4, %parallel_loop3A_23, %parallel_loop3A_63 : vector<16xi1>, vector<16xi32>
      %parallel_loop3A_66 = arith.constant dense<true> : vector<16xi1>
      %parallel_loop3A_67, %parallel_loop3A_68, %parallel_loop3A_69 = tpu.sort %parallel_loop3A_64, %parallel_loop3A_65 masked %parallel_loop3A_66 {descending = true} : (vector<16xf32>, vector<16xi32>, vector<16xi1>) -> (vector<16xi1>, vector<16xf32>, vector<16xi32>)
      %parallel_loop3A_70 = arith.constant 15 : i32
      %parallel_loop3A_71 = vector.broadcast %parallel_loop3A_70 : i32 to vector<16xi32>
      %parallel_loop3A_72 = tpu.iota {dimensions = array<i32: 0>} : vector<16xi32>
      %parallel_loop3A_73 = arith.subi %parallel_loop3A_71, %parallel_loop3A_72 : vector<16xi32>
      %parallel_loop3A_74 = tpu.dynamic_gather %parallel_loop3A_52[%parallel_loop3A_73] in [0] : vector<16xf32>, vector<16xi32> -> vector<16xf32>
      %parallel_loop3A_75 = arith.constant 15 : i32
      %parallel_loop3A_76 = vector.broadcast %parallel_loop3A_75 : i32 to vector<16xi32>
      %parallel_loop3A_77 = tpu.iota {dimensions = array<i32: 0>} : vector<16xi32>
      %parallel_loop3A_78 = arith.subi %parallel_loop3A_76, %parallel_loop3A_77 : vector<16xi32>
      %parallel_loop3A_79 = tpu.dynamic_gather %parallel_loop3A_53[%parallel_loop3A_78] in [0] : vector<16xi32>, vector<16xi32> -> vector<16xi32>
      %parallel_loop3A_80 = arith.select %lt3A_4, %parallel_loop3A_42, %parallel_loop3A_74 : vector<16xi1>, vector<16xf32>
      %parallel_loop3A_81 = arith.select %lt3A_4, %parallel_loop3A_43, %parallel_loop3A_79 : vector<16xi1>, vector<16xi32>
      %parallel_loop3A_82 = arith.constant dense<true> : vector<16xi1>
      %parallel_loop3A_83, %parallel_loop3A_84, %parallel_loop3A_85 = tpu.sort %parallel_loop3A_80, %parallel_loop3A_81 masked %parallel_loop3A_82 {descending = true} : (vector<16xf32>, vector<16xi32>, vector<16xi1>) -> (vector<16xi1>, vector<16xf32>, vector<16xi32>)
      %parallel_loop3A_86 = arith.constant 15 : i32
      %parallel_loop3A_87 = vector.broadcast %parallel_loop3A_86 : i32 to vector<16xi32>
      %parallel_loop3A_88 = tpu.iota {dimensions = array<i32: 0>} : vector<16xi32>
      %parallel_loop3A_89 = arith.subi %parallel_loop3A_87, %parallel_loop3A_88 : vector<16xi32>
      %parallel_loop3A_90 = tpu.dynamic_gather %parallel_loop3A_84[%parallel_loop3A_89] in [0] : vector<16xf32>, vector<16xi32> -> vector<16xf32>
      %parallel_loop3A_91 = arith.constant 15 : i32
      %parallel_loop3A_92 = vector.broadcast %parallel_loop3A_91 : i32 to vector<16xi32>
      %parallel_loop3A_93 = tpu.iota {dimensions = array<i32: 0>} : vector<16xi32>
      %parallel_loop3A_94 = arith.subi %parallel_loop3A_92, %parallel_loop3A_93 : vector<16xi32>
      %parallel_loop3A_95 = tpu.dynamic_gather %parallel_loop3A_85[%parallel_loop3A_94] in [0] : vector<16xi32>, vector<16xi32> -> vector<16xi32>
      %parallel_loop3A_96 = arith.select %lt3A_4, %parallel_loop3A_68, %parallel_loop3A_90 : vector<16xi1>, vector<16xf32>
      %parallel_loop3A_97 = arith.select %lt3A_4, %parallel_loop3A_69, %parallel_loop3A_95 : vector<16xi1>, vector<16xi32>
      %parallel_loop3A_98 = arith.constant dense<true> : vector<16xi1>
      %parallel_loop3A_99, %parallel_loop3A_100, %parallel_loop3A_101 = tpu.sort %parallel_loop3A_96, %parallel_loop3A_97 masked %parallel_loop3A_98 {descending = true} : (vector<16xf32>, vector<16xi32>, vector<16xi1>) -> (vector<16xi1>, vector<16xf32>, vector<16xi32>)
      %parallel_loop3A_102 = arith.constant true
      %parallel_loop3A_103 = vector.broadcast %parallel_loop3A_102 : i1 to vector<16xi1>
      %parallel_loop3A_104 = tpu.scan <max>, %parallel_loop3A_100 masked %parallel_loop3A_103 : vector<16xf32>, vector<16xi1> -> vector<16xf32>
      %parallel_loop3A_105 = vector.extract %parallel_loop3A_104[15] : f32 from vector<16xf32>
      %parallel_loop3A_106 = vector.broadcast %parallel_loop3A_105 : f32 to vector<16xf32>
      %parallel_loop3A_107 = arith.subf %parallel_loop3A_100, %parallel_loop3A_106 : vector<16xf32>
      %parallel_loop3A_108 = math.exp %parallel_loop3A_107 : vector<16xf32>
      %parallel_loop3A_109 = arith.constant 0.000000e+00 : f32
      %parallel_loop3A_110 = vector.broadcast %parallel_loop3A_109 : f32 to vector<16xf32>
      %parallel_loop3A_111 = arith.select %lt3A_4, %parallel_loop3A_108, %parallel_loop3A_110 : vector<16xi1>, vector<16xf32>
      %parallel_loop3A_112 = arith.constant true
      %parallel_loop3A_113 = vector.broadcast %parallel_loop3A_112 : i1 to vector<16xi1>
      %parallel_loop3A_114 = tpu.scan <sum>, %parallel_loop3A_111 masked %parallel_loop3A_113 : vector<16xf32>, vector<16xi1> -> vector<16xf32>
      %parallel_loop3A_115 = vector.extract %parallel_loop3A_114[15] : f32 from vector<16xf32>
      %parallel_loop3A_116 = vector.broadcast %parallel_loop3A_115 : f32 to vector<16xf32>
      %parallel_loop3A_117 = arith.divf %parallel_loop3A_111, %parallel_loop3A_116 : vector<16xf32>
      %parallel_loop3A_118 = arith.constant 256 : i32
      %parallel_loop3A_119 = arith.divsi %parallel_loop3A_13, %parallel_loop3A_118 : i32
      %parallel_loop3A_120 = arith.constant 0 : i32
      %parallel_loop3A_121 = arith.cmpi sgt, %parallel_loop3A_13, %parallel_loop3A_120 : i32
      %parallel_loop3A_122 = arith.extui %parallel_loop3A_121 : i1 to i32
      %parallel_loop3A_123 = arith.constant 0 : i32
      %parallel_loop3A_124 = arith.cmpi slt, %parallel_loop3A_13, %parallel_loop3A_123 : i32
      %parallel_loop3A_125 = arith.extui %parallel_loop3A_124 : i1 to i32
      %parallel_loop3A_126 = arith.subi %parallel_loop3A_122, %parallel_loop3A_125 : i32
      %parallel_loop3A_127 = arith.constant 0 : i32
      %parallel_loop3A_128 = arith.cmpi sgt, %parallel_loop3A_118, %parallel_loop3A_127 : i32
      %parallel_loop3A_129 = arith.extui %parallel_loop3A_128 : i1 to i32
      %parallel_loop3A_130 = arith.constant 0 : i32
      %parallel_loop3A_131 = arith.cmpi slt, %parallel_loop3A_118, %parallel_loop3A_130 : i32
      %parallel_loop3A_132 = arith.extui %parallel_loop3A_131 : i1 to i32
      %parallel_loop3A_133 = arith.subi %parallel_loop3A_129, %parallel_loop3A_132 : i32
      %parallel_loop3A_134 = arith.cmpi ne, %parallel_loop3A_126, %parallel_loop3A_133 : i32
      %parallel_loop3A_135 = arith.remsi %parallel_loop3A_13, %parallel_loop3A_118 : i32
      %parallel_loop3A_136 = arith.constant 0 : i32
      %parallel_loop3A_137 = arith.cmpi ne, %parallel_loop3A_135, %parallel_loop3A_136 : i32
      %parallel_loop3A_138 = arith.andi %parallel_loop3A_134, %parallel_loop3A_137 : i1
      %parallel_loop3A_139 = arith.constant 1 : i32
      %parallel_loop3A_140 = arith.subi %parallel_loop3A_119, %parallel_loop3A_139 : i32
      %parallel_loop3A_141 = arith.select %parallel_loop3A_138, %parallel_loop3A_140, %parallel_loop3A_119 : i32
      %parallel_loop3A_142 = arith.constant 512 : i32
      %parallel_loop3A_143 = arith.muli %parallel_loop3A_141, %parallel_loop3A_142 : i32
      %parallel_loop3A_144 = arith.constant 0 : i32
      %parallel_loop3A_145 = arith.addi %parallel_loop3A_143, %parallel_loop3A_144 : i32
      %parallel_loop3A_146 = arith.constant 256 : i32
      %parallel_loop3A_147 = arith.remsi %parallel_loop3A_13, %parallel_loop3A_146 : i32
      %parallel_loop3A_148 = arith.addi %parallel_loop3A_145, %parallel_loop3A_147 : i32
      %parallel_loop3A_149 = vector.broadcast %parallel_loop3A_148 : i32 to vector<16xi32>
      tpu.vector_store_idx %arg6[%and3A_6, %parallel_loop3A_149], %parallel_loop3A_117 masked %lt3A_4 : memref<8x512xf32, #tpu.memory_space<vmem>>[vector<16xi32>, vector<16xi32>], vector<16xf32>, vector<16xi1>
      tpu.vector_store_idx %arg7[%and3A_6, %parallel_loop3A_149], %parallel_loop3A_101 masked %lt3A_4 : memref<8x512xi32, #tpu.memory_space<vmem>>[vector<16xi32>, vector<16xi32>], vector<16xi32>, vector<16xi1>
      %parallel_loop3A_150 = arith.index_cast %parallel_loop3A_13 : i32 to index
      %parallel_loop3A_151 = arith.constant 64 : index
      %parallel_loop3A_152 = tpu.vector_load %arg5[%parallel_loop3A_150, %parallel_loop3A_151] {strides = array<i32>} : memref<256x128xf32, #tpu.memory_space<vmem>>, vector<16xf32>,
      %parallel_loop3A_153 = arith.constant 0 : i32
      %parallel_loop3A_154 = vector.broadcast %parallel_loop3A_153 : i32 to vector<16xi32>
      %parallel_loop3A_155 = arith.addi %iota3A, %parallel_loop3A_154 : vector<16xi32>
      %parallel_loop3A_156 = arith.constant dense<true> : vector<16xi1>
      %parallel_loop3A_157, %parallel_loop3A_158, %parallel_loop3A_159 = tpu.sort %parallel_loop3A_152, %parallel_loop3A_155 masked %parallel_loop3A_156 {descending = true} : (vector<16xf32>, vector<16xi32>, vector<16xi1>) -> (vector<16xi1>, vector<16xf32>, vector<16xi32>)
      %parallel_loop3A_160 = arith.index_cast %parallel_loop3A_13 : i32 to index
      %parallel_loop3A_161 = arith.constant 80 : index
      %parallel_loop3A_162 = tpu.vector_load %arg5[%parallel_loop3A_160, %parallel_loop3A_161] {strides = array<i32>} : memref<256x128xf32, #tpu.memory_space<vmem>>, vector<16xf32>,
      %parallel_loop3A_163 = arith.constant 16 : i32
      %parallel_loop3A_164 = vector.broadcast %parallel_loop3A_163 : i32 to vector<16xi32>
      %parallel_loop3A_165 = arith.addi %iota3A, %parallel_loop3A_164 : vector<16xi32>
      %parallel_loop3A_166 = arith.constant dense<true> : vector<16xi1>
      %parallel_loop3A_167, %parallel_loop3A_168, %parallel_loop3A_169 = tpu.sort %parallel_loop3A_162, %parallel_loop3A_165 masked %parallel_loop3A_166 {descending = true} : (vector<16xf32>, vector<16xi32>, vector<16xi1>) -> (vector<16xi1>, vector<16xf32>, vector<16xi32>)
      %parallel_loop3A_170 = arith.index_cast %parallel_loop3A_13 : i32 to index
      %parallel_loop3A_171 = arith.constant 96 : index
      %parallel_loop3A_172 = tpu.vector_load %arg5[%parallel_loop3A_170, %parallel_loop3A_171] {strides = array<i32>} : memref<256x128xf32, #tpu.memory_space<vmem>>, vector<16xf32>,
      %parallel_loop3A_173 = arith.constant 32 : i32
      %parallel_loop3A_174 = vector.broadcast %parallel_loop3A_173 : i32 to vector<16xi32>
      %parallel_loop3A_175 = arith.addi %iota3A, %parallel_loop3A_174 : vector<16xi32>
      %parallel_loop3A_176 = arith.constant dense<true> : vector<16xi1>
      %parallel_loop3A_177, %parallel_loop3A_178, %parallel_loop3A_179 = tpu.sort %parallel_loop3A_172, %parallel_loop3A_175 masked %parallel_loop3A_176 {descending = true} : (vector<16xf32>, vector<16xi32>, vector<16xi1>) -> (vector<16xi1>, vector<16xf32>, vector<16xi32>)
      %parallel_loop3A_180 = arith.index_cast %parallel_loop3A_13 : i32 to index
      %parallel_loop3A_181 = arith.constant 112 : index
      %parallel_loop3A_182 = tpu.vector_load %arg5[%parallel_loop3A_180, %parallel_loop3A_181] {strides = array<i32>} : memref<256x128xf32, #tpu.memory_space<vmem>>, vector<16xf32>,
      %parallel_loop3A_183 = arith.constant 48 : i32
      %parallel_loop3A_184 = vector.broadcast %parallel_loop3A_183 : i32 to vector<16xi32>
      %parallel_loop3A_185 = arith.addi %iota3A, %parallel_loop3A_184 : vector<16xi32>
      %parallel_loop3A_186 = arith.constant dense<true> : vector<16xi1>
      %parallel_loop3A_187, %parallel_loop3A_188, %parallel_loop3A_189 = tpu.sort %parallel_loop3A_182, %parallel_loop3A_185 masked %parallel_loop3A_186 {descending = true} : (vector<16xf32>, vector<16xi32>, vector<16xi1>) -> (vector<16xi1>, vector<16xf32>, vector<16xi32>)
      %parallel_loop3A_190 = arith.constant 15 : i32
      %parallel_loop3A_191 = vector.broadcast %parallel_loop3A_190 : i32 to vector<16xi32>
      %parallel_loop3A_192 = tpu.iota {dimensions = array<i32: 0>} : vector<16xi32>
      %parallel_loop3A_193 = arith.subi %parallel_loop3A_191, %parallel_loop3A_192 : vector<16xi32>
      %parallel_loop3A_194 = tpu.dynamic_gather %parallel_loop3A_168[%parallel_loop3A_193] in [0] : vector<16xf32>, vector<16xi32> -> vector<16xf32>
      %parallel_loop3A_195 = arith.constant 15 : i32
      %parallel_loop3A_196 = vector.broadcast %parallel_loop3A_195 : i32 to vector<16xi32>
      %parallel_loop3A_197 = tpu.iota {dimensions = array<i32: 0>} : vector<16xi32>
      %parallel_loop3A_198 = arith.subi %parallel_loop3A_196, %parallel_loop3A_197 : vector<16xi32>
      %parallel_loop3A_199 = tpu.dynamic_gather %parallel_loop3A_169[%parallel_loop3A_198] in [0] : vector<16xi32>, vector<16xi32> -> vector<16xi32>
      %parallel_loop3A_200 = arith.select %lt3A_4, %parallel_loop3A_158, %parallel_loop3A_194 : vector<16xi1>, vector<16xf32>
      %parallel_loop3A_201 = arith.select %lt3A_4, %parallel_loop3A_159, %parallel_loop3A_199 : vector<16xi1>, vector<16xi32>
      %parallel_loop3A_202 = arith.constant dense<true> : vector<16xi1>
      %parallel_loop3A_203, %parallel_loop3A_204, %parallel_loop3A_205 = tpu.sort %parallel_loop3A_200, %parallel_loop3A_201 masked %parallel_loop3A_202 {descending = true} : (vector<16xf32>, vector<16xi32>, vector<16xi1>) -> (vector<16xi1>, vector<16xf32>, vector<16xi32>)
      %parallel_loop3A_206 = arith.constant 15 : i32
      %parallel_loop3A_207 = vector.broadcast %parallel_loop3A_206 : i32 to vector<16xi32>
      %parallel_loop3A_208 = tpu.iota {dimensions = array<i32: 0>} : vector<16xi32>
      %parallel_loop3A_209 = arith.subi %parallel_loop3A_207, %parallel_loop3A_208 : vector<16xi32>
      %parallel_loop3A_210 = tpu.dynamic_gather %parallel_loop3A_188[%parallel_loop3A_209] in [0] : vector<16xf32>, vector<16xi32> -> vector<16xf32>
      %parallel_loop3A_211 = arith.constant 15 : i32
      %parallel_loop3A_212 = vector.broadcast %parallel_loop3A_211 : i32 to vector<16xi32>
      %parallel_loop3A_213 = tpu.iota {dimensions = array<i32: 0>} : vector<16xi32>
      %parallel_loop3A_214 = arith.subi %parallel_loop3A_212, %parallel_loop3A_213 : vector<16xi32>
      %parallel_loop3A_215 = tpu.dynamic_gather %parallel_loop3A_189[%parallel_loop3A_214] in [0] : vector<16xi32>, vector<16xi32> -> vector<16xi32>
      %parallel_loop3A_216 = arith.select %lt3A_4, %parallel_loop3A_178, %parallel_loop3A_210 : vector<16xi1>, vector<16xf32>
      %parallel_loop3A_217 = arith.select %lt3A_4, %parallel_loop3A_179, %parallel_loop3A_215 : vector<16xi1>, vector<16xi32>
      %parallel_loop3A_218 = arith.constant dense<true> : vector<16xi1>
      %parallel_loop3A_219, %parallel_loop3A_220, %parallel_loop3A_221 = tpu.sort %parallel_loop3A_216, %parallel_loop3A_217 masked %parallel_loop3A_218 {descending = true} : (vector<16xf32>, vector<16xi32>, vector<16xi1>) -> (vector<16xi1>, vector<16xf32>, vector<16xi32>)
      %parallel_loop3A_222 = arith.constant 15 : i32
      %parallel_loop3A_223 = vector.broadcast %parallel_loop3A_222 : i32 to vector<16xi32>
      %parallel_loop3A_224 = tpu.iota {dimensions = array<i32: 0>} : vector<16xi32>
      %parallel_loop3A_225 = arith.subi %parallel_loop3A_223, %parallel_loop3A_224 : vector<16xi32>
      %parallel_loop3A_226 = tpu.dynamic_gather %parallel_loop3A_220[%parallel_loop3A_225] in [0] : vector<16xf32>, vector<16xi32> -> vector<16xf32>
      %parallel_loop3A_227 = arith.constant 15 : i32
      %parallel_loop3A_228 = vector.broadcast %parallel_loop3A_227 : i32 to vector<16xi32>
      %parallel_loop3A_229 = tpu.iota {dimensions = array<i32: 0>} : vector<16xi32>
      %parallel_loop3A_230 = arith.subi %parallel_loop3A_228, %parallel_loop3A_229 : vector<16xi32>
      %parallel_loop3A_231 = tpu.dynamic_gather %parallel_loop3A_221[%parallel_loop3A_230] in [0] : vector<16xi32>, vector<16xi32> -> vector<16xi32>
      %parallel_loop3A_232 = arith.select %lt3A_4, %parallel_loop3A_204, %parallel_loop3A_226 : vector<16xi1>, vector<16xf32>
      %parallel_loop3A_233 = arith.select %lt3A_4, %parallel_loop3A_205, %parallel_loop3A_231 : vector<16xi1>, vector<16xi32>
      %parallel_loop3A_234 = arith.constant dense<true> : vector<16xi1>
      %parallel_loop3A_235, %parallel_loop3A_236, %parallel_loop3A_237 = tpu.sort %parallel_loop3A_232, %parallel_loop3A_233 masked %parallel_loop3A_234 {descending = true} : (vector<16xf32>, vector<16xi32>, vector<16xi1>) -> (vector<16xi1>, vector<16xf32>, vector<16xi32>)
      %parallel_loop3A_238 = arith.constant true
      %parallel_loop3A_239 = vector.broadcast %parallel_loop3A_238 : i1 to vector<16xi1>
      %parallel_loop3A_240 = tpu.scan <max>, %parallel_loop3A_236 masked %parallel_loop3A_239 : vector<16xf32>, vector<16xi1> -> vector<16xf32>
      %parallel_loop3A_241 = vector.extract %parallel_loop3A_240[15] : f32 from vector<16xf32>
      %parallel_loop3A_242 = vector.broadcast %parallel_loop3A_241 : f32 to vector<16xf32>
      %parallel_loop3A_243 = arith.subf %parallel_loop3A_236, %parallel_loop3A_242 : vector<16xf32>
      %parallel_loop3A_244 = math.exp %parallel_loop3A_243 : vector<16xf32>
      %parallel_loop3A_245 = arith.constant 0.000000e+00 : f32
      %parallel_loop3A_246 = vector.broadcast %parallel_loop3A_245 : f32 to vector<16xf32>
      %parallel_loop3A_247 = arith.select %lt3A_4, %parallel_loop3A_244, %parallel_loop3A_246 : vector<16xi1>, vector<16xf32>
      %parallel_loop3A_248 = arith.constant true
      %parallel_loop3A_249 = vector.broadcast %parallel_loop3A_248 : i1 to vector<16xi1>
      %parallel_loop3A_250 = tpu.scan <sum>, %parallel_loop3A_247 masked %parallel_loop3A_249 : vector<16xf32>, vector<16xi1> -> vector<16xf32>
      %parallel_loop3A_251 = vector.extract %parallel_loop3A_250[15] : f32 from vector<16xf32>
      %parallel_loop3A_252 = vector.broadcast %parallel_loop3A_251 : f32 to vector<16xf32>
      %parallel_loop3A_253 = arith.divf %parallel_loop3A_247, %parallel_loop3A_252 : vector<16xf32>
      %parallel_loop3A_254 = arith.constant 256 : i32
      %parallel_loop3A_255 = arith.divsi %parallel_loop3A_13, %parallel_loop3A_254 : i32
      %parallel_loop3A_256 = arith.constant 0 : i32
      %parallel_loop3A_257 = arith.cmpi sgt, %parallel_loop3A_13, %parallel_loop3A_256 : i32
      %parallel_loop3A_258 = arith.extui %parallel_loop3A_257 : i1 to i32
      %parallel_loop3A_259 = arith.constant 0 : i32
      %parallel_loop3A_260 = arith.cmpi slt, %parallel_loop3A_13, %parallel_loop3A_259 : i32
      %parallel_loop3A_261 = arith.extui %parallel_loop3A_260 : i1 to i32
      %parallel_loop3A_262 = arith.subi %parallel_loop3A_258, %parallel_loop3A_261 : i32
      %parallel_loop3A_263 = arith.constant 0 : i32
      %parallel_loop3A_264 = arith.cmpi sgt, %parallel_loop3A_254, %parallel_loop3A_263 : i32
      %parallel_loop3A_265 = arith.extui %parallel_loop3A_264 : i1 to i32
      %parallel_loop3A_266 = arith.constant 0 : i32
      %parallel_loop3A_267 = arith.cmpi slt, %parallel_loop3A_254, %parallel_loop3A_266 : i32
      %parallel_loop3A_268 = arith.extui %parallel_loop3A_267 : i1 to i32
      %parallel_loop3A_269 = arith.subi %parallel_loop3A_265, %parallel_loop3A_268 : i32
      %parallel_loop3A_270 = arith.cmpi ne, %parallel_loop3A_262, %parallel_loop3A_269 : i32
      %parallel_loop3A_271 = arith.remsi %parallel_loop3A_13, %parallel_loop3A_254 : i32
      %parallel_loop3A_272 = arith.constant 0 : i32
      %parallel_loop3A_273 = arith.cmpi ne, %parallel_loop3A_271, %parallel_loop3A_272 : i32
      %parallel_loop3A_274 = arith.andi %parallel_loop3A_270, %parallel_loop3A_273 : i1
      %parallel_loop3A_275 = arith.constant 1 : i32
      %parallel_loop3A_276 = arith.subi %parallel_loop3A_255, %parallel_loop3A_275 : i32
      %parallel_loop3A_277 = arith.select %parallel_loop3A_274, %parallel_loop3A_276, %parallel_loop3A_255 : i32
      %parallel_loop3A_278 = arith.constant 512 : i32
      %parallel_loop3A_279 = arith.muli %parallel_loop3A_277, %parallel_loop3A_278 : i32
      %parallel_loop3A_280 = arith.constant 256 : i32
      %parallel_loop3A_281 = arith.addi %parallel_loop3A_279, %parallel_loop3A_280 : i32
      %parallel_loop3A_282 = arith.constant 256 : i32
      %parallel_loop3A_283 = arith.remsi %parallel_loop3A_13, %parallel_loop3A_282 : i32
      %parallel_loop3A_284 = arith.addi %parallel_loop3A_281, %parallel_loop3A_283 : i32
      %parallel_loop3A_285 = vector.broadcast %parallel_loop3A_284 : i32 to vector<16xi32>
      tpu.vector_store_idx %arg6[%and3A_6, %parallel_loop3A_285], %parallel_loop3A_253 masked %lt3A_4 : memref<8x512xf32, #tpu.memory_space<vmem>>[vector<16xi32>, vector<16xi32>], vector<16xf32>, vector<16xi1>
      tpu.vector_store_idx %arg7[%and3A_6, %parallel_loop3A_285], %parallel_loop3A_237 masked %lt3A_4 : memref<8x512xi32, #tpu.memory_space<vmem>>[vector<16xi32>, vector<16xi32>], vector<16xi32>, vector<16xi1>
    } {sc.loop_unroll_factor = 2 : i64, sc.parallel_access}
    %mul3A_9 = arith.constant 512 : i32
    %mul3A_10 = arith.muli %add3A, %mul3A_9 : i32
    "tpu.region"() ({
      %run_scoped3A = tpu.sem_alloc : memref<!tpu.dma_semaphore, #tpu.memory_space<semaphore_mem>>
      %dma_start3A = arith.constant 0 : i32
      %dma_start3A_13 = tpu.memref_slice %arg3[%dma_start3A, %mul3A_10] : memref<8x16384xf32, #tpu.memory_space<hbm>> -> memref<8x512xf32, #tpu.memory_space<hbm>>
      %dma_start3A_14 = arith.constant 0 : i32
      %dma_start3A_15 = tpu.memref_slice %arg3[%dma_start3A_14, %mul3A_10] : memref<8x16384xf32, #tpu.memory_space<hbm>> -> memref<8x512xf32, #tpu.memory_space<hbm>>
      tpu.enqueue_dma source(%arg6 : memref<8x512xf32, #tpu.memory_space<vmem>>) target(%dma_start3A_15 : memref<8x512xf32, #tpu.memory_space<hbm>>) target_semaphore(%run_scoped3A : memref<!tpu.dma_semaphore, #tpu.memory_space<semaphore_mem>>)
      %dma_wait3A = arith.constant 0 : i32
      %dma_wait3A_16 = tpu.memref_slice %arg3[%dma_wait3A, %mul3A_10] : memref<8x16384xf32, #tpu.memory_space<hbm>> -> memref<8x512xf32, #tpu.memory_space<hbm>>
      %dma_wait3A_17 = arith.constant 0 : i32
      %dma_wait3A_18 = tpu.memref_slice %arg3[%dma_wait3A_17, %mul3A_10] : memref<8x16384xf32, #tpu.memory_space<hbm>> -> memref<8x512xf32, #tpu.memory_space<hbm>>
      tpu.wait_dma2 semaphore(%run_scoped3A : memref<!tpu.dma_semaphore, #tpu.memory_space<semaphore_mem>>) src(%arg6 : memref<8x512xf32, #tpu.memory_space<vmem>>) dst(%dma_wait3A_18 : memref<8x512xf32, #tpu.memory_space<hbm>>)
      tpu.yield
    }) : () -> ()
    %mul3A_11 = arith.constant 512 : i32
    %mul3A_12 = arith.muli %add3A, %mul3A_11 : i32
    "tpu.region"() ({
      %run_scoped3A = tpu.sem_alloc : memref<!tpu.dma_semaphore, #tpu.memory_space<semaphore_mem>>
      %dma_start3A = arith.constant 0 : i32
      %dma_start3A_13 = tpu.memref_slice %arg4[%dma_start3A, %mul3A_12] : memref<8x16384xi32, #tpu.memory_space<hbm>> -> memref<8x512xi32, #tpu.memory_space<hbm>>
      %dma_start3A_14 = arith.constant 0 : i32
      %dma_start3A_15 = tpu.memref_slice %arg4[%dma_start3A_14, %mul3A_12] : memref<8x16384xi32, #tpu.memory_space<hbm>> -> memref<8x512xi32, #tpu.memory_space<hbm>>
      tpu.enqueue_dma source(%arg7 : memref<8x512xi32, #tpu.memory_space<vmem>>) target(%dma_start3A_15 : memref<8x512xi32, #tpu.memory_space<hbm>>) target_semaphore(%run_scoped3A : memref<!tpu.dma_semaphore, #tpu.memory_space<semaphore_mem>>)
      %dma_wait3A = arith.constant 0 : i32
      %dma_wait3A_16 = tpu.memref_slice %arg4[%dma_wait3A, %mul3A_12] : memref<8x16384xi32, #tpu.memory_space<hbm>> -> memref<8x512xi32, #tpu.memory_space<hbm>>
      %dma_wait3A_17 = arith.constant 0 : i32
      %dma_wait3A_18 = tpu.memref_slice %arg4[%dma_wait3A_17, %mul3A_12] : memref<8x16384xi32, #tpu.memory_space<hbm>> -> memref<8x512xi32, #tpu.memory_space<hbm>>
      tpu.wait_dma2 semaphore(%run_scoped3A : memref<!tpu.dma_semaphore, #tpu.memory_space<semaphore_mem>>) src(%arg7 : memref<8x512xi32, #tpu.memory_space<vmem>>) dst(%dma_wait3A_18 : memref<8x512xi32, #tpu.memory_space<hbm>>)
      tpu.yield
    }) : () -> ()
    return
  }
}

module attributes {stable_mosaic.version = 14 : i64} {
  func.func @_matmul_body(%arg0: i32, %arg1: memref<512x4096xf32, #tpu.memory_space<vmem>>, %arg2: memref<64x4096xf32, #tpu.memory_space<vmem>>, %arg3: memref<256x128xf32, #tpu.memory_space<vmem>>) attributes {dimension_semantics = [#tpu.dimension_semantics<arbitrary>], iteration_bounds = array<i64: 32>, scalar_prefetch = 0 : i64, scratch_operands = 0 : i64, tpu.core_type = #tpu.core_type<tc>, window_params = [{transform_indices = @transform_0, window_bounds = array<i64: 512, 4096>}, {pipeline_mode = #tpu.pipeline_mode<synchronous>, transform_indices = @transform_1, window_bounds = array<i64: 64, 4096>}, {transform_indices = @transform_2, window_bounds = array<i64: 256, 128>}]} {
    %get3A = arith.constant 0 : index
    %get3A_0 = arith.constant 0 : index
    %get3A_1 = vector.load %arg1[%get3A, %get3A_0] : memref<512x4096xf32, #tpu.memory_space<vmem>>, vector<512x4096xf32>
    %get3A_2 = arith.constant 0 : index
    %get3A_3 = arith.constant 0 : index
    %get3A_4 = vector.load %arg2[%get3A_2, %get3A_3] : memref<64x4096xf32, #tpu.memory_space<vmem>>, vector<64x4096xf32>
    %dot_general3A = arith.constant dense<0.000000e+00> : vector<512x64xf32>
    %dot_general3A_5 = tpu.matmul %get3A_1, %get3A_4, %dot_general3A {dimension_numbers = #tpu.dot_dimension_numbers<[1], [1], [0], [0], [0, 0, 1, 0], [], []>, transpose_lhs_hint = false} : vector<512x4096xf32>, vector<64x4096xf32>, vector<512x64xf32> -> vector<512x64xf32>
    %slice3A = vector.extract_strided_slice %dot_general3A_5 {offsets = [0, 0], sizes = [256, 64], strides = [1, 1]} : vector<512x64xf32> to vector<256x64xf32>
    %slice3A_6 = vector.extract_strided_slice %dot_general3A_5 {offsets = [256, 0], sizes = [256, 64], strides = [1, 1]} : vector<512x64xf32> to vector<256x64xf32>
    %concatenate3A = tpu.concatenate %slice3A, %slice3A_6 in 1 : vector<256x64xf32>, vector<256x64xf32> -> vector<256x128xf32>
    %swap3A = arith.constant 0 : index
    %swap3A_7 = arith.constant 0 : index
    %swap3A_8 = vector.load %arg3[%swap3A, %swap3A_7] : memref<256x128xf32, #tpu.memory_space<vmem>>, vector<256x128xf32>
    tpu.vector_store %arg3[%swap3A, %swap3A_7], %concatenate3A {strides = array<i32>} : memref<256x128xf32, #tpu.memory_space<vmem>>, vector<256x128xf32>,
    return
  }
  func.func @transform_0(%arg0: i32) -> (i32, i32) {
    %add3A = arith.constant 0 : i32
    %add3A_0 = arith.addi %add3A, %arg0 : i32
    %c0_i32 = arith.constant 0 : i32
    %c0_i32_1 = arith.constant 0 : i32
    return %add3A_0, %c0_i32 : i32, i32
  }
  func.func @transform_1(%arg0: i32) -> (i32, i32) {
    %c0_i32 = arith.constant 0 : i32
    %c0_i32_0 = arith.constant 0 : i32
    %c0_i32_1 = arith.constant 0 : i32
    return %c0_i32, %c0_i32_0 : i32, i32
  }
  func.func @transform_2(%arg0: i32) -> (i32, i32) {
    %c0_i32 = arith.constant 0 : i32
    %c0_i32_0 = arith.constant 0 : i32
    return %arg0, %c0_i32 : i32, i32
  }
}

module attributes {stable_mosaic.version = 14 : i64} {
  func.func @_matmul_body(%arg0: i32, %arg1: memref<512x4096xf32, #tpu.memory_space<vmem>>, %arg2: memref<64x4096xf32, #tpu.memory_space<vmem>>, %arg3: memref<256x128xf32, #tpu.memory_space<vmem>>) attributes {dimension_semantics = [#tpu.dimension_semantics<arbitrary>], iteration_bounds = array<i64: 32>, scalar_prefetch = 0 : i64, scratch_operands = 0 : i64, tpu.core_type = #tpu.core_type<tc>, window_params = [{transform_indices = @transform_0, window_bounds = array<i64: 512, 4096>}, {pipeline_mode = #tpu.pipeline_mode<synchronous>, transform_indices = @transform_1, window_bounds = array<i64: 64, 4096>}, {transform_indices = @transform_2, window_bounds = array<i64: 256, 128>}]} {
    %get3A = arith.constant 0 : index
    %get3A_0 = arith.constant 0 : index
    %get3A_1 = vector.load %arg1[%get3A, %get3A_0] : memref<512x4096xf32, #tpu.memory_space<vmem>>, vector<512x4096xf32>
    %get3A_2 = arith.constant 0 : index
    %get3A_3 = arith.constant 0 : index
    %get3A_4 = vector.load %arg2[%get3A_2, %get3A_3] : memref<64x4096xf32, #tpu.memory_space<vmem>>, vector<64x4096xf32>
    %dot_general3A = arith.constant dense<0.000000e+00> : vector<512x64xf32>
    %dot_general3A_5 = tpu.matmul %get3A_1, %get3A_4, %dot_general3A {dimension_numbers = #tpu.dot_dimension_numbers<[1], [1], [0], [0], [0, 0, 1, 0], [], []>, transpose_lhs_hint = false} : vector<512x4096xf32>, vector<64x4096xf32>, vector<512x64xf32> -> vector<512x64xf32>
    %slice3A = vector.extract_strided_slice %dot_general3A_5 {offsets = [0, 0], sizes = [256, 64], strides = [1, 1]} : vector<512x64xf32> to vector<256x64xf32>
    %slice3A_6 = vector.extract_strided_slice %dot_general3A_5 {offsets = [256, 0], sizes = [256, 64], strides = [1, 1]} : vector<512x64xf32> to vector<256x64xf32>
    %concatenate3A = tpu.concatenate %slice3A, %slice3A_6 in 1 : vector<256x64xf32>, vector<256x64xf32> -> vector<256x128xf32>
    %swap3A = arith.constant 0 : index
    %swap3A_7 = arith.constant 0 : index
    %swap3A_8 = vector.load %arg3[%swap3A, %swap3A_7] : memref<256x128xf32, #tpu.memory_space<vmem>>, vector<256x128xf32>
    tpu.vector_store %arg3[%swap3A, %swap3A_7], %concatenate3A {strides = array<i32>} : memref<256x128xf32, #tpu.memory_space<vmem>>, vector<256x128xf32>,
    return
  }
  func.func @transform_0(%arg0: i32) -> (i32, i32) {
    %add3A = arith.constant 32 : i32
    %add3A_0 = arith.addi %add3A, %arg0 : i32
    %c0_i32 = arith.constant 0 : i32
    %c0_i32_1 = arith.constant 0 : i32
    return %add3A_0, %c0_i32 : i32, i32
  }
  func.func @transform_1(%arg0: i32) -> (i32, i32) {
    %c0_i32 = arith.constant 0 : i32
    %c0_i32_0 = arith.constant 0 : i32
    %c0_i32_1 = arith.constant 0 : i32
    return %c0_i32, %c0_i32_0 : i32, i32
  }
  func.func @transform_2(%arg0: i32) -> (i32, i32) {
    %c0_i32 = arith.constant 0 : i32
    %c0_i32_0 = arith.constant 0 : i32
    return %arg0, %c0_i32 : i32, i32
  }
}

</mosaic_0001>

<sc_bundles>
// kernel: kernel.6.cloned.1.call-start
scs
__scs_entry_jumppad:
0x0: {  	(pc) =	sbr.rel $0x88, $3  }
0x1: {  	(tag) =	ssettag $0x0;
	lr =	simm.s32 $0x1  }
0x2: {  	[smem:$0x3F9F] =	sst lr;
	_ =	strace $0xD0000000  }
0x3: {  	_ = 	snop  }
0x4: {  	_ = 	snop  }
0x5: {  	_ = 	snop  }
0x6: {  	_ = 	snop  }
0x7: {  	_ = 	snop  }
__scs_overlays_trampoline_lowered:
0x8: {  	[smem:$0x3FAE] =	sst s0  }
0x9: {  	[smem:$0x3FAF] =	sst s1  }
0xa: {  	[smem:$0x3FB0] =	sst s2  }
0xb: {  	[smem:$0x3FB1] =	sst s3  }
0xc: {  	[smem:$0x3FB2] =	sst s4  }
0xd: {  	[smem:$0x3FB3] =	sst s5  }
0xe: {  	[smem:$0x3FB4] =	sst s6  }
0xf: {  	[smem:$0x3FB5] =	sst s7  }
0x10: {  	[smem:$0x3FB6] =	sst s8  }
0x11: {  	[smem:$0x3FB7] =	sst s9;
	s0 =	simm.s32 @!p0 $0x0  }
0x12: {  	s1 =	sld [smem:$0x3F9D];
	s0 =	simm.s32 @p0 $0x1  }
0x13: {  	[smem:$0x3FB8] =	sst s0;
	s0 =	simm.s32 @!p1 $0x0  }
0x14: {  	s2 =	sld [smem:$0x3F9C];
	s0 =	simm.s32 @p1 $0x1  }
0x15: {  	[smem:$0x3FB9] =	sst s0;
	s0 =	simm.s32 @!p2 $0x0  }
0x16: {  	s3 =	sld [smem:$0x3FDB];
	s0 =	simm.s32 @p2 $0x1  }
0x17: {  	s4 =	simm.s32 $0x1BF5;
	[smem:$0x3FBB] =	sst s0  }
0x18: {  	s0 =	sld [smem:$0x3F9E];
	_ =	swait.ge [sflag:s4], $0x0  }
0x19: {  	s7 =	sld [smem:$0x3F9F]  }
0x1a: {  	s8 =	sadd.s32 $0xFFFFE003, lr  }
0x1b: {  	s9 =	sadd.s32 $0xFFFFFEF7, lr;
	s5 =	simm.s32 $0xFFFFFFFF;
	p2 =	slt.u32 s8, $0xFFFFF086  }
0x1c: {  	p1 =	slt.u32 s9, $0xF7A;
	s5 =	simm.s32 @!p2 $0x0  }
0x1d: {  	s5 =	simm.s32 @p1 $0x1;
	p0 =	seq.s32 s7, s2  }
0x1e: {  	s7 =	smul.u32 @!p0 $0xF7A, s2;
	p2 =	seq.s32 @!p0 s5, $0x0  }
0x1f: {  	s9 =	smul.u32 $0xF7A, s1;
	s8 =	simm.s32 @!p0 $0x1BF5;
	p2 =	por !p2, p0  }
0x20: {  	[sflag:s8] =	ssyncset.s32 @!p0 $0xFFFFF086;
	s6 =	sadd.s32 @!p0 s3, s7;
	s7 =	simm.s32 @!p0 $0x108  }
0x21: {  	s3 =	sadd.s32 s3, s9;
	s6 =	sadd.s32 @!p0 $0x88, s6;
	s7 =	simm.s32 @p2 $0x1082  }
0x22: {  	[simem:s7], [sflag:s8] =	dma.local @!p0 [hbm:s6], $0xF7A  }
0x23: {  	s9 =	sor.u32 $0xD0000000, s2;
	s6 =	simm.s32 $0x108;
	_ =	swait.ge @!p0 [sflag:s8], $0x0  }
0x24: {  	s3 =	sadd.s32 $0x88, s3;
	s6 =	simm.s32 @!p1 $0x1082;
	[sflag:s4] =	ssyncset.s32 $0xFFFFF086  }
0x25: {  	[simem:s6], [sflag:s4] =	dma.local [hbm:s3], $0xF7A  }
0x26: {  	[smem:$0x3F9F] =	sst s1;
	(tag) =	ssettag s2;
	_ =	strace s9  }
0x27: {  	s1 =	sld [smem:$0x3FAF]  }
0x28: {  	s2 =	sld [smem:$0x3FB0]  }
0x29: {  	s4 =	sld [smem:$0x3FB2]  }
0x2a: {  	p0 =	seq.s32 s5, $0x0;
	s5 =	sld [smem:$0x3FB3]  }
0x2b: {  	s6 =	sld [smem:$0x3FB4]  }
0x2c: {  	s7 =	sld [smem:$0x3FB5]  }
0x2d: {  	s3 =	simm.s32 $0x108;
	s8 =	sld [smem:$0x3FB6]  }
0x2e: {  	s3 =	simm.s32 @!p0 $0x1082;
	s9 =	sld [smem:$0x3FB7]  }
0x2f: {  	lr =	sadd.s32 s0, s3;
	s0 =	sld [smem:$0x3FAE]  }
0x30: {  	s3 =	sld [smem:$0x3FB1]  }
0x31: {  	[smem:$0x3FBA] =	sst s10  }
0x32: {  	s10 =	sld [smem:$0x3FB8];
	_ =	sdelay $0x3  }
0x33: {  	p0 =	seq.s32 s10, $0x1;
	s10 =	sld [smem:$0x3FBA];
	_ =	sdelay $0x3  }
0x34: {  	[smem:$0x3FBA] =	sst s10  }
0x35: {  	s10 =	sld [smem:$0x3FB9];
	_ =	sdelay $0x3  }
0x36: {  	p1 =	seq.s32 s10, $0x1;
	s10 =	sld [smem:$0x3FBA];
	_ =	sdelay $0x3  }
0x37: {  	[smem:$0x3FBA] =	sst s10  }
0x38: {  	s10 =	sld [smem:$0x3FBB]  }
0x39: {  	_ = 	snop;
	(pc) =	sbr.ind lr, $3  }
0x3a: {  	_ = 	snop  }
0x3b: {  	_ = 	snop  }
0x3c: {  	p2 =	seq.s32 s10, $0x1;
	s10 =	sld [smem:$0x3FBA]  }
0x3d: {  	_ =	shalt  }
0x3e: {  	_ =	shalt  }
0x3f: {  	_ =	shalt  }
0x40: {  	_ =	shalt  }
0x41: {  	_ =	shalt  }
0x42: {  	_ =	shalt  }
0x43: {  	_ =	shalt  }
0x44: {  	_ =	shalt  }
0x45: {  	_ =	shalt  }
0x46: {  	_ =	shalt  }
0x47: {  	_ =	shalt  }
0x48: {  	_ =	shalt  }
0x49: {  	_ =	shalt  }
0x4a: {  	_ =	shalt  }
0x4b: {  	_ =	shalt  }
0x4c: {  	_ =	shalt  }
0x4d: {  	_ =	shalt  }
0x4e: {  	_ =	shalt  }
0x4f: {  	_ =	shalt  }
0x50: {  	_ =	shalt  }
0x51: {  	_ =	shalt  }
0x52: {  	_ =	shalt  }
0x53: {  	_ =	shalt  }
0x54: {  	_ =	shalt  }
0x55: {  	_ =	shalt  }
0x56: {  	_ =	shalt  }
0x57: {  	_ =	shalt  }
0x58: {  	_ =	shalt  }
0x59: {  	_ =	shalt  }
0x5a: {  	_ =	shalt  }
0x5b: {  	_ =	shalt  }
0x5c: {  	_ =	shalt  }
0x5d: {  	_ =	shalt  }
0x5e: {  	_ =	shalt  }
0x5f: {  	_ =	shalt  }
0x60: {  	_ =	shalt  }
0x61: {  	_ =	shalt  }
0x62: {  	_ =	shalt  }
0x63: {  	_ =	shalt  }
0x64: {  	_ =	shalt  }
0x65: {  	_ =	shalt  }
0x66: {  	_ =	shalt  }
0x67: {  	_ =	shalt  }
0x68: {  	_ =	shalt  }
0x69: {  	_ =	shalt  }
0x6a: {  	_ =	shalt  }
0x6b: {  	_ =	shalt  }
0x6c: {  	_ =	shalt  }
0x6d: {  	_ =	shalt  }
0x6e: {  	_ =	shalt  }
0x6f: {  	_ =	shalt  }
0x70: {  	_ =	shalt  }
0x71: {  	_ =	shalt  }
0x72: {  	_ =	shalt  }
0x73: {  	_ =	shalt  }
0x74: {  	_ =	shalt  }
0x75: {  	_ =	shalt  }
0x76: {  	_ =	shalt  }
0x77: {  	_ =	shalt  }
0x78: {  	_ =	shalt  }
0x79: {  	_ =	shalt  }
0x7a: {  	_ =	shalt  }
0x7b: {  	_ =	shalt  }
0x7c: {  	_ =	shalt  }
0x7d: {  	_ =	shalt  }
0x7e: {  	_ =	shalt  }
0x7f: {  	_ =	shalt  }
0x80: {  	_ =	shalt  }
0x81: {  	_ =	shalt  }
0x82: {  	_ =	shalt  }
0x83: {  	_ =	shalt  }
0x84: {  	_ =	shalt  }
0x85: {  	_ =	shalt  }
0x86: {  	_ =	shalt  }
0x87: {  	_ =	shalt  }
.Lfunc_end0:
.L_simem_size_0:
called_computation_lowered:
.L_overlay_start_0:
0x88: {  	s2 =	sld [smem:$0x3FD9]  }
0x89: {  	s3 =	sld [smem:$0x3FFE];
	_ =	sdelay $0x1  }
0x8a: {  	s1 =	srdreg.scid  }
0x8b: {  	s0 =	sand.u32 $0x1, s1  }
0x8c: {  	s14 =	sshll.u32 s0, $0xA;
	s2 =	sadd.s32 s3, s2  }
0x8d: {  	s2 =	sadd.s32 s2, s14  }
0x8e: {  	[smem:$0x3FC6] =	sst s2  }
0x8f: {  	_ = 	snop  }
0x90: {  	s2 =	sld [smem:$0x3FD0];
	_ =	sdelay $0x2  }
0x91: {  	s15 =	simm.s32 $0xA;
	s4 =	simm.s32 $0x10  }
0x92: {  	[smem:s4], [sflag:s15] =	dma.local [hbm:s2], $0x1  }
0x93: {  	_ =	swait.eq [sflag:s15], $0x1  }
0x94: {  	[sflag:s15] =	ssyncset.done $0x0  }
0x95: {  	[sflag:s15] =	ssyncadd.s32 $0xFFFFFFFF  }
0x96: {  	s16 =	sld [smem:$0x10];
	(tm) =	ssettm $0x1  }
0x97: {  	s17 =	sld [smem:$0x3FFB];
	_ =	sdelay $0x3  }
0x98: {  	_ =	strace s17  }
0x99: {  	s3 =	sld [smem:$0x3FFC];
	_ =	sdelay $0x3  }
0x9a: {  	_ =	strace s3  }
0x9b: {  	s3 =	sld [smem:$0x3FFD];
	_ =	sdelay $0x3  }
0x9c: {  	_ =	strace s3  }
0x9d: {  	_ =	strace $0x8FFFFFFF  }
0x9e: {  	s18 =	sld [smem:$0x3FDB];
	_ =	sdelay $0x1  }
0x9f: {  	s19 =	simm.s32 $_scs_section_size  }
0xa0: {  	s5 =	simm.s32 $_size__tile_overlayer_lowered;
	s6 =	simm.s32 $_tile_overlayer_lowered  }
0xa1: {  	s22 =	simm.s32 $0x1BFF;
	s21 =	sshll.u32 s6, $0x1;
	s3 =	sadd.s32 s19, s18  }
0xa2: {  	s7 =	simm.s32 $0x0;
	s20 =	sshll.u32 s5, $0x1;
	s5 =	sadd.s32 s21, s3  }
0xa3: {  	[timem:s7], [sflag:s22] =	dma.local [hbm:s5], s20  }
0xa4: {  	_ =	swait.ge [sflag:s22], s20  }
0xa5: {  	s4 =	ssub.s32 $0x0, s20;
	[sflag:s22] =	ssyncset.done $0x0  }
0xa6: {  	[sflag:s22] =	ssyncadd.s32 s4;
	_ =	sdelay $0x1  }
0xa7: {  	s23 =	simm.s32 $0x1B8B  }
0xa8: {  	_ =	swait.ge [sflag:s23], $0x1  }
0xa9: {  	[sflag:s23] =	ssyncset.done $0x0  }
0xaa: {  	s25 =	simm.s32 $0x1B8E;
	s24 =	sld [smem:$0x3FFE];
	[sflag:s23] =	ssyncadd.s32 $0xFFFFFFFF  }
0xab: {  	s26 =	simm.s32 $execute0_lowered;
	[smem:$0x3FD2] =	sst s25  }
0xac: {  	s5 =	sshll.u32 s26, $0x1;
	_ =	strace $0x80000046;
	[dreg:$0x1] =	wrdreg $0xFFFFFFFF  }
0xad: {  	s28 =	simm.s32 $_size_execute0_lowered;
	s3 =	sadd.s32 s3, s5;
	[dreg:$0x0] =	wrdreg $0x0  }
0xae: {  	s5 =	sshll.u32 s28, $0x1;
	[dreg:$0x2] =	wrdreg s3  }
0xaf: {  	[dreg:$0x3] =	wrdreg s5  }
0xb0: {  	[dreg:$0x4] =	wrdreg $0xC0  }
0xb1: {  	_ =	task [dreg:s7], $0x5FFFF  }
0xb2: {  	[dreg:$0x1] =	wrdreg $0xFFFFFFFF  }
0xb3: {  	[dreg:$0x0] =	wrdreg $0x60  }
0xb4: {  	[dreg:$0x2] =	wrdreg s24  }
0xb5: {  	[dreg:$0x3] =	wrdreg s16  }
0xb6: {  	[dreg:$0x4] =	wrdreg $0x9  }
0xb7: {  	_ =	task.clear_ibuf [dreg:s7], $0x5FFFF;
	_ =	strace $0x90000046  }
0xb8: {  	s29 =	simm.s32 $0x9;
	_ =	strace $0x80000048  }
0xb9: {  	_ =	swait.ge [sflag:s29], $0x1  }
0xba: {  	[sflag:s29] =	ssyncadd.s32 $0xFFFFFFFF  }
0xbb: {  	_ =	strace $0x90000048  }
0xbc: {  	_ =	sfence  }
0xbd: {  	s30 =	sld [smem:$0x0];
	_ =	sdelay $0x2  }
0xbe: {  	s31 =	sshll.u32 s1, $0xD;
	s1 =	sshrl.u32 s1, $0x2  }
0xbf: {  	s3 =	sand.u32 $0x4000, s31;
	s1 =	sadd.s32 s1, s30  }
0xc0: {  	s0 =	sor.u32 s3, s0;
	s1 =	sshll.u32 s1, $0x11  }
0xc1: {  	s0 =	sor.u32 s1, s0  }
0xc2: {  	s0 =	sadd.s32 $0x8F2B, s0  }
0xc3: {  	[sflag:s0] =	ssyncadd.remote.s32 $0x1  }
0xc4: {  	_ =	sfence.sel $0xFFFF  }
0xc5: {  	[dreg:$0x0] =	wrdreg $0xFFFFFFFF;
	(pc) =	sbr.abs _section_cstart, $3  }
0xc6: {  	[dreg:$0x1] =	wrdreg $0xFFFFFFFF  }
0xc7: {  	_ =	task.clear_ibuf [dreg:s7], $0x2FFFF;
	_ =	strace $0x9FFFFFFF  }
0xc8: {  	(tm) =	ssettm $0x7FFFFFFF  }
0xc9: {  	_ =	shalt  }
tec
execute0_lowered:
.L_overlay_start_1:
0x0: {  	(tag) =	ssettag $0x1  }
0x1: {  	s3 =	rddreg [dreg:$0x0]  }
0x2: {  	s4 =	rddreg [dreg:$0x1]  }
0x3: {  	s0 =	rddreg [dreg:$0x2];
	s5 =	srdreg.scid  }
0x4: {  	s1 =	stileid.u32;
	s2 =	simm.s32 $0x0;
	s10 =	simm.s32 $0x200  }
0x5: {  	s11 =	simm.s32 $0x4000;
	s5 =	sand.u32 $0x1, s5;
	s6 =	sshll.u32 s1, $0x1  }
0x6: {  	s12 =	simm.s32 $0x0;
	[smem:$0x7FF] =	sst s2;
	s6 =	sor.u32 s5, s6  }
0x7: {  	_ =	strace $0x80000047;
	s5 =	ssub.s32 $0x2, s5;
	s7 =	sshll.u32 s6, $0xC  }
0x8: {  	v0 =	vlaneseq.u32;
	s6 =	sshll.u32 s6, $0x6;
	s8 =	sshrl.u32 s5, $0x1;
	s7 =	sadd.s32 s7, s3  }
0x9: {  	vm0 =	vmmov $0xff;
	v4 =	vmul.u32 $0xFFFFFFFF, v0;
	s9 =	sadd.s32 s6, s3;
	s8 =	ssub.s32 s5, s8;
	s4 =	sadd.s32 s4, s6  }
0xa: {  	v1 =	vor.u32 $0x10, v0;
	v2 =	vor.u32 $0x20, v0;
	v5 =	vand.u32 $0x7, v0;
	s3 =	sadd.s32 $0x1600, s7;
	s5 =	sadd.s32 $0x21600, s9;
	s6 =	smax.u32 s8, $0x1  }
0xb: {  	v3 =	vor.u32 $0x30, v0;
	v5 =	vmul.u32 $0x200, v5;
	v4 =	vadd.s32 $0xF, v4;
	s7 =	simm.s32 $0x1;
	s8 =	simm.s32 $0x8000;
	s9 =	simm.s32 $0x9000  }
.LBB2_1:
0xc: {  	[tilespmem:s2], [sflag:$0x1] =	stream.linear.gather [hbm4b:s3+s2], $0x8000, $0x38;
	[tilespmem:$0xA000] =	vst v63  }
0xd: {  	_ =	swait.ge [sflag:s7], $0x8000  }
0xe: {  	[sflag:s7] =	ssyncset.done $0x0  }
0xf: {  	s15 =	simm.s32 $0x80;
	[sflag:s7] =	ssyncadd.s32 $0xFFFF8000  }
0x10: {  	v6 =	vld [tilespmem:s15+$0x10]  }
0x11: {  	v7 =	vld [tilespmem:s15+$0x30];
	_ =	sdelay $0x1  }
0x12: {  	v8 =	vld [tilespmem:s15+$0x20];
	_ =	sdelay $0x1  }
0x13: {  	v9 =	vld [tilespmem:s15+$0x0];
	(xrf1) =	vsort.dscd.msk.f32 $0xffff, v6, v1  }
0x14: {  	(xrf1) =	vsort.dscd.msk.f32 $0xffff, v7, v3;
	_ =	sdelay $0x1  }
0x15: {  	(xrf1) =	vsort.dscd.msk.f32 $0xffff, v8, v2;
	_ =	sdelay $0x1  }
0x16: {  	(xrf1) =	vsort.dscd.msk.f32 $0xffff, v9, v0;
	_ =	sdelay $0x3  }
0x17: {  	v6 =	vld [tilespmem:s15+$0xFFFFFFB0]  }
0x18: {  	v7 =	vld [tilespmem:s15+$0xFFFFFF90]  }
0x19: {  	v8 =	vld [tilespmem:s15+$0xFFFFFFA0]  }
0x1a: {  	v9 =	vld [tilespmem:s15+$0xFFFFFF80];
	_ =	sdelay $0x1  }
0x1b: {  	(xrf1) =	vsort.dscd.msk.f32 $0xffff, v6, v3;
	v6, v10, _ =	vpop (xrf1)  }
0x1c: {  	(xrf1) =	vsort.dscd.msk.f32 $0xffff, v7, v1;
	v7, v11, _ =	vpop (xrf1)  }
0x1d: {  	(xrf1) =	vsort.dscd.msk.f32 $0xffff, v8, v2;
	v7 =	vperm.xlane v7, v4;
	v8 =	vperm.xlane v11, v4  }
0x1e: {  	(xrf1) =	vsort.dscd.msk.f32 $0xffff, v9, v0;
	v6 =	vperm.xlane v6, v4;
	v9, v11, _ =	vpop (xrf1)  }
0x1f: {  	v10 =	vperm.xlane v10, v4;
	v7 =	vsel vm0, v9, v7;
	v8 =	vsel vm0, v11, v8  }
0x20: {  	v9, v11, _ =	vpop (xrf1);
	(xrf1) =	vsort.dscd.msk.f32 $0xffff, v7, v8  }
0x21: {  	v6 =	vsel vm0, v9, v6;
	v7 =	vsel vm0, v11, v10  }
0x22: {  	(xrf1) =	vsort.dscd.msk.f32 $0xffff, v6, v7;
	_ =	sdelay $0x6  }
0x23: {  	v6, v7, _ =	vpop (xrf1)  }
0x24: {  	v8, v9, _ =	vpop (xrf1)  }
0x25: {  	v7 =	vperm.xlane v7, v4;
	v9 =	vperm.xlane v9, v4  }
0x26: {  	v6 =	vperm.xlane v6, v4;
	v10, v11, _ =	vpop (xrf1)  }
0x27: {  	v12, v13, _ =	vpop (xrf1);
	v7 =	vsel vm0, v11, v7  }
0x28: {  	v8 =	vperm.xlane v8, v4;
	v6 =	vsel vm0, v10, v6;
	v10, v14, _ =	vpop (xrf1)  }
0x29: {  	v10 =	vperm.xlane v10, v4;
	v11 =	vperm.xlane v14, v4  }
0x2a: {  	v8 =	vsel vm0, v12, v8;
	(xrf1) =	vsort.dscd.msk.f32 $0xffff, v6, v7;
	v6 =	vsel vm0, v13, v9;
	v7, v9, _ =	vpop (xrf1)  }
0x2b: {  	(xrf1) =	vsort.dscd.msk.f32 $0xffff, v8, v6;
	v6 =	vsel vm0, v7, v10;
	v7 =	vsel vm0, v9, v11  }
0x2c: {  	s14 =	simm.s32 $0x180;
	(xrf1) =	vsort.dscd.msk.f32 $0xffff, v6, v7  }
0x2d: {  	v6 =	vld [tilespmem:s14+$0x10];
	_ =	sdelay $0x1  }
0x2e: {  	v7 =	vld [tilespmem:s14+$0x30];
	_ =	sdelay $0x2  }
0x2f: {  	(xrf1) =	vsort.dscd.msk.f32 $0xffff, v6, v1  }
0x30: {  	v8 =	vld [tilespmem:s14+$0x20]  }
0x31: {  	(xrf1) =	vsort.dscd.msk.f32 $0xffff, v7, v3  }
0x32: {  	v9 =	vld [tilespmem:s14+$0x0];
	_ =	sdelay $0x2  }
0x33: {  	v6, v7, _ =	vpop (xrf1);
	(xrf1) =	vsort.dscd.msk.f32 $0xffff, v8, v2  }
0x34: {  	v8, v10, _ =	vpop (xrf1)  }
0x35: {  	v12 =	vld [tilespmem:s14+$0xFFFFFFB0];
	(xrf1) =	vsort.dscd.msk.f32 $0xffff, v9, v0;
	v9, v11, _ =	vpop (xrf1)  }
0x36: {  	v13 =	vld [tilespmem:s14+$0xFFFFFF90];
	(xrf0) =	vmax.scan.msk.f32 $0xffff, v9;
	_ =	sdelay $0x3  }
0x37: {  	(xrf1) =	vsort.dscd.msk.f32 $0xffff, v12, v3  }
0x38: {  	v14 =	vld [tilespmem:s14+$0xFFFFFFA0];
	v6 =	vperm.xlane v6, v4;
	v7 =	vperm.xlane v7, v4;
	(xrf1) =	vsort.dscd.msk.f32 $0xffff, v13, v1;
	v13, v16, _ =	vpop (xrf1)  }
0x39: {  	v15 =	vld [tilespmem:s14+$0xFFFFFF80];
	v12, _, _ =	vpop (xrf0)  }
0x3a: {  	v6 =	vsel vm0, v8, v6;
	v7 =	vsel vm0, v10, v7;
	v8, v10, _ =	vpop (xrf1);
	v12 =	vbroadcast v12, $0xF  }
0x3b: {  	v10 =	vperm.xlane v10, v4  }
0x3c: {  	v9 =	vsub.f32 v9, v12  }
0x3d: {  	(xrf1) =	vsort.dscd.msk.f32 $0xffff, v14, v2;
	v8 =	vperm.xlane v8, v4  }
0x3e: {  	(xrf1) =	vsort.dscd.msk.f32 $0xffff, v15, v0;
	v13 =	vperm.xlane v13, v4;
	v15 =	vperm.xlane v16, v4;
	v12, v14, _ =	vpop (xrf1)  }
0x3f: {  	(xrf1) =	vsort.dscd.msk.f32 $0xffff, v6, v7;
	v6 =	vsel vm0, v12, v8;
	v7 =	vsel vm0, v14, v10;
	v8 =	vmul.f32 $1.442695020e+00, v9  }
0x40: {  	v9, v10, _ =	vpop (xrf1);
	(xrf1) =	vsort.dscd.msk.f32 $0xffff, v6, v7  }
0x41: {  	v6 =	vsel vm0, v9, v13;
	v7 =	vsel vm0, v10, v15;
	(erf) = vpow2.f32 v8  }
0x42: {  	(xrf1) =	vsort.dscd.msk.f32 $0xffff, v6, v7;
	_ =	sdelay $0x5  }
0x43: {  	v6, v7, _ =	vpop (xrf1)  }
0x44: {  	v8, v9, _ =	vpop (xrf1)  }
0x45: {  	v14 =	vperm.xlane v6, v4;
	v10 =	vpop (erf)  }
0x46: {  	v12, v13, _ =	vpop (xrf1);
	v10 =	vnsel vm0, $0x0, v10  }
0x47: {  	v9 =	vperm.xlane v9, v4;
	v15, v16, _ =	vpop (xrf1);
	v12 =	vsel vm0, v12, v14;
	(xrf2) =	vadd.scan.msk.f32 $0xffff, v10  }
0x48: {  	v7 =	vperm.xlane v7, v4;
	v17, v6, _ =	vpop (xrf1)  }
0x49: {  	v8 =	vperm.xlane v8, v4;
	v14, v18, _ =	vpop (xrf1)  }
0x4a: {  	v7 =	vsel vm0, v13, v7;
	v13 =	vperm.xlane v14, v4;
	v14 =	vperm.xlane v18, v4  }
0x4b: {  	s16 =	simm.s32 $0x280;
	v8 =	vsel vm0, v15, v8;
	(xrf1) =	vsort.dscd.msk.f32 $0xffff, v12, v7;
	v7 =	vsel vm0, v16, v9;
	v9, v12, _ =	vpop (xrf1)  }
0x4c: {  	(xrf1) =	vsort.dscd.msk.f32 $0xffff, v8, v7;
	v7 =	vsel vm0, v9, v13;
	v8 =	vsel vm0, v12, v14;
	v9 =	vld [tilespmem:s16+$0x10]  }
0x4d: {  	(xrf1) =	vsort.dscd.msk.f32 $0xffff, v7, v8;
	v7 =	vld [tilespmem:s16+$0x30];
	_ =	sdelay $0x2  }
0x4e: {  	v8 =	vld [tilespmem:s16+$0x20]  }
0x4f: {  	(xrf1) =	vsort.dscd.msk.f32 $0xffff, v9, v1;
	v9, _, _ =	vpop (xrf2)  }
0x50: {  	v12 =	vld [tilespmem:s16+$0x0];
	(xrf1) =	vsort.dscd.msk.f32 $0xffff, v7, v3;
	v7 =	vbroadcast v9, $0xF  }
0x51: {  	(xrf0) =	vmax.scan.msk.f32 $0xffff, v17  }
0x52: {  	v13 =	vld [tilespmem:s16+$0xFFFFFFB0];
	(erf) = vrcp.f32 v7  }
0x53: {  	(xrf1) =	vsort.dscd.msk.f32 $0xffff, v8, v2;
	v8 =	vld [tilespmem:s16+$0xFFFFFF90]  }
0x54: {  	s13 =	simm.s32 $0x1  }
0x55: {  	v9 =	vmov s13;
	v7 =	vld [tilespmem:s16+$0xFFFFFFA0];
	(xrf1) =	vsort.dscd.msk.f32 $0xffff, v12, v0  }
0x56: {  	v9 =	vand.u32 $0xFF, v9  }
0x57: {  	v16, _, _ =	vpop (xrf0);
	(xrf1) =	vsort.dscd.msk.f32 $0xffff, v13, v3  }
0x58: {  	v12, v13, _ =	vpop (xrf1);
	(xrf1) =	vsort.dscd.msk.f32 $0xffff, v8, v1;
	v8 =	vbroadcast v9, $0x0  }
0x59: {  	v14, v15, _ =	vpop (xrf1)  }
0x5a: {  	v16 =	vbroadcast v16, $0xF;
	(xrf1) =	vsort.dscd.msk.f32 $0xffff, v7, v2;
	v8 =	vor.u32 v5, v8;
	v7, v9, _ =	vpop (xrf1)  }
0x5b: {  	v12 =	vperm.xlane v12, v4;
	v19 =	vpop (erf)  }
0x5c: {  	v13 =	vperm.xlane v13, v4;
	(xrf0) =	vmax.scan.msk.f32 $0xffff, v7  }
0x5d: {  	v18 =	vld [tilespmem:s16+$0xFFFFFF80];
	v12 =	vsel vm0, v14, v12;
	v10 =	vmul.f32 v19, v10;
	v14, v19, _ =	vpop (xrf1)  }
0x5e: {  	v13 =	vsel vm0, v15, v13;
	v15 =	vsub.f32 v17, v16;
	v16, v17, _ =	vpop (xrf1)  }
0x5f: {  	[tilespmem:v8+s8+$0x0] =	vst.idx.msk $0xff, v10;
	v10 =	vperm.xlane v16, v4;
	v16 =	vperm.xlane v17, v4;
	_ =	sdelay $0x1  }
0x60: {  	v17, v20, _ =	vpop (xrf1);
	[tilespmem:v8+s9+$0x0] =	vst.idx.msk $0xff, v11  }
0x61: {  	(xrf1) =	vsort.dscd.msk.f32 $0xffff, v18, v0;
	v8 =	vperm.xlane v14, v4;
	v14 =	vperm.xlane v19, v4;
	v11, _, _ =	vpop (xrf0);
	v18 =	vld [tilespmem:s15+$0x70]  }
0x62: {  	(xrf1) =	vsort.dscd.msk.f32 $0xffff, v12, v13;
	v10 =	vsel vm0, v17, v10;
	v12 =	vsel vm0, v20, v16;
	v11 =	vbroadcast v11, $0xF;
	v16, v17, _ =	vpop (xrf1)  }
0x63: {  	v15 =	vmul.f32 $1.442695020e+00, v15;
	v13 =	vld [tilespmem:s15+$0x50];
	(xrf1) =	vsort.dscd.msk.f32 $0xffff, v10, v12;
	v14 =	vsel vm0, v17, v14  }
0x64: {  	v10 =	vld [tilespmem:s15+$0x60];
	v7 =	vsub.f32 v7, v11;
	v8 =	vsel vm0, v16, v8  }
0x65: {  	(erf) = vpow2.f32 v15;
	(xrf1) =	vsort.dscd.msk.f32 $0xffff, v8, v14  }
0x66: {  	v12, v16, _ =	vpop (xrf1);
	v8 =	vld [tilespmem:s15+$0x40];
	v7 =	vmul.f32 $1.442695020e+00, v7;
	(xrf1) =	vsort.dscd.msk.f32 $0xffff, v18, v3  }
0x67: {  	v11 =	vperm.xlane v12, v4;
	v15 =	vperm.xlane v16, v4;
	v12, v14, _ =	vpop (xrf1)  }
0x68: {  	(xrf1) =	vsort.dscd.msk.f32 $0xffff, v13, v1;
	v16, v17, _ =	vpop (xrf1)  }
0x69: {  	(erf) = vpow2.f32 v7;
	(xrf1) =	vsort.dscd.msk.f32 $0xffff, v10, v2;
	v11 =	vsel vm0, v16, v11;
	v13 =	vsel vm0, v17, v15  }
0x6a: {  	(xrf1) =	vsort.dscd.msk.f32 $0xffff, v11, v13  }
0x6b: {  	(xrf1) =	vsort.dscd.msk.f32 $0xffff, v8, v0;
	_ =	sdelay $0x2  }
0x6c: {  	v8 =	vpop (erf)  }
0x6d: {  	v14 =	vperm.xlane v14, v4;
	v10, v11, _ =	vpop (xrf1)  }
0x6e: {  	v12 =	vperm.xlane v12, v4;
	v13, v7, _ =	vpop (xrf1)  }
0x6f: {  	v11 =	vsel vm0, v11, v14;
	v16, v17, _ =	vpop (xrf1)  }
0x70: {  	v10 =	vsel vm0, v10, v12;
	v15 =	vpop (erf)  }
0x71: {  	(xrf1) =	vsort.dscd.msk.f32 $0xffff, v10, v11;
	v15 =	vnsel vm0, $0x0, v15;
	v12 =	vperm.xlane v16, v4;
	v14, v16, _ =	vpop (xrf1)  }
0x72: {  	v10 =	vperm.xlane v17, v4;
	(xrf2) =	vadd.scan.msk.f32 $0xffff, v15;
	v11, v17, _ =	vpop (xrf1)  }
0x73: {  	v12 =	vsel vm0, v14, v12;
	v14 =	vperm.xlane v17, v4  }
0x74: {  	v11 =	vperm.xlane v11, v4;
	v17, v18, _ =	vpop (xrf1)  }
0x75: {  	s17 =	simm.s32 $0x380;
	v10 =	vsel vm0, v16, v10;
	v16 =	vperm.xlane v17, v4;
	v17 =	vperm.xlane v18, v4;
	v18, v19, _ =	vpop (xrf1)  }
0x76: {  	v20 =	vld [tilespmem:s17+$0x10];
	v21, v22, _ =	vpop (xrf1)  }
0x77: {  	(xrf1) =	vsort.dscd.msk.f32 $0xffff, v12, v10;
	v12 =	vld [tilespmem:s17+$0x30];
	v10 =	vsel vm0, v18, v11;
	v11 =	vsel vm0, v19, v14;
	v14, v18, _ =	vpop (xrf1)  }
0x78: {  	(xrf1) =	vsort.dscd.msk.f32 $0xffff, v10, v11;
	v10 =	vsel vm0, v14, v16;
	v11 =	vsel vm0, v18, v17  }
0x79: {  	(xrf1) =	vsort.dscd.msk.f32 $0xffff, v10, v11  }
0x7a: {  	v14 =	vld [tilespmem:s17+$0x20]  }
0x7b: {  	(xrf1) =	vsort.dscd.msk.f32 $0xffff, v20, v1  }
0x7c: {  	v10 =	vld [tilespmem:s17+$0x0];
	(xrf1) =	vsort.dscd.msk.f32 $0xffff, v12, v3;
	v11, _, _ =	vpop (xrf2)  }
0x7d: {  	(xrf0) =	vmax.scan.msk.f32 $0xffff, v13;
	v12 =	vld [tilespmem:s17+$0xFFFFFFB0];
	v11 =	vbroadcast v11, $0xF  }
0x7e: {  	v16 =	vld [tilespmem:s17+$0xFFFFFF90]  }
0x7f: {  	(xrf1) =	vsort.dscd.msk.f32 $0xffff, v14, v2;
	v14 =	vnsel vm0, $0x0, v8;
	v8 =	vld [tilespmem:s17+$0xFFFFFFA0];
	(erf) = vrcp.f32 v11  }
0x80: {  	(xrf2) =	vadd.scan.msk.f32 $0xffff, v14;
	v11 =	vld [tilespmem:s17+$0xFFFFFF80]  }
0x81: {  	s26 =	simm.s32 $0x3;
	(xrf1) =	vsort.dscd.msk.f32 $0xffff, v10, v0  }
0x82: {  	v19 =	vperm.xlane v22, v4;
	v10 =	vmov s26;
	(xrf1) =	vsort.dscd.msk.f32 $0xffff, v12, v3  }
0x83: {  	v18 =	vperm.xlane v21, v4;
	v21, _, _ =	vpop (xrf0);
	v10 =	vand.u32 $0xFF, v10;
	(xrf1) =	vsort.dscd.msk.f32 $0xffff, v16, v1  }
0x84: {  	v12, v17, _ =	vpop (xrf1);
	v10 =	vbroadcast v10, $0x0;
	(xrf1) =	vsort.dscd.msk.f32 $0xffff, v8, v2  }
0x85: {  	v12 =	vsel vm0, v12, v18;
	v16, v8, _ =	vpop (xrf1);
	(xrf1) =	vsort.dscd.msk.f32 $0xffff, v11, v0  }
0x86: {  	v10 =	vor.u32 v5, v10;
	v11, v20, _ =	vpop (xrf1);
	(xrf0) =	vmax.scan.msk.f32 $0xffff, v16  }
0x87: {  	v17 =	vsel vm0, v17, v19;
	v11 =	vperm.xlane v11, v4;
	v20 =	vperm.xlane v20, v4;
	v18, v19, _ =	vpop (xrf1)  }
0x88: {  	v21 =	vbroadcast v21, $0xF;
	(xrf1) =	vsort.dscd.msk.f32 $0xffff, v12, v17;
	v12 =	vpop (erf)  }
0x89: {  	v11 =	vsel vm0, v18, v11;
	v17 =	vsel vm0, v19, v20;
	v18, v19, _ =	vpop (xrf1);
	v12 =	vmul.f32 v12, v15  }
0x8a: {  	(xrf1) =	vsort.dscd.msk.f32 $0xffff, v11, v17;
	v11 =	vsub.f32 v13, v21;
	v13, v15, _ =	vpop (xrf1)  }
0x8b: {  	v13 =	vperm.xlane v13, v4;
	[tilespmem:v10+s8+$0x0] =	vst.idx.msk $0xff, v12  }
0x8c: {  	v15 =	vperm.xlane v15, v4;
	v11 =	vmul.f32 $1.442695020e+00, v11;
	[tilespmem:v10+s9+$0x0] =	vst.idx.msk $0xff, v9;
	v10, _, _ =	vpop (xrf0)  }
0x8d: {  	v9 =	vperm.xlane v18, v4;
	v12, v17, _ =	vpop (xrf1)  }
0x8e: {  	v18 =	vperm.xlane v19, v4;
	v12 =	vsel vm0, v12, v13;
	v13 =	vsel vm0, v17, v15;
	v17, _, _ =	vpop (xrf2)  }
0x8f: {  	v10 =	vbroadcast v10, $0xF;
	v15 =	vld [tilespmem:s14+$0x70];
	(xrf1) =	vsort.dscd.msk.f32 $0xffff, v12, v13;
	v13 =	vbroadcast v17, $0xF  }
0x90: {  	(erf) = vpow2.f32 v11;
	v12 =	vld [tilespmem:s14+$0x50];
	v11, v17, _ =	vpop (xrf1)  }
0x91: {  	v19 =	vld [tilespmem:s14+$0x60];
	v10 =	vsub.f32 v16, v10;
	v9 =	vsel vm0, v11, v9;
	v17 =	vsel vm0, v17, v18  }
0x92: {  	v11, v20, _ =	vpop (xrf1);
	(erf) = vrcp.f32 v13;
	(xrf1) =	vsort.dscd.msk.f32 $0xffff, v9, v17  }
0x93: {  	v10 =	vmul.f32 $1.442695020e+00, v10;
	v9 =	vld [tilespmem:s14+$0x40];
	v17 =	vperm.xlane v20, v4;
	v13, v16, _ =	vpop (xrf1)  }
0x94: {  	v11 =	vperm.xlane v11, v4;
	(xrf1) =	vsort.dscd.msk.f32 $0xffff, v15, v3;
	v15, v18, _ =	vpop (xrf1)  }
0x95: {  	(erf) = vpow2.f32 v10;
	v10 =	vmov s2;
	(xrf1) =	vsort.dscd.msk.f32 $0xffff, v12, v1;
	v12 =	vsel vm0, v18, v17  }
0x96: {  	v10 =	vand.u32 $0xFE, v10;
	v11 =	vsel vm0, v15, v11;
	(xrf1) =	vsort.dscd.msk.f32 $0xffff, v19, v2  }
0x97: {  	(xrf1) =	vsort.dscd.msk.f32 $0xffff, v11, v12  }
0x98: {  	v15, v17, _ =	vpop (xrf1);
	(xrf1) =	vsort.dscd.msk.f32 $0xffff, v9, v0;
	v9 =	vbroadcast v10, $0x0  }
0x99: {  	v18, v12, _ =	vpop (xrf1)  }
0x9a: {  	v9 =	vor.u32 v5, v9;
	v11, v10, _ =	vpop (xrf1)  }
0x9b: {  	v13 =	vperm.xlane v13, v4;
	v16 =	vperm.xlane v16, v4;
	v19 =	vpop (erf);
	(xrf0) =	vmax.scan.msk.f32 $0xffff, v11  }
0x9c: {  	v20 =	vpop (erf)  }
0x9d: {  	v13 =	vsel vm0, v15, v13;
	v15 =	vsel vm0, v17, v16;
	v14 =	vmul.f32 v20, v14;
	v20, v21, _ =	vpop (xrf1)  }
0x9e: {  	(xrf1) =	vsort.dscd.msk.f32 $0xffff, v13, v15;
	v13 =	vperm.xlane v20, v4  }
0x9f: {  	v16 =	vpop (erf);
	[tilespmem:v9+s8+$0x0] =	vst.idx.msk $0xff, v14  }
0xa0: {  	v16 =	vnsel vm0, $0x0, v16;
	[tilespmem:v9+s9+$0x0] =	vst.idx.msk $0xff, v6;
	v6, v9, _ =	vpop (xrf1)  }
0xa1: {  	(xrf2) =	vadd.scan.msk.f32 $0xffff, v16;
	v14, _, _ =	vpop (xrf0)  }
0xa2: {  	v15 =	vnsel vm0, $0x0, v19;
	v19 =	vperm.xlane v21, v4;
	v6 =	vsel vm0, v6, v13;
	v13, v20, _ =	vpop (xrf1)  }
0xa3: {  	v17 =	vld [tilespmem:s15+$0xFFFFFFF0];
	v14 =	vbroadcast v14, $0xF;
	v20 =	vperm.xlane v20, v4  }
0xa4: {  	s20 =	simm.s32 $0x480;
	(xrf2) =	vadd.scan.msk.f32 $0xffff, v15;
	v9 =	vsel vm0, v9, v19;
	v13 =	vperm.xlane v13, v4;
	v21, v22, _ =	vpop (xrf1)  }
0xa5: {  	v23 =	vld [tilespmem:s20+$0x10];
	(xrf0) =	vmax.scan.msk.f32 $0xffff, v18;
	v11 =	vsub.f32 v11, v14;
	v14 =	vperm.xlane v21, v4;
	v19 =	vperm.xlane v22, v4;
	v21, v22, _ =	vpop (xrf1)  }
0xa6: {  	(xrf1) =	vsort.dscd.msk.f32 $0xffff, v6, v9;
	v24, v25, _ =	vpop (xrf1);
	v6 =	vsel vm0, v21, v13;
	v9 =	vsel vm0, v22, v20;
	v13 =	vld [tilespmem:s20+$0x30]  }
0xa7: {  	v11 =	vmul.f32 $1.442695020e+00, v11;
	(xrf1) =	vsort.dscd.msk.f32 $0xffff, v6, v9;
	v6 =	vld [tilespmem:s20+$0x20];
	v20, v21, _ =	vpop (xrf1)  }
0xa8: {  	(xrf1) =	vsort.dscd.msk.f32 $0xffff, v17, v3;
	v9 =	vsel vm0, v20, v14;
	v14 =	vsel vm0, v21, v19  }
0xa9: {  	(erf) = vpow2.f32 v11;
	(xrf1) =	vsort.dscd.msk.f32 $0xffff, v9, v14  }
0xaa: {  	v9 =	vld [tilespmem:s20+$0x0];
	(xrf1) =	vsort.dscd.msk.f32 $0xffff, v23, v1  }
0xab: {  	v11 =	vld [tilespmem:s20+$0xFFFFFFB0];
	(xrf1) =	vsort.dscd.msk.f32 $0xffff, v13, v3;
	v13, _, _ =	vpop (xrf2)  }
0xac: {  	(xrf1) =	vsort.dscd.msk.f32 $0xffff, v6, v2;
	v6 =	vbroadcast v13, $0xF  }
0xad: {  	v14 =	vld [tilespmem:s20+$0xFFFFFF90]  }
0xae: {  	v13 =	vld [tilespmem:s20+$0xFFFFFFA0]  }
0xaf: {  	s31 =	simm.s32 $0x5;
	(erf) = vrcp.f32 v6;
	(xrf1) =	vsort.dscd.msk.f32 $0xffff, v9, v0  }
0xb0: {  	v19 =	vld [tilespmem:s20+$0xFFFFFF80];
	v21 =	vperm.xlane v24, v4;
	v6, v17, _ =	vpop (xrf1);
	(xrf1) =	vsort.dscd.msk.f32 $0xffff, v11, v3;
	v11 =	vmov s31  }
0xb1: {  	v22 =	vperm.xlane v25, v4;
	v20, _, _ =	vpop (xrf0);
	v24 =	vand.u32 $0xFF, v11  }
0xb2: {  	v9 =	vpop (erf);
	(xrf1) =	vsort.dscd.msk.f32 $0xffff, v14, v1;
	v24 =	vbroadcast v24, $0x0  }
0xb3: {  	v23, _, _ =	vpop (xrf2);
	v17 =	vsel vm0, v17, v22;
	v14 =	vnsel vm0, $0x0, v9;
	v9 =	vld [tilespmem:s15+$0xFFFFFFD0];
	(xrf1) =	vsort.dscd.msk.f32 $0xffff, v13, v2  }
0xb4: {  	v6 =	vsel vm0, v6, v21;
	(xrf2) =	vadd.scan.msk.f32 $0xffff, v14;
	v13, v11, _ =	vpop (xrf1)  }
0xb5: {  	(xrf1) =	vsort.dscd.msk.f32 $0xffff, v19, v0;
	v19, v21, _ =	vpop (xrf1)  }
0xb6: {  	v22 =	vor.u32 v5, v24;
	(xrf0) =	vmax.scan.msk.f32 $0xffff, v13;
	v19 =	vperm.xlane v19, v4;
	v24, v25, _ =	vpop (xrf1)  }
0xb7: {  	v21 =	vperm.xlane v21, v4;
	(xrf1) =	vsort.dscd.msk.f32 $0xffff, v6, v17;
	v6, v17, _ =	vpop (xrf1)  }
0xb8: {  	v20 =	vbroadcast v20, $0xF;
	v27 =	vpop (erf);
	(xrf1) =	vsort.dscd.msk.f32 $0xffff, v9, v1  }
0xb9: {  	v6 =	vsel vm0, v6, v19;
	v17 =	vsel vm0, v17, v21;
	v16 =	vmul.f32 v27, v16  }
0xba: {  	v26 =	vld [tilespmem:s15+$0xFFFFFFE0];
	(xrf1) =	vsort.dscd.msk.f32 $0xffff, v6, v17;
	v6 =	vsub.f32 v18, v20  }
0xbb: {  	v9, v19, _ =	vpop (xrf1)  }
0xbc: {  	v6 =	vmul.f32 $1.442695020e+00, v6;
	v17, v18, _ =	vpop (xrf1)  }
0xbd: {  	[tilespmem:v22+s8+$0x0] =	vst.idx.msk $0xff, v16;
	v16, _, _ =	vpop (xrf0);
	v17 =	vperm.xlane v17, v4;
	v18 =	vperm.xlane v18, v4  }
0xbe: {  	[tilespmem:v22+s9+$0x0] =	vst.idx.msk $0xff, v8;
	v8 =	vbroadcast v23, $0xF;
	v19 =	vperm.xlane v19, v4;
	v20, v21, _ =	vpop (xrf1)  }
0xbf: {  	(xrf1) =	vsort.dscd.msk.f32 $0xffff, v26, v2;
	v16 =	vbroadcast v16, $0xF;
	v22, v23, _ =	vpop (xrf1);
	v17 =	vsel vm0, v20, v17;
	v18 =	vsel vm0, v21, v18;
	v20 =	vld [tilespmem:s16+$0x70]  }
0xc0: {  	v9 =	vperm.xlane v9, v4;
	(erf) = vpow2.f32 v6;
	v21, _, _ =	vpop (xrf2);
	(xrf1) =	vsort.dscd.msk.f32 $0xffff, v17, v18;
	v17 =	vld [tilespmem:s16+$0x50]  }
0xc1: {  	(erf) = vrcp.f32 v8;
	v6 =	vbroadcast v21, $0xF;
	v18 =	vld [tilespmem:s16+$0x60]  }
0xc2: {  	v9 =	vsel vm0, v22, v9;
	v8 =	vsel vm0, v23, v19;
	v13 =	vsub.f32 v13, v16;
	v21, v22, _ =	vpop (xrf1)  }
0xc3: {  	(xrf1) =	vsort.dscd.msk.f32 $0xffff, v9, v8;
	v16, v19, _ =	vpop (xrf1);
	(erf) = vrcp.f32 v6;
	v6 =	vperm.xlane v21, v4  }
0xc4: {  	v9 =	vperm.xlane v22, v4;
	v13 =	vmul.f32 $1.442695020e+00, v13;
	(xrf1) =	vsort.dscd.msk.f32 $0xffff, v20, v3;
	v20, v21, _ =	vpop (xrf1)  }
0xc5: {  	s13 =	simm.s32 $0x2;
	(xrf1) =	vsort.dscd.msk.f32 $0xffff, v17, v1;
	v6 =	vsel vm0, v20, v6  }
0xc6: {  	v8 =	vld [tilespmem:s16+$0x40];
	(erf) = vpow2.f32 v13;
	v13 =	vmov s13;
	v9 =	vsel vm0, v21, v9;
	v20, v21, _ =	vpop (xrf1);
	(xrf1) =	vsort.dscd.msk.f32 $0xffff, v18, v2  }
0xc7: {  	(xrf1) =	vsort.dscd.msk.f32 $0xffff, v6, v9;
	v9 =	vand.u32 $0xFE, v13;
	_ =	sdelay $0x1  }
0xc8: {  	v22, v6, _ =	vpop (xrf1)  }
0xc9: {  	v19 =	vperm.xlane v19, v4;
	v17, v13, _ =	vpop (xrf1)  }
0xca: {  	v16 =	vperm.xlane v16, v4;
	(xrf1) =	vsort.dscd.msk.f32 $0xffff, v8, v0;
	v8 =	vbroadcast v9, $0x0;
	v23, v9, _ =	vpop (xrf1)  }
0xcb: {  	v18 =	vld [tilespmem:s15+$0xFFFFFFC0];
	v26 =	vpop (erf);
	v19 =	vsel vm0, v21, v19;
	(xrf0) =	vmax.scan.msk.f32 $0xffff, v23  }
0xcc: {  	v16 =	vsel vm0, v20, v16;
	v27 =	vpop (erf);
	v8 =	vor.u32 v5, v8  }
0xcd: {  	v28 =	vpop (erf)  }
0xce: {  	v25 =	vperm.xlane v25, v4;
	v20, v21, _ =	vpop (xrf1)  }
0xcf: {  	v24 =	vperm.xlane v24, v4;
	v15 =	vmul.f32 v27, v15;
	(xrf1) =	vsort.dscd.msk.f32 $0xffff, v16, v19;
	v16, v19, _ =	vpop (xrf1)  }
0xd0: {  	(xrf1) =	vsort.dscd.msk.f32 $0xffff, v18, v0;
	v18 =	vpop (erf);
	v21 =	vsel vm0, v21, v25;
	v16 =	vperm.xlane v16, v4  }
0xd1: {  	[tilespmem:v8+s8+$0x0] =	vst.idx.msk $0xff, v15;
	v15 =	vsel vm0, v20, v24;
	v20 =	vnsel vm0, $0x0, v18;
	v18, _, _ =	vpop (xrf0)  }
0xd2: {  	v24 =	vbroadcast v18, $0xF  }
0xd3: {  	[tilespmem:v8+s9+$0x0] =	vst.idx.msk $0xff, v7;
	v7, v8, _ =	vpop (xrf1)  }
0xd4: {  	(xrf1) =	vsort.dscd.msk.f32 $0xffff, v15, v21;
	v7 =	vsel vm0, v7, v16;
	v16, v21, _ =	vpop (xrf1);
	v23 =	vsub.f32 v23, v24  }
0xd5: {  	v19 =	vperm.xlane v19, v4;
	(xrf2) =	vadd.scan.msk.f32 $0xffff, v20;
	v15 =	vld [tilespmem:s14+$0xFFFFFFF0];
	v21 =	vperm.xlane v21, v4  }
0xd6: {  	(xrf0) =	vmax.scan.msk.f32 $0xffff, v22;
	v18 =	vnsel vm0, $0x0, v26;
	v16 =	vperm.xlane v16, v4;
	v25, v26, _ =	vpop (xrf1)  }
0xd7: {  	v8 =	vsel vm0, v8, v19;
	(xrf2) =	vadd.scan.msk.f32 $0xffff, v18;
	v19 =	vperm.xlane v25, v4;
	v24 =	vperm.xlane v26, v4;
	v25, v26, _ =	vpop (xrf1)  }
0xd8: {  	s21 =	simm.s32 $0x580;
	(xrf1) =	vsort.dscd.msk.f32 $0xffff, v7, v8;
	v29, v30, _ =	vpop (xrf1);
	v7 =	vsel vm0, v25, v16;
	v8 =	vsel vm0, v26, v21  }
0xd9: {  	v27 =	vld [tilespmem:s21+$0x10];
	v16 =	vmul.f32 $1.442695020e+00, v23;
	(xrf1) =	vsort.dscd.msk.f32 $0xffff, v7, v8;
	v21, v23, _ =	vpop (xrf1)  }
0xda: {  	v7 =	vld [tilespmem:s21+$0x30];
	(xrf1) =	vsort.dscd.msk.f32 $0xffff, v15, v3;
	v8 =	vsel vm0, v21, v19;
	v19 =	vsel vm0, v23, v24  }
0xdb: {  	v15 =	vld [tilespmem:s21+$0x20];
	(xrf1) =	vsort.dscd.msk.f32 $0xffff, v8, v19  }
0xdc: {  	(erf) = vpow2.f32 v16;
	v19 =	vld [tilespmem:s21+$0x0]  }
0xdd: {  	s18 =	simm.s32 $0x101;
	v21 =	vld [tilespmem:s21+$0xFFFFFFB0]  }
0xde: {  	v25 =	vld [tilespmem:s21+$0xFFFFFF90];
	v26, _, _ =	vpop (xrf0);
	v8 =	vmov s18;
	(xrf1) =	vsort.dscd.msk.f32 $0xffff, v27, v1  }
0xdf: {  	v16, _, _ =	vpop (xrf2);
	v8 =	vand.u32 $0x1FF, v8;
	(xrf1) =	vsort.dscd.msk.f32 $0xffff, v7, v3  }
0xe0: {  	v23, v24, _ =	vpop (xrf1);
	v7 =	vbroadcast v16, $0xF;
	v8 =	vbroadcast v8, $0x0;
	(xrf1) =	vsort.dscd.msk.f32 $0xffff, v15, v2  }
0xe1: {  	v27, v31, _ =	vpop (xrf1);
	(xrf1) =	vsort.dscd.msk.f32 $0xffff, v19, v0;
	v19 =	vmul.f32 v28, v14;
	v14 =	vbroadcast v26, $0xF  }
0xe2: {  	s19 =	simm.s32 $0x7;
	v15, v16, _ =	vpop (xrf1);
	(erf) = vrcp.f32 v7;
	v7 =	vor.u32 v5, v8;
	(xrf1) =	vsort.dscd.msk.f32 $0xffff, v21, v3  }
0xe3: {  	v32 =	vld [tilespmem:s21+$0xFFFFFFA0];
	v21 =	vperm.xlane v29, v4;
	v29 =	vperm.xlane v30, v4;
	(xrf1) =	vsort.dscd.msk.f32 $0xffff, v25, v1;
	v25 =	vmov s19  }
0xe4: {  	v33 =	vld [tilespmem:s21+$0xFFFFFF80];
	v26, _, _ =	vpop (xrf2);
	v25 =	vand.u32 $0xFF, v25  }
0xe5: {  	v8 =	vpop (erf)  }
0xe6: {  	v8 =	vnsel vm0, $0x0, v8;
	v22 =	vsub.f32 v22, v14;
	v30, v14, _ =	vpop (xrf1)  }
0xe7: {  	v28 =	vld [tilespmem:s14+$0xFFFFFFD0];
	(xrf2) =	vadd.scan.msk.f32 $0xffff, v8;
	v21 =	vsel vm0, v23, v21;
	[tilespmem:v7+s8+$0x0] =	vst.idx.msk $0xff, v19;
	v19 =	vbroadcast v25, $0x0;
	v25, v50, _ =	vpop (xrf1)  }
0xe8: {  	v23 =	vsel vm0, v24, v29;
	v22 =	vmul.f32 $1.442695020e+00, v22;
	(xrf1) =	vsort.dscd.msk.f32 $0xffff, v32, v2;
	v24, v29, _ =	vpop (xrf1);
	v25 =	vperm.xlane v25, v4  }
0xe9: {  	(xrf1) =	vsort.dscd.msk.f32 $0xffff, v33, v0;
	v51, v34, _ =	vpop (xrf1)  }
0xea: {  	(xrf0) =	vmax.scan.msk.f32 $0xffff, v30;
	(erf) = vpow2.f32 v22;
	v32 =	vperm.xlane v50, v4;
	v22 =	vsel vm0, v51, v25  }
0xeb: {  	[tilespmem:v7+s9+$0x0] =	vst.idx.msk $0xff, v10;
	v19 =	vor.u32 v5, v19;
	v10 =	vpop (erf);
	(xrf1) =	vsort.dscd.msk.f32 $0xffff, v21, v23  }
0xec: {  	v7 =	vld [tilespmem:s14+$0xFFFFFFE0];
	v23 =	vsel vm0, v34, v32;
	(xrf1) =	vsort.dscd.msk.f32 $0xffff, v28, v1;
	v25, v28, _ =	vpop (xrf1)  }
0xed: {  	v21 =	vld [tilespmem:s14+$0xFFFFFFC0];
	(xrf1) =	vsort.dscd.msk.f32 $0xffff, v22, v23  }
0xee: {  	v10 =	vmul.f32 v10, v20;
	v20, v22, _ =	vpop (xrf1)  }
0xef: {  	v22 =	vperm.xlane v22, v4  }
0xf0: {  	[tilespmem:v19+s8+$0x0] =	vst.idx.msk $0xff, v10;
	v10 =	vperm.xlane v25, v4;
	v25, _, _ =	vpop (xrf0);
	v20 =	vperm.xlane v20, v4  }
0xf1: {  	[tilespmem:v19+s9+$0x0] =	vst.idx.msk $0xff, v11;
	v11 =	vbroadcast v26, $0xF;
	v23, v32, _ =	vpop (xrf1);
	(xrf1) =	vsort.dscd.msk.f32 $0xffff, v7, v2  }
0xf2: {  	v7 =	vsel vm0, v23, v20;
	v19 =	vsel vm0, v32, v22;
	v23 =	vperm.xlane v28, v4;
	v26, v28, _ =	vpop (xrf1)  }
0xf3: {  	v20 =	vld [tilespmem:s17+$0x70];
	(xrf1) =	vsort.dscd.msk.f32 $0xffff, v7, v19;
	v7 =	vbroadcast v25, $0xF;
	v22, _, _ =	vpop (xrf2)  }
0xf4: {  	(erf) = vrcp.f32 v11;
	v19 =	vld [tilespmem:s17+$0x50];
	v11 =	vsel vm0, v28, v23;
	v22 =	vbroadcast v22, $0xF  }
0xf5: {  	v10 =	vsel vm0, v26, v10;
	v26, v52, _ =	vpop (xrf1);
	v7 =	vsub.f32 v30, v7  }
0xf6: {  	(erf) = vrcp.f32 v22;
	v22 =	vperm.xlane v26, v4  }
0xf7: {  	v25 =	vld [tilespmem:s17+$0x60];
	(xrf1) =	vsort.dscd.msk.f32 $0xffff, v10, v11;
	v11, v23, _ =	vpop (xrf1);
	v26 =	vperm.xlane v52, v4;
	v7 =	vmul.f32 $1.442695020e+00, v7  }
0xf8: {  	(xrf1) =	vsort.dscd.msk.f32 $0xffff, v20, v3;
	v20, v28, _ =	vpop (xrf1)  }
0xf9: {  	s14 =	simm.s32 $0x4;
	v10 =	vld [tilespmem:s17+$0x40];
	(xrf1) =	vsort.dscd.msk.f32 $0xffff, v19, v1;
	v19 =	vsel vm0, v20, v22;
	v20 =	vsel vm0, v28, v26  }
0xfa: {  	v22 =	vmov s14  }
0xfb: {  	v11 =	vperm.xlane v11, v4;
	(erf) = vpow2.f32 v7;
	v26, v28, _ =	vpop (xrf1)  }
0xfc: {  	v23 =	vperm.xlane v23, v4;
	(xrf1) =	vsort.dscd.msk.f32 $0xffff, v25, v2;
	v25, v7, _ =	vpop (xrf1)  }
0xfd: {  	(xrf1) =	vsort.dscd.msk.f32 $0xffff, v19, v20;
	v19 =	vand.u32 $0xFE, v22;
	v26 =	vsel vm0, v26, v11;
	v22, v20, _ =	vpop (xrf1)  }
0xfe: {  	v23 =	vsel vm0, v28, v23;
	(xrf1) =	vsort.dscd.msk.f32 $0xffff, v10, v0;
	v19 =	vbroadcast v19, $0x0;
	v30, v10, _ =	vpop (xrf1)  }
0xff: {  	v13 =	vperm.xlane v13, v4;
	v53 =	vpop (erf);
	(xrf0) =	vmax.scan.msk.f32 $0xffff, v30  }
0x100: {  	v17 =	vperm.xlane v17, v4;
	v54 =	vpop (erf);
	v19 =	vor.u32 v5, v19  }
0x101: {  	v13 =	vsel vm0, v31, v13;
	(xrf1) =	vsort.dscd.msk.f32 $0xffff, v26, v23;
	v23, v26, _ =	vpop (xrf1)  }
0x102: {  	v17 =	vsel vm0, v27, v17;
	v24 =	vperm.xlane v24, v4;
	(xrf1) =	vsort.dscd.msk.f32 $0xffff, v21, v0;
	v21, v27, _ =	vpop (xrf1)  }
0x103: {  	v18 =	vmul.f32 v54, v18;
	v11 =	vpop (erf);
	v21 =	vperm.xlane v21, v4  }
0x104: {  	v28 =	vperm.xlane v29, v4;
	(xrf1) =	vsort.dscd.msk.f32 $0xffff, v17, v13;
	v13 =	vpop (erf)  }
0x105: {  	[tilespmem:v19+s8+$0x0] =	vst.idx.msk $0xff, v18;
	v18 =	vsel vm0, v23, v24;
	v23 =	vnsel vm0, $0x0, v13;
	v13, _, _ =	vpop (xrf0)  }
0x106: {  	v24 =	vsel vm0, v26, v28;
	[tilespmem:v19+s9+$0x0] =	vst.idx.msk $0xff, v12;
	v12, v19, _ =	vpop (xrf1)  }
0x107: {  	(xrf1) =	vsort.dscd.msk.f32 $0xffff, v18, v24;
	v24 =	vperm.xlane v27, v4;
	v12 =	vsel vm0, v12, v21;
	v21, v26, _ =	vpop (xrf1)  }
0x108: {  	(xrf2) =	vadd.scan.msk.f32 $0xffff, v23;
	v13 =	vbroadcast v13, $0xF;
	v18 =	vld [tilespmem:s16+$0xFFFFFFF0];
	v26 =	vperm.xlane v26, v4  }
0x109: {  	v17 =	vnsel vm0, $0x0, v53;
	(xrf0) =	vmax.scan.msk.f32 $0xffff, v25;
	v21 =	vperm.xlane v21, v4;
	v27, v28, _ =	vpop (xrf1);
	v19 =	vsel vm0, v19, v24  }
0x10a: {  	(xrf2) =	vadd.scan.msk.f32 $0xffff, v17;
	v13 =	vsub.f32 v30, v13;
	v24 =	vperm.xlane v27, v4;
	v27 =	vperm.xlane v28, v4;
	v28, v29, _ =	vpop (xrf1)  }
0x10b: {  	s23 =	simm.s32 $0x680;
	(xrf1) =	vsort.dscd.msk.f32 $0xffff, v12, v19;
	v31, v55, _ =	vpop (xrf1);
	v12 =	vsel vm0, v28, v21;
	v19 =	vsel vm0, v29, v26  }
0x10c: {  	v30 =	vld [tilespmem:s23+$0x10];
	v13 =	vmul.f32 $1.442695020e+00, v13;
	v26, v28, _ =	vpop (xrf1);
	(xrf1) =	vsort.dscd.msk.f32 $0xffff, v12, v19  }
0x10d: {  	v21 =	vld [tilespmem:s23+$0x30];
	v19 =	vsel vm0, v26, v24;
	v24 =	vsel vm0, v28, v27;
	(xrf1) =	vsort.dscd.msk.f32 $0xffff, v18, v3  }
0x10e: {  	v12 =	vld [tilespmem:s23+$0x20];
	(erf) = vpow2.f32 v13;
	(xrf1) =	vsort.dscd.msk.f32 $0xffff, v19, v24;
	_ =	sdelay $0x1  }
0x10f: {  	v13 =	vld [tilespmem:s23+$0x0]  }
0x110: {  	v18 =	vld [tilespmem:s23+$0xFFFFFFB0];
	v27, _, _ =	vpop (xrf0);
	(xrf1) =	vsort.dscd.msk.f32 $0xffff, v30, v1  }
0x111: {  	v26 =	vld [tilespmem:s23+$0xFFFFFF90];
	(xrf1) =	vsort.dscd.msk.f32 $0xffff, v21, v3;
	v19, _, _ =	vpop (xrf2)  }
0x112: {  	v21, v24, _ =	vpop (xrf1);
	(xrf1) =	vsort.dscd.msk.f32 $0xffff, v12, v2;
	v12 =	vbroadcast v19, $0xF;
	v19 =	vld [tilespmem:s23+$0xFFFFFFA0]  }
0x113: {  	v57 =	vld [tilespmem:s23+$0xFFFFFF80];
	v36, _, _ =	vpop (xrf2)  }
0x114: {  	v28, v29, _ =	vpop (xrf1);
	(xrf1) =	vsort.dscd.msk.f32 $0xffff, v13, v0;
	(erf) = vrcp.f32 v12  }
0x115: {  	v31 =	vperm.xlane v31, v4;
	v32 =	vperm.xlane v55, v4;
	v30, v56, _ =	vpop (xrf1);
	(xrf1) =	vsort.dscd.msk.f32 $0xffff, v18, v3  }
0x116: {  	s22 =	simm.s32 $0x9;
	(xrf1) =	vsort.dscd.msk.f32 $0xffff, v26, v1;
	v13 =	vpop (erf)  }
0x117: {  	v35 =	vld [tilespmem:s16+$0xFFFFFFD0];
	v24 =	vsel vm0, v24, v32;
	v26 =	vmov s22;
	v18, v12, _ =	vpop (xrf1);
	(xrf1) =	vsort.dscd.msk.f32 $0xffff, v19, v2  }
0x118: {  	v21 =	vsel vm0, v21, v31;
	v26 =	vand.u32 $0xFF, v26;
	v13 =	vnsel vm0, $0x0, v13;
	(xrf1) =	vsort.dscd.msk.f32 $0xffff, v57, v0;
	v37, v19, _ =	vpop (xrf1)  }
0x119: {  	v26 =	vbroadcast v26, $0x0;
	(xrf2) =	vadd.scan.msk.f32 $0xffff, v13;
	v31, v58, _ =	vpop (xrf1)  }
0x11a: {  	(xrf0) =	vmax.scan.msk.f32 $0xffff, v37;
	v31 =	vperm.xlane v31, v4;
	v32 =	vperm.xlane v58, v4;
	v59, v38, _ =	vpop (xrf1)  }
0x11b: {  	v27 =	vbroadcast v27, $0xF;
	v26 =	vor.u32 v5, v26;
	(xrf1) =	vsort.dscd.msk.f32 $0xffff, v21, v24;
	v21, v24, _ =	vpop (xrf1)  }
0x11c: {  	(xrf1) =	vsort.dscd.msk.f32 $0xffff, v35, v1;
	v21 =	vsel vm0, v21, v31;
	v24 =	vsel vm0, v24, v32  }
0x11d: {  	v40 =	vpop (erf);
	(xrf1) =	vsort.dscd.msk.f32 $0xffff, v21, v24;
	v21 =	vsub.f32 v25, v27  }
0x11e: {  	v39 =	vld [tilespmem:s16+$0xFFFFFFE0];
	v23 =	vmul.f32 v40, v23;
	v31, v60, _ =	vpop (xrf1)  }
0x11f: {  	v24, v25, _ =	vpop (xrf1);
	v21 =	vmul.f32 $1.442695020e+00, v21  }
0x120: {  	[tilespmem:v26+s8+$0x0] =	vst.idx.msk $0xff, v23;
	v23 =	vperm.xlane v31, v4;
	v31, _, _ =	vpop (xrf0);
	v24 =	vperm.xlane v24, v4  }
0x121: {  	[tilespmem:v26+s9+$0x0] =	vst.idx.msk $0xff, v14;
	v14 =	vbroadcast v36, $0xF;
	v25 =	vperm.xlane v25, v4;
	v27, v61, _ =	vpop (xrf1)  }
0x122: {  	v32 =	vperm.xlane v60, v4;
	v63, v62, _ =	vpop (xrf1);
	(erf) = vpow2.f32 v21;
	v24 =	vsel vm0, v27, v24  }
0x123: {  	(xrf1) =	vsort.dscd.msk.f32 $0xffff, v39, v2;
	v26 =	vld [tilespmem:s20+$0x70];
	v25 =	vsel vm0, v61, v25;
	v27, _, _ =	vpop (xrf2);
	v23 =	vsel vm0, v63, v23;
	(erf) = vrcp.f32 v14  }
0x124: {  	v14 =	vsel vm0, v62, v32;
	(xrf1) =	vsort.dscd.msk.f32 $0xffff, v24, v25;
	v24 =	vbroadcast v31, $0xF;
	v25 =	vld [tilespmem:s20+$0x50];
	v21 =	vbroadcast v27, $0xF;
	v31, v40, _ =	vpop (xrf1)  }
0x125: {  	v27 =	vld [tilespmem:s20+$0x60];
	(xrf1) =	vsort.dscd.msk.f32 $0xffff, v23, v14;
	v14 =	vperm.xlane v40, v4  }
0x126: {  	(erf) = vrcp.f32 v21;
	v21 =	vperm.xlane v31, v4;
	v31, v41, _ =	vpop (xrf1)  }
0x127: {  	v23 =	vld [tilespmem:s20+$0x40];
	v24 =	vsub.f32 v37, v24;
	v43, v42, _ =	vpop (xrf1)  }
0x128: {  	(xrf1) =	vsort.dscd.msk.f32 $0xffff, v26, v3;
	v14 =	vsel vm0, v42, v14  }
0x129: {  	s15 =	simm.s32 $0x6;
	v24 =	vmul.f32 $1.442695020e+00, v24;
	(xrf1) =	vsort.dscd.msk.f32 $0xffff, v25, v1  }
0x12a: {  	v26 =	vmov s15;
	v21 =	vsel vm0, v43, v21;
	(xrf1) =	vsort.dscd.msk.f32 $0xffff, v27, v2  }
0x12b: {  	v32 =	vperm.xlane v41, v4;
	v44, v45, _ =	vpop (xrf1);
	(erf) = vpow2.f32 v24;
	v24 =	vand.u32 $0xFE, v26;
	(xrf1) =	vsort.dscd.msk.f32 $0xffff, v21, v14  }
0x12c: {  	v31 =	vperm.xlane v31, v4;
	v24 =	vbroadcast v24, $0x0;
	v27, v14, _ =	vpop (xrf1);
	(xrf1) =	vsort.dscd.msk.f32 $0xffff, v23, v0;
	v23 =	vld [tilespmem:s16+$0xFFFFFFC0]  }
0x12d: {  	v22 =	vperm.xlane v22, v4;
	v32 =	vsel vm0, v45, v32;
	v47 =	vpop (erf)  }
0x12e: {  	v20 =	vperm.xlane v20, v4;
	v31 =	vsel vm0, v44, v31;
	v25, v21, _ =	vpop (xrf1);
	v24 =	vor.u32 v5, v24  }
0x12f: {  	v26 =	vperm.xlane v15, v4;
	(xrf1) =	vsort.dscd.msk.f32 $0xffff, v31, v32;
	v46, v15, _ =	vpop (xrf1)  }
0x130: {  	v22 =	vsel vm0, v28, v22;
	v20 =	vsel vm0, v29, v20;
	v48 =	vpop (erf);
	(xrf0) =	vmax.scan.msk.f32 $0xffff, v46  }
0x131: {  	v28 =	vperm.xlane v59, v4;
	v17 =	vmul.f32 v48, v17;
	v31, v32, _ =	vpop (xrf1);
	(xrf1) =	vsort.dscd.msk.f32 $0xffff, v23, v0  }
0x132: {  	v49 =	vperm.xlane v16, v4;
	v29 =	vperm.xlane v38, v4;
	v23, v50, _ =	vpop (xrf1);
	(xrf1) =	vsort.dscd.msk.f32 $0xffff, v22, v20  }
0x133: {  	v16 =	vpop (erf);
	v20 =	vsel vm0, v31, v28;
	[tilespmem:v24+s8+$0x0] =	vst.idx.msk $0xff, v17;
	v17 =	vperm.xlane v23, v4  }
0x134: {  	v30 =	vsel vm0, v30, v26;
	v22 =	vsel vm0, v32, v29;
	v26 =	vpop (erf)  }
0x135: {  	(xrf1) =	vsort.dscd.msk.f32 $0xffff, v20, v22;
	[tilespmem:v24+s9+$0x0] =	vst.idx.msk $0xff, v6;
	v6, v24, _ =	vpop (xrf1);
	v22 =	vnsel vm0, $0x0, v26  }
0x136: {  	v20, _, _ =	vpop (xrf0);
	(xrf2) =	vadd.scan.msk.f32 $0xffff, v22  }
0x137: {  	v23 =	vsel vm0, v56, v49;
	v28 =	vperm.xlane v50, v4;
	v6 =	vsel vm0, v6, v17;
	v17, v29, _ =	vpop (xrf1)  }
0x138: {  	(xrf1) =	vsort.dscd.msk.f32 $0xffff, v30, v23;
	v23 =	vld [tilespmem:s17+$0xFFFFFFF0];
	v20 =	vbroadcast v20, $0xF;
	v29 =	vperm.xlane v29, v4  }
0x139: {  	s18 =	simm.s32 $0x780;
	v26 =	vnsel vm0, $0x0, v47;
	v24 =	vsel vm0, v24, v28;
	v17 =	vperm.xlane v17, v4;
	v30, v31, _ =	vpop (xrf1)  }
0x13a: {  	v52 =	vld [tilespmem:s18+$0x10];
	(xrf2) =	vadd.scan.msk.f32 $0xffff, v26;
	v20 =	vsub.f32 v46, v20;
	v28 =	vperm.xlane v30, v4;
	v30 =	vperm.xlane v31, v4;
	v31, v51, _ =	vpop (xrf1)  }
0x13b: {  	v54, v53, _ =	vpop (xrf1);
	(xrf1) =	vsort.dscd.msk.f32 $0xffff, v6, v24;
	v6 =	vsel vm0, v31, v17;
	v17 =	vsel vm0, v51, v29;
	v24 =	vld [tilespmem:s18+$0x30]  }
0x13c: {  	v20 =	vmul.f32 $1.442695020e+00, v20;
	(xrf1) =	vsort.dscd.msk.f32 $0xffff, v6, v17;
	v6 =	vld [tilespmem:s18+$0x20];
	v29, v31, _ =	vpop (xrf1)  }
0x13d: {  	(xrf1) =	vsort.dscd.msk.f32 $0xffff, v23, v3;
	v17 =	vsel vm0, v29, v28;
	v28 =	vsel vm0, v31, v30  }
0x13e: {  	(erf) = vpow2.f32 v20;
	(xrf1) =	vsort.dscd.msk.f32 $0xffff, v17, v28  }
0x13f: {  	v17 =	vld [tilespmem:s18+$0x0];
	(xrf1) =	vsort.dscd.msk.f32 $0xffff, v52, v1  }
0x140: {  	v20 =	vld [tilespmem:s18+$0xFFFFFFB0];
	v23, _, _ =	vpop (xrf2);
	(xrf1) =	vsort.dscd.msk.f32 $0xffff, v24, v3  }
0x141: {  	v29 =	vld [tilespmem:s18+$0xFFFFFF90];
	v28, v30, _ =	vpop (xrf1);
	(xrf1) =	vsort.dscd.msk.f32 $0xffff, v6, v2;
	v6 =	vbroadcast v23, $0xF  }
0x142: {  	(xrf0) =	vmax.scan.msk.f32 $0xffff, v27  }
0x143: {  	v32, v36, _ =	vpop (xrf1)  }
0x144: {  	v37, v38, _ =	vpop (xrf1);
	(xrf1) =	vsort.dscd.msk.f32 $0xffff, v17, v0  }
0x145: {  	s24 =	simm.s32 $0xB;
	v55 =	vld [tilespmem:s18+$0xFFFFFFA0];
	v24, v23, _ =	vpop (xrf1);
	(xrf1) =	vsort.dscd.msk.f32 $0xffff, v20, v3  }
0x146: {  	v56 =	vld [tilespmem:s18+$0xFFFFFF80];
	(erf) = vrcp.f32 v6;
	v17, v6, _ =	vpop (xrf1);
	(xrf1) =	vsort.dscd.msk.f32 $0xffff, v29, v1;
	v29 =	vmov s24  }
0x147: {  	v35 =	vperm.xlane v53, v4;
	v20 =	vpop (erf);
	v42 =	vand.u32 $0xFF, v29  }
0x148: {  	v34 =	vperm.xlane v54, v4;
	v31, _, _ =	vpop (xrf0);
	v20 =	vnsel vm0, $0x0, v20;
	v42 =	vbroadcast v42, $0x0  }
0x149: {  	v41, _, _ =	vpop (xrf2);
	v30 =	vsel vm0, v30, v35;
	(xrf2) =	vadd.scan.msk.f32 $0xffff, v20  }
0x14a: {  	v28 =	vsel vm0, v28, v34;
	(xrf1) =	vsort.dscd.msk.f32 $0xffff, v55, v2;
	v58, v29, _ =	vpop (xrf1)  }
0x14b: {  	(xrf1) =	vsort.dscd.msk.f32 $0xffff, v56, v0;
	v59, v60, _ =	vpop (xrf1)  }
0x14c: {  	v57 =	vld [tilespmem:s17+$0xFFFFFFD0];
	v61 =	vor.u32 v5, v42;
	(xrf0) =	vmax.scan.msk.f32 $0xffff, v58;
	v35 =	vperm.xlane v60, v4;
	v42, v43, _ =	vpop (xrf1)  }
0x14d: {  	v34 =	vperm.xlane v59, v4;
	(xrf1) =	vsort.dscd.msk.f32 $0xffff, v28, v30;
	v28, v30, _ =	vpop (xrf1)  }
0x14e: {  	v31 =	vbroadcast v31, $0xF;
	v30 =	vsel vm0, v30, v35  }
0x14f: {  	v45 =	vpop (erf);
	v28 =	vsel vm0, v28, v34  }
0x150: {  	v44 =	vld [tilespmem:s17+$0xFFFFFFE0];
	v27 =	vsub.f32 v27, v31;
	v22 =	vmul.f32 v45, v22  }
0x151: {  	(xrf1) =	vsort.dscd.msk.f32 $0xffff, v57, v1;
	v62, v63, _ =	vpop (xrf1)  }
0x152: {  	(xrf1) =	vsort.dscd.msk.f32 $0xffff, v28, v30;
	[tilespmem:v61+s8+$0x0] =	vst.idx.msk $0xff, v22;
	v22 =	vmul.f32 $1.442695020e+00, v27;
	v28, v30, _ =	vpop (xrf1)  }
0x153: {  	v47, _, _ =	vpop (xrf0);
	v28 =	vperm.xlane v28, v4;
	v30 =	vperm.xlane v30, v4  }
0x154: {  	v27 =	vperm.xlane v62, v4;
	v35 =	vperm.xlane v63, v4;
	[tilespmem:v61+s9+$0x0] =	vst.idx.msk $0xff, v19;
	v31, v46, _ =	vpop (xrf1)  }
0x155: {  	(xrf1) =	vsort.dscd.msk.f32 $0xffff, v44, v2;
	v48, _, _ =	vpop (xrf2);
	v28 =	vsel vm0, v31, v28;
	v30 =	vsel vm0, v46, v30;
	v31 =	vld [tilespmem:s21+$0x70]  }
0x156: {  	v19 =	vbroadcast v41, $0xF;
	(erf) = vpow2.f32 v22;
	v50, v49, _ =	vpop (xrf1);
	(xrf1) =	vsort.dscd.msk.f32 $0xffff, v28, v30;
	v30 =	vld [tilespmem:s21+$0x50]  }
0x157: {  	v51 =	vld [tilespmem:s21+$0x60];
	v22 =	vbroadcast v48, $0xF;
	v27 =	vsel vm0, v50, v27;
	v28 =	vbroadcast v47, $0xF  }
0x158: {  	(erf) = vrcp.f32 v19;
	v19 =	vsel vm0, v49, v35  }
0x159: {  	(erf) = vrcp.f32 v22;
	v52, v53, _ =	vpop (xrf1);
	(xrf1) =	vsort.dscd.msk.f32 $0xffff, v27, v19;
	v28 =	vsub.f32 v58, v28  }
0x15a: {  	v22 =	vperm.xlane v52, v4;
	v55 =	vperm.xlane v53, v4;
	v27, v54, _ =	vpop (xrf1);
	(xrf1) =	vsort.dscd.msk.f32 $0xffff, v31, v3  }
0x15b: {  	s16 =	simm.s32 $0x8;
	v19 =	vld [tilespmem:s21+$0x40];
	v56, v57, _ =	vpop (xrf1);
	v27 =	vperm.xlane v27, v4;
	v28 =	vmul.f32 $1.442695020e+00, v28;
	(xrf1) =	vsort.dscd.msk.f32 $0xffff, v30, v1  }
0x15c: {  	v31 =	vmov s16;
	v22 =	vsel vm0, v56, v22;
	v30 =	vsel vm0, v57, v55;
	(xrf1) =	vsort.dscd.msk.f32 $0xffff, v51, v2  }
0x15d: {  	v35 =	vperm.xlane v54, v4;
	v58, v59, _ =	vpop (xrf1);
	v31 =	vand.u32 $0xFE, v31;
	(xrf1) =	vsort.dscd.msk.f32 $0xffff, v22, v30;
	v22 =	vperm.xlane v25, v4  }
0x15e: {  	(erf) = vpow2.f32 v28;
	v28 =	vperm.xlane v18, v4;
	v25 =	vld [tilespmem:s17+$0xFFFFFFC0]  }
0x15f: {  	v33, v18, _ =	vpop (xrf1);
	v32 =	vsel vm0, v32, v22;
	v22 =	vsel vm0, v58, v27;
	v27 =	vsel vm0, v59, v35  }
0x160: {  	v60 =	vbroadcast v31, $0x0;
	(xrf1) =	vsort.dscd.msk.f32 $0xffff, v19, v0;
	v31, v30, _ =	vpop (xrf1)  }
0x161: {  	v12 =	vperm.xlane v12, v4;
	v21 =	vperm.xlane v21, v4;
	v61, v19, _ =	vpop (xrf1);
	(xrf1) =	vsort.dscd.msk.f32 $0xffff, v22, v27  }
0x162: {  	v45 =	vperm.xlane v42, v4;
	v46 =	vperm.xlane v43, v4;
	v62 =	vpop (erf);
	(xrf0) =	vmax.scan.msk.f32 $0xffff, v61  }
0x163: {  	v21 =	vsel vm0, v36, v21;
	v34 =	vor.u32 v5, v60;
	(xrf1) =	vsort.dscd.msk.f32 $0xffff, v25, v0;
	v25, v27, _ =	vpop (xrf1)  }
0x164: {  	v63 =	vpop (erf);
	(xrf1) =	vsort.dscd.msk.f32 $0xffff, v32, v21;
	v21 =	vsel vm0, v25, v45;
	v25 =	vsel vm0, v27, v46  }
0x165: {  	v12 =	vsel vm0, v38, v12;
	v28 =	vsel vm0, v37, v28;
	v27, v47, _ =	vpop (xrf1);
	(xrf1) =	vsort.dscd.msk.f32 $0xffff, v21, v25  }
0x166: {  	v26 =	vmul.f32 v63, v26;
	v22 =	vpop (erf);
	(xrf1) =	vsort.dscd.msk.f32 $0xffff, v28, v12;
	v12 =	vperm.xlane v27, v4  }
0x167: {  	v21 =	vpop (erf)  }
0x168: {  	[tilespmem:v34+s8+$0x0] =	vst.idx.msk $0xff, v26;
	v36 =	vnsel vm0, $0x0, v21;
	v21, _, _ =	vpop (xrf0)  }
0x169: {  	[tilespmem:v34+s9+$0x0] =	vst.idx.msk $0xff, v7;
	v7, v25, _ =	vpop (xrf1)  }
0x16a: {  	(xrf2) =	vadd.scan.msk.f32 $0xffff, v36;
	v21 =	vbroadcast v21, $0xF;
	v7 =	vsel vm0, v7, v12;
	v12, v28, _ =	vpop (xrf1)  }
0x16b: {  	v26 =	vld [tilespmem:s20+$0xFFFFFFF0];
	v27 =	vperm.xlane v47, v4;
	v28 =	vperm.xlane v28, v4  }
0x16c: {  	s19 =	simm.s32 $0x880;
	v32 =	vnsel vm0, $0x0, v62;
	(xrf0) =	vmax.scan.msk.f32 $0xffff, v33;
	v12 =	vperm.xlane v12, v4;
	v48, v49, _ =	vpop (xrf1);
	v21 =	vsub.f32 v61, v21  }
0x16d: {  	v53 =	vld [tilespmem:s19+$0x10];
	v25 =	vsel vm0, v25, v27;
	(xrf2) =	vadd.scan.msk.f32 $0xffff, v32;
	v27 =	vperm.xlane v48, v4;
	v50 =	vperm.xlane v49, v4;
	v52, v51, _ =	vpop (xrf1)  }
0x16e: {  	v54, v55, _ =	vpop (xrf1);
	(xrf1) =	vsort.dscd.msk.f32 $0xffff, v7, v25;
	v7 =	vsel vm0, v52, v12;
	v12 =	vsel vm0, v51, v28;
	v21 =	vmul.f32 $1.442695020e+00, v21  }
0x16f: {  	v25 =	vld [tilespmem:s19+$0x30];
	(xrf1) =	vsort.dscd.msk.f32 $0xffff, v7, v12;
	v28, v56, _ =	vpop (xrf1)  }
0x170: {  	v7 =	vld [tilespmem:s19+$0x20];
	(xrf1) =	vsort.dscd.msk.f32 $0xffff, v26, v3;
	(erf) = vpow2.f32 v21;
	v12 =	vsel vm0, v28, v27;
	v27 =	vsel vm0, v56, v50  }
0x171: {  	(xrf1) =	vsort.dscd.msk.f32 $0xffff, v12, v27  }
0x172: {  	v26 =	vld [tilespmem:s19+$0x0];
	v34, v35, _ =	vpop (xrf1);
	(xrf1) =	vsort.dscd.msk.f32 $0xffff, v53, v1  }
0x173: {  	v28 =	vld [tilespmem:s19+$0xFFFFFFB0];
	v12, _, _ =	vpop (xrf0);
	(xrf0) =	vmax.scan.msk.f32 $0xffff, v17  }
0x174: {  	(xrf1) =	vsort.dscd.msk.f32 $0xffff, v25, v3;
	v21, _, _ =	vpop (xrf2)  }
0x175: {  	v57 =	vld [tilespmem:s19+$0xFFFFFF90];
	v38, v41, _ =	vpop (xrf1);
	(xrf1) =	vsort.dscd.msk.f32 $0xffff, v7, v2;
	v7 =	vbroadcast v21, $0xF  }
0x176: {  	v58 =	vld [tilespmem:s19+$0xFFFFFFA0];
	v42, v43, _ =	vpop (xrf1)  }
0x177: {  	s25 =	simm.s32 $0xD;
	v27, v25, _ =	vpop (xrf1);
	(xrf1) =	vsort.dscd.msk.f32 $0xffff, v26, v0;
	(erf) = vrcp.f32 v7  }
0x178: {  	v59 =	vld [tilespmem:s19+$0xFFFFFF80];
	v46, _, _ =	vpop (xrf2);
	(xrf1) =	vsort.dscd.msk.f32 $0xffff, v28, v3;
	v28 =	vmov s25  }
0x179: {  	v40 =	vperm.xlane v55, v4;
	v48 =	vand.u32 $0xFF, v28;
	v26 =	vpop (erf)  }
0x17a: {  	v39 =	vperm.xlane v54, v4;
	(xrf1) =	vsort.dscd.msk.f32 $0xffff, v57, v1;
	v48 =	vbroadcast v48, $0x0;
	v21, v7, _ =	vpop (xrf1)  }
0x17b: {  	v35 =	vsel vm0, v35, v40;
	v26 =	vnsel vm0, $0x0, v26;
	v47, _, _ =	vpop (xrf0);
	(xrf1) =	vsort.dscd.msk.f32 $0xffff, v58, v2  }
0x17c: {  	v60 =	vld [tilespmem:s20+$0xFFFFFFD0];
	v34 =	vsel vm0, v34, v39;
	(xrf2) =	vadd.scan.msk.f32 $0xffff, v26;
	v44, v28, _ =	vpop (xrf1)  }
0x17d: {  	v12 =	vbroadcast v12, $0xF;
	(xrf1) =	vsort.dscd.msk.f32 $0xffff, v59, v0;
	v61, v62, _ =	vpop (xrf1)  }
0x17e: {  	v63 =	vor.u32 v5, v48;
	(xrf0) =	vmax.scan.msk.f32 $0xffff, v44;
	v48, v49, _ =	vpop (xrf1)  }
0x17f: {  	v50 =	vld [tilespmem:s20+$0xFFFFFFE0];
	v12 =	vsub.f32 v33, v12;
	v40 =	vperm.xlane v62, v4;
	(xrf1) =	vsort.dscd.msk.f32 $0xffff, v34, v35;
	v34, v35, _ =	vpop (xrf1)  }
0x180: {  	v39 =	vperm.xlane v61, v4;
	v51 =	vpop (erf)  }
0x181: {  	v12 =	vmul.f32 $1.442695020e+00, v12;
	(xrf1) =	vsort.dscd.msk.f32 $0xffff, v60, v1;
	v55, v54, _ =	vpop (xrf1)  }
0x182: {  	v34 =	vsel vm0, v34, v39;
	v35 =	vsel vm0, v35, v40;
	v36 =	vmul.f32 v51, v36;
	v57, v56, _ =	vpop (xrf1)  }
0x183: {  	(xrf1) =	vsort.dscd.msk.f32 $0xffff, v34, v35;
	v33 =	vperm.xlane v57, v4;
	v34 =	vperm.xlane v56, v4  }
0x184: {  	(erf) = vpow2.f32 v12;
	v59 =	vperm.xlane v55, v4;
	v58, v40, _ =	vpop (xrf1);
	[tilespmem:v63+s8+$0x0] =	vst.idx.msk $0xff, v36;
	(xrf1) =	vsort.dscd.msk.f32 $0xffff, v50, v2  }
0x185: {  	v60, _, _ =	vpop (xrf0);
	[tilespmem:v63+s9+$0x0] =	vst.idx.msk $0xff, v29;
	v33 =	vsel vm0, v58, v33;
	v34 =	vsel vm0, v40, v34  }
0x186: {  	v39 =	vperm.xlane v54, v4;
	v29 =	vbroadcast v46, $0xF;
	v61 =	vld [tilespmem:s23+$0x70];
	v62, _, _ =	vpop (xrf2);
	(xrf1) =	vsort.dscd.msk.f32 $0xffff, v33, v34  }
0x187: {  	v63, v50, _ =	vpop (xrf1);
	v51 =	vbroadcast v60, $0xF;
	v52 =	vld [tilespmem:s23+$0x50];
	v12 =	vbroadcast v62, $0xF  }
0x188: {  	v36 =	vsel vm0, v63, v59;
	v53 =	vld [tilespmem:s23+$0x60];
	v54, v55, _ =	vpop (xrf1);
	(erf) = vrcp.f32 v29;
	v29 =	vsel vm0, v50, v39  }
0x189: {  	v33 =	vsub.f32 v44, v51;
	v56, v57, _ =	vpop (xrf1);
	(xrf1) =	vsort.dscd.msk.f32 $0xffff, v36, v29;
	(erf) = vrcp.f32 v12;
	v12 =	vperm.xlane v54, v4  }
0x18a: {  	v29 =	vld [tilespmem:s23+$0x40];
	v60, v59, _ =	vpop (xrf1)  }
0x18b: {  	s17 =	simm.s32 $0xA;
	v58 =	vperm.xlane v55, v4;
	v33 =	vmul.f32 $1.442695020e+00, v33;
	(xrf1) =	vsort.dscd.msk.f32 $0xffff, v61, v3;
	v12 =	vsel vm0, v60, v12  }
0x18c: {  	v37 =	vperm.xlane v24, v4;
	v24 =	vmov s17;
	v39 =	vperm.xlane v56, v4;
	(xrf1) =	vsort.dscd.msk.f32 $0xffff, v52, v1;
	v52 =	vld [tilespmem:s20+$0xFFFFFFC0]  }
0x18d: {  	v50 =	vpop (erf);
	v40 =	vperm.xlane v57, v4;
	v61 =	vsel vm0, v59, v58;
	(erf) = vpow2.f32 v33;
	(xrf1) =	vsort.dscd.msk.f32 $0xffff, v53, v2  }
0x18e: {  	v31 =	vperm.xlane v31, v4;
	v62, v63, _ =	vpop (xrf1);
	v53 =	vand.u32 $0xFE, v24;
	(xrf1) =	vsort.dscd.msk.f32 $0xffff, v12, v61  }
0x18f: {  	v35 =	vsel vm0, v62, v39;
	v56 =	vsel vm0, v63, v40;
	v33 =	vbroadcast v53, $0x0;
	v36, v12, _ =	vpop (xrf1);
	(xrf1) =	vsort.dscd.msk.f32 $0xffff, v29, v0  }
0x190: {  	v30 =	vperm.xlane v30, v4;
	v54 =	vperm.xlane v23, v4;
	v29, v24, _ =	vpop (xrf1);
	(xrf1) =	vsort.dscd.msk.f32 $0xffff, v35, v56  }
0x191: {  	v59 =	vperm.xlane v48, v4;
	v57 =	vor.u32 v5, v33;
	v55, v23, _ =	vpop (xrf1);
	(xrf1) =	vsort.dscd.msk.f32 $0xffff, v52, v0  }
0x192: {  	v31 =	vsel vm0, v38, v31;
	v30 =	vsel vm0, v41, v30;
	v60 =	vperm.xlane v49, v4;
	(xrf0) =	vmax.scan.msk.f32 $0xffff, v55;
	v62, v61, _ =	vpop (xrf1)  }
0x193: {  	v58 =	vpop (erf);
	(xrf1) =	vsort.dscd.msk.f32 $0xffff, v31, v30;
	v30 =	vsel vm0, v62, v59  }
0x194: {  	v32 =	vmul.f32 v58, v32;
	v31 =	vsel vm0, v61, v60;
	v63, v44, _ =	vpop (xrf1)  }
0x195: {  	v33 =	vpop (erf);
	(xrf1) =	vsort.dscd.msk.f32 $0xffff, v30, v31;
	v31 =	vperm.xlane v63, v4  }
0x196: {  	[tilespmem:v57+s8+$0x0] =	vst.idx.msk $0xff, v32;
	v30 =	vpop (erf)  }
0x197: {  	v37 =	vsel vm0, v42, v37;
	v45 =	vsel vm0, v43, v54;
	[tilespmem:v57+s9+$0x0] =	vst.idx.msk $0xff, v14;
	v14, v48, _ =	vpop (xrf1)  }
0x198: {  	(xrf1) =	vsort.dscd.msk.f32 $0xffff, v37, v45;
	v35 =	vperm.xlane v44, v4;
	v41 =	vnsel vm0, $0x0, v30;
	v30, _, _ =	vpop (xrf0)  }
0x199: {  	v49 =	vld [tilespmem:s21+$0xFFFFFFF0];
	(xrf2) =	vadd.scan.msk.f32 $0xffff, v41;
	v14 =	vsel vm0, v14, v31;
	v30 =	vbroadcast v30, $0xF;
	v31, v51, _ =	vpop (xrf1)  }
0x19a: {  	v32 =	vsel vm0, v48, v35;
	v31 =	vperm.xlane v31, v4;
	v37 =	vperm.xlane v51, v4;
	v52, v53, _ =	vpop (xrf1)  }
0x19b: {  	v47 =	vbroadcast v47, $0xF;
	(xrf1) =	vsort.dscd.msk.f32 $0xffff, v14, v32;
	v30 =	vsub.f32 v55, v30;
	v54 =	vperm.xlane v52, v4;
	v57, v56, _ =	vpop (xrf1)  }
0x19c: {  	(xrf0) =	vmax.scan.msk.f32 $0xffff, v36;
	v55 =	vperm.xlane v53, v4;
	v42, v43, _ =	vpop (xrf1);
	v14 =	vsel vm0, v57, v31;
	v31 =	vsel vm0, v56, v37  }
0x19d: {  	s22 =	simm.s32 $0x980;
	v17 =	vsub.f32 v17, v47;
	v60, v59, _ =	vpop (xrf1);
	(xrf1) =	vsort.dscd.msk.f32 $0xffff, v14, v31  }
0x19e: {  	v58 =	vld [tilespmem:s22+$0x10];
	v30 =	vmul.f32 $1.442695020e+00, v30;
	v31 =	vsel vm0, v60, v54;
	v61 =	vsel vm0, v59, v55;
	(xrf1) =	vsort.dscd.msk.f32 $0xffff, v49, v3  }
0x19f: {  	s26 =	simm.s32 $0x103;
	v14 =	vld [tilespmem:s22+$0x30];
	(xrf1) =	vsort.dscd.msk.f32 $0xffff, v31, v61  }
0x1a0: {  	v17 =	vmul.f32 $1.442695020e+00, v17;
	(erf) = vpow2.f32 v30;
	v30 =	vmov s26  }
0x1a1: {  	s31 =	simm.s32 $0x105;
	v62 =	vld [tilespmem:s22+$0x20];
	v30 =	vand.u32 $0x1FF, v30  }
0x1a2: {  	v52, _, _ =	vpop (xrf0);
	(erf) = vpow2.f32 v17;
	v17 =	vbroadcast v30, $0x0;
	v30 =	vmov s31  }
0x1a3: {  	v53 =	vld [tilespmem:s22+$0x0];
	(xrf1) =	vsort.dscd.msk.f32 $0xffff, v58, v1;
	v31, _, _ =	vpop (xrf2);
	v30 =	vand.u32 $0x1FF, v30  }
0x1a4: {  	v63, v44, _ =	vpop (xrf1);
	v54 =	vld [tilespmem:s22+$0xFFFFFFB0];
	v17 =	vor.u32 v5, v17;
	(xrf1) =	vsort.dscd.msk.f32 $0xffff, v14, v3;
	v14 =	vbroadcast v31, $0xF;
	v56 =	vbroadcast v30, $0x0  }
0x1a5: {  	v11 =	vmul.f32 v11, v8;
	s24 =	simm.s32 $0xF;
	(xrf0) =	vmax.scan.msk.f32 $0xffff, v21;
	v55 =	vld [tilespmem:s22+$0xFFFFFF90];
	v38, v37, _ =	vpop (xrf1)  }
0x1a6: {  	v57 =	vld [tilespmem:s22+$0xFFFFFFA0];
	v60 =	vmov s24;
	v35, v34, _ =	vpop (xrf1);
	v31 =	vnsel vm0, $0x0, v50;
	(xrf1) =	vsort.dscd.msk.f32 $0xffff, v62, v2;
	v49 =	vor.u32 v5, v56  }
0x1a7: {  	v13 =	vmul.f32 v16, v13;
	v61 =	vand.u32 $0xFF, v60;
	(xrf2) =	vadd.scan.msk.f32 $0xffff, v31;
	(erf) = vrcp.f32 v14;
	v32, v30, _ =	vpop (xrf1)  }
0x1a8: {  	v16 =	vperm.xlane v42, v4;
	v58 =	vld [tilespmem:s22+$0xFFFFFF80];
	v47 =	vbroadcast v61, $0x0;
	(xrf1) =	vsort.dscd.msk.f32 $0xffff, v53, v0;
	v14, v8, _ =	vpop (xrf1)  }
0x1a9: {  	(xrf1) =	vsort.dscd.msk.f32 $0xffff, v54, v3;
	v59 =	vpop (erf);
	[tilespmem:v17+s8+$0x0] =	vst.idx.msk $0xff, v11  }
0x1aa: {  	v16 =	vsel vm0, v63, v16;
	v63 =	vbroadcast v52, $0xF;
	(xrf1) =	vsort.dscd.msk.f32 $0xffff, v55, v1;
	[tilespmem:v17+s9+$0x0] =	vst.idx.msk $0xff, v9;
	v39, v17, _ =	vpop (xrf1)  }
0x1ab: {  	s25 =	simm.s32 $0x107;
	v62 =	vld [tilespmem:s21+$0xFFFFFFD0];
	(xrf1) =	vsort.dscd.msk.f32 $0xffff, v57, v2;
	v11 =	vnsel vm0, $0x0, v59;
	[tilespmem:v49+s8+$0x0] =	vst.idx.msk $0xff, v13;
	v13 =	vperm.xlane v43, v4;
	v53, v54, _ =	vpop (xrf1)  }
0x1ac: {  	v55 =	vor.u32 v5, v47;
	v9 =	vmov s25;
	(xrf2) =	vadd.scan.msk.f32 $0xffff, v11;
	v43 =	vperm.xlane v53, v4;
	v47, v51, _ =	vpop (xrf1)  }
0x1ad: {  	v36 =	vsub.f32 v36, v63;
	(xrf1) =	vsort.dscd.msk.f32 $0xffff, v58, v0;
	v9 =	vand.u32 $0x1FF, v9;
	v13 =	vsel vm0, v44, v13;
	v57, v58, _ =	vpop (xrf1)  }
0x1ae: {  	v50, _, _ =	vpop (xrf0);
	v9 =	vbroadcast v9, $0x0;
	v56 =	vperm.xlane v54, v4;
	(xrf1) =	vsort.dscd.msk.f32 $0xffff, v16, v13;
	v13 =	vsel vm0, v57, v43  }
0x1af: {  	v42 =	vpop (erf);
	(xrf0) =	vmax.scan.msk.f32 $0xffff, v39;
	[tilespmem:v49+s9+$0x0] =	vst.idx.msk $0xff, v10;
	v10 =	vld [tilespmem:s21+$0xFFFFFFE0]  }
0x1b0: {  	v20 =	vmul.f32 v22, v20;
	v36 =	vmul.f32 $1.442695020e+00, v36;
	v16 =	vpop (erf);
	(xrf1) =	vsort.dscd.msk.f32 $0xffff, v62, v1;
	v40 =	vsel vm0, v58, v56  }
0x1b1: {  	v22 =	vperm.xlane v27, v4;
	v16 =	vmul.f32 v16, v41;
	(xrf1) =	vsort.dscd.msk.f32 $0xffff, v13, v40;
	v13, v27, _ =	vpop (xrf1)  }
0x1b2: {  	v60 =	vor.u32 v5, v9;
	(erf) = vpow2.f32 v36;
	v9, v61, _ =	vpop (xrf1)  }
0x1b3: {  	v59, _, _ =	vpop (xrf2);
	[tilespmem:v55+s8+$0x0] =	vst.idx.msk $0xff, v16;
	v62 =	vperm.xlane v9, v4;
	v36 =	vperm.xlane v61, v4  }
0x1b4: {  	[tilespmem:v55+s9+$0x0] =	vst.idx.msk $0xff, v28;
	(xrf1) =	vsort.dscd.msk.f32 $0xffff, v10, v2;
	v28, v63, _ =	vpop (xrf1)  }
0x1b5: {  	v46, _, _ =	vpop (xrf0);
	v10 =	vperm.xlane v13, v4;
	v13 =	vsel vm0, v28, v62;
	v28 =	vsel vm0, v63, v36  }
0x1b6: {  	v41 =	vbroadcast v46, $0xF;
	v49, _, _ =	vpop (xrf2)  }
0x1b7: {  	s26 =	simm.s32 $0x109;
	v45 =	vbroadcast v59, $0xF;
	[tilespmem:v60+s8+$0x0] =	vst.idx.msk $0xff, v20;
	v20 =	vbroadcast v49, $0xF  }
0x1b8: {  	v16 =	vmov s26;
	v48 =	vld [tilespmem:s18+$0x70];
	v27 =	vperm.xlane v27, v4  }
0x1b9: {  	v24 =	vperm.xlane v24, v4;
	(erf) = vrcp.f32 v45;
	v16 =	vand.u32 $0x1FF, v16;
	(xrf1) =	vsort.dscd.msk.f32 $0xffff, v13, v28;
	v13, v28, _ =	vpop (xrf1)  }
0x1ba: {  	v52 =	vld [tilespmem:s18+$0x50];
	v10 =	vsel vm0, v13, v10;
	v13, v53, _ =	vpop (xrf1);
	v27 =	vsel vm0, v28, v27;
	v28 =	vsub.f32 v39, v41  }
0x1bb: {  	v54 =	vld [tilespmem:s18+$0x60];
	[tilespmem:v60+s9+$0x0] =	vst.idx.msk $0xff, v15;
	v15 =	vbroadcast v16, $0x0;
	v39, v41, _ =	vpop (xrf1);
	v13 =	vperm.xlane v13, v4  }
0x1bc: {  	(erf) = vrcp.f32 v20;
	(xrf1) =	vsort.dscd.msk.f32 $0xffff, v10, v27;
	v16, v20, _ =	vpop (xrf1);
	v27 =	vmul.f32 $1.442695020e+00, v28  }
0x1bd: {  	v9 =	vnsel vm0, $0x0, v42;
	v10 =	vld [tilespmem:s18+$0x40];
	(xrf1) =	vsort.dscd.msk.f32 $0xffff, v48, v3;
	v13 =	vsel vm0, v16, v13;
	v16 =	vperm.xlane v53, v4  }
0x1be: {  	v26 =	vmul.f32 v33, v26;
	(xrf2) =	vadd.scan.msk.f32 $0xffff, v9;
	v28 =	vperm.xlane v29, v4  }
0x1bf: {  	s20 =	simm.s32 $0xC;
	v29 =	vpop (erf);
	v55 =	vperm.xlane v39, v4;
	(xrf1) =	vsort.dscd.msk.f32 $0xffff, v52, v1;
	v16 =	vsel vm0, v20, v16;
	v20 =	vld [tilespmem:s21+$0xFFFFFFC0]  }
0x1c0: {  	v58 =	vmov s20;
	v57 =	vperm.xlane v41, v4;
	(erf) = vpow2.f32 v27;
	(xrf1) =	vsort.dscd.msk.f32 $0xffff, v54, v2;
	v27, v56, _ =	vpop (xrf1)  }
0x1c1: {  	v28 =	vsel vm0, v38, v28;
	(xrf1) =	vsort.dscd.msk.f32 $0xffff, v13, v16;
	v16 =	vand.u32 $0xFE, v58;
	v27 =	vsel vm0, v27, v55  }
0x1c2: {  	v24 =	vsel vm0, v37, v24;
	s31 =	simm.s32 $0x10B;
	v40, v13, _ =	vpop (xrf1);
	v33 =	vsel vm0, v56, v57;
	(xrf1) =	vsort.dscd.msk.f32 $0xffff, v10, v0;
	v16 =	vbroadcast v16, $0x0  }
0x1c3: {  	v25 =	vperm.xlane v25, v4;
	v63 =	vmov s31;
	v59, v60, _ =	vpop (xrf1);
	(xrf1) =	vsort.dscd.msk.f32 $0xffff, v27, v33  }
0x1c4: {  	v62 =	vperm.xlane v47, v4;
	v38 =	vand.u32 $0x1FF, v63;
	v16 =	vor.u32 v5, v16;
	v27, v10, _ =	vpop (xrf1);
	(xrf1) =	vsort.dscd.msk.f32 $0xffff, v20, v0  }
0x1c5: {  	v22 =	vsel vm0, v35, v22;
	v25 =	vsel vm0, v34, v25;
	v47 =	vbroadcast v38, $0x0;
	(xrf1) =	vsort.dscd.msk.f32 $0xffff, v28, v24;
	v24, v28, _ =	vpop (xrf1)  }
0x1c6: {  	v46 =	vperm.xlane v51, v4;
	v15 =	vor.u32 v5, v15;
	v20 =	vpop (erf);
	(xrf0) =	vmax.scan.msk.f32 $0xffff, v27;
	v24 =	vsel vm0, v24, v62  }
0x1c7: {  	v61 =	vbroadcast v50, $0xF;
	v34 =	vor.u32 v5, v47;
	v48 =	vpop (erf);
	v20 =	vmul.f32 v20, v31  }
0x1c8: {  	v28 =	vsel vm0, v28, v46;
	v31, v49, _ =	vpop (xrf1)  }
0x1c9: {  	v21 =	vsub.f32 v21, v61;
	(xrf1) =	vsort.dscd.msk.f32 $0xffff, v24, v28;
	[tilespmem:v16+s8+$0x0] =	vst.idx.msk $0xff, v20;
	v24 =	vpop (erf)  }
0x1ca: {  	v11 =	vmul.f32 v48, v11;
	(xrf1) =	vsort.dscd.msk.f32 $0xffff, v22, v25;
	[tilespmem:v16+s9+$0x0] =	vst.idx.msk $0xff, v18;
	v16, v22, _ =	vpop (xrf1)  }
0x1cb: {  	[tilespmem:v15+s8+$0x0] =	vst.idx.msk $0xff, v26;
	v26 =	vmul.f32 $1.442695020e+00, v21;
	v21 =	vperm.xlane v31, v4;
	v18, v31, _ =	vpop (xrf1)  }
0x1cc: {  	v25 =	vperm.xlane v30, v4;
	v30 =	vperm.xlane v49, v4;
	[tilespmem:v34+s8+$0x0] =	vst.idx.msk $0xff, v11;
	v28 =	vnsel vm0, $0x0, v24;
	v20, _, _ =	vpop (xrf0)  }
0x1cd: {  	v16 =	vsel vm0, v16, v21;
	(xrf0) =	vmax.scan.msk.f32 $0xffff, v40;
	v53 =	vperm.xlane v18, v4;
	v11 =	vbroadcast v20, $0xF;
	v20, v52, _ =	vpop (xrf1)  }
0x1ce: {  	v24 =	vld [tilespmem:s23+$0xFFFFFFF0];
	v30 =	vsel vm0, v22, v30;
	(xrf2) =	vadd.scan.msk.f32 $0xffff, v28;
	v55, v54, _ =	vpop (xrf1)  }
0x1cf: {  	v45, _, _ =	vpop (xrf2);
	v31 =	vperm.xlane v31, v4;
	(xrf1) =	vsort.dscd.msk.f32 $0xffff, v16, v30;
	v30 =	vsel vm0, v55, v53  }
0x1d0: {  	s29 =	simm.s32 $0xA80;
	[tilespmem:v15+s9+$0x0] =	vst.idx.msk $0xff, v19;
	v21 =	vnsel vm0, $0x0, v29;
	v11 =	vsub.f32 v27, v11;
	v16, v27, _ =	vpop (xrf1)  }
0x1d1: {  	v35 =	vld [tilespmem:s29+$0xFFFFFFA0];
	v15 =	vperm.xlane v59, v4;
	v51 =	vperm.xlane v60, v4;
	(xrf2) =	vadd.scan.msk.f32 $0xffff, v21;
	v31 =	vsel vm0, v54, v31;
	v57, v58, _ =	vpop (xrf1)  }
0x1d2: {  	v36 =	vld [tilespmem:s29+$0xFFFFFF80];
	v20 =	vperm.xlane v20, v4;
	(xrf1) =	vsort.dscd.msk.f32 $0xffff, v30, v31;
	v11 =	vmul.f32 $1.442695020e+00, v11;
	v30, v60, _ =	vpop (xrf1)  }
0x1d3: {  	v56 =	vld [tilespmem:s29+$0x10];
	v29 =	vperm.xlane v52, v4;
	v27 =	vperm.xlane v27, v4;
	(xrf1) =	vsort.dscd.msk.f32 $0xffff, v24, v3;
	v24, _, _ =	vpop (xrf0)  }
0x1d4: {  	v59 =	vld [tilespmem:s29+$0x30];
	v20 =	vsel vm0, v57, v20;
	(erf) = vpow2.f32 v11;
	v11 =	vbroadcast v24, $0xF  }
0x1d5: {  	v62 =	vld [tilespmem:s29+$0x20]  }
0x1d6: {  	[tilespmem:v34+s9+$0x0] =	vst.idx.msk $0xff, v23;
	v34 =	vld [tilespmem:s29+$0x0];
	v29 =	vsel vm0, v58, v29;
	(xrf0) =	vmax.scan.msk.f32 $0xffff, v14;
	v11 =	vsub.f32 v40, v11  }
0x1d7: {  	v61 =	vbroadcast v45, $0xF;
	v19 =	vld [tilespmem:s23+$0xFFFFFFD0];
	v16 =	vperm.xlane v16, v4;
	(xrf1) =	vsort.dscd.msk.f32 $0xffff, v20, v29;
	v20, v23, _ =	vpop (xrf1)  }
0x1d8: {  	v50 =	vperm.xlane v32, v4;
	v22 =	vld [tilespmem:s23+$0xFFFFFFC0];
	v32 =	vsel vm0, v60, v27;
	(erf) = vpow2.f32 v26;
	v27, v63, _ =	vpop (xrf1)  }
0x1d9: {  	s30 =	simm.s32 $0x16;
	v18 =	vld [tilespmem:s23+$0xFFFFFFE0];
	v30 =	vsel vm0, v30, v16;
	(erf) = vrcp.f32 v61;
	(xrf1) =	vsort.dscd.msk.f32 $0xffff, v56, v1;
	v24 =	vsel vm0, v20, v15;
	v15, _, _ =	vpop (xrf2)  }
0x1da: {  	s28 =	simm.s32 $0xA80;
	s24 =	simm.s32 $0x10;
	s25 =	simm.s32 $0xE;
	v31 =	vld [tilespmem:s29+$0xFFFFFFB0];
	v26 =	vsel vm0, v23, v51;
	(xrf1) =	vsort.dscd.msk.f32 $0xffff, v59, v3;
	v23 =	vsel vm0, v27, v50;
	v37 =	vbroadcast v15, $0xF;
	v15, v29, _ =	vpop (xrf1)  }
0x1db: {  	s26 =	simm.s32 $0x0;
	s21 =	simm.s32 $0x14;
	s23 =	simm.s32 $0x12;
	v16 =	vld [tilespmem:s29+$0xFFFFFF90];
	v25 =	vsel vm0, v63, v25;
	(xrf1) =	vsort.dscd.msk.f32 $0xffff, v62, v2;
	v33 =	vmul.f32 $1.442695020e+00, v11;
	v20 =	vperm.xlane v15, v4;
	v27, v11, _ =	vpop (xrf1)  }
.LBB2_2:
0x1dc: {  	p0 =	slt.u32 s30, $0xFE;
	(erf) = vrcp.f32 v37;
	v37, _, _ =	vpop (xrf2);
	v15 =	vperm.xlane v29, v4;
	s31 =	sadd.s32 $0x100, s26;
	s26 =	smov.u32 s13  }
0x1dd: {  	v29, _, _ =	vpop (xrf0)  }
0x1de: {  	v39 =	vbroadcast v29, $0xF  }
0x1df: {  	s13 =	smov.u32 s14;
	s14 =	smov.u32 s15;
	s15 =	smov.u32 s16;
	(xrf1) =	vsort.dscd.msk.f32 $0xffff, v34, v0;
	v34 =	vbroadcast v37, $0xF;
	v37 =	vmov s31  }
0x1e0: {  	s16 =	smov.u32 s17;
	s17 =	smov.u32 s20;
	s31 =	sadd.s32 $0x1, s24;
	(xrf1) =	vsort.dscd.msk.f32 $0xffff, v31, v3;
	v31 =	vpop (erf);
	v37 =	vand.u32 $0x1FE, v37  }
0x1e1: {  	s20 =	smov.u32 s25;
	s25 =	smov.u32 s24;
	s24 =	smov.u32 s23;
	(xrf1) =	vsort.dscd.msk.f32 $0xffff, v16, v1;
	v16 =	vmov s31;
	v29 =	vnsel vm0, $0x0, v31;
	v31 =	vpop (erf);
	v37 =	vbroadcast v37, $0x0  }
0x1e2: {  	s23 =	smov.u32 s21;
	s21 =	smov.u32 s30;
	v16 =	vand.u32 $0xFF, v16;
	(xrf2) =	vadd.scan.msk.f32 $0xffff, v29;
	v42 =	vsub.f32 v14, v39;
	v31 =	vnsel vm0, $0x0, v31;
	v38 =	vpop (erf)  }
0x1e3: {  	(xrf1) =	vsort.dscd.msk.f32 $0xffff, v35, v2;
	v43 =	vbroadcast v16, $0x0;
	v38 =	vmul.f32 v38, v9;
	v37 =	vor.u32 v5, v37;
	v35, v39, _ =	vpop (xrf1)  }
0x1e4: {  	v14 =	vmov v27;
	v9 =	vmov v31;
	v16 =	vmul.f32 $1.442695020e+00, v42;
	(xrf1) =	vsort.dscd.msk.f32 $0xffff, v36, v0;
	v36, v41, _ =	vpop (xrf1)  }
0x1e5: {  	v27 =	vor.u32 v5, v43;
	(xrf0) =	vmax.scan.msk.f32 $0xffff, v35;
	v43 =	vperm.xlane v36, v4;
	v36 =	vperm.xlane v41, v4;
	v40, v41, _ =	vpop (xrf1)  }
0x1e6: {  	(xrf1) =	vsort.dscd.msk.f32 $0xffff, v30, v32;
	v30, v32, _ =	vpop (xrf1);
	v40 =	vperm.xlane v40, v4;
	v41 =	vperm.xlane v41, v4  }
0x1e7: {  	(erf) = vpow2.f32 v33;
	v33 =	vpop (erf);
	v42 =	vsel vm0, v30, v43;
	v36 =	vsel vm0, v32, v36;
	(xrf1) =	vsort.dscd.msk.f32 $0xffff, v19, v1  }
0x1e8: {  	v19, v32, _ =	vpop (xrf1);
	v28 =	vmul.f32 v33, v28;
	(xrf1) =	vsort.dscd.msk.f32 $0xffff, v42, v36;
	[tilespmem:v37+s8+$0x0] =	vst.idx.msk $0xff, v38  }
0x1e9: {  	v30, v31, _ =	vpop (xrf1);
	(xrf2) =	vadd.scan.msk.f32 $0xffff, v9;
	[tilespmem:v37+s9+$0x0] =	vst.idx.msk $0xff, v6  }
0x1ea: {  	v6 =	vmovc v7;
	v7 =	vmovc v8;
	v8 =	vmov v11;
	v11 =	vperm.xlane v19, v4;
	v30 =	vperm.xlane v30, v4  }
0x1eb: {  	v38 =	vperm.xlane v32, v4;
	v37 =	vperm.xlane v31, v4;
	[tilespmem:v27+s8+$0x0] =	vst.idx.msk $0xff, v28;
	v33, v36, _ =	vpop (xrf1)  }
0x1ec: {  	v19, _, _ =	vpop (xrf0);
	[tilespmem:v27+s9+$0x0] =	vst.idx.msk $0xff, v17;
	v17 =	vmov s20;
	(xrf1) =	vsort.dscd.msk.f32 $0xffff, v18, v2;
	v27 =	vsel vm0, v33, v30  }
0x1ed: {  	v28 =	vsel vm0, v36, v37;
	v30 =	vld [tilespmem:s19+$0x70];
	v31, _, _ =	vpop (xrf2);
	v19 =	vbroadcast v19, $0xF;
	v17 =	vand.u32 $0xFE, v17  }
0x1ee: {  	v36, v33, _ =	vpop (xrf1);
	(xrf1) =	vsort.dscd.msk.f32 $0xffff, v27, v28;
	v27 =	vld [tilespmem:s19+$0x50];
	v28 =	vbroadcast v31, $0xF;
	v37 =	vbroadcast v17, $0x0  }
0x1ef: {  	v11 =	vsel vm0, v36, v11;
	v31, v32, _ =	vpop (xrf1);
	v36 =	vld [tilespmem:s19+$0x60];
	(erf) = vrcp.f32 v34;
	v43 =	vsel vm0, v33, v38  }
0x1f0: {  	v19 =	vsub.f32 v35, v19;
	v18, v33, _ =	vpop (xrf1);
	(erf) = vrcp.f32 v28;
	v28 =	vperm.xlane v31, v4  }
0x1f1: {  	v42 =	vperm.xlane v32, v4;
	v17 =	vmov v39;
	(xrf1) =	vsort.dscd.msk.f32 $0xffff, v11, v43;
	v11 =	vld [tilespmem:s19+$0x40];
	v32 =	vpop (erf);
	v18 =	vperm.xlane v18, v4  }
0x1f2: {  	s31 =	sadd.s32 $0x101, s17;
	v19 =	vmul.f32 $1.442695020e+00, v19;
	v33 =	vperm.xlane v33, v4;
	v38, v35, _ =	vpop (xrf1);
	v32 =	vnsel vm0, $0x0, v32;
	(xrf1) =	vsort.dscd.msk.f32 $0xffff, v30, v3  }
0x1f3: {  	v28 =	vsel vm0, v38, v28;
	v31, v34, _ =	vpop (xrf1)  }
0x1f4: {  	v38 =	vsel vm0, v35, v42;
	(xrf1) =	vsort.dscd.msk.f32 $0xffff, v27, v1;
	v35 =	vmov s31;
	v18 =	vsel vm0, v31, v18  }
0x1f5: {  	(erf) = vpow2.f32 v19;
	(xrf1) =	vsort.dscd.msk.f32 $0xffff, v36, v2;
	v19 =	vand.u32 $0x1FF, v35;
	v27, _, _ =	vpop (xrf2)  }
0x1f6: {  	(xrf1) =	vsort.dscd.msk.f32 $0xffff, v28, v38;
	v36, v30, _ =	vpop (xrf1);
	v19 =	vbroadcast v19, $0x0;
	v27 =	vbroadcast v27, $0xF  }
0x1f7: {  	v38 =	vsel vm0, v34, v33;
	(xrf1) =	vsort.dscd.msk.f32 $0xffff, v11, v0;
	v11 =	vor.u32 v5, v37;
	v31, v33, _ =	vpop (xrf1)  }
0x1f8: {  	(xrf1) =	vsort.dscd.msk.f32 $0xffff, v18, v38;
	v35 =	vperm.xlane v31, v4;
	v19 =	vor.u32 v5, v19;
	v34, v18, _ =	vpop (xrf1)  }
0x1f9: {  	v33 =	vperm.xlane v33, v4;
	v28 =	vpop (erf);
	(xrf0) =	vmax.scan.msk.f32 $0xffff, v34  }
0x1fa: {  	v28 =	vmul.f32 v28, v21;
	(xrf1) =	vsort.dscd.msk.f32 $0xffff, v22, v0;
	v22 =	vpop (erf)  }
0x1fb: {  	v21 =	vmov v32;
	v22 =	vmul.f32 v22, v29  }
0x1fc: {  	v29, v31, _ =	vpop (xrf1);
	(xrf1) =	vsort.dscd.msk.f32 $0xffff, v24, v26  }
0x1fd: {  	[tilespmem:v11+s8+$0x0] =	vst.idx.msk $0xff, v28;
	v24 =	vsel vm0, v29, v40;
	v26 =	vsel vm0, v31, v41  }
0x1fe: {  	[tilespmem:v19+s8+$0x0] =	vst.idx.msk $0xff, v22;
	v28, v29, _ =	vpop (xrf1);
	(xrf1) =	vsort.dscd.msk.f32 $0xffff, v24, v26  }
0x1ff: {  	v22 =	vpop (erf);
	[tilespmem:v19+s9+$0x0] =	vst.idx.msk $0xff, v10;
	(xrf1) =	vsort.dscd.msk.f32 $0xffff, v23, v25;
	v10 =	vmov v18  }
0x200: {  	v32 =	vperm.xlane v28, v4;
	v28 =	vnsel vm0, $0x0, v22;
	[tilespmem:v11+s9+$0x0] =	vst.idx.msk $0xff, v12;
	v11, _, _ =	vpop (xrf0);
	v12 =	vmov v13  }
0x201: {  	v13 =	vmov v30;
	v19, v22, _ =	vpop (xrf1);
	(xrf2) =	vadd.scan.msk.f32 $0xffff, v28;
	v23 =	vld [tilespmem:s18+$0xFFFFFFF0];
	v11 =	vbroadcast v11, $0xF  }
0x202: {  	v24 =	vperm.xlane v29, v4;
	v25 =	vsel vm0, v19, v32;
	(xrf0) =	vmax.scan.msk.f32 $0xffff, v36;
	v18, v26, _ =	vpop (xrf1);
	v19 =	vld [tilespmem:s18+$0xFFFFFFD0]  }
0x203: {  	v29 =	vperm.xlane v18, v4;
	v26 =	vperm.xlane v26, v4;
	v30, v31, _ =	vpop (xrf1);
	v18 =	vld [tilespmem:s18+$0xFFFFFFE0];
	v11 =	vsub.f32 v34, v11  }
0x204: {  	s29 =	sadd.s32 $0x100, s29;
	v24 =	vsel vm0, v22, v24;
	v30 =	vperm.xlane v30, v4;
	v31 =	vperm.xlane v31, v4;
	(xrf2) =	vadd.scan.msk.f32 $0xffff, v21;
	v32, v34, _ =	vpop (xrf1);
	v22 =	vld [tilespmem:s18+$0xFFFFFFC0];
	s18 =	smov.u32 s19;
	s19 =	smov.u32 s22  }
0x205: {  	s22 =	smov.u32 s28;
	s28 =	smov.u32 s29;
	v37 =	vld [tilespmem:s29+$0x10];
	v40, v39, _ =	vpop (xrf1);
	(xrf1) =	vsort.dscd.msk.f32 $0xffff, v25, v24;
	v41 =	vsel vm0, v32, v29;
	v25 =	vsel vm0, v34, v26;
	v42 =	vmul.f32 $1.442695020e+00, v11  }
0x206: {  	v29 =	vld [tilespmem:s29+$0x30];
	v40 =	vperm.xlane v40, v4;
	v32 =	vperm.xlane v39, v4;
	v34, v38, _ =	vpop (xrf1);
	(xrf1) =	vsort.dscd.msk.f32 $0xffff, v41, v25  }
0x207: {  	v25 =	vld [tilespmem:s29+$0x20];
	v24, v39, _ =	vpop (xrf1);
	v34 =	vsel vm0, v34, v30;
	v38 =	vsel vm0, v38, v31;
	(xrf1) =	vsort.dscd.msk.f32 $0xffff, v23, v3;
	(erf) = vpow2.f32 v42  }
0x208: {  	v31 =	vld [tilespmem:s29+$0xFFFFFFB0];
	v30 =	vsel vm0, v24, v40;
	v32 =	vsel vm0, v39, v32;
	v11, _, _ =	vpop (xrf0);
	(xrf1) =	vsort.dscd.msk.f32 $0xffff, v34, v38;
	(erf) = vpow2.f32 v16  }
.Ltmp0:
0x209: {  	v16 =	vld [tilespmem:s29+$0xFFFFFF90];
	v39 =	vbroadcast v11, $0xF;
	v23, v26, _ =	vpop (xrf1);
	(xrf0) =	vmax.scan.msk.f32 $0xffff, v14;
	(erf) = vrcp.f32 v27;
	(pc) =	sbr.rel @p0 .LBB2_2-.Ltmp0, $4  }
0x20a: {  	v34 =	vld [tilespmem:s29+$0x0];
	(xrf1) =	vsort.dscd.msk.f32 $0xffff, v37, v1;
	v24 =	vsel vm0, v23, v35;
	v26 =	vsel vm0, v26, v33;
	v23, v27, _ =	vpop (xrf1)  }
0x20b: {  	v35 =	vld [tilespmem:s29+$0xFFFFFFA0];
	(xrf1) =	vsort.dscd.msk.f32 $0xffff, v29, v3;
	v38 =	vsub.f32 v36, v39;
	v33, _, _ =	vpop (xrf2);
	v23 =	vsel vm0, v23, v20  }
0x20c: {  	v36 =	vld [tilespmem:s29+$0xFFFFFF80];
	(xrf1) =	vsort.dscd.msk.f32 $0xffff, v25, v2;
	v37 =	vbroadcast v33, $0xF;
	v20, v29, _ =	vpop (xrf1);
	v25 =	vsel vm0, v27, v15  }
0x20d: {  	s30 =	sadd.s32 $0x2, s30;
	v33 =	vmul.f32 $1.442695020e+00, v38;
	v20 =	vperm.xlane v20, v4;
	v27, v11, _ =	vpop (xrf1)  }
0x20e: {  	_ = 	snop  }
0x20f: {  	(erf) = vrcp.f32 v37;
	v48, _, _ =	vpop (xrf2);
	(xrf1) =	vsort.dscd.msk.f32 $0xffff, v34, v0  }
0x210: {  	(xrf1) =	vsort.dscd.msk.f32 $0xffff, v31, v3;
	v15 =	vpop (erf)  }
0x211: {  	s29 =	sadd.s32 $0x1, s24;
	v34, _, _ =	vpop (xrf0);
	(xrf1) =	vsort.dscd.msk.f32 $0xffff, v16, v1;
	v15 =	vnsel vm0, $0x0, v15  }
0x212: {  	v49 =	vmov s29;
	v38 =	vpop (erf);
	(xrf2) =	vadd.scan.msk.f32 $0xffff, v15  }
0x213: {  	v39 =	vand.u32 $0xFF, v49;
	(xrf1) =	vsort.dscd.msk.f32 $0xffff, v35, v2;
	v50, v31, _ =	vpop (xrf1)  }
0x214: {  	v39 =	vbroadcast v39, $0x0;
	v51, v40, _ =	vpop (xrf1);
	(xrf0) =	vmax.scan.msk.f32 $0xffff, v50  }
0x215: {  	(xrf1) =	vsort.dscd.msk.f32 $0xffff, v36, v0;
	v40 =	vperm.xlane v40, v4;
	v41, v42, _ =	vpop (xrf1)  }
0x216: {  	v39 =	vor.u32 v5, v39;
	(xrf1) =	vsort.dscd.msk.f32 $0xffff, v30, v32;
	v36 =	vperm.xlane v51, v4;
	v30, v32, _ =	vpop (xrf1)  }
0x217: {  	v16 =	vpop (erf);
	v32 =	vsel vm0, v32, v40  }
0x218: {  	(xrf1) =	vsort.dscd.msk.f32 $0xffff, v19, v1;
	v43 =	vpop (erf);
	v30 =	vsel vm0, v30, v36  }
0x219: {  	v53, v52, _ =	vpop (xrf1);
	v28 =	vmul.f32 v43, v28;
	(xrf1) =	vsort.dscd.msk.f32 $0xffff, v30, v32  }
0x21a: {  	(erf) = vpow2.f32 v33;
	v56, _, _ =	vpop (xrf0)  }
0x21b: {  	v19 =	vperm.xlane v53, v4;
	[tilespmem:v39+s8+$0x0] =	vst.idx.msk $0xff, v28;
	v30, v32, _ =	vpop (xrf1);
	v44 =	vbroadcast v56, $0xF  }
0x21c: {  	[tilespmem:v39+s9+$0x0] =	vst.idx.msk $0xff, v17;
	v30 =	vperm.xlane v30, v4;
	v32 =	vperm.xlane v32, v4;
	v54, v55, _ =	vpop (xrf1)  }
0x21d: {  	v57 =	vbroadcast v48, $0xF;
	(xrf1) =	vsort.dscd.msk.f32 $0xffff, v18, v2;
	v36 =	vperm.xlane v52, v4;
	v60 =	vld [tilespmem:s19+$0x70];
	v61, _, _ =	vpop (xrf2);
	v18 =	vsub.f32 v50, v44  }
0x21e: {  	v45 =	vld [tilespmem:s19+$0x50];
	v62, v63, _ =	vpop (xrf1);
	v46 =	vbroadcast v61, $0xF;
	v58 =	vsel vm0, v54, v30;
	v59 =	vsel vm0, v55, v32  }
0x21f: {  	(erf) = vrcp.f32 v57;
	v47 =	vld [tilespmem:s19+$0x60];
	v19 =	vsel vm0, v62, v19;
	v50, v49, _ =	vpop (xrf1);
	(xrf1) =	vsort.dscd.msk.f32 $0xffff, v58, v59;
	v18 =	vmul.f32 $1.442695020e+00, v18  }
0x220: {  	v48 =	vsel vm0, v63, v36;
	(erf) = vrcp.f32 v46;
	v52, v51, _ =	vpop (xrf1);
	v54 =	vperm.xlane v50, v4  }
0x221: {  	v53 =	vld [tilespmem:s19+$0x40];
	(xrf1) =	vsort.dscd.msk.f32 $0xffff, v19, v48;
	v57, v56, _ =	vpop (xrf1);
	(erf) = vpow2.f32 v18  }
0x222: {  	v55 =	vperm.xlane v49, v4;
	(xrf1) =	vsort.dscd.msk.f32 $0xffff, v60, v3;
	v32 =	vsel vm0, v57, v54  }
0x223: {  	v58, v59, _ =	vpop (xrf1);
	(xrf1) =	vsort.dscd.msk.f32 $0xffff, v45, v1  }
0x224: {  	v37 =	vpop (erf);
	v35 =	vsel vm0, v56, v55;
	(xrf1) =	vsort.dscd.msk.f32 $0xffff, v47, v2  }
0x225: {  	v19 =	vperm.xlane v52, v4;
	v60 =	vmov s25;
	v36, v28, _ =	vpop (xrf1);
	(xrf1) =	vsort.dscd.msk.f32 $0xffff, v32, v35  }
0x226: {  	v30 =	vperm.xlane v51, v4;
	v18 =	vand.u32 $0xFE, v60;
	v33, v32, _ =	vpop (xrf1);
	(xrf1) =	vsort.dscd.msk.f32 $0xffff, v53, v0  }
0x227: {  	v18 =	vbroadcast v18, $0x0;
	v61, v17, _ =	vpop (xrf1)  }
0x228: {  	v44 =	vpop (erf);
	v39 =	vsel vm0, v58, v19;
	v30 =	vsel vm0, v59, v30;
	(xrf0) =	vmax.scan.msk.f32 $0xffff, v61  }
0x229: {  	v62 =	vor.u32 v5, v18;
	v18 =	vnsel vm0, $0x0, v38;
	(xrf1) =	vsort.dscd.msk.f32 $0xffff, v39, v30;
	v19 =	vpop (erf)  }
0x22a: {  	(xrf2) =	vadd.scan.msk.f32 $0xffff, v18;
	v48 =	vpop (erf)  }
0x22b: {  	v45, v63, _ =	vpop (xrf1);
	(xrf1) =	vsort.dscd.msk.f32 $0xffff, v22, v0;
	v22 =	vnsel vm0, $0x0, v48  }
0x22c: {  	v41 =	vperm.xlane v41, v4;
	v42 =	vperm.xlane v42, v4;
	(xrf2) =	vadd.scan.msk.f32 $0xffff, v22  }
0x22d: {  	v21 =	vmul.f32 v44, v21;
	v47, v46, _ =	vpop (xrf1);
	(xrf1) =	vsort.dscd.msk.f32 $0xffff, v24, v26  }
0x22e: {  	v50 =	vsel vm0, v45, v41;
	v51 =	vsel vm0, v63, v42;
	v49, _, _ =	vpop (xrf0);
	(xrf0) =	vmax.scan.msk.f32 $0xffff, v36  }
0x22f: {  	[tilespmem:v62+s8+$0x0] =	vst.idx.msk $0xff, v21;
	v52 =	vperm.xlane v47, v4;
	v53, v54, _ =	vpop (xrf1);
	(xrf1) =	vsort.dscd.msk.f32 $0xffff, v50, v51  }
0x230: {  	[tilespmem:v62+s9+$0x0] =	vst.idx.msk $0xff, v12;
	v55 =	vbroadcast v49, $0xF;
	v56 =	vperm.xlane v46, v4;
	v24, v26, _ =	vpop (xrf1);
	(xrf1) =	vsort.dscd.msk.f32 $0xffff, v23, v25  }
0x231: {  	v57 =	vld [tilespmem:s18+$0xFFFFFFF0];
	v58 =	vsel vm0, v53, v52;
	v24 =	vperm.xlane v24, v4;
	v26 =	vperm.xlane v26, v4;
	v30, v38, _ =	vpop (xrf1)  }
0x232: {  	v12 =	vsub.f32 v61, v55;
	v21 =	vsel vm0, v54, v56;
	v30 =	vperm.xlane v30, v4;
	v61, v60, _ =	vpop (xrf1)  }
0x233: {  	(xrf1) =	vsort.dscd.msk.f32 $0xffff, v58, v21;
	v63, v62, _ =	vpop (xrf1);
	v24 =	vsel vm0, v61, v24;
	v45 =	vsel vm0, v60, v26  }
0x234: {  	v59 =	vperm.xlane v38, v4;
	v12 =	vmul.f32 $1.442695020e+00, v12;
	v47, v46, _ =	vpop (xrf1);
	(xrf1) =	vsort.dscd.msk.f32 $0xffff, v24, v45  }
0x235: {  	v50 =	vbroadcast v34, $0xF;
	v54, _, _ =	vpop (xrf0);
	(xrf0) =	vmax.scan.msk.f32 $0xffff, v27  }
0x236: {  	v48 =	vsel vm0, v47, v30;
	v49 =	vsel vm0, v46, v59;
	(xrf1) =	vsort.dscd.msk.f32 $0xffff, v57, v3;
	(erf) = vpow2.f32 v12  }
0x237: {  	v37 =	vnsel vm0, $0x0, v37;
	v51, _, _ =	vpop (xrf2);
	v12 =	vsub.f32 v14, v50;
	(xrf1) =	vsort.dscd.msk.f32 $0xffff, v48, v49  }
0x238: {  	v56, _, _ =	vpop (xrf2);
	(xrf2) =	vadd.scan.msk.f32 $0xffff, v37  }
0x239: {  	v12 =	vmul.f32 $1.442695020e+00, v12  }
0x23a: {  	v53, v52, _ =	vpop (xrf1)  }
0x23b: {  	v39, v41, _ =	vpop (xrf1);
	(erf) = vpow2.f32 v12  }
0x23c: {  	v55 =	vbroadcast v51, $0xF;
	v46, _, _ =	vpop (xrf0)  }
0x23d: {  	v42, v43, _ =	vpop (xrf1)  }
0x23e: {  	v57 =	vbroadcast v56, $0xF;
	(erf) = vrcp.f32 v55;
	v26, v25, _ =	vpop (xrf1)  }
0x23f: {  	v58 =	vpop (erf)  }
0x240: {  	v21 =	vperm.xlane v63, v4;
	v30, v12, _ =	vpop (xrf1);
	(erf) = vrcp.f32 v57;
	v14 =	vnsel vm0, $0x0, v58  }
0x241: {  	s30 =	sadd.s32 $0x1, s23;
	(xrf2) =	vadd.scan.msk.f32 $0xffff, v14;
	v60, v34, _ =	vpop (xrf1)  }
0x242: {  	v40 =	vperm.xlane v62, v4;
	v45 =	vmov s30;
	v59 =	vld [tilespmem:s18+$0xFFFFFFD0];
	v21 =	vsel vm0, v53, v21;
	(xrf0) =	vmax.scan.msk.f32 $0xffff, v60;
	v53, _, _ =	vpop (xrf2)  }
0x243: {  	v62 =	vbroadcast v54, $0xF;
	v45 =	vand.u32 $0xFF, v45;
	v48, v63, _ =	vpop (xrf1)  }
0x244: {  	v61 =	vsel vm0, v52, v40;
	v49 =	vbroadcast v45, $0x0;
	v50 =	vpop (erf)  }
0x245: {  	v35 =	vsub.f32 v36, v62;
	v38 =	vperm.xlane v48, v4;
	v40 =	vperm.xlane v63, v4;
	v47, v48, _ =	vpop (xrf1)  }
0x246: {  	v36 =	vor.u32 v5, v49;
	(xrf1) =	vsort.dscd.msk.f32 $0xffff, v21, v61;
	v21, v24, _ =	vpop (xrf1)  }
0x247: {  	v35 =	vmul.f32 $1.442695020e+00, v35;
	v23 =	vpop (erf);
	(xrf1) =	vsort.dscd.msk.f32 $0xffff, v59, v1;
	v21 =	vsel vm0, v21, v38;
	v24 =	vsel vm0, v24, v40  }
0x248: {  	v54 =	vbroadcast v53, $0xF;
	(xrf1) =	vsort.dscd.msk.f32 $0xffff, v21, v24;
	v51, _, _ =	vpop (xrf0)  }
0x249: {  	(erf) = vpow2.f32 v35;
	v52 =	vpop (erf);
	v21 =	vbroadcast v51, $0xF  }
0x24a: {  	(erf) = vrcp.f32 v54;
	v22 =	vmul.f32 v52, v22  }
0x24b: {  	v55, _, _ =	vpop (xrf2);
	v21 =	vsub.f32 v60, v21  }
0x24c: {  	v57 =	vld [tilespmem:s18+$0xFFFFFFE0];
	[tilespmem:v36+s8+$0x0] =	vst.idx.msk $0xff, v22;
	v56 =	vbroadcast v55, $0xF  }
0x24d: {  	[tilespmem:v36+s9+$0x0] =	vst.idx.msk $0xff, v31;
	v21 =	vmul.f32 $1.442695020e+00, v21  }
0x24e: {  	v58 =	vld [tilespmem:s22+$0x70];
	(erf) = vrcp.f32 v56  }
0x24f: {  	v36 =	vld [tilespmem:s22+$0x50];
	(erf) = vpow2.f32 v21  }
0x250: {  	v59 =	vld [tilespmem:s22+$0x60]  }
0x251: {  	(xrf1) =	vsort.dscd.msk.f32 $0xffff, v57, v2;
	v22 =	vnsel vm0, $0x0, v50  }
0x252: {  	(xrf2) =	vadd.scan.msk.f32 $0xffff, v22;
	v35 =	vpop (erf)  }
0x253: {  	v60 =	vld [tilespmem:s22+$0x40];
	v49 =	vpop (erf);
	(xrf1) =	vsort.dscd.msk.f32 $0xffff, v58, v3  }
0x254: {  	v40, v31, _ =	vpop (xrf1);
	(xrf1) =	vsort.dscd.msk.f32 $0xffff, v36, v1  }
0x255: {  	v44, v45, _ =	vpop (xrf1);
	(xrf1) =	vsort.dscd.msk.f32 $0xffff, v59, v2  }
0x256: {  	v61, v21, _ =	vpop (xrf1)  }
0x257: {  	v50 =	vmov s24;
	(xrf0) =	vmax.scan.msk.f32 $0xffff, v61;
	v24 =	vpop (erf)  }
0x258: {  	v50 =	vand.u32 $0xFE, v50;
	(xrf1) =	vsort.dscd.msk.f32 $0xffff, v60, v0;
	v62 =	vpop (erf)  }
0x259: {  	v51 =	vld [tilespmem:s18+$0xFFFFFFC0];
	v50 =	vbroadcast v50, $0x0;
	v38 =	vnsel vm0, $0x0, v62  }
0x25a: {  	(xrf2) =	vadd.scan.msk.f32 $0xffff, v38  }
0x25b: {  	v32 =	vperm.xlane v32, v4;
	v50 =	vor.u32 v5, v50  }
0x25c: {  	v63 =	vbroadcast v46, $0xF  }
0x25d: {  	v33 =	vperm.xlane v33, v4;
	v32 =	vsel vm0, v41, v32;
	v46, _, _ =	vpop (xrf0)  }
0x25e: {  	v52 =	vsub.f32 v27, v63;
	v37 =	vmul.f32 v49, v37;
	(xrf1) =	vsort.dscd.msk.f32 $0xffff, v51, v0;
	v41 =	vbroadcast v46, $0xF  }
0x25f: {  	v29 =	vperm.xlane v29, v4;
	v33 =	vsel vm0, v39, v33;
	v20 =	vsel vm0, v42, v20;
	v54, _, _ =	vpop (xrf2)  }
0x260: {  	v53 =	vperm.xlane v47, v4;
	v27 =	vmul.f32 $1.442695020e+00, v52;
	[tilespmem:v50+s8+$0x0] =	vst.idx.msk $0xff, v37;
	v56, v57, _ =	vpop (xrf1);
	v36 =	vsub.f32 v61, v41  }
0x261: {  	v29 =	vsel vm0, v43, v29;
	v55 =	vperm.xlane v48, v4;
	[tilespmem:v50+s9+$0x0] =	vst.idx.msk $0xff, v13;
	v58 =	vbroadcast v54, $0xF;
	v60, v59, _ =	vpop (xrf1)  }
0x262: {  	(xrf1) =	vsort.dscd.msk.f32 $0xffff, v33, v32;
	v39 =	vsel vm0, v56, v53;
	v62 =	vld [tilespmem:s19+$0xFFFFFFF0];
	v13 =	vperm.xlane v60, v4;
	v63, v46, _ =	vpop (xrf1);
	v36 =	vmul.f32 $1.442695020e+00, v36  }
0x263: {  	(xrf0) =	vmax.scan.msk.f32 $0xffff, v40;
	v61 =	vsel vm0, v57, v55;
	v47 =	vperm.xlane v59, v4;
	v48 =	vperm.xlane v63, v4;
	v49, v50, _ =	vpop (xrf1)  }
0x264: {  	(xrf1) =	vsort.dscd.msk.f32 $0xffff, v39, v61;
	v51 =	vperm.xlane v46, v4;
	v13 =	vsel vm0, v49, v13;
	(erf) = vpow2.f32 v36;
	v52, _, _ =	vpop (xrf2)  }
0x265: {  	(xrf1) =	vsort.dscd.msk.f32 $0xffff, v20, v29;
	v32 =	vsel vm0, v50, v47;
	(erf) = vpow2.f32 v27;
	v53 =	vbroadcast v52, $0xF  }
0x266: {  	v55, v54, _ =	vpop (xrf1);
	(xrf1) =	vsort.dscd.msk.f32 $0xffff, v13, v32;
	(erf) = vrcp.f32 v58  }
0x267: {  	v56 =	vsel vm0, v55, v48;
	v20 =	vsel vm0, v54, v51;
	(xrf1) =	vsort.dscd.msk.f32 $0xffff, v62, v3;
	(erf) = vrcp.f32 v53  }
0x268: {  	(xrf1) =	vsort.dscd.msk.f32 $0xffff, v56, v20  }
0x269: {  	s31 =	sadd.s32 $0x1, s21  }
0x26a: {  	v57 =	vmov s31  }
0x26b: {  	v13 =	vand.u32 $0xFF, v57;
	v58, _, _ =	vpop (xrf0)  }
0x26c: {  	v29 =	vnsel vm0, $0x0, v35;
	v13 =	vbroadcast v13, $0x0;
	v32, v33, _ =	vpop (xrf1)  }
0x26d: {  	(xrf2) =	vadd.scan.msk.f32 $0xffff, v29;
	v39 =	vpop (erf)  }
0x26e: {  	v59 =	vor.u32 v5, v13;
	v41 =	vpop (erf)  }
0x26f: {  	v20 =	vpop (erf)  }
0x270: {  	v60 =	vpop (erf)  }
0x271: {  	v43, v46, _ =	vpop (xrf1);
	v38 =	vmul.f32 v60, v38  }
0x272: {  	v47 =	vld [tilespmem:s19+$0xFFFFFFD0];
	v36, v35, _ =	vpop (xrf1)  }
0x273: {  	v27 =	vbroadcast v58, $0xF;
	v37, v13, _ =	vpop (xrf1);
	[tilespmem:v59+s8+$0x0] =	vst.idx.msk $0xff, v38  }
0x274: {  	v62, v61, _ =	vpop (xrf1);
	v38 =	vld [tilespmem:s19+$0xFFFFFFE0];
	[tilespmem:v59+s9+$0x0] =	vst.idx.msk $0xff, v34  }
0x275: {  	v27 =	vsub.f32 v40, v27;
	v63 =	vperm.xlane v62, v4;
	v56 =	vperm.xlane v61, v4;
	v57, v58, _ =	vpop (xrf1);
	v59 =	vld [tilespmem:s28+$0x70]  }
0x276: {  	v61, v60, _ =	vpop (xrf1);
	v52 =	vld [tilespmem:s28+$0x50]  }
0x277: {  	v27 =	vmul.f32 $1.442695020e+00, v27;
	v53, _, _ =	vpop (xrf2);
	(xrf1) =	vsort.dscd.msk.f32 $0xffff, v47, v1;
	v34 =	vsel vm0, v61, v63;
	v40 =	vsel vm0, v60, v56;
	v62 =	vld [tilespmem:s28+$0x60]  }
0x278: {  	v63 =	vbroadcast v53, $0xF;
	(xrf1) =	vsort.dscd.msk.f32 $0xffff, v34, v40  }
0x279: {  	(erf) = vpow2.f32 v27;
	v40 =	vld [tilespmem:s28+$0x40];
	(xrf1) =	vsort.dscd.msk.f32 $0xffff, v38, v2  }
0x27a: {  	(erf) = vrcp.f32 v63;
	(xrf1) =	vsort.dscd.msk.f32 $0xffff, v59, v3  }
0x27b: {  	(xrf1) =	vsort.dscd.msk.f32 $0xffff, v52, v1  }
0x27c: {  	(xrf1) =	vsort.dscd.msk.f32 $0xffff, v62, v2  }
0x27d: {  	v50 =	vmov s23  }
0x27e: {  	v34 =	vand.u32 $0xFE, v50;
	(xrf1) =	vsort.dscd.msk.f32 $0xffff, v40, v0  }
0x27f: {  	v51 =	vbroadcast v34, $0x0;
	_ =	sdelay $0x1  }
0x280: {  	v27 =	vor.u32 v5, v51  }
0x281: {  	v26 =	vperm.xlane v26, v4;
	v38 =	vpop (erf);
	v52 =	vld [tilespmem:s19+$0xFFFFFFC0]  }
0x282: {  	v54 =	vperm.xlane v45, v4;
	v42 =	vperm.xlane v57, v4;
	v55 =	vpop (erf)  }
0x283: {  	v53 =	vperm.xlane v44, v4;
	v29 =	vmul.f32 v55, v29  }
0x284: {  	v33 =	vsel vm0, v33, v54;
	v26 =	vsel vm0, v43, v26;
	v56 =	vperm.xlane v25, v4;
	v40, v43, _ =	vpop (xrf1)  }
0x285: {  	v57 =	vperm.xlane v58, v4;
	v32 =	vsel vm0, v32, v53;
	[tilespmem:v27+s8+$0x0] =	vst.idx.msk $0xff, v29;
	v45, v25, _ =	vpop (xrf1)  }
0x286: {  	v58 =	vsel vm0, v46, v56;
	(xrf1) =	vsort.dscd.msk.f32 $0xffff, v52, v0;
	[tilespmem:v27+s9+$0x0] =	vst.idx.msk $0xff, v28;
	v60, v59, _ =	vpop (xrf1)  }
0x287: {  	(xrf1) =	vsort.dscd.msk.f32 $0xffff, v32, v33;
	v63 =	vld [tilespmem:s22+$0xFFFFFFF0];
	v61 =	vsel vm0, v60, v42;
	v62 =	vsel vm0, v59, v57;
	v42, v44, _ =	vpop (xrf1)  }
0x288: {  	(xrf1) =	vsort.dscd.msk.f32 $0xffff, v61, v62;
	v46 =	vperm.xlane v42, v4;
	v47 =	vperm.xlane v44, v4;
	v48, v49, _ =	vpop (xrf1)  }
0x289: {  	(xrf1) =	vsort.dscd.msk.f32 $0xffff, v26, v58;
	v50 =	vperm.xlane v48, v4;
	v51, v52, _ =	vpop (xrf1)  }
0x28a: {  	(xrf0) =	vmax.scan.msk.f32 $0xffff, v30;
	v34 =	vperm.xlane v49, v4;
	v27 =	vsel vm0, v51, v46;
	v28 =	vsel vm0, v52, v47  }
0x28b: {  	v53, v54, _ =	vpop (xrf1);
	(xrf1) =	vsort.dscd.msk.f32 $0xffff, v27, v28  }
0x28c: {  	v26 =	vsel vm0, v53, v50;
	v55 =	vsel vm0, v54, v34;
	(xrf1) =	vsort.dscd.msk.f32 $0xffff, v63, v3  }
0x28d: {  	(xrf1) =	vsort.dscd.msk.f32 $0xffff, v26, v55  }
0x28e: {  	(xrf0) =	vmax.scan.msk.f32 $0xffff, v45;
	_ =	sdelay $0x2  }
0x28f: {  	v28 =	vnsel vm0, $0x0, v39  }
0x290: {  	(xrf2) =	vadd.scan.msk.f32 $0xffff, v28  }
0x291: {  	v56, _, _ =	vpop (xrf0)  }
0x292: {  	v57, _, _ =	vpop (xrf0)  }
0x293: {  	v39, v42, _ =	vpop (xrf1)  }
0x294: {  	v44, v46, _ =	vpop (xrf1)  }
0x295: {  	v58 =	vld [tilespmem:s22+$0xFFFFFFD0];
	v47, v48, _ =	vpop (xrf1)  }
0x296: {  	v49, v26, _ =	vpop (xrf1)  }
0x297: {  	v29 =	vnsel vm0, $0x0, v41;
	v32 =	vbroadcast v57, $0xF;
	v59, v60, _ =	vpop (xrf1)  }
0x298: {  	v38 =	vnsel vm0, $0x0, v38;
	(xrf2) =	vadd.scan.msk.f32 $0xffff, v29;
	v34 =	vperm.xlane v59, v4;
	v41 =	vperm.xlane v60, v4;
	v50, v51, _ =	vpop (xrf1)  }
0x299: {  	v32 =	vsub.f32 v45, v32;
	(xrf2) =	vadd.scan.msk.f32 $0xffff, v38;
	v62, v61, _ =	vpop (xrf1)  }
0x29a: {  	v63, _, _ =	vpop (xrf2);
	(xrf1) =	vsort.dscd.msk.f32 $0xffff, v58, v1;
	v34 =	vsel vm0, v62, v34;
	v41 =	vsel vm0, v61, v41  }
0x29b: {  	v53 =	vbroadcast v63, $0xF;
	(xrf1) =	vsort.dscd.msk.f32 $0xffff, v34, v41  }
0x29c: {  	v32 =	vmul.f32 $1.442695020e+00, v32  }
0x29d: {  	(erf) = vrcp.f32 v53  }
0x29e: {  	v27 =	vbroadcast v56, $0xF;
	(erf) = vpow2.f32 v32;
	_ =	sdelay $0x1  }
0x29f: {  	v27 =	vsub.f32 v30, v27;
	_ =	sdelay $0x1  }
0x2a0: {  	v27 =	vmul.f32 $1.442695020e+00, v27;
	v54, _, _ =	vpop (xrf2)  }
0x2a1: {  	v55 =	vld [tilespmem:s22+$0xFFFFFFE0];
	v30 =	vbroadcast v54, $0xF;
	v56, _, _ =	vpop (xrf2)  }
0x2a2: {  	v57 =	vbroadcast v56, $0xF;
	(erf) = vpow2.f32 v27  }
0x2a3: {  	(erf) = vrcp.f32 v30  }
0x2a4: {  	(xrf0) =	vmax.scan.msk.f32 $0xffff, v37;
	v32 =	vpop (erf);
	(erf) = vrcp.f32 v57  }
0x2a5: {  	v58 =	vpop (erf)  }
0x2a6: {  	v59 =	vmov s21;
	(xrf1) =	vsort.dscd.msk.f32 $0xffff, v55, v2;
	v30 =	vnsel vm0, $0x0, v58;
	v41, v45, _ =	vpop (xrf1)  }
0x2a7: {  	v33 =	vand.u32 $0xFE, v59;
	(xrf2) =	vadd.scan.msk.f32 $0xffff, v30;
	v34, v27, _ =	vpop (xrf1)  }
0x2a8: {  	v33 =	vbroadcast v33, $0x0;
	(xrf0) =	vmax.scan.msk.f32 $0xffff, v34;
	_ =	sdelay $0x1  }
0x2a9: {  	v52, _, _ =	vpop (xrf0)  }
0x2aa: {  	v60 =	vpop (erf)  }
0x2ab: {  	v56 =	vld [tilespmem:s22+$0xFFFFFFC0];
	v54 =	vor.u32 v5, v33;
	v33 =	vpop (erf)  }
0x2ac: {  	v55 =	vpop (erf)  }
0x2ad: {  	v36 =	vperm.xlane v36, v4;
	v63 =	vperm.xlane v43, v4;
	v61, _, _ =	vpop (xrf0)  }
0x2ae: {  	v38 =	vmul.f32 v55, v38;
	v55 =	vbroadcast v61, $0xF  }
0x2af: {  	v59 =	vperm.xlane v50, v4;
	v62 =	vperm.xlane v40, v4  }
0x2b0: {  	(xrf1) =	vsort.dscd.msk.f32 $0xffff, v56, v0;
	[tilespmem:v54+s8+$0x0] =	vst.idx.msk $0xff, v38;
	v58, _, _ =	vpop (xrf2);
	v57 =	vsub.f32 v34, v55  }
0x2b1: {  	v40 =	vsel vm0, v42, v63;
	[tilespmem:v54+s9+$0x0] =	vst.idx.msk $0xff, v31;
	v34 =	vnsel vm0, $0x0, v60;
	v60 =	vbroadcast v58, $0xF  }
0x2b2: {  	v38 =	vsel vm0, v39, v62;
	v54 =	vld [tilespmem:s28+$0xFFFFFFF0];
	v61 =	vperm.xlane v51, v4;
	v43 =	vmul.f32 $1.442695020e+00, v57  }
0x2b3: {  	v35 =	vperm.xlane v35, v4;
	v62, v63, _ =	vpop (xrf1);
	(xrf1) =	vsort.dscd.msk.f32 $0xffff, v38, v40;
	v56 =	vld [tilespmem:s28+$0xFFFFFFD0];
	(erf) = vrcp.f32 v60  }
0x2b4: {  	v31 =	vsel vm0, v62, v59;
	v55 =	vsel vm0, v63, v61;
	(xrf2) =	vadd.scan.msk.f32 $0xffff, v34;
	v57 =	vld [tilespmem:s28+$0xFFFFFFE0];
	(erf) = vpow2.f32 v43  }
0x2b5: {  	v36 =	vsel vm0, v44, v36;
	v35 =	vsel vm0, v46, v35;
	(xrf1) =	vsort.dscd.msk.f32 $0xffff, v31, v55  }
0x2b6: {  	(xrf1) =	vsort.dscd.msk.f32 $0xffff, v36, v35  }
0x2b7: {  	(xrf1) =	vsort.dscd.msk.f32 $0xffff, v54, v3  }
0x2b8: {  	(xrf1) =	vsort.dscd.msk.f32 $0xffff, v56, v1  }
0x2b9: {  	v59 =	vld [tilespmem:s28+$0xFFFFFFC0];
	(xrf1) =	vsort.dscd.msk.f32 $0xffff, v57, v2  }
0x2ba: {  	(xrf0) =	vmax.scan.msk.f32 $0xffff, v49;
	_ =	sdelay $0x1  }
0x2bb: {  	v36 =	vpop (erf)  }
0x2bc: {  	v60 =	vbroadcast v52, $0xF;
	v58 =	vpop (erf)  }
0x2bd: {  	v61, v62, _ =	vpop (xrf1);
	(xrf1) =	vsort.dscd.msk.f32 $0xffff, v59, v0;
	v35 =	vnsel vm0, $0x0, v58  }
0x2be: {  	v31 =	vsub.f32 v37, v60;
	(xrf2) =	vadd.scan.msk.f32 $0xffff, v35  }
0x2bf: {  	v57, _, _ =	vpop (xrf0)  }
0x2c0: {  	v45 =	vperm.xlane v45, v4;
	v63, v43, _ =	vpop (xrf1)  }
0x2c1: {  	v41 =	vperm.xlane v41, v4;
	v39, _, _ =	vpop (xrf2)  }
0x2c2: {  	v42 =	vsel vm0, v62, v45;
	v44, v46, _ =	vpop (xrf1)  }
0x2c3: {  	v40 =	vsel vm0, v61, v41;
	v55 =	vmul.f32 $1.442695020e+00, v31;
	v51, v31, _ =	vpop (xrf1)  }
0x2c4: {  	v48 =	vperm.xlane v48, v4;
	v56 =	vperm.xlane v47, v4;
	v59, v58, _ =	vpop (xrf1)  }
0x2c5: {  	(xrf1) =	vsort.dscd.msk.f32 $0xffff, v40, v42;
	v41 =	vperm.xlane v59, v4;
	v60 =	vperm.xlane v58, v4;
	v62, v61, _ =	vpop (xrf1)  }
0x2c6: {  	(erf) = vpow2.f32 v55;
	v47 =	vbroadcast v57, $0xF;
	v37 =	vsel vm0, v63, v56;
	v40, v42, _ =	vpop (xrf1)  }
0x2c7: {  	v39 =	vbroadcast v39, $0xF;
	v40 =	vsel vm0, v40, v41;
	v45 =	vsel vm0, v42, v60  }
0x2c8: {  	v48 =	vsel vm0, v43, v48;
	v49 =	vsub.f32 v49, v47;
	(xrf1) =	vsort.dscd.msk.f32 $0xffff, v40, v45;
	v63, _, _ =	vpop (xrf2)  }
0x2c9: {  	(erf) = vrcp.f32 v39;
	(xrf1) =	vsort.dscd.msk.f32 $0xffff, v37, v48;
	v38 =	vbroadcast v63, $0xF  }
0x2ca: {  	v53 =	vmul.f32 $1.442695020e+00, v49;
	v55 =	vperm.xlane v62, v4  }
0x2cb: {  	v56 =	vperm.xlane v61, v4;
	(erf) = vrcp.f32 v38  }
0x2cc: {  	v40, v41, _ =	vpop (xrf1);
	(erf) = vpow2.f32 v53  }
0x2cd: {  	v37 =	vsel vm0, v40, v55;
	v39 =	vsel vm0, v41, v56  }
0x2ce: {  	(xrf1) =	vsort.dscd.msk.f32 $0xffff, v37, v39  }
0x2cf: {  	v54 =	vpop (erf)  }
0x2d0: {  	v38 =	vnsel vm0, $0x0, v54  }
0x2d1: {  	(xrf2) =	vadd.scan.msk.f32 $0xffff, v38  }
0x2d2: {  	(xrf0) =	vmax.scan.msk.f32 $0xffff, v51;
	v45 =	vpop (erf)  }
0x2d3: {  	v57, v58, _ =	vpop (xrf1)  }
0x2d4: {  	v42 =	vpop (erf)  }
0x2d5: {  	v59 =	vpop (erf)  }
0x2d6: {  	v60, v47, _ =	vpop (xrf1);
	v39 =	vnsel vm0, $0x0, v59  }
0x2d7: {  	v61, v37, _ =	vpop (xrf1);
	(xrf2) =	vadd.scan.msk.f32 $0xffff, v39  }
0x2d8: {  	v62, _, _ =	vpop (xrf0);
	(xrf0) =	vmax.scan.msk.f32 $0xffff, v61  }
0x2d9: {  	v49 =	vbroadcast v62, $0xF  }
0x2da: {  	v44 =	vperm.xlane v44, v4;
	v46 =	vperm.xlane v46, v4  }
0x2db: {  	v49 =	vsub.f32 v51, v49;
	v43 =	vperm.xlane v60, v4;
	v52 =	vperm.xlane v47, v4;
	v63, _, _ =	vpop (xrf2)  }
0x2dc: {  	v40 =	vsel vm0, v57, v44;
	v41 =	vsel vm0, v58, v46;
	v50 =	vbroadcast v63, $0xF;
	v54, v53, _ =	vpop (xrf1)  }
0x2dd: {  	(xrf1) =	vsort.dscd.msk.f32 $0xffff, v40, v41;
	v43 =	vsel vm0, v54, v43;
	v41 =	vsel vm0, v53, v52  }
0x2de: {  	(erf) = vrcp.f32 v50;
	(xrf1) =	vsort.dscd.msk.f32 $0xffff, v43, v41;
	v51, _, _ =	vpop (xrf0)  }
0x2df: {  	v50 =	vmul.f32 $1.442695020e+00, v49;
	v40 =	vbroadcast v51, $0xF;
	_ =	sdelay $0x1  }
0x2e0: {  	(erf) = vpow2.f32 v50;
	v40 =	vsub.f32 v61, v40;
	v55, _, _ =	vpop (xrf2)  }
0x2e1: {  	v56 =	vbroadcast v55, $0xF  }
0x2e2: {  	v40 =	vmul.f32 $1.442695020e+00, v40  }
0x2e3: {  	(erf) = vrcp.f32 v56  }
0x2e4: {  	(erf) = vpow2.f32 v40;
	_ =	sdelay $0x3  }
0x2e5: {  	v47 =	vpop (erf)  }
0x2e6: {  	v57 =	vpop (erf)  }
0x2e7: {  	v58, v40, _ =	vpop (xrf1)  }
0x2e8: {  	v44 =	vnsel vm0, $0x0, v57;
	v60, v41, _ =	vpop (xrf1)  }
0x2e9: {  	(xrf2) =	vadd.scan.msk.f32 $0xffff, v44;
	v46 =	vpop (erf)  }
0x2ea: {  	(xrf0) =	vmax.scan.msk.f32 $0xffff, v58;
	v59 =	vpop (erf)  }
0x2eb: {  	(xrf0) =	vmax.scan.msk.f32 $0xffff, v60;
	v43 =	vnsel vm0, $0x0, v59  }
0x2ec: {  	(xrf2) =	vadd.scan.msk.f32 $0xffff, v43;
	_ =	sdelay $0x3  }
0x2ed: {  	v61, _, _ =	vpop (xrf0)  }
0x2ee: {  	v50 =	vbroadcast v61, $0xF  }
0x2ef: {  	v63, _, _ =	vpop (xrf0)  }
0x2f0: {  	s26 =	sadd.s32 $0x100, s26;
	v62, _, _ =	vpop (xrf2);
	v48 =	vsub.f32 v58, v50  }
0x2f1: {  	v56 =	vmov s26;
	v50 =	vbroadcast v63, $0xF;
	v51 =	vbroadcast v62, $0xF  }
0x2f2: {  	v52 =	vand.u32 $0x1FE, v56;
	v48 =	vmul.f32 $1.442695020e+00, v48  }
0x2f3: {  	s28 =	sadd.s32 $0x101, s20;
	v57 =	vbroadcast v52, $0x0;
	v49 =	vsub.f32 v60, v50;
	(erf) = vrcp.f32 v51;
	v58, _, _ =	vpop (xrf2)  }
0x2f4: {  	v59 =	vmov s28;
	(erf) = vpow2.f32 v48;
	v50 =	vbroadcast v58, $0xF  }
0x2f5: {  	s13 =	sadd.s32 $0x100, s13;
	v51 =	vor.u32 v5, v57;
	v48 =	vand.u32 $0x1FF, v59;
	v49 =	vmul.f32 $1.442695020e+00, v49  }
0x2f6: {  	v60 =	vmov s13;
	v48 =	vbroadcast v48, $0x0;
	(erf) = vrcp.f32 v50  }
0x2f7: {  	v61 =	vand.u32 $0x1FE, v60;
	(erf) = vpow2.f32 v49  }
0x2f8: {  	s29 =	sadd.s32 $0x101, s25;
	v9 =	vmul.f32 v16, v9;
	v48 =	vor.u32 v5, v48;
	v49 =	vbroadcast v61, $0x0  }
0x2f9: {  	v63 =	vmov s29  }
0x2fa: {  	s30 =	sadd.s32 $0x100, s14;
	v52 =	vand.u32 $0x1FF, v63;
	[tilespmem:v51+s8+$0x0] =	vst.idx.msk $0xff, v9;
	v62 =	vor.u32 v5, v49  }
0x2fb: {  	s31 =	sadd.s32 $0x101, s24;
	v53 =	vmov s30;
	[tilespmem:v51+s9+$0x0] =	vst.idx.msk $0xff, v6;
	v6 =	vbroadcast v52, $0x0;
	v50 =	vmul.f32 v19, v15  }
0x2fc: {  	v54 =	vmul.f32 v23, v18;
	v56 =	vmov s31;
	v18 =	vpop (erf);
	v15 =	vand.u32 $0x1FE, v53  }
0x2fd: {  	v6 =	vor.u32 v5, v6;
	v58 =	vand.u32 $0x1FF, v56;
	v57 =	vpop (erf);
	v55 =	vbroadcast v15, $0x0;
	[tilespmem:v48+s8+$0x0] =	vst.idx.msk $0xff, v50  }
0x2fe: {  	s14 =	sadd.s32 $0x100, s15;
	v9 =	vbroadcast v58, $0x0;
	v15 =	vnsel vm0, $0x0, v57;
	[tilespmem:v48+s9+$0x0] =	vst.idx.msk $0xff, v10  }
0x2ff: {  	v59 =	vmov s14;
	(xrf2) =	vadd.scan.msk.f32 $0xffff, v15;
	v10 =	vor.u32 v5, v55;
	[tilespmem:v62+s8+$0x0] =	vst.idx.msk $0xff, v54;
	v19 =	vpop (erf)  }
0x300: {  	s15 =	sadd.s32 $0x101, s23;
	v61 =	vand.u32 $0x1FE, v59;
	v9 =	vor.u32 v5, v9;
	[tilespmem:v62+s9+$0x0] =	vst.idx.msk $0xff, v7;
	v7 =	vmul.f32 v24, v14;
	v60 =	vpop (erf)  }
0x301: {  	v14 =	vbroadcast v61, $0x0;
	v62 =	vmov s15;
	v16 =	vnsel vm0, $0x0, v60  }
0x302: {  	v63 =	vand.u32 $0x1FF, v62;
	[tilespmem:v6+s8+$0x0] =	vst.idx.msk $0xff, v7;
	v7 =	vmul.f32 v20, v22;
	(xrf2) =	vadd.scan.msk.f32 $0xffff, v16  }
0x303: {  	s18 =	sadd.s32 $0x100, s16;
	v20 =	vbroadcast v63, $0x0;
	[tilespmem:v6+s9+$0x0] =	vst.idx.msk $0xff, v17;
	v6 =	vor.u32 v5, v14  }
0x304: {  	s19 =	sadd.s32 $0x101, s21;
	v22 =	vmov s18;
	[tilespmem:v10+s8+$0x0] =	vst.idx.msk $0xff, v7;
	v7 =	vmul.f32 v32, v28  }
0x305: {  	v17 =	vand.u32 $0x1FE, v22;
	v23 =	vor.u32 v5, v20;
	v28 =	vmov s19  }
0x306: {  	s22 =	sadd.s32 $0x100, s17;
	v24 =	vbroadcast v17, $0x0;
	v14 =	vand.u32 $0x1FF, v28;
	[tilespmem:v9+s8+$0x0] =	vst.idx.msk $0xff, v7;
	v7 =	vmul.f32 v33, v29  }
0x307: {  	v34 =	vmul.f32 v45, v34;
	s26 =	sadd.s32 $0x100, s20;
	[tilespmem:v10+s9+$0x0] =	vst.idx.msk $0xff, v8;
	v32 =	vbroadcast v14, $0x0;
	v33 =	vmov s22  }
0x308: {  	v45 =	vmov s26;
	v29 =	vor.u32 v5, v24;
	v14 =	vand.u32 $0x1FE, v33;
	[tilespmem:v6+s8+$0x0] =	vst.idx.msk $0xff, v7  }
0x309: {  	v48, _, _ =	vpop (xrf2);
	v7 =	vmul.f32 v36, v30;
	v36 =	vbroadcast v14, $0x0;
	[tilespmem:v6+s9+$0x0] =	vst.idx.msk $0xff, v11;
	v6 =	vor.u32 v5, v32  }
0x30a: {  	s28 =	sadd.s32 $0x100, s25;
	[tilespmem:v9+s9+$0x0] =	vst.idx.msk $0xff, v21;
	v14 =	vbroadcast v48, $0xF;
	v11 =	vand.u32 $0x1FE, v45  }
0x30b: {  	v51 =	vmov s28;
	[tilespmem:v23+s8+$0x0] =	vst.idx.msk $0xff, v7;
	v49 =	vor.u32 v5, v36;
	v50 =	vbroadcast v11, $0x0  }
0x30c: {  	v7 =	vmul.f32 v42, v35;
	v11 =	vand.u32 $0x1FE, v51;
	(erf) = vrcp.f32 v14;
	[tilespmem:v23+s9+$0x0] =	vst.idx.msk $0xff, v25;
	v52, _, _ =	vpop (xrf2)  }
0x30d: {  	s29 =	sadd.s32 $0x100, s24;
	[tilespmem:v29+s8+$0x0] =	vst.idx.msk $0xff, v34;
	v55 =	vbroadcast v11, $0x0;
	v54 =	vor.u32 v5, v50;
	v53 =	vbroadcast v52, $0xF  }
0x30e: {  	v56 =	vmov s29;
	[tilespmem:v6+s8+$0x0] =	vst.idx.msk $0xff, v7;
	v7 =	vmul.f32 v47, v38  }
0x30f: {  	s30 =	sadd.s32 $0x100, s23;
	v11 =	vand.u32 $0x1FE, v56;
	[tilespmem:v6+s9+$0x0] =	vst.idx.msk $0xff, v27;
	v6 =	vor.u32 v5, v55;
	(erf) = vrcp.f32 v53  }
0x310: {  	s31 =	sadd.s32 $0x100, s21;
	v58 =	vmov s30;
	v57 =	vbroadcast v11, $0x0;
	[tilespmem:v49+s8+$0x0] =	vst.idx.msk $0xff, v7;
	v7 =	vmul.f32 v46, v39  }
0x311: {  	v61 =	vmov s31;
	[tilespmem:v29+s9+$0x0] =	vst.idx.msk $0xff, v12;
	v11 =	vand.u32 $0x1FE, v58  }
0x312: {  	v60 =	vbroadcast v11, $0x0;
	v59 =	vor.u32 v5, v57;
	[tilespmem:v54+s8+$0x0] =	vst.idx.msk $0xff, v7;
	v7 =	vmul.f32 v18, v44  }
0x313: {  	v11 =	vand.u32 $0x1FE, v61;
	[tilespmem:v49+s9+$0x0] =	vst.idx.msk $0xff, v13  }
0x314: {  	v63 =	vbroadcast v11, $0x0;
	v62 =	vor.u32 v5, v60;
	[tilespmem:v6+s8+$0x0] =	vst.idx.msk $0xff, v7;
	v7 =	vmul.f32 v19, v43  }
0x315: {  	[tilespmem:v54+s9+$0x0] =	vst.idx.msk $0xff, v26  }
0x316: {  	v10 =	vor.u32 v5, v63;
	[tilespmem:v6+s9+$0x0] =	vst.idx.msk $0xff, v31;
	v6 =	vpop (erf)  }
0x317: {  	[tilespmem:v59+s8+$0x0] =	vst.idx.msk $0xff, v7;
	v6 =	vmul.f32 v6, v15  }
0x318: {  	[tilespmem:v59+s9+$0x0] =	vst.idx.msk $0xff, v37;
	v7 =	vpop (erf)  }
0x319: {  	[tilespmem:v62+s8+$0x0] =	vst.idx.msk $0xff, v6;
	v6 =	vmul.f32 v7, v16  }
0x31a: {  	[tilespmem:v62+s9+$0x0] =	vst.idx.msk $0xff, v40  }
0x31b: {  	[tilespmem:v10+s8+$0x0] =	vst.idx.msk $0xff, v6  }
0x31c: {  	[tilespmem:v10+s9+$0x0] =	vst.idx.msk $0xff, v41  }
0x31d: {  	[hbm4b:s4+s10] =	stream.strided.scatter [tilespmem:s8], [sflag:$0x1], $0x1000, s11, s10, $0x38;
	[tilespmem:$0xA000] =	vst v63  }
0x31e: {  	s12 =	sadd.s32 $0x1, s12;
	_ =	swait.ge [sflag:s7], $0x1000  }
0x31f: {  	p0 =	sne.s32 s12, s6;
	[sflag:s7] =	ssyncset.done $0x0  }
.Ltmp1:
0x320: {  	[sflag:s7] =	ssyncadd.s32 $0xFFFFF000;
	(pc) =	sbr.rel @p0 .LBB2_1-.Ltmp1, $4  }
0x321: {  	[hbm4b:s5+s10] =	stream.strided.scatter [tilespmem:s9], [sflag:$0x1], $0x1000, s11, s10, $0x38;
	[tilespmem:$0xA000] =	vst v63  }
0x322: {  	_ =	swait.ge [sflag:s7], $0x1000  }
0x323: {  	[sflag:s7] =	ssyncset.done $0x0  }
0x324: {  	[sflag:s7] =	ssyncadd.s32 $0xFFFFF000  }
0x325: {  	_ =	sfence.sel $0x180000  }
0x326: {  	[bflag:$0x0] =	sbarrier.arrive $0xFFFF  }
0x327: {  	p0 =	sne.s32 s1, $0x0;
	_ =	strace $0x90000047  }
0x328: {  	s0 =	sadd.s32 @!p0 $0x100000, s0;
	[bflag:$0x2] =	sbarrier.arrive $0xFFFF  }
0x329: {  	[sflag:s0] =	ssyncadd.tile.s32 @!p0 $0x1;
	_ =	shalt  }
.Lfunc_end2:
_tile_overlayer_lowered:
.L_overlay_start_2:
0x32a: {  	(tag) =	ssettag $0x2  }
0x32b: {  	s0 =	rddreg [dreg:$0x0];
	s2 =	stileid.u32  }
0x32c: {  	s1 =	rddreg [dreg:$0x1];
	p0 =	sne.s32 s2, $0x0  }
0x32d: {  	s3 =	rddreg [dreg:$0x2];
	[bflag:$0x3] =	sbarrier.arrive $0xFFFF;
	s2 =	simm.s32 @!p0 $0x1C01  }
0x32e: {  	[timem:s3], [sflag:s2] =	dma.local @!p0 [hbm:s0], s1  }
0x32f: {  	s0 =	simm.s32 @!p0 $0x1  }
0x330: {  	_ =	swait.ge @!p0 [sflag:s0], s1  }
0x331: {  	s1 =	ssub.s32 @!p0 $0x0, s1;
	[sflag:s0] =	ssyncset.done @!p0 $0x0  }
0x332: {  	[sflag:s0] =	ssyncadd.s32 @!p0 s1  }
0x333: {  	[bflag:$0x3] =	sbarrier.arrive $0xFFFF  }
0x334: {  	_ =	shalt  }

// kernel: kernel.9.cloned.1.call-start
scs
__scs_entry_jumppad:
0x0: {  	(pc) =	sbr.rel $0x88, $3  }
0x1: {  	(tag) =	ssettag $0x0;
	lr =	simm.s32 $0x1  }
0x2: {  	[smem:$0x3F9F] =	sst lr;
	_ =	strace $0xD0000000  }
0x3: {  	_ = 	snop  }
0x4: {  	_ = 	snop  }
0x5: {  	_ = 	snop  }
0x6: {  	_ = 	snop  }
0x7: {  	_ = 	snop  }
__scs_overlays_trampoline_lowered:
0x8: {  	[smem:$0x3FAE] =	sst s0  }
0x9: {  	[smem:$0x3FAF] =	sst s1  }
0xa: {  	[smem:$0x3FB0] =	sst s2  }
0xb: {  	[smem:$0x3FB1] =	sst s3  }
0xc: {  	[smem:$0x3FB2] =	sst s4  }
0xd: {  	[smem:$0x3FB3] =	sst s5  }
0xe: {  	[smem:$0x3FB4] =	sst s6  }
0xf: {  	[smem:$0x3FB5] =	sst s7  }
0x10: {  	[smem:$0x3FB6] =	sst s8  }
0x11: {  	[smem:$0x3FB7] =	sst s9;
	s0 =	simm.s32 @!p0 $0x0  }
0x12: {  	s1 =	sld [smem:$0x3F9D];
	s0 =	simm.s32 @p0 $0x1  }
0x13: {  	[smem:$0x3FB8] =	sst s0;
	s0 =	simm.s32 @!p1 $0x0  }
0x14: {  	s2 =	sld [smem:$0x3F9C];
	s0 =	simm.s32 @p1 $0x1  }
0x15: {  	[smem:$0x3FB9] =	sst s0;
	s0 =	simm.s32 @!p2 $0x0  }
0x16: {  	s3 =	sld [smem:$0x3FDB];
	s0 =	simm.s32 @p2 $0x1  }
0x17: {  	s4 =	simm.s32 $0x1BF5;
	[smem:$0x3FBB] =	sst s0  }
0x18: {  	s0 =	sld [smem:$0x3F9E];
	_ =	swait.ge [sflag:s4], $0x0  }
0x19: {  	s7 =	sld [smem:$0x3F9F]  }
0x1a: {  	s8 =	sadd.s32 $0xFFFFE003, lr  }
0x1b: {  	s9 =	sadd.s32 $0xFFFFFEF7, lr;
	s5 =	simm.s32 $0xFFFFFFFF;
	p2 =	slt.u32 s8, $0xFFFFF086  }
0x1c: {  	p1 =	slt.u32 s9, $0xF7A;
	s5 =	simm.s32 @!p2 $0x0  }
0x1d: {  	s5 =	simm.s32 @p1 $0x1;
	p0 =	seq.s32 s7, s2  }
0x1e: {  	s7 =	smul.u32 @!p0 $0xF7A, s2;
	p2 =	seq.s32 @!p0 s5, $0x0  }
0x1f: {  	s9 =	smul.u32 $0xF7A, s1;
	s8 =	simm.s32 @!p0 $0x1BF5;
	p2 =	por !p2, p0  }
0x20: {  	[sflag:s8] =	ssyncset.s32 @!p0 $0xFFFFF086;
	s6 =	sadd.s32 @!p0 s3, s7;
	s7 =	simm.s32 @!p0 $0x108  }
0x21: {  	s3 =	sadd.s32 s3, s9;
	s6 =	sadd.s32 @!p0 $0x88, s6;
	s7 =	simm.s32 @p2 $0x1082  }
0x22: {  	[simem:s7], [sflag:s8] =	dma.local @!p0 [hbm:s6], $0xF7A  }
0x23: {  	s9 =	sor.u32 $0xD0000000, s2;
	s6 =	simm.s32 $0x108;
	_ =	swait.ge @!p0 [sflag:s8], $0x0  }
0x24: {  	s3 =	sadd.s32 $0x88, s3;
	s6 =	simm.s32 @!p1 $0x1082;
	[sflag:s4] =	ssyncset.s32 $0xFFFFF086  }
0x25: {  	[simem:s6], [sflag:s4] =	dma.local [hbm:s3], $0xF7A  }
0x26: {  	[smem:$0x3F9F] =	sst s1;
	(tag) =	ssettag s2;
	_ =	strace s9  }
0x27: {  	s1 =	sld [smem:$0x3FAF]  }
0x28: {  	s2 =	sld [smem:$0x3FB0]  }
0x29: {  	s4 =	sld [smem:$0x3FB2]  }
0x2a: {  	p0 =	seq.s32 s5, $0x0;
	s5 =	sld [smem:$0x3FB3]  }
0x2b: {  	s6 =	sld [smem:$0x3FB4]  }
0x2c: {  	s7 =	sld [smem:$0x3FB5]  }
0x2d: {  	s3 =	simm.s32 $0x108;
	s8 =	sld [smem:$0x3FB6]  }
0x2e: {  	s3 =	simm.s32 @!p0 $0x1082;
	s9 =	sld [smem:$0x3FB7]  }
0x2f: {  	lr =	sadd.s32 s0, s3;
	s0 =	sld [smem:$0x3FAE]  }
0x30: {  	s3 =	sld [smem:$0x3FB1]  }
0x31: {  	[smem:$0x3FBA] =	sst s10  }
0x32: {  	s10 =	sld [smem:$0x3FB8];
	_ =	sdelay $0x3  }
0x33: {  	p0 =	seq.s32 s10, $0x1;
	s10 =	sld [smem:$0x3FBA];
	_ =	sdelay $0x3  }
0x34: {  	[smem:$0x3FBA] =	sst s10  }
0x35: {  	s10 =	sld [smem:$0x3FB9];
	_ =	sdelay $0x3  }
0x36: {  	p1 =	seq.s32 s10, $0x1;
	s10 =	sld [smem:$0x3FBA];
	_ =	sdelay $0x3  }
0x37: {  	[smem:$0x3FBA] =	sst s10  }
0x38: {  	s10 =	sld [smem:$0x3FBB]  }
0x39: {  	_ = 	snop;
	(pc) =	sbr.ind lr, $3  }
0x3a: {  	_ = 	snop  }
0x3b: {  	_ = 	snop  }
0x3c: {  	p2 =	seq.s32 s10, $0x1;
	s10 =	sld [smem:$0x3FBA]  }
0x3d: {  	_ =	shalt  }
0x3e: {  	_ =	shalt  }
0x3f: {  	_ =	shalt  }
0x40: {  	_ =	shalt  }
0x41: {  	_ =	shalt  }
0x42: {  	_ =	shalt  }
0x43: {  	_ =	shalt  }
0x44: {  	_ =	shalt  }
0x45: {  	_ =	shalt  }
0x46: {  	_ =	shalt  }
0x47: {  	_ =	shalt  }
0x48: {  	_ =	shalt  }
0x49: {  	_ =	shalt  }
0x4a: {  	_ =	shalt  }
0x4b: {  	_ =	shalt  }
0x4c: {  	_ =	shalt  }
0x4d: {  	_ =	shalt  }
0x4e: {  	_ =	shalt  }
0x4f: {  	_ =	shalt  }
0x50: {  	_ =	shalt  }
0x51: {  	_ =	shalt  }
0x52: {  	_ =	shalt  }
0x53: {  	_ =	shalt  }
0x54: {  	_ =	shalt  }
0x55: {  	_ =	shalt  }
0x56: {  	_ =	shalt  }
0x57: {  	_ =	shalt  }
0x58: {  	_ =	shalt  }
0x59: {  	_ =	shalt  }
0x5a: {  	_ =	shalt  }
0x5b: {  	_ =	shalt  }
0x5c: {  	_ =	shalt  }
0x5d: {  	_ =	shalt  }
0x5e: {  	_ =	shalt  }
0x5f: {  	_ =	shalt  }
0x60: {  	_ =	shalt  }
0x61: {  	_ =	shalt  }
0x62: {  	_ =	shalt  }
0x63: {  	_ =	shalt  }
0x64: {  	_ =	shalt  }
0x65: {  	_ =	shalt  }
0x66: {  	_ =	shalt  }
0x67: {  	_ =	shalt  }
0x68: {  	_ =	shalt  }
0x69: {  	_ =	shalt  }
0x6a: {  	_ =	shalt  }
0x6b: {  	_ =	shalt  }
0x6c: {  	_ =	shalt  }
0x6d: {  	_ =	shalt  }
0x6e: {  	_ =	shalt  }
0x6f: {  	_ =	shalt  }
0x70: {  	_ =	shalt  }
0x71: {  	_ =	shalt  }
0x72: {  	_ =	shalt  }
0x73: {  	_ =	shalt  }
0x74: {  	_ =	shalt  }
0x75: {  	_ =	shalt  }
0x76: {  	_ =	shalt  }
0x77: {  	_ =	shalt  }
0x78: {  	_ =	shalt  }
0x79: {  	_ =	shalt  }
0x7a: {  	_ =	shalt  }
0x7b: {  	_ =	shalt  }
0x7c: {  	_ =	shalt  }
0x7d: {  	_ =	shalt  }
0x7e: {  	_ =	shalt  }
0x7f: {  	_ =	shalt  }
0x80: {  	_ =	shalt  }
0x81: {  	_ =	shalt  }
0x82: {  	_ =	shalt  }
0x83: {  	_ =	shalt  }
0x84: {  	_ =	shalt  }
0x85: {  	_ =	shalt  }
0x86: {  	_ =	shalt  }
0x87: {  	_ =	shalt  }
.Lfunc_end0:
.L_simem_size_0:
called_computation.1_lowered:
.L_overlay_start_0:
0x88: {  	s2 =	sld [smem:$0x3FD9]  }
0x89: {  	s3 =	sld [smem:$0x3FFE];
	_ =	sdelay $0x1  }
0x8a: {  	s1 =	srdreg.scid  }
0x8b: {  	s0 =	sand.u32 $0x1, s1  }
0x8c: {  	s14 =	sshll.u32 s0, $0xA;
	s2 =	sadd.s32 s3, s2  }
0x8d: {  	s2 =	sadd.s32 s2, s14  }
0x8e: {  	[smem:$0x3FC6] =	sst s2  }
0x8f: {  	_ = 	snop  }
0x90: {  	s2 =	sld [smem:$0x3FD0];
	_ =	sdelay $0x2  }
0x91: {  	s15 =	simm.s32 $0xA;
	s4 =	simm.s32 $0x10  }
0x92: {  	[smem:s4], [sflag:s15] =	dma.local [hbm:s2], $0x1  }
0x93: {  	_ =	swait.eq [sflag:s15], $0x1  }
0x94: {  	[sflag:s15] =	ssyncset.done $0x0  }
0x95: {  	s16 =	sld [smem:$0x10];
	[sflag:s15] =	ssyncadd.s32 $0xFFFFFFFF  }
0x96: {  	s17 =	sld [smem:$0x11];
	(tm) =	ssettm $0x1  }
0x97: {  	s18 =	sld [smem:$0x3FFB];
	_ =	sdelay $0x3  }
0x98: {  	_ =	strace s18  }
0x99: {  	s4 =	sld [smem:$0x3FFC];
	_ =	sdelay $0x3  }
0x9a: {  	_ =	strace s4  }
0x9b: {  	s4 =	sld [smem:$0x3FFD];
	_ =	sdelay $0x3  }
0x9c: {  	_ =	strace s4  }
0x9d: {  	_ =	strace $0x8FFFFFFF  }
0x9e: {  	s19 =	sld [smem:$0x3FDB];
	_ =	sdelay $0x1  }
0x9f: {  	s5 =	simm.s32 $_scs_section_size  }
0xa0: {  	s6 =	simm.s32 $_size__tile_overlayer_lowered;
	s7 =	simm.s32 $_tile_overlayer_lowered  }
0xa1: {  	s22 =	simm.s32 $0x1BFF;
	s21 =	sshll.u32 s7, $0x1;
	s4 =	sadd.s32 s5, s19  }
0xa2: {  	s8 =	simm.s32 $0x0;
	s20 =	sshll.u32 s6, $0x1;
	s6 =	sadd.s32 s21, s4  }
0xa3: {  	[timem:s8], [sflag:s22] =	dma.local [hbm:s6], s20  }
0xa4: {  	_ =	swait.ge [sflag:s22], s20  }
0xa5: {  	s5 =	ssub.s32 $0x0, s20;
	[sflag:s22] =	ssyncset.done $0x0  }
0xa6: {  	[sflag:s22] =	ssyncadd.s32 s5;
	_ =	sdelay $0x1  }
0xa7: {  	s23 =	simm.s32 $0x1B8B  }
0xa8: {  	_ =	swait.ge [sflag:s23], $0x1  }
0xa9: {  	[sflag:s23] =	ssyncset.done $0x0  }
0xaa: {  	s25 =	simm.s32 $0x1B8E;
	s24 =	sld [smem:$0x3FFE];
	[sflag:s23] =	ssyncadd.s32 $0xFFFFFFFF  }
0xab: {  	s26 =	simm.s32 $execute0_lowered;
	[smem:$0x3FD2] =	sst s25  }
0xac: {  	s6 =	sshll.u32 s26, $0x1;
	_ =	strace $0x80000049;
	[dreg:$0x1] =	wrdreg $0xFFFFFFFF  }
0xad: {  	s28 =	simm.s32 $_size_execute0_lowered;
	s4 =	sadd.s32 s4, s6;
	[dreg:$0x0] =	wrdreg $0x0  }
0xae: {  	s6 =	sshll.u32 s28, $0x1;
	[dreg:$0x2] =	wrdreg s4  }
0xaf: {  	[dreg:$0x3] =	wrdreg s6  }
0xb0: {  	[dreg:$0x4] =	wrdreg $0xC0  }
0xb1: {  	_ =	task [dreg:s8], $0x5FFFF  }
0xb2: {  	[dreg:$0x1] =	wrdreg $0xFFFFFFFF  }
0xb3: {  	[dreg:$0x0] =	wrdreg $0x60  }
0xb4: {  	[dreg:$0x2] =	wrdreg s24  }
0xb5: {  	[dreg:$0x3] =	wrdreg s16  }
0xb6: {  	[dreg:$0x4] =	wrdreg s17  }
0xb7: {  	[dreg:$0x5] =	wrdreg $0x9  }
0xb8: {  	_ =	task.clear_ibuf [dreg:s8], $0x6FFFF;
	_ =	strace $0x90000049  }
0xb9: {  	s29 =	simm.s32 $0x9;
	_ =	strace $0x8000004B  }
0xba: {  	_ =	swait.ge [sflag:s29], $0x1  }
0xbb: {  	[sflag:s29] =	ssyncadd.s32 $0xFFFFFFFF  }
0xbc: {  	_ =	strace $0x9000004B  }
0xbd: {  	_ =	sfence  }
0xbe: {  	s30 =	sld [smem:$0x0];
	_ =	sdelay $0x2  }
0xbf: {  	s31 =	sshll.u32 s1, $0xD;
	s1 =	sshrl.u32 s1, $0x2  }
0xc0: {  	s3 =	sand.u32 $0x4000, s31;
	s1 =	sadd.s32 s1, s30  }
0xc1: {  	s0 =	sor.u32 s3, s0;
	s1 =	sshll.u32 s1, $0x11  }
0xc2: {  	s0 =	sor.u32 s1, s0  }
0xc3: {  	s0 =	sadd.s32 $0x8F2B, s0  }
0xc4: {  	[sflag:s0] =	ssyncadd.remote.s32 $0x1  }
0xc5: {  	_ =	sfence.sel $0xFFFF  }
0xc6: {  	[dreg:$0x0] =	wrdreg $0xFFFFFFFF;
	(pc) =	sbr.abs _section_cstart, $3  }
0xc7: {  	[dreg:$0x1] =	wrdreg $0xFFFFFFFF  }
0xc8: {  	_ =	task.clear_ibuf [dreg:s8], $0x2FFFF;
	_ =	strace $0x9FFFFFFF  }
0xc9: {  	(tm) =	ssettm $0x7FFFFFFF  }
tec
execute0_lowered:
.L_overlay_start_1:
0x0: {  	(tag) =	ssettag $0x1  }
0x1: {  	s0 =	rddreg [dreg:$0x0]  }
0x2: {  	s1 =	rddreg [dreg:$0x1]  }
0x3: {  	s8 =	rddreg [dreg:$0x2]  }
0x4: {  	s3 =	srdreg.scid;
	s2 =	stileid.u32;
	s5 =	simm.s32 $0x0  }
0x5: {  	s11 =	simm.s32 $0x1;
	s12 =	simm.s32 $0x200;
	s15 =	simm.s32 $0x8000  }
0x6: {  	s17 =	simm.s32 $0x9000;
	s3 =	sand.u32 $0x1, s3;
	s4 =	sshll.u32 s2, $0x1  }
0x7: {  	s18 =	simm.s32 $0x0;
	[smem:$0x7FF] =	sst s5;
	s4 =	sor.u32 s3, s4  }
0x8: {  	_ =	strace $0x8000004A;
	s3 =	ssub.s32 $0x2, s3;
	s29 =	sshll.u32 s4, $0xC  }
0x9: {  	s7 =	sshll.u32 s4, $0x6;
	s30 =	sshrl.u32 s3, $0x1;
	s5 =	sadd.s32 s29, s0  }
0xa: {  	v0 =	vlaneseq.u32;
	s6 =	sadd.s32 s7, s0;
	s0 =	sadd.s32 $0x1600, s0;
	s10 =	ssub.s32 s3, s30  }
0xb: {  	vm0 =	vmmov $0xff;
	v4 =	vmul.u32 $0xFFFFFFFF, v0;
	s4 =	sadd.s32 s1, s7;
	s31 =	sor.u32 $0x800, s7;
	s3 =	sadd.s32 $0x25600, s5  }
0xc: {  	v1 =	vor.u32 $0x10, v0;
	v2 =	vor.u32 $0x20, v0;
	v5 =	vand.u32 $0x7, v0;
	s5 =	sadd.s32 s8, s7;
	s6 =	sadd.s32 $0x21600, s6;
	s7 =	sadd.s32 s0, s7  }
0xd: {  	v3 =	vor.u32 $0x30, v0;
	v5 =	vmul.u32 $0x200, v5;
	v4 =	vadd.s32 $0xF, v4;
	s8 =	sadd.s32 s8, s31;
	s9 =	sadd.s32 s0, s31;
	s10 =	smax.u32 s10, $0x1  }
.LBB2_1:
0xe: {  	s2 =	simm.s32 $0x0  }
0xf: {  	[tilespmem:s2], [sflag:$0x1] =	stream.linear.gather [hbm4b:s3+s2], $0x8000, $0x38;
	[tilespmem:$0xC000] =	vst v63  }
0x10: {  	_ =	swait.ge [sflag:s11], $0x8000  }
0x11: {  	[sflag:s11] =	ssyncset.done $0x0  }
0x12: {  	s0 =	simm.s32 $0x4000;
	s1 =	simm.s32 $0xA000;
	[sflag:s11] =	ssyncadd.s32 $0xFFFF8000  }
0x13: {  	[tilespmem:s1], [sflag:$0x1] =	stream.strided.gather [hbm4b:s4+s12], $0x1000, s0, s12, $0x38;
	[tilespmem:$0xC000] =	vst v63  }
0x14: {  	_ =	swait.ge [sflag:s11], $0x1000  }
0x15: {  	[sflag:s11] =	ssyncset.done $0x0  }
0x16: {  	[sflag:s11] =	ssyncadd.s32 $0xFFFFF000  }
0x17: {  	[hbm4b:s5+s12] =	stream.strided.scatter [tilespmem:s1], [sflag:$0x1], $0x1000, s15, s12, $0x38;
	[tilespmem:$0xC000] =	vst v63  }
0x18: {  	_ =	swait.ge [sflag:s11], $0x1000  }
0x19: {  	[sflag:s11] =	ssyncset.done $0x0  }
0x1a: {  	s24 =	simm.s32 $0xB000;
	[sflag:s11] =	ssyncadd.s32 $0xFFFFF000  }
0x1b: {  	[tilespmem:s24], [sflag:$0x1] =	stream.strided.gather [hbm4b:s6+s12], $0x1000, s0, s12, $0x38;
	[tilespmem:$0xC000] =	vst v63  }
0x1c: {  	_ =	swait.ge [sflag:s11], $0x1000  }
0x1d: {  	[sflag:s11] =	ssyncset.done $0x0  }
0x1e: {  	[sflag:s11] =	ssyncadd.s32 $0xFFFFF000  }
0x1f: {  	[hbm4b:s7+s12] =	stream.strided.scatter [tilespmem:s24], [sflag:$0x1], $0x1000, s15, s12, $0x38;
	[tilespmem:$0xC000] =	vst v63  }
0x20: {  	_ =	swait.ge [sflag:s11], $0x1000  }
0x21: {  	[sflag:s11] =	ssyncset.done $0x0  }
0x22: {  	s25 =	simm.s32 $0x80;
	[sflag:s11] =	ssyncadd.s32 $0xFFFFF000  }
0x23: {  	v6 =	vld [tilespmem:s25+$0x10]  }
0x24: {  	v7 =	vld [tilespmem:s25+$0x30];
	_ =	sdelay $0x1  }
0x25: {  	v8 =	vld [tilespmem:s25+$0x20];
	_ =	sdelay $0x1  }
0x26: {  	v9 =	vld [tilespmem:s25+$0x0];
	(xrf1) =	vsort.dscd.msk.f32 $0xffff, v6, v1  }
0x27: {  	(xrf1) =	vsort.dscd.msk.f32 $0xffff, v7, v3;
	_ =	sdelay $0x1  }
0x28: {  	(xrf1) =	vsort.dscd.msk.f32 $0xffff, v8, v2;
	_ =	sdelay $0x1  }
0x29: {  	(xrf1) =	vsort.dscd.msk.f32 $0xffff, v9, v0;
	_ =	sdelay $0x3  }
0x2a: {  	v6 =	vld [tilespmem:s25+$0xFFFFFFB0]  }
0x2b: {  	v7 =	vld [tilespmem:s25+$0xFFFFFF90]  }
0x2c: {  	v8 =	vld [tilespmem:s25+$0xFFFFFFA0]  }
0x2d: {  	v9 =	vld [tilespmem:s25+$0xFFFFFF80];
	_ =	sdelay $0x1  }
0x2e: {  	(xrf1) =	vsort.dscd.msk.f32 $0xffff, v6, v3;
	v6, v10, _ =	vpop (xrf1)  }
0x2f: {  	(xrf1) =	vsort.dscd.msk.f32 $0xffff, v7, v1;
	v7, v11, _ =	vpop (xrf1)  }
0x30: {  	(xrf1) =	vsort.dscd.msk.f32 $0xffff, v8, v2;
	v7 =	vperm.xlane v7, v4;
	v8 =	vperm.xlane v11, v4  }
0x31: {  	(xrf1) =	vsort.dscd.msk.f32 $0xffff, v9, v0;
	v6 =	vperm.xlane v6, v4;
	v9, v11, _ =	vpop (xrf1)  }
0x32: {  	v10 =	vperm.xlane v10, v4;
	v7 =	vsel vm0, v9, v7;
	v8 =	vsel vm0, v11, v8  }
0x33: {  	v9, v11, _ =	vpop (xrf1);
	(xrf1) =	vsort.dscd.msk.f32 $0xffff, v7, v8  }
0x34: {  	v6 =	vsel vm0, v9, v6;
	v7 =	vsel vm0, v11, v10  }
0x35: {  	(xrf1) =	vsort.dscd.msk.f32 $0xffff, v6, v7;
	_ =	sdelay $0x6  }
0x36: {  	v6, v7, _ =	vpop (xrf1)  }
0x37: {  	v8, v9, _ =	vpop (xrf1)  }
0x38: {  	v7 =	vperm.xlane v7, v4;
	v9 =	vperm.xlane v9, v4  }
0x39: {  	v6 =	vperm.xlane v6, v4;
	v10, v11, _ =	vpop (xrf1)  }
0x3a: {  	v12, v13, _ =	vpop (xrf1);
	v7 =	vsel vm0, v11, v7  }
0x3b: {  	v8 =	vperm.xlane v8, v4;
	v6 =	vsel vm0, v10, v6;
	v10, v14, _ =	vpop (xrf1)  }
0x3c: {  	v10 =	vperm.xlane v10, v4;
	v11 =	vperm.xlane v14, v4  }
0x3d: {  	v8 =	vsel vm0, v12, v8;
	(xrf1) =	vsort.dscd.msk.f32 $0xffff, v6, v7;
	v6 =	vsel vm0, v13, v9;
	v7, v9, _ =	vpop (xrf1)  }
0x3e: {  	(xrf1) =	vsort.dscd.msk.f32 $0xffff, v8, v6;
	v6 =	vsel vm0, v7, v10;
	v7 =	vsel vm0, v9, v11  }
0x3f: {  	s20 =	simm.s32 $0x180;
	(xrf1) =	vsort.dscd.msk.f32 $0xffff, v6, v7  }
0x40: {  	v6 =	vld [tilespmem:s20+$0x10];
	_ =	sdelay $0x1  }
0x41: {  	v7 =	vld [tilespmem:s20+$0x30];
	_ =	sdelay $0x2  }
0x42: {  	(xrf1) =	vsort.dscd.msk.f32 $0xffff, v6, v1  }
0x43: {  	v8 =	vld [tilespmem:s20+$0x20]  }
0x44: {  	(xrf1) =	vsort.dscd.msk.f32 $0xffff, v7, v3  }
0x45: {  	v9 =	vld [tilespmem:s20+$0x0];
	_ =	sdelay $0x2  }
0x46: {  	v6, v7, _ =	vpop (xrf1);
	(xrf1) =	vsort.dscd.msk.f32 $0xffff, v8, v2  }
0x47: {  	v8, v10, _ =	vpop (xrf1)  }
0x48: {  	v12 =	vld [tilespmem:s20+$0xFFFFFFB0];
	(xrf1) =	vsort.dscd.msk.f32 $0xffff, v9, v0;
	v9, v11, _ =	vpop (xrf1)  }
0x49: {  	v13 =	vld [tilespmem:s20+$0xFFFFFF90];
	(xrf0) =	vmax.scan.msk.f32 $0xffff, v9;
	_ =	sdelay $0x3  }
0x4a: {  	(xrf1) =	vsort.dscd.msk.f32 $0xffff, v12, v3  }
0x4b: {  	v14 =	vld [tilespmem:s20+$0xFFFFFFA0];
	v6 =	vperm.xlane v6, v4;
	v7 =	vperm.xlane v7, v4;
	(xrf1) =	vsort.dscd.msk.f32 $0xffff, v13, v1;
	v13, v16, _ =	vpop (xrf1)  }
0x4c: {  	v15 =	vld [tilespmem:s20+$0xFFFFFF80];
	v12, _, _ =	vpop (xrf0)  }
0x4d: {  	v6 =	vsel vm0, v8, v6;
	v7 =	vsel vm0, v10, v7;
	v8, v10, _ =	vpop (xrf1);
	v12 =	vbroadcast v12, $0xF  }
0x4e: {  	v10 =	vperm.xlane v10, v4  }
0x4f: {  	v9 =	vsub.f32 v9, v12  }
0x50: {  	(xrf1) =	vsort.dscd.msk.f32 $0xffff, v14, v2;
	v8 =	vperm.xlane v8, v4  }
0x51: {  	(xrf1) =	vsort.dscd.msk.f32 $0xffff, v15, v0;
	v13 =	vperm.xlane v13, v4;
	v15 =	vperm.xlane v16, v4;
	v12, v14, _ =	vpop (xrf1)  }
0x52: {  	(xrf1) =	vsort.dscd.msk.f32 $0xffff, v6, v7;
	v6 =	vsel vm0, v12, v8;
	v7 =	vsel vm0, v14, v10;
	v8 =	vmul.f32 $1.442695020e+00, v9  }
0x53: {  	v9, v10, _ =	vpop (xrf1);
	(xrf1) =	vsort.dscd.msk.f32 $0xffff, v6, v7  }
0x54: {  	v6 =	vsel vm0, v9, v13;
	v7 =	vsel vm0, v10, v15;
	(erf) = vpow2.f32 v8  }
0x55: {  	(xrf1) =	vsort.dscd.msk.f32 $0xffff, v6, v7;
	_ =	sdelay $0x5  }
0x56: {  	v6, v7, _ =	vpop (xrf1)  }
0x57: {  	v8, v9, _ =	vpop (xrf1)  }
0x58: {  	v14 =	vperm.xlane v6, v4;
	v10 =	vpop (erf)  }
0x59: {  	v12, v13, _ =	vpop (xrf1);
	v10 =	vnsel vm0, $0x0, v10  }
0x5a: {  	v9 =	vperm.xlane v9, v4;
	v15, v16, _ =	vpop (xrf1);
	v12 =	vsel vm0, v12, v14;
	(xrf2) =	vadd.scan.msk.f32 $0xffff, v10  }
0x5b: {  	v7 =	vperm.xlane v7, v4;
	v17, v6, _ =	vpop (xrf1)  }
0x5c: {  	v8 =	vperm.xlane v8, v4;
	v14, v18, _ =	vpop (xrf1)  }
0x5d: {  	v7 =	vsel vm0, v13, v7;
	v13 =	vperm.xlane v14, v4;
	v14 =	vperm.xlane v18, v4  }
0x5e: {  	s13 =	simm.s32 $0x280;
	v8 =	vsel vm0, v15, v8;
	(xrf1) =	vsort.dscd.msk.f32 $0xffff, v12, v7;
	v7 =	vsel vm0, v16, v9;
	v9, v12, _ =	vpop (xrf1)  }
0x5f: {  	(xrf1) =	vsort.dscd.msk.f32 $0xffff, v8, v7;
	v7 =	vsel vm0, v9, v13;
	v8 =	vsel vm0, v12, v14;
	v9 =	vld [tilespmem:s13+$0x10]  }
0x60: {  	(xrf1) =	vsort.dscd.msk.f32 $0xffff, v7, v8;
	v7 =	vld [tilespmem:s13+$0x30];
	_ =	sdelay $0x2  }
0x61: {  	v8 =	vld [tilespmem:s13+$0x20]  }
0x62: {  	(xrf1) =	vsort.dscd.msk.f32 $0xffff, v9, v1;
	v9, _, _ =	vpop (xrf2)  }
0x63: {  	v12 =	vld [tilespmem:s13+$0x0];
	(xrf1) =	vsort.dscd.msk.f32 $0xffff, v7, v3;
	v7 =	vbroadcast v9, $0xF  }
0x64: {  	(xrf0) =	vmax.scan.msk.f32 $0xffff, v17  }
0x65: {  	v13 =	vld [tilespmem:s13+$0xFFFFFFB0];
	(erf) = vrcp.f32 v7  }
0x66: {  	(xrf1) =	vsort.dscd.msk.f32 $0xffff, v8, v2;
	v8 =	vld [tilespmem:s13+$0xFFFFFF90]  }
0x67: {  	s26 =	simm.s32 $0x1  }
0x68: {  	v9 =	vmov s26;
	v7 =	vld [tilespmem:s13+$0xFFFFFFA0];
	(xrf1) =	vsort.dscd.msk.f32 $0xffff, v12, v0  }
0x69: {  	v9 =	vand.u32 $0xFF, v9  }
0x6a: {  	v16, _, _ =	vpop (xrf0);
	(xrf1) =	vsort.dscd.msk.f32 $0xffff, v13, v3  }
0x6b: {  	v12, v13, _ =	vpop (xrf1);
	(xrf1) =	vsort.dscd.msk.f32 $0xffff, v8, v1;
	v8 =	vbroadcast v9, $0x0  }
0x6c: {  	v14, v15, _ =	vpop (xrf1)  }
0x6d: {  	v16 =	vbroadcast v16, $0xF;
	(xrf1) =	vsort.dscd.msk.f32 $0xffff, v7, v2;
	v8 =	vor.u32 v5, v8;
	v7, v9, _ =	vpop (xrf1)  }
0x6e: {  	v12 =	vperm.xlane v12, v4;
	v19 =	vpop (erf)  }
0x6f: {  	v13 =	vperm.xlane v13, v4;
	(xrf0) =	vmax.scan.msk.f32 $0xffff, v7  }
0x70: {  	v18 =	vld [tilespmem:s13+$0xFFFFFF80];
	v12 =	vsel vm0, v14, v12;
	v10 =	vmul.f32 v19, v10;
	v14, v19, _ =	vpop (xrf1)  }
0x71: {  	v13 =	vsel vm0, v15, v13;
	v15 =	vsub.f32 v17, v16;
	v16, v17, _ =	vpop (xrf1)  }
0x72: {  	[tilespmem:v8+s15+$0x0] =	vst.idx.msk $0xff, v10;
	v10 =	vperm.xlane v16, v4;
	v16 =	vperm.xlane v17, v4;
	_ =	sdelay $0x1  }
0x73: {  	v17, v20, _ =	vpop (xrf1);
	[tilespmem:v8+s17+$0x0] =	vst.idx.msk $0xff, v11  }
0x74: {  	(xrf1) =	vsort.dscd.msk.f32 $0xffff, v18, v0;
	v8 =	vperm.xlane v14, v4;
	v14 =	vperm.xlane v19, v4;
	v11, _, _ =	vpop (xrf0);
	v18 =	vld [tilespmem:s25+$0x70]  }
0x75: {  	(xrf1) =	vsort.dscd.msk.f32 $0xffff, v12, v13;
	v10 =	vsel vm0, v17, v10;
	v12 =	vsel vm0, v20, v16;
	v11 =	vbroadcast v11, $0xF;
	v16, v17, _ =	vpop (xrf1)  }
0x76: {  	v15 =	vmul.f32 $1.442695020e+00, v15;
	v13 =	vld [tilespmem:s25+$0x50];
	(xrf1) =	vsort.dscd.msk.f32 $0xffff, v10, v12;
	v14 =	vsel vm0, v17, v14  }
0x77: {  	v10 =	vld [tilespmem:s25+$0x60];
	v7 =	vsub.f32 v7, v11;
	v8 =	vsel vm0, v16, v8  }
0x78: {  	(erf) = vpow2.f32 v15;
	(xrf1) =	vsort.dscd.msk.f32 $0xffff, v8, v14  }
0x79: {  	v12, v16, _ =	vpop (xrf1);
	v8 =	vld [tilespmem:s25+$0x40];
	v7 =	vmul.f32 $1.442695020e+00, v7;
	(xrf1) =	vsort.dscd.msk.f32 $0xffff, v18, v3  }
0x7a: {  	v11 =	vperm.xlane v12, v4;
	v15 =	vperm.xlane v16, v4;
	v12, v14, _ =	vpop (xrf1)  }
0x7b: {  	(xrf1) =	vsort.dscd.msk.f32 $0xffff, v13, v1;
	v16, v17, _ =	vpop (xrf1)  }
0x7c: {  	(erf) = vpow2.f32 v7;
	(xrf1) =	vsort.dscd.msk.f32 $0xffff, v10, v2;
	v11 =	vsel vm0, v16, v11;
	v13 =	vsel vm0, v17, v15  }
0x7d: {  	(xrf1) =	vsort.dscd.msk.f32 $0xffff, v11, v13  }
0x7e: {  	(xrf1) =	vsort.dscd.msk.f32 $0xffff, v8, v0;
	_ =	sdelay $0x2  }
0x7f: {  	v8 =	vpop (erf)  }
0x80: {  	v14 =	vperm.xlane v14, v4;
	v10, v11, _ =	vpop (xrf1)  }
0x81: {  	v12 =	vperm.xlane v12, v4;
	v13, v7, _ =	vpop (xrf1)  }
0x82: {  	v11 =	vsel vm0, v11, v14;
	v16, v17, _ =	vpop (xrf1)  }
0x83: {  	v10 =	vsel vm0, v10, v12;
	v15 =	vpop (erf)  }
0x84: {  	(xrf1) =	vsort.dscd.msk.f32 $0xffff, v10, v11;
	v15 =	vnsel vm0, $0x0, v15;
	v12 =	vperm.xlane v16, v4;
	v14, v16, _ =	vpop (xrf1)  }
0x85: {  	v10 =	vperm.xlane v17, v4;
	(xrf2) =	vadd.scan.msk.f32 $0xffff, v15;
	v11, v17, _ =	vpop (xrf1)  }
0x86: {  	v12 =	vsel vm0, v14, v12;
	v14 =	vperm.xlane v17, v4  }
0x87: {  	v11 =	vperm.xlane v11, v4;
	v17, v18, _ =	vpop (xrf1)  }
0x88: {  	s23 =	simm.s32 $0x380;
	v10 =	vsel vm0, v16, v10;
	v16 =	vperm.xlane v17, v4;
	v17 =	vperm.xlane v18, v4;
	v18, v19, _ =	vpop (xrf1)  }
0x89: {  	v20 =	vld [tilespmem:s23+$0x10];
	v21, v22, _ =	vpop (xrf1)  }
0x8a: {  	(xrf1) =	vsort.dscd.msk.f32 $0xffff, v12, v10;
	v12 =	vld [tilespmem:s23+$0x30];
	v10 =	vsel vm0, v18, v11;
	v11 =	vsel vm0, v19, v14;
	v14, v18, _ =	vpop (xrf1)  }
0x8b: {  	(xrf1) =	vsort.dscd.msk.f32 $0xffff, v10, v11;
	v10 =	vsel vm0, v14, v16;
	v11 =	vsel vm0, v18, v17  }
0x8c: {  	(xrf1) =	vsort.dscd.msk.f32 $0xffff, v10, v11  }
0x8d: {  	v14 =	vld [tilespmem:s23+$0x20]  }
0x8e: {  	(xrf1) =	vsort.dscd.msk.f32 $0xffff, v20, v1  }
0x8f: {  	v10 =	vld [tilespmem:s23+$0x0];
	(xrf1) =	vsort.dscd.msk.f32 $0xffff, v12, v3;
	v11, _, _ =	vpop (xrf2)  }
0x90: {  	(xrf0) =	vmax.scan.msk.f32 $0xffff, v13;
	v12 =	vld [tilespmem:s23+$0xFFFFFFB0];
	v11 =	vbroadcast v11, $0xF  }
0x91: {  	v16 =	vld [tilespmem:s23+$0xFFFFFF90]  }
0x92: {  	(xrf1) =	vsort.dscd.msk.f32 $0xffff, v14, v2;
	v14 =	vnsel vm0, $0x0, v8;
	v8 =	vld [tilespmem:s23+$0xFFFFFFA0];
	(erf) = vrcp.f32 v11  }
0x93: {  	(xrf2) =	vadd.scan.msk.f32 $0xffff, v14;
	v11 =	vld [tilespmem:s23+$0xFFFFFF80]  }
0x94: {  	s14 =	simm.s32 $0x3;
	(xrf1) =	vsort.dscd.msk.f32 $0xffff, v10, v0  }
0x95: {  	v19 =	vperm.xlane v22, v4;
	v10 =	vmov s14;
	(xrf1) =	vsort.dscd.msk.f32 $0xffff, v12, v3  }
0x96: {  	v18 =	vperm.xlane v21, v4;
	v21, _, _ =	vpop (xrf0);
	v10 =	vand.u32 $0xFF, v10;
	(xrf1) =	vsort.dscd.msk.f32 $0xffff, v16, v1  }
0x97: {  	v12, v17, _ =	vpop (xrf1);
	v10 =	vbroadcast v10, $0x0;
	(xrf1) =	vsort.dscd.msk.f32 $0xffff, v8, v2  }
0x98: {  	v12 =	vsel vm0, v12, v18;
	v16, v8, _ =	vpop (xrf1);
	(xrf1) =	vsort.dscd.msk.f32 $0xffff, v11, v0  }
0x99: {  	v10 =	vor.u32 v5, v10;
	v11, v20, _ =	vpop (xrf1);
	(xrf0) =	vmax.scan.msk.f32 $0xffff, v16  }
0x9a: {  	v17 =	vsel vm0, v17, v19;
	v11 =	vperm.xlane v11, v4;
	v20 =	vperm.xlane v20, v4;
	v18, v19, _ =	vpop (xrf1)  }
0x9b: {  	v21 =	vbroadcast v21, $0xF;
	(xrf1) =	vsort.dscd.msk.f32 $0xffff, v12, v17;
	v12 =	vpop (erf)  }
0x9c: {  	v11 =	vsel vm0, v18, v11;
	v17 =	vsel vm0, v19, v20;
	v18, v19, _ =	vpop (xrf1);
	v12 =	vmul.f32 v12, v15  }
0x9d: {  	(xrf1) =	vsort.dscd.msk.f32 $0xffff, v11, v17;
	v11 =	vsub.f32 v13, v21;
	v13, v15, _ =	vpop (xrf1)  }
0x9e: {  	v13 =	vperm.xlane v13, v4;
	[tilespmem:v10+s15+$0x0] =	vst.idx.msk $0xff, v12  }
0x9f: {  	v15 =	vperm.xlane v15, v4;
	v11 =	vmul.f32 $1.442695020e+00, v11;
	[tilespmem:v10+s17+$0x0] =	vst.idx.msk $0xff, v9;
	v10, _, _ =	vpop (xrf0)  }
0xa0: {  	v9 =	vperm.xlane v18, v4;
	v12, v17, _ =	vpop (xrf1)  }
0xa1: {  	v18 =	vperm.xlane v19, v4;
	v12 =	vsel vm0, v12, v13;
	v13 =	vsel vm0, v17, v15;
	v17, _, _ =	vpop (xrf2)  }
0xa2: {  	v10 =	vbroadcast v10, $0xF;
	v15 =	vld [tilespmem:s20+$0x70];
	(xrf1) =	vsort.dscd.msk.f32 $0xffff, v12, v13;
	v13 =	vbroadcast v17, $0xF  }
0xa3: {  	(erf) = vpow2.f32 v11;
	v12 =	vld [tilespmem:s20+$0x50];
	v11, v17, _ =	vpop (xrf1)  }
0xa4: {  	v19 =	vld [tilespmem:s20+$0x60];
	v10 =	vsub.f32 v16, v10;
	v9 =	vsel vm0, v11, v9;
	v17 =	vsel vm0, v17, v18  }
0xa5: {  	v11, v20, _ =	vpop (xrf1);
	(erf) = vrcp.f32 v13;
	(xrf1) =	vsort.dscd.msk.f32 $0xffff, v9, v17  }
0xa6: {  	v10 =	vmul.f32 $1.442695020e+00, v10;
	v9 =	vld [tilespmem:s20+$0x40];
	v17 =	vperm.xlane v20, v4;
	v13, v16, _ =	vpop (xrf1)  }
0xa7: {  	v11 =	vperm.xlane v11, v4;
	(xrf1) =	vsort.dscd.msk.f32 $0xffff, v15, v3;
	v15, v18, _ =	vpop (xrf1)  }
0xa8: {  	(erf) = vpow2.f32 v10;
	v10 =	vmov s2;
	(xrf1) =	vsort.dscd.msk.f32 $0xffff, v12, v1;
	v12 =	vsel vm0, v18, v17  }
0xa9: {  	v10 =	vand.u32 $0xFE, v10;
	v11 =	vsel vm0, v15, v11;
	(xrf1) =	vsort.dscd.msk.f32 $0xffff, v19, v2  }
0xaa: {  	(xrf1) =	vsort.dscd.msk.f32 $0xffff, v11, v12  }
0xab: {  	v15, v17, _ =	vpop (xrf1);
	(xrf1) =	vsort.dscd.msk.f32 $0xffff, v9, v0;
	v9 =	vbroadcast v10, $0x0  }
0xac: {  	v18, v12, _ =	vpop (xrf1)  }
0xad: {  	v9 =	vor.u32 v5, v9;
	v11, v10, _ =	vpop (xrf1)  }
0xae: {  	v13 =	vperm.xlane v13, v4;
	v16 =	vperm.xlane v16, v4;
	v19 =	vpop (erf);
	(xrf0) =	vmax.scan.msk.f32 $0xffff, v11  }
0xaf: {  	v20 =	vpop (erf)  }
0xb0: {  	v13 =	vsel vm0, v15, v13;
	v15 =	vsel vm0, v17, v16;
	v14 =	vmul.f32 v20, v14;
	v20, v21, _ =	vpop (xrf1)  }
0xb1: {  	(xrf1) =	vsort.dscd.msk.f32 $0xffff, v13, v15;
	v13 =	vperm.xlane v20, v4  }
0xb2: {  	v16 =	vpop (erf);
	[tilespmem:v9+s15+$0x0] =	vst.idx.msk $0xff, v14  }
0xb3: {  	v16 =	vnsel vm0, $0x0, v16;
	[tilespmem:v9+s17+$0x0] =	vst.idx.msk $0xff, v6;
	v6, v9, _ =	vpop (xrf1)  }
0xb4: {  	(xrf2) =	vadd.scan.msk.f32 $0xffff, v16;
	v14, _, _ =	vpop (xrf0)  }
0xb5: {  	v15 =	vnsel vm0, $0x0, v19;
	v19 =	vperm.xlane v21, v4;
	v6 =	vsel vm0, v6, v13;
	v13, v20, _ =	vpop (xrf1)  }
0xb6: {  	v17 =	vld [tilespmem:s25+$0xFFFFFFF0];
	v14 =	vbroadcast v14, $0xF;
	v20 =	vperm.xlane v20, v4  }
0xb7: {  	s16 =	simm.s32 $0x480;
	(xrf2) =	vadd.scan.msk.f32 $0xffff, v15;
	v9 =	vsel vm0, v9, v19;
	v13 =	vperm.xlane v13, v4;
	v21, v22, _ =	vpop (xrf1)  }
0xb8: {  	v23 =	vld [tilespmem:s16+$0x10];
	(xrf0) =	vmax.scan.msk.f32 $0xffff, v18;
	v11 =	vsub.f32 v11, v14;
	v14 =	vperm.xlane v21, v4;
	v19 =	vperm.xlane v22, v4;
	v21, v22, _ =	vpop (xrf1)  }
0xb9: {  	(xrf1) =	vsort.dscd.msk.f32 $0xffff, v6, v9;
	v24, v25, _ =	vpop (xrf1);
	v6 =	vsel vm0, v21, v13;
	v9 =	vsel vm0, v22, v20;
	v13 =	vld [tilespmem:s16+$0x30]  }
0xba: {  	v11 =	vmul.f32 $1.442695020e+00, v11;
	(xrf1) =	vsort.dscd.msk.f32 $0xffff, v6, v9;
	v6 =	vld [tilespmem:s16+$0x20];
	v20, v21, _ =	vpop (xrf1)  }
0xbb: {  	(xrf1) =	vsort.dscd.msk.f32 $0xffff, v17, v3;
	v9 =	vsel vm0, v20, v14;
	v14 =	vsel vm0, v21, v19  }
0xbc: {  	(erf) = vpow2.f32 v11;
	(xrf1) =	vsort.dscd.msk.f32 $0xffff, v9, v14  }
0xbd: {  	v9 =	vld [tilespmem:s16+$0x0];
	(xrf1) =	vsort.dscd.msk.f32 $0xffff, v23, v1  }
0xbe: {  	v11 =	vld [tilespmem:s16+$0xFFFFFFB0];
	(xrf1) =	vsort.dscd.msk.f32 $0xffff, v13, v3;
	v13, _, _ =	vpop (xrf2)  }
0xbf: {  	(xrf1) =	vsort.dscd.msk.f32 $0xffff, v6, v2;
	v6 =	vbroadcast v13, $0xF  }
0xc0: {  	v14 =	vld [tilespmem:s16+$0xFFFFFF90]  }
0xc1: {  	v13 =	vld [tilespmem:s16+$0xFFFFFFA0]  }
0xc2: {  	s14 =	simm.s32 $0x5;
	(erf) = vrcp.f32 v6;
	(xrf1) =	vsort.dscd.msk.f32 $0xffff, v9, v0  }
0xc3: {  	v19 =	vld [tilespmem:s16+$0xFFFFFF80];
	v21 =	vperm.xlane v24, v4;
	v6, v17, _ =	vpop (xrf1);
	(xrf1) =	vsort.dscd.msk.f32 $0xffff, v11, v3;
	v11 =	vmov s14  }
0xc4: {  	v22 =	vperm.xlane v25, v4;
	v20, _, _ =	vpop (xrf0);
	v24 =	vand.u32 $0xFF, v11  }
0xc5: {  	v9 =	vpop (erf);
	(xrf1) =	vsort.dscd.msk.f32 $0xffff, v14, v1;
	v24 =	vbroadcast v24, $0x0  }
0xc6: {  	v23, _, _ =	vpop (xrf2);
	v17 =	vsel vm0, v17, v22;
	v14 =	vnsel vm0, $0x0, v9;
	v9 =	vld [tilespmem:s25+$0xFFFFFFD0];
	(xrf1) =	vsort.dscd.msk.f32 $0xffff, v13, v2  }
0xc7: {  	v6 =	vsel vm0, v6, v21;
	(xrf2) =	vadd.scan.msk.f32 $0xffff, v14;
	v13, v11, _ =	vpop (xrf1)  }
0xc8: {  	(xrf1) =	vsort.dscd.msk.f32 $0xffff, v19, v0;
	v19, v21, _ =	vpop (xrf1)  }
0xc9: {  	v22 =	vor.u32 v5, v24;
	(xrf0) =	vmax.scan.msk.f32 $0xffff, v13;
	v19 =	vperm.xlane v19, v4;
	v24, v25, _ =	vpop (xrf1)  }
0xca: {  	v21 =	vperm.xlane v21, v4;
	(xrf1) =	vsort.dscd.msk.f32 $0xffff, v6, v17;
	v6, v17, _ =	vpop (xrf1)  }
0xcb: {  	v20 =	vbroadcast v20, $0xF;
	v27 =	vpop (erf);
	(xrf1) =	vsort.dscd.msk.f32 $0xffff, v9, v1  }
0xcc: {  	v6 =	vsel vm0, v6, v19;
	v17 =	vsel vm0, v17, v21;
	v16 =	vmul.f32 v27, v16  }
0xcd: {  	v26 =	vld [tilespmem:s25+$0xFFFFFFE0];
	(xrf1) =	vsort.dscd.msk.f32 $0xffff, v6, v17;
	v6 =	vsub.f32 v18, v20  }
0xce: {  	v9, v19, _ =	vpop (xrf1)  }
0xcf: {  	v6 =	vmul.f32 $1.442695020e+00, v6;
	v17, v18, _ =	vpop (xrf1)  }
0xd0: {  	[tilespmem:v22+s15+$0x0] =	vst.idx.msk $0xff, v16;
	v16, _, _ =	vpop (xrf0);
	v17 =	vperm.xlane v17, v4;
	v18 =	vperm.xlane v18, v4  }
0xd1: {  	[tilespmem:v22+s17+$0x0] =	vst.idx.msk $0xff, v8;
	v8 =	vbroadcast v23, $0xF;
	v19 =	vperm.xlane v19, v4;
	v20, v21, _ =	vpop (xrf1)  }
0xd2: {  	(xrf1) =	vsort.dscd.msk.f32 $0xffff, v26, v2;
	v16 =	vbroadcast v16, $0xF;
	v22, v23, _ =	vpop (xrf1);
	v17 =	vsel vm0, v20, v17;
	v18 =	vsel vm0, v21, v18;
	v20 =	vld [tilespmem:s13+$0x70]  }
0xd3: {  	v9 =	vperm.xlane v9, v4;
	(erf) = vpow2.f32 v6;
	v21, _, _ =	vpop (xrf2);
	(xrf1) =	vsort.dscd.msk.f32 $0xffff, v17, v18;
	v17 =	vld [tilespmem:s13+$0x50]  }
0xd4: {  	(erf) = vrcp.f32 v8;
	v6 =	vbroadcast v21, $0xF;
	v18 =	vld [tilespmem:s13+$0x60]  }
0xd5: {  	v9 =	vsel vm0, v22, v9;
	v8 =	vsel vm0, v23, v19;
	v13 =	vsub.f32 v13, v16;
	v21, v22, _ =	vpop (xrf1)  }
0xd6: {  	(xrf1) =	vsort.dscd.msk.f32 $0xffff, v9, v8;
	v16, v19, _ =	vpop (xrf1);
	(erf) = vrcp.f32 v6;
	v6 =	vperm.xlane v21, v4  }
0xd7: {  	v9 =	vperm.xlane v22, v4;
	v13 =	vmul.f32 $1.442695020e+00, v13;
	(xrf1) =	vsort.dscd.msk.f32 $0xffff, v20, v3;
	v20, v21, _ =	vpop (xrf1)  }
0xd8: {  	s19 =	simm.s32 $0x2;
	(xrf1) =	vsort.dscd.msk.f32 $0xffff, v17, v1;
	v6 =	vsel vm0, v20, v6  }
0xd9: {  	v8 =	vld [tilespmem:s13+$0x40];
	(erf) = vpow2.f32 v13;
	v13 =	vmov s19;
	v9 =	vsel vm0, v21, v9;
	v20, v21, _ =	vpop (xrf1);
	(xrf1) =	vsort.dscd.msk.f32 $0xffff, v18, v2  }
0xda: {  	(xrf1) =	vsort.dscd.msk.f32 $0xffff, v6, v9;
	v9 =	vand.u32 $0xFE, v13;
	_ =	sdelay $0x1  }
0xdb: {  	v22, v6, _ =	vpop (xrf1)  }
0xdc: {  	v19 =	vperm.xlane v19, v4;
	v17, v13, _ =	vpop (xrf1)  }
0xdd: {  	v16 =	vperm.xlane v16, v4;
	(xrf1) =	vsort.dscd.msk.f32 $0xffff, v8, v0;
	v8 =	vbroadcast v9, $0x0;
	v23, v9, _ =	vpop (xrf1)  }
0xde: {  	v18 =	vld [tilespmem:s25+$0xFFFFFFC0];
	v26 =	vpop (erf);
	v19 =	vsel vm0, v21, v19;
	(xrf0) =	vmax.scan.msk.f32 $0xffff, v23  }
0xdf: {  	v16 =	vsel vm0, v20, v16;
	v27 =	vpop (erf);
	v8 =	vor.u32 v5, v8  }
0xe0: {  	v28 =	vpop (erf)  }
0xe1: {  	v25 =	vperm.xlane v25, v4;
	v20, v21, _ =	vpop (xrf1)  }
0xe2: {  	v24 =	vperm.xlane v24, v4;
	v15 =	vmul.f32 v27, v15;
	(xrf1) =	vsort.dscd.msk.f32 $0xffff, v16, v19;
	v16, v19, _ =	vpop (xrf1)  }
0xe3: {  	(xrf1) =	vsort.dscd.msk.f32 $0xffff, v18, v0;
	v18 =	vpop (erf);
	v21 =	vsel vm0, v21, v25;
	v16 =	vperm.xlane v16, v4  }
0xe4: {  	[tilespmem:v8+s15+$0x0] =	vst.idx.msk $0xff, v15;
	v15 =	vsel vm0, v20, v24;
	v20 =	vnsel vm0, $0x0, v18;
	v18, _, _ =	vpop (xrf0)  }
0xe5: {  	v24 =	vbroadcast v18, $0xF  }
0xe6: {  	[tilespmem:v8+s17+$0x0] =	vst.idx.msk $0xff, v7;
	v7, v8, _ =	vpop (xrf1)  }
0xe7: {  	(xrf1) =	vsort.dscd.msk.f32 $0xffff, v15, v21;
	v7 =	vsel vm0, v7, v16;
	v16, v21, _ =	vpop (xrf1);
	v23 =	vsub.f32 v23, v24  }
0xe8: {  	v19 =	vperm.xlane v19, v4;
	(xrf2) =	vadd.scan.msk.f32 $0xffff, v20;
	v15 =	vld [tilespmem:s20+$0xFFFFFFF0];
	v21 =	vperm.xlane v21, v4  }
0xe9: {  	(xrf0) =	vmax.scan.msk.f32 $0xffff, v22;
	v18 =	vnsel vm0, $0x0, v26;
	v16 =	vperm.xlane v16, v4;
	v25, v26, _ =	vpop (xrf1)  }
0xea: {  	v8 =	vsel vm0, v8, v19;
	(xrf2) =	vadd.scan.msk.f32 $0xffff, v18;
	v19 =	vperm.xlane v25, v4;
	v24 =	vperm.xlane v26, v4;
	v25, v26, _ =	vpop (xrf1)  }
0xeb: {  	s0 =	simm.s32 $0x580;
	(xrf1) =	vsort.dscd.msk.f32 $0xffff, v7, v8;
	v29, v30, _ =	vpop (xrf1);
	v7 =	vsel vm0, v25, v16;
	v8 =	vsel vm0, v26, v21  }
0xec: {  	v27 =	vld [tilespmem:s0+$0x10];
	v16 =	vmul.f32 $1.442695020e+00, v23;
	(xrf1) =	vsort.dscd.msk.f32 $0xffff, v7, v8;
	v21, v23, _ =	vpop (xrf1)  }
0xed: {  	v7 =	vld [tilespmem:s0+$0x30];
	(xrf1) =	vsort.dscd.msk.f32 $0xffff, v15, v3;
	v8 =	vsel vm0, v21, v19;
	v19 =	vsel vm0, v23, v24  }
0xee: {  	v15 =	vld [tilespmem:s0+$0x20];
	(xrf1) =	vsort.dscd.msk.f32 $0xffff, v8, v19  }
0xef: {  	(erf) = vpow2.f32 v16;
	v19 =	vld [tilespmem:s0+$0x0]  }
0xf0: {  	s24 =	simm.s32 $0x101;
	v21 =	vld [tilespmem:s0+$0xFFFFFFB0]  }
0xf1: {  	v25 =	vld [tilespmem:s0+$0xFFFFFF90];
	v26, _, _ =	vpop (xrf0);
	v8 =	vmov s24;
	(xrf1) =	vsort.dscd.msk.f32 $0xffff, v27, v1  }
0xf2: {  	v16, _, _ =	vpop (xrf2);
	v8 =	vand.u32 $0x1FF, v8;
	(xrf1) =	vsort.dscd.msk.f32 $0xffff, v7, v3  }
0xf3: {  	v23, v24, _ =	vpop (xrf1);
	v7 =	vbroadcast v16, $0xF;
	v8 =	vbroadcast v8, $0x0;
	(xrf1) =	vsort.dscd.msk.f32 $0xffff, v15, v2  }
0xf4: {  	v27, v31, _ =	vpop (xrf1);
	(xrf1) =	vsort.dscd.msk.f32 $0xffff, v19, v0;
	v19 =	vmul.f32 v28, v14;
	v14 =	vbroadcast v26, $0xF  }
0xf5: {  	s25 =	simm.s32 $0x7;
	v15, v16, _ =	vpop (xrf1);
	(erf) = vrcp.f32 v7;
	v7 =	vor.u32 v5, v8;
	(xrf1) =	vsort.dscd.msk.f32 $0xffff, v21, v3  }
0xf6: {  	v32 =	vld [tilespmem:s0+$0xFFFFFFA0];
	v21 =	vperm.xlane v29, v4;
	v29 =	vperm.xlane v30, v4;
	(xrf1) =	vsort.dscd.msk.f32 $0xffff, v25, v1;
	v25 =	vmov s25  }
0xf7: {  	v33 =	vld [tilespmem:s0+$0xFFFFFF80];
	v26, _, _ =	vpop (xrf2);
	v25 =	vand.u32 $0xFF, v25  }
0xf8: {  	v8 =	vpop (erf)  }
0xf9: {  	v8 =	vnsel vm0, $0x0, v8;
	v22 =	vsub.f32 v22, v14;
	v30, v14, _ =	vpop (xrf1)  }
0xfa: {  	v28 =	vld [tilespmem:s20+$0xFFFFFFD0];
	(xrf2) =	vadd.scan.msk.f32 $0xffff, v8;
	v21 =	vsel vm0, v23, v21;
	[tilespmem:v7+s15+$0x0] =	vst.idx.msk $0xff, v19;
	v19 =	vbroadcast v25, $0x0;
	v25, v50, _ =	vpop (xrf1)  }
0xfb: {  	v23 =	vsel vm0, v24, v29;
	v22 =	vmul.f32 $1.442695020e+00, v22;
	(xrf1) =	vsort.dscd.msk.f32 $0xffff, v32, v2;
	v24, v29, _ =	vpop (xrf1);
	v25 =	vperm.xlane v25, v4  }
0xfc: {  	(xrf1) =	vsort.dscd.msk.f32 $0xffff, v33, v0;
	v51, v34, _ =	vpop (xrf1)  }
0xfd: {  	(xrf0) =	vmax.scan.msk.f32 $0xffff, v30;
	(erf) = vpow2.f32 v22;
	v32 =	vperm.xlane v50, v4;
	v22 =	vsel vm0, v51, v25  }
0xfe: {  	[tilespmem:v7+s17+$0x0] =	vst.idx.msk $0xff, v10;
	v19 =	vor.u32 v5, v19;
	v10 =	vpop (erf);
	(xrf1) =	vsort.dscd.msk.f32 $0xffff, v21, v23  }
0xff: {  	v7 =	vld [tilespmem:s20+$0xFFFFFFE0];
	v23 =	vsel vm0, v34, v32;
	(xrf1) =	vsort.dscd.msk.f32 $0xffff, v28, v1;
	v25, v28, _ =	vpop (xrf1)  }
0x100: {  	v21 =	vld [tilespmem:s20+$0xFFFFFFC0];
	(xrf1) =	vsort.dscd.msk.f32 $0xffff, v22, v23  }
0x101: {  	v10 =	vmul.f32 v10, v20;
	v20, v22, _ =	vpop (xrf1)  }
0x102: {  	v22 =	vperm.xlane v22, v4  }
0x103: {  	[tilespmem:v19+s15+$0x0] =	vst.idx.msk $0xff, v10;
	v10 =	vperm.xlane v25, v4;
	v25, _, _ =	vpop (xrf0);
	v20 =	vperm.xlane v20, v4  }
0x104: {  	[tilespmem:v19+s17+$0x0] =	vst.idx.msk $0xff, v11;
	v11 =	vbroadcast v26, $0xF;
	v23, v32, _ =	vpop (xrf1);
	(xrf1) =	vsort.dscd.msk.f32 $0xffff, v7, v2  }
0x105: {  	v7 =	vsel vm0, v23, v20;
	v19 =	vsel vm0, v32, v22;
	v23 =	vperm.xlane v28, v4;
	v26, v28, _ =	vpop (xrf1)  }
0x106: {  	v20 =	vld [tilespmem:s23+$0x70];
	(xrf1) =	vsort.dscd.msk.f32 $0xffff, v7, v19;
	v7 =	vbroadcast v25, $0xF;
	v22, _, _ =	vpop (xrf2)  }
0x107: {  	(erf) = vrcp.f32 v11;
	v19 =	vld [tilespmem:s23+$0x50];
	v11 =	vsel vm0, v28, v23;
	v22 =	vbroadcast v22, $0xF  }
0x108: {  	v10 =	vsel vm0, v26, v10;
	v26, v52, _ =	vpop (xrf1);
	v7 =	vsub.f32 v30, v7  }
0x109: {  	(erf) = vrcp.f32 v22;
	v22 =	vperm.xlane v26, v4  }
0x10a: {  	v25 =	vld [tilespmem:s23+$0x60];
	(xrf1) =	vsort.dscd.msk.f32 $0xffff, v10, v11;
	v11, v23, _ =	vpop (xrf1);
	v26 =	vperm.xlane v52, v4;
	v7 =	vmul.f32 $1.442695020e+00, v7  }
0x10b: {  	(xrf1) =	vsort.dscd.msk.f32 $0xffff, v20, v3;
	v20, v28, _ =	vpop (xrf1)  }
0x10c: {  	s20 =	simm.s32 $0x4;
	v10 =	vld [tilespmem:s23+$0x40];
	(xrf1) =	vsort.dscd.msk.f32 $0xffff, v19, v1;
	v19 =	vsel vm0, v20, v22;
	v20 =	vsel vm0, v28, v26  }
0x10d: {  	v22 =	vmov s20  }
0x10e: {  	v11 =	vperm.xlane v11, v4;
	(erf) = vpow2.f32 v7;
	v26, v28, _ =	vpop (xrf1)  }
0x10f: {  	v23 =	vperm.xlane v23, v4;
	(xrf1) =	vsort.dscd.msk.f32 $0xffff, v25, v2;
	v25, v7, _ =	vpop (xrf1)  }
0x110: {  	(xrf1) =	vsort.dscd.msk.f32 $0xffff, v19, v20;
	v19 =	vand.u32 $0xFE, v22;
	v26 =	vsel vm0, v26, v11;
	v22, v20, _ =	vpop (xrf1)  }
0x111: {  	v23 =	vsel vm0, v28, v23;
	(xrf1) =	vsort.dscd.msk.f32 $0xffff, v10, v0;
	v19 =	vbroadcast v19, $0x0;
	v30, v10, _ =	vpop (xrf1)  }
0x112: {  	v13 =	vperm.xlane v13, v4;
	v53 =	vpop (erf);
	(xrf0) =	vmax.scan.msk.f32 $0xffff, v30  }
0x113: {  	v17 =	vperm.xlane v17, v4;
	v54 =	vpop (erf);
	v19 =	vor.u32 v5, v19  }
0x114: {  	v13 =	vsel vm0, v31, v13;
	(xrf1) =	vsort.dscd.msk.f32 $0xffff, v26, v23;
	v23, v26, _ =	vpop (xrf1)  }
0x115: {  	v17 =	vsel vm0, v27, v17;
	v24 =	vperm.xlane v24, v4;
	(xrf1) =	vsort.dscd.msk.f32 $0xffff, v21, v0;
	v21, v27, _ =	vpop (xrf1)  }
0x116: {  	v18 =	vmul.f32 v54, v18;
	v11 =	vpop (erf);
	v21 =	vperm.xlane v21, v4  }
0x117: {  	v28 =	vperm.xlane v29, v4;
	(xrf1) =	vsort.dscd.msk.f32 $0xffff, v17, v13;
	v13 =	vpop (erf)  }
0x118: {  	[tilespmem:v19+s15+$0x0] =	vst.idx.msk $0xff, v18;
	v18 =	vsel vm0, v23, v24;
	v23 =	vnsel vm0, $0x0, v13;
	v13, _, _ =	vpop (xrf0)  }
0x119: {  	v24 =	vsel vm0, v26, v28;
	[tilespmem:v19+s17+$0x0] =	vst.idx.msk $0xff, v12;
	v12, v19, _ =	vpop (xrf1)  }
0x11a: {  	(xrf1) =	vsort.dscd.msk.f32 $0xffff, v18, v24;
	v24 =	vperm.xlane v27, v4;
	v12 =	vsel vm0, v12, v21;
	v21, v26, _ =	vpop (xrf1)  }
0x11b: {  	(xrf2) =	vadd.scan.msk.f32 $0xffff, v23;
	v13 =	vbroadcast v13, $0xF;
	v18 =	vld [tilespmem:s13+$0xFFFFFFF0];
	v26 =	vperm.xlane v26, v4  }
0x11c: {  	v17 =	vnsel vm0, $0x0, v53;
	(xrf0) =	vmax.scan.msk.f32 $0xffff, v25;
	v21 =	vperm.xlane v21, v4;
	v27, v28, _ =	vpop (xrf1);
	v19 =	vsel vm0, v19, v24  }
0x11d: {  	(xrf2) =	vadd.scan.msk.f32 $0xffff, v17;
	v13 =	vsub.f32 v30, v13;
	v24 =	vperm.xlane v27, v4;
	v27 =	vperm.xlane v28, v4;
	v28, v29, _ =	vpop (xrf1)  }
0x11e: {  	s28 =	simm.s32 $0x680;
	(xrf1) =	vsort.dscd.msk.f32 $0xffff, v12, v19;
	v31, v55, _ =	vpop (xrf1);
	v12 =	vsel vm0, v28, v21;
	v19 =	vsel vm0, v29, v26  }
0x11f: {  	v30 =	vld [tilespmem:s28+$0x10];
	v13 =	vmul.f32 $1.442695020e+00, v13;
	v26, v28, _ =	vpop (xrf1);
	(xrf1) =	vsort.dscd.msk.f32 $0xffff, v12, v19  }
0x120: {  	v21 =	vld [tilespmem:s28+$0x30];
	v19 =	vsel vm0, v26, v24;
	v24 =	vsel vm0, v28, v27;
	(xrf1) =	vsort.dscd.msk.f32 $0xffff, v18, v3  }
0x121: {  	v12 =	vld [tilespmem:s28+$0x20];
	(erf) = vpow2.f32 v13;
	(xrf1) =	vsort.dscd.msk.f32 $0xffff, v19, v24;
	_ =	sdelay $0x1  }
0x122: {  	v13 =	vld [tilespmem:s28+$0x0]  }
0x123: {  	v18 =	vld [tilespmem:s28+$0xFFFFFFB0];
	v27, _, _ =	vpop (xrf0);
	(xrf1) =	vsort.dscd.msk.f32 $0xffff, v30, v1  }
0x124: {  	v26 =	vld [tilespmem:s28+$0xFFFFFF90];
	(xrf1) =	vsort.dscd.msk.f32 $0xffff, v21, v3;
	v19, _, _ =	vpop (xrf2)  }
0x125: {  	v21, v24, _ =	vpop (xrf1);
	(xrf1) =	vsort.dscd.msk.f32 $0xffff, v12, v2;
	v12 =	vbroadcast v19, $0xF;
	v19 =	vld [tilespmem:s28+$0xFFFFFFA0]  }
0x126: {  	v57 =	vld [tilespmem:s28+$0xFFFFFF80];
	v36, _, _ =	vpop (xrf2)  }
0x127: {  	v28, v29, _ =	vpop (xrf1);
	(xrf1) =	vsort.dscd.msk.f32 $0xffff, v13, v0;
	(erf) = vrcp.f32 v12  }
0x128: {  	v31 =	vperm.xlane v31, v4;
	v32 =	vperm.xlane v55, v4;
	v30, v56, _ =	vpop (xrf1);
	(xrf1) =	vsort.dscd.msk.f32 $0xffff, v18, v3  }
0x129: {  	s26 =	simm.s32 $0x9;
	(xrf1) =	vsort.dscd.msk.f32 $0xffff, v26, v1;
	v13 =	vpop (erf)  }
0x12a: {  	v35 =	vld [tilespmem:s13+$0xFFFFFFD0];
	v24 =	vsel vm0, v24, v32;
	v26 =	vmov s26;
	v18, v12, _ =	vpop (xrf1);
	(xrf1) =	vsort.dscd.msk.f32 $0xffff, v19, v2  }
0x12b: {  	v21 =	vsel vm0, v21, v31;
	v26 =	vand.u32 $0xFF, v26;
	v13 =	vnsel vm0, $0x0, v13;
	(xrf1) =	vsort.dscd.msk.f32 $0xffff, v57, v0;
	v37, v19, _ =	vpop (xrf1)  }
0x12c: {  	v26 =	vbroadcast v26, $0x0;
	(xrf2) =	vadd.scan.msk.f32 $0xffff, v13;
	v31, v58, _ =	vpop (xrf1)  }
0x12d: {  	(xrf0) =	vmax.scan.msk.f32 $0xffff, v37;
	v31 =	vperm.xlane v31, v4;
	v32 =	vperm.xlane v58, v4;
	v59, v38, _ =	vpop (xrf1)  }
0x12e: {  	v27 =	vbroadcast v27, $0xF;
	v26 =	vor.u32 v5, v26;
	(xrf1) =	vsort.dscd.msk.f32 $0xffff, v21, v24;
	v21, v24, _ =	vpop (xrf1)  }
0x12f: {  	(xrf1) =	vsort.dscd.msk.f32 $0xffff, v35, v1;
	v21 =	vsel vm0, v21, v31;
	v24 =	vsel vm0, v24, v32  }
0x130: {  	v40 =	vpop (erf);
	(xrf1) =	vsort.dscd.msk.f32 $0xffff, v21, v24;
	v21 =	vsub.f32 v25, v27  }
0x131: {  	v39 =	vld [tilespmem:s13+$0xFFFFFFE0];
	v23 =	vmul.f32 v40, v23;
	v31, v60, _ =	vpop (xrf1)  }
0x132: {  	v24, v25, _ =	vpop (xrf1);
	v21 =	vmul.f32 $1.442695020e+00, v21  }
0x133: {  	[tilespmem:v26+s15+$0x0] =	vst.idx.msk $0xff, v23;
	v23 =	vperm.xlane v31, v4;
	v31, _, _ =	vpop (xrf0);
	v24 =	vperm.xlane v24, v4  }
0x134: {  	[tilespmem:v26+s17+$0x0] =	vst.idx.msk $0xff, v14;
	v14 =	vbroadcast v36, $0xF;
	v25 =	vperm.xlane v25, v4;
	v27, v61, _ =	vpop (xrf1)  }
0x135: {  	v32 =	vperm.xlane v60, v4;
	v63, v62, _ =	vpop (xrf1);
	(erf) = vpow2.f32 v21;
	v24 =	vsel vm0, v27, v24  }
0x136: {  	(xrf1) =	vsort.dscd.msk.f32 $0xffff, v39, v2;
	v26 =	vld [tilespmem:s16+$0x70];
	v25 =	vsel vm0, v61, v25;
	v27, _, _ =	vpop (xrf2);
	v23 =	vsel vm0, v63, v23;
	(erf) = vrcp.f32 v14  }
0x137: {  	v14 =	vsel vm0, v62, v32;
	(xrf1) =	vsort.dscd.msk.f32 $0xffff, v24, v25;
	v24 =	vbroadcast v31, $0xF;
	v25 =	vld [tilespmem:s16+$0x50];
	v21 =	vbroadcast v27, $0xF;
	v31, v40, _ =	vpop (xrf1)  }
0x138: {  	v27 =	vld [tilespmem:s16+$0x60];
	(xrf1) =	vsort.dscd.msk.f32 $0xffff, v23, v14;
	v14 =	vperm.xlane v40, v4  }
0x139: {  	(erf) = vrcp.f32 v21;
	v21 =	vperm.xlane v31, v4;
	v31, v41, _ =	vpop (xrf1)  }
0x13a: {  	v23 =	vld [tilespmem:s16+$0x40];
	v24 =	vsub.f32 v37, v24;
	v43, v42, _ =	vpop (xrf1)  }
0x13b: {  	(xrf1) =	vsort.dscd.msk.f32 $0xffff, v26, v3;
	v14 =	vsel vm0, v42, v14  }
0x13c: {  	s21 =	simm.s32 $0x6;
	v24 =	vmul.f32 $1.442695020e+00, v24;
	(xrf1) =	vsort.dscd.msk.f32 $0xffff, v25, v1  }
0x13d: {  	v26 =	vmov s21;
	v21 =	vsel vm0, v43, v21;
	(xrf1) =	vsort.dscd.msk.f32 $0xffff, v27, v2  }
0x13e: {  	v32 =	vperm.xlane v41, v4;
	v44, v45, _ =	vpop (xrf1);
	(erf) = vpow2.f32 v24;
	v24 =	vand.u32 $0xFE, v26;
	(xrf1) =	vsort.dscd.msk.f32 $0xffff, v21, v14  }
0x13f: {  	v31 =	vperm.xlane v31, v4;
	v24 =	vbroadcast v24, $0x0;
	v27, v14, _ =	vpop (xrf1);
	(xrf1) =	vsort.dscd.msk.f32 $0xffff, v23, v0;
	v23 =	vld [tilespmem:s13+$0xFFFFFFC0]  }
0x140: {  	v22 =	vperm.xlane v22, v4;
	v32 =	vsel vm0, v45, v32;
	v47 =	vpop (erf)  }
0x141: {  	v20 =	vperm.xlane v20, v4;
	v31 =	vsel vm0, v44, v31;
	v25, v21, _ =	vpop (xrf1);
	v24 =	vor.u32 v5, v24  }
0x142: {  	v26 =	vperm.xlane v15, v4;
	(xrf1) =	vsort.dscd.msk.f32 $0xffff, v31, v32;
	v46, v15, _ =	vpop (xrf1)  }
0x143: {  	v22 =	vsel vm0, v28, v22;
	v20 =	vsel vm0, v29, v20;
	v48 =	vpop (erf);
	(xrf0) =	vmax.scan.msk.f32 $0xffff, v46  }
0x144: {  	v28 =	vperm.xlane v59, v4;
	v17 =	vmul.f32 v48, v17;
	v31, v32, _ =	vpop (xrf1);
	(xrf1) =	vsort.dscd.msk.f32 $0xffff, v23, v0  }
0x145: {  	v49 =	vperm.xlane v16, v4;
	v29 =	vperm.xlane v38, v4;
	v23, v50, _ =	vpop (xrf1);
	(xrf1) =	vsort.dscd.msk.f32 $0xffff, v22, v20  }
0x146: {  	v16 =	vpop (erf);
	v20 =	vsel vm0, v31, v28;
	[tilespmem:v24+s15+$0x0] =	vst.idx.msk $0xff, v17;
	v17 =	vperm.xlane v23, v4  }
0x147: {  	v30 =	vsel vm0, v30, v26;
	v22 =	vsel vm0, v32, v29;
	v26 =	vpop (erf)  }
0x148: {  	(xrf1) =	vsort.dscd.msk.f32 $0xffff, v20, v22;
	[tilespmem:v24+s17+$0x0] =	vst.idx.msk $0xff, v6;
	v6, v24, _ =	vpop (xrf1);
	v22 =	vnsel vm0, $0x0, v26  }
0x149: {  	v20, _, _ =	vpop (xrf0);
	(xrf2) =	vadd.scan.msk.f32 $0xffff, v22  }
0x14a: {  	v23 =	vsel vm0, v56, v49;
	v28 =	vperm.xlane v50, v4;
	v6 =	vsel vm0, v6, v17;
	v17, v29, _ =	vpop (xrf1)  }
0x14b: {  	(xrf1) =	vsort.dscd.msk.f32 $0xffff, v30, v23;
	v23 =	vld [tilespmem:s23+$0xFFFFFFF0];
	v20 =	vbroadcast v20, $0xF;
	v29 =	vperm.xlane v29, v4  }
0x14c: {  	s24 =	simm.s32 $0x780;
	v26 =	vnsel vm0, $0x0, v47;
	v24 =	vsel vm0, v24, v28;
	v17 =	vperm.xlane v17, v4;
	v30, v31, _ =	vpop (xrf1)  }
0x14d: {  	v52 =	vld [tilespmem:s24+$0x10];
	(xrf2) =	vadd.scan.msk.f32 $0xffff, v26;
	v20 =	vsub.f32 v46, v20;
	v28 =	vperm.xlane v30, v4;
	v30 =	vperm.xlane v31, v4;
	v31, v51, _ =	vpop (xrf1)  }
0x14e: {  	v54, v53, _ =	vpop (xrf1);
	(xrf1) =	vsort.dscd.msk.f32 $0xffff, v6, v24;
	v6 =	vsel vm0, v31, v17;
	v17 =	vsel vm0, v51, v29;
	v24 =	vld [tilespmem:s24+$0x30]  }
0x14f: {  	v20 =	vmul.f32 $1.442695020e+00, v20;
	(xrf1) =	vsort.dscd.msk.f32 $0xffff, v6, v17;
	v6 =	vld [tilespmem:s24+$0x20];
	v29, v31, _ =	vpop (xrf1)  }
0x150: {  	(xrf1) =	vsort.dscd.msk.f32 $0xffff, v23, v3;
	v17 =	vsel vm0, v29, v28;
	v28 =	vsel vm0, v31, v30  }
0x151: {  	(erf) = vpow2.f32 v20;
	(xrf1) =	vsort.dscd.msk.f32 $0xffff, v17, v28  }
0x152: {  	v17 =	vld [tilespmem:s24+$0x0];
	(xrf1) =	vsort.dscd.msk.f32 $0xffff, v52, v1  }
0x153: {  	v20 =	vld [tilespmem:s24+$0xFFFFFFB0];
	v23, _, _ =	vpop (xrf2);
	(xrf1) =	vsort.dscd.msk.f32 $0xffff, v24, v3  }
0x154: {  	v29 =	vld [tilespmem:s24+$0xFFFFFF90];
	v28, v30, _ =	vpop (xrf1);
	(xrf1) =	vsort.dscd.msk.f32 $0xffff, v6, v2;
	v6 =	vbroadcast v23, $0xF  }
0x155: {  	(xrf0) =	vmax.scan.msk.f32 $0xffff, v27  }
0x156: {  	v32, v36, _ =	vpop (xrf1)  }
0x157: {  	v37, v38, _ =	vpop (xrf1);
	(xrf1) =	vsort.dscd.msk.f32 $0xffff, v17, v0  }
0x158: {  	s2 =	simm.s32 $0xB;
	v55 =	vld [tilespmem:s24+$0xFFFFFFA0];
	v24, v23, _ =	vpop (xrf1);
	(xrf1) =	vsort.dscd.msk.f32 $0xffff, v20, v3  }
0x159: {  	v56 =	vld [tilespmem:s24+$0xFFFFFF80];
	(erf) = vrcp.f32 v6;
	v17, v6, _ =	vpop (xrf1);
	(xrf1) =	vsort.dscd.msk.f32 $0xffff, v29, v1;
	v29 =	vmov s2  }
0x15a: {  	v35 =	vperm.xlane v53, v4;
	v20 =	vpop (erf);
	v42 =	vand.u32 $0xFF, v29  }
0x15b: {  	v34 =	vperm.xlane v54, v4;
	v31, _, _ =	vpop (xrf0);
	v20 =	vnsel vm0, $0x0, v20;
	v42 =	vbroadcast v42, $0x0  }
0x15c: {  	v41, _, _ =	vpop (xrf2);
	v30 =	vsel vm0, v30, v35;
	(xrf2) =	vadd.scan.msk.f32 $0xffff, v20  }
0x15d: {  	v28 =	vsel vm0, v28, v34;
	(xrf1) =	vsort.dscd.msk.f32 $0xffff, v55, v2;
	v58, v29, _ =	vpop (xrf1)  }
0x15e: {  	(xrf1) =	vsort.dscd.msk.f32 $0xffff, v56, v0;
	v59, v60, _ =	vpop (xrf1)  }
0x15f: {  	v57 =	vld [tilespmem:s23+$0xFFFFFFD0];
	v61 =	vor.u32 v5, v42;
	(xrf0) =	vmax.scan.msk.f32 $0xffff, v58;
	v35 =	vperm.xlane v60, v4;
	v42, v43, _ =	vpop (xrf1)  }
0x160: {  	v34 =	vperm.xlane v59, v4;
	(xrf1) =	vsort.dscd.msk.f32 $0xffff, v28, v30;
	v28, v30, _ =	vpop (xrf1)  }
0x161: {  	v31 =	vbroadcast v31, $0xF;
	v30 =	vsel vm0, v30, v35  }
0x162: {  	v45 =	vpop (erf);
	v28 =	vsel vm0, v28, v34  }
0x163: {  	v44 =	vld [tilespmem:s23+$0xFFFFFFE0];
	v27 =	vsub.f32 v27, v31;
	v22 =	vmul.f32 v45, v22  }
0x164: {  	(xrf1) =	vsort.dscd.msk.f32 $0xffff, v57, v1;
	v62, v63, _ =	vpop (xrf1)  }
0x165: {  	(xrf1) =	vsort.dscd.msk.f32 $0xffff, v28, v30;
	[tilespmem:v61+s15+$0x0] =	vst.idx.msk $0xff, v22;
	v22 =	vmul.f32 $1.442695020e+00, v27;
	v28, v30, _ =	vpop (xrf1)  }
0x166: {  	v47, _, _ =	vpop (xrf0);
	v28 =	vperm.xlane v28, v4;
	v30 =	vperm.xlane v30, v4  }
0x167: {  	v27 =	vperm.xlane v62, v4;
	v35 =	vperm.xlane v63, v4;
	[tilespmem:v61+s17+$0x0] =	vst.idx.msk $0xff, v19;
	v31, v46, _ =	vpop (xrf1)  }
0x168: {  	(xrf1) =	vsort.dscd.msk.f32 $0xffff, v44, v2;
	v48, _, _ =	vpop (xrf2);
	v28 =	vsel vm0, v31, v28;
	v30 =	vsel vm0, v46, v30;
	v31 =	vld [tilespmem:s0+$0x70]  }
0x169: {  	v19 =	vbroadcast v41, $0xF;
	(erf) = vpow2.f32 v22;
	v50, v49, _ =	vpop (xrf1);
	(xrf1) =	vsort.dscd.msk.f32 $0xffff, v28, v30;
	v30 =	vld [tilespmem:s0+$0x50]  }
0x16a: {  	v51 =	vld [tilespmem:s0+$0x60];
	v22 =	vbroadcast v48, $0xF;
	v27 =	vsel vm0, v50, v27;
	v28 =	vbroadcast v47, $0xF  }
0x16b: {  	(erf) = vrcp.f32 v19;
	v19 =	vsel vm0, v49, v35  }
0x16c: {  	(erf) = vrcp.f32 v22;
	v52, v53, _ =	vpop (xrf1);
	(xrf1) =	vsort.dscd.msk.f32 $0xffff, v27, v19;
	v28 =	vsub.f32 v58, v28  }
0x16d: {  	v22 =	vperm.xlane v52, v4;
	v55 =	vperm.xlane v53, v4;
	v27, v54, _ =	vpop (xrf1);
	(xrf1) =	vsort.dscd.msk.f32 $0xffff, v31, v3  }
0x16e: {  	s22 =	simm.s32 $0x8;
	v19 =	vld [tilespmem:s0+$0x40];
	v56, v57, _ =	vpop (xrf1);
	v27 =	vperm.xlane v27, v4;
	v28 =	vmul.f32 $1.442695020e+00, v28;
	(xrf1) =	vsort.dscd.msk.f32 $0xffff, v30, v1  }
0x16f: {  	v31 =	vmov s22;
	v22 =	vsel vm0, v56, v22;
	v30 =	vsel vm0, v57, v55;
	(xrf1) =	vsort.dscd.msk.f32 $0xffff, v51, v2  }
0x170: {  	v35 =	vperm.xlane v54, v4;
	v58, v59, _ =	vpop (xrf1);
	v31 =	vand.u32 $0xFE, v31;
	(xrf1) =	vsort.dscd.msk.f32 $0xffff, v22, v30;
	v22 =	vperm.xlane v25, v4  }
0x171: {  	(erf) = vpow2.f32 v28;
	v28 =	vperm.xlane v18, v4;
	v25 =	vld [tilespmem:s23+$0xFFFFFFC0]  }
0x172: {  	v33, v18, _ =	vpop (xrf1);
	v32 =	vsel vm0, v32, v22;
	v22 =	vsel vm0, v58, v27;
	v27 =	vsel vm0, v59, v35  }
0x173: {  	v60 =	vbroadcast v31, $0x0;
	(xrf1) =	vsort.dscd.msk.f32 $0xffff, v19, v0;
	v31, v30, _ =	vpop (xrf1)  }
0x174: {  	v12 =	vperm.xlane v12, v4;
	v21 =	vperm.xlane v21, v4;
	v61, v19, _ =	vpop (xrf1);
	(xrf1) =	vsort.dscd.msk.f32 $0xffff, v22, v27  }
0x175: {  	v45 =	vperm.xlane v42, v4;
	v46 =	vperm.xlane v43, v4;
	v62 =	vpop (erf);
	(xrf0) =	vmax.scan.msk.f32 $0xffff, v61  }
0x176: {  	v21 =	vsel vm0, v36, v21;
	v34 =	vor.u32 v5, v60;
	(xrf1) =	vsort.dscd.msk.f32 $0xffff, v25, v0;
	v25, v27, _ =	vpop (xrf1)  }
0x177: {  	v63 =	vpop (erf);
	(xrf1) =	vsort.dscd.msk.f32 $0xffff, v32, v21;
	v21 =	vsel vm0, v25, v45;
	v25 =	vsel vm0, v27, v46  }
0x178: {  	v12 =	vsel vm0, v38, v12;
	v28 =	vsel vm0, v37, v28;
	v27, v47, _ =	vpop (xrf1);
	(xrf1) =	vsort.dscd.msk.f32 $0xffff, v21, v25  }
0x179: {  	v26 =	vmul.f32 v63, v26;
	v22 =	vpop (erf);
	(xrf1) =	vsort.dscd.msk.f32 $0xffff, v28, v12;
	v12 =	vperm.xlane v27, v4  }
0x17a: {  	v21 =	vpop (erf)  }
0x17b: {  	[tilespmem:v34+s15+$0x0] =	vst.idx.msk $0xff, v26;
	v36 =	vnsel vm0, $0x0, v21;
	v21, _, _ =	vpop (xrf0)  }
0x17c: {  	[tilespmem:v34+s17+$0x0] =	vst.idx.msk $0xff, v7;
	v7, v25, _ =	vpop (xrf1)  }
0x17d: {  	(xrf2) =	vadd.scan.msk.f32 $0xffff, v36;
	v21 =	vbroadcast v21, $0xF;
	v7 =	vsel vm0, v7, v12;
	v12, v28, _ =	vpop (xrf1)  }
0x17e: {  	v26 =	vld [tilespmem:s16+$0xFFFFFFF0];
	v27 =	vperm.xlane v47, v4;
	v28 =	vperm.xlane v28, v4  }
0x17f: {  	s25 =	simm.s32 $0x880;
	v32 =	vnsel vm0, $0x0, v62;
	(xrf0) =	vmax.scan.msk.f32 $0xffff, v33;
	v12 =	vperm.xlane v12, v4;
	v48, v49, _ =	vpop (xrf1);
	v21 =	vsub.f32 v61, v21  }
0x180: {  	v53 =	vld [tilespmem:s25+$0x10];
	v25 =	vsel vm0, v25, v27;
	(xrf2) =	vadd.scan.msk.f32 $0xffff, v32;
	v27 =	vperm.xlane v48, v4;
	v50 =	vperm.xlane v49, v4;
	v52, v51, _ =	vpop (xrf1)  }
0x181: {  	v54, v55, _ =	vpop (xrf1);
	(xrf1) =	vsort.dscd.msk.f32 $0xffff, v7, v25;
	v7 =	vsel vm0, v52, v12;
	v12 =	vsel vm0, v51, v28;
	v21 =	vmul.f32 $1.442695020e+00, v21  }
0x182: {  	v25 =	vld [tilespmem:s25+$0x30];
	(xrf1) =	vsort.dscd.msk.f32 $0xffff, v7, v12;
	v28, v56, _ =	vpop (xrf1)  }
0x183: {  	v7 =	vld [tilespmem:s25+$0x20];
	(xrf1) =	vsort.dscd.msk.f32 $0xffff, v26, v3;
	(erf) = vpow2.f32 v21;
	v12 =	vsel vm0, v28, v27;
	v27 =	vsel vm0, v56, v50  }
0x184: {  	(xrf1) =	vsort.dscd.msk.f32 $0xffff, v12, v27  }
0x185: {  	v26 =	vld [tilespmem:s25+$0x0];
	v34, v35, _ =	vpop (xrf1);
	(xrf1) =	vsort.dscd.msk.f32 $0xffff, v53, v1  }
0x186: {  	v28 =	vld [tilespmem:s25+$0xFFFFFFB0];
	v12, _, _ =	vpop (xrf0);
	(xrf0) =	vmax.scan.msk.f32 $0xffff, v17  }
0x187: {  	(xrf1) =	vsort.dscd.msk.f32 $0xffff, v25, v3;
	v21, _, _ =	vpop (xrf2)  }
0x188: {  	v57 =	vld [tilespmem:s25+$0xFFFFFF90];
	v38, v41, _ =	vpop (xrf1);
	(xrf1) =	vsort.dscd.msk.f32 $0xffff, v7, v2;
	v7 =	vbroadcast v21, $0xF  }
0x189: {  	v58 =	vld [tilespmem:s25+$0xFFFFFFA0];
	v42, v43, _ =	vpop (xrf1)  }
0x18a: {  	s14 =	simm.s32 $0xD;
	v27, v25, _ =	vpop (xrf1);
	(xrf1) =	vsort.dscd.msk.f32 $0xffff, v26, v0;
	(erf) = vrcp.f32 v7  }
0x18b: {  	v59 =	vld [tilespmem:s25+$0xFFFFFF80];
	v46, _, _ =	vpop (xrf2);
	(xrf1) =	vsort.dscd.msk.f32 $0xffff, v28, v3;
	v28 =	vmov s14  }
0x18c: {  	v40 =	vperm.xlane v55, v4;
	v48 =	vand.u32 $0xFF, v28;
	v26 =	vpop (erf)  }
0x18d: {  	v39 =	vperm.xlane v54, v4;
	(xrf1) =	vsort.dscd.msk.f32 $0xffff, v57, v1;
	v48 =	vbroadcast v48, $0x0;
	v21, v7, _ =	vpop (xrf1)  }
0x18e: {  	v35 =	vsel vm0, v35, v40;
	v26 =	vnsel vm0, $0x0, v26;
	v47, _, _ =	vpop (xrf0);
	(xrf1) =	vsort.dscd.msk.f32 $0xffff, v58, v2  }
0x18f: {  	v60 =	vld [tilespmem:s16+$0xFFFFFFD0];
	v34 =	vsel vm0, v34, v39;
	(xrf2) =	vadd.scan.msk.f32 $0xffff, v26;
	v44, v28, _ =	vpop (xrf1)  }
0x190: {  	v12 =	vbroadcast v12, $0xF;
	(xrf1) =	vsort.dscd.msk.f32 $0xffff, v59, v0;
	v61, v62, _ =	vpop (xrf1)  }
0x191: {  	v63 =	vor.u32 v5, v48;
	(xrf0) =	vmax.scan.msk.f32 $0xffff, v44;
	v48, v49, _ =	vpop (xrf1)  }
0x192: {  	v50 =	vld [tilespmem:s16+$0xFFFFFFE0];
	v12 =	vsub.f32 v33, v12;
	v40 =	vperm.xlane v62, v4;
	(xrf1) =	vsort.dscd.msk.f32 $0xffff, v34, v35;
	v34, v35, _ =	vpop (xrf1)  }
0x193: {  	v39 =	vperm.xlane v61, v4;
	v51 =	vpop (erf)  }
0x194: {  	v12 =	vmul.f32 $1.442695020e+00, v12;
	(xrf1) =	vsort.dscd.msk.f32 $0xffff, v60, v1;
	v55, v54, _ =	vpop (xrf1)  }
0x195: {  	v34 =	vsel vm0, v34, v39;
	v35 =	vsel vm0, v35, v40;
	v36 =	vmul.f32 v51, v36;
	v57, v56, _ =	vpop (xrf1)  }
0x196: {  	(xrf1) =	vsort.dscd.msk.f32 $0xffff, v34, v35;
	v33 =	vperm.xlane v57, v4;
	v34 =	vperm.xlane v56, v4  }
0x197: {  	(erf) = vpow2.f32 v12;
	v59 =	vperm.xlane v55, v4;
	v58, v40, _ =	vpop (xrf1);
	[tilespmem:v63+s15+$0x0] =	vst.idx.msk $0xff, v36;
	(xrf1) =	vsort.dscd.msk.f32 $0xffff, v50, v2  }
0x198: {  	v60, _, _ =	vpop (xrf0);
	[tilespmem:v63+s17+$0x0] =	vst.idx.msk $0xff, v29;
	v33 =	vsel vm0, v58, v33;
	v34 =	vsel vm0, v40, v34  }
0x199: {  	v39 =	vperm.xlane v54, v4;
	v29 =	vbroadcast v46, $0xF;
	v61 =	vld [tilespmem:s28+$0x70];
	v62, _, _ =	vpop (xrf2);
	(xrf1) =	vsort.dscd.msk.f32 $0xffff, v33, v34  }
0x19a: {  	v63, v50, _ =	vpop (xrf1);
	v51 =	vbroadcast v60, $0xF;
	v52 =	vld [tilespmem:s28+$0x50];
	v12 =	vbroadcast v62, $0xF  }
0x19b: {  	v36 =	vsel vm0, v63, v59;
	v53 =	vld [tilespmem:s28+$0x60];
	v54, v55, _ =	vpop (xrf1);
	(erf) = vrcp.f32 v29;
	v29 =	vsel vm0, v50, v39  }
0x19c: {  	v33 =	vsub.f32 v44, v51;
	v56, v57, _ =	vpop (xrf1);
	(xrf1) =	vsort.dscd.msk.f32 $0xffff, v36, v29;
	(erf) = vrcp.f32 v12;
	v12 =	vperm.xlane v54, v4  }
0x19d: {  	v29 =	vld [tilespmem:s28+$0x40];
	v60, v59, _ =	vpop (xrf1)  }
0x19e: {  	s23 =	simm.s32 $0xA;
	v58 =	vperm.xlane v55, v4;
	v33 =	vmul.f32 $1.442695020e+00, v33;
	(xrf1) =	vsort.dscd.msk.f32 $0xffff, v61, v3;
	v12 =	vsel vm0, v60, v12  }
0x19f: {  	v37 =	vperm.xlane v24, v4;
	v24 =	vmov s23;
	v39 =	vperm.xlane v56, v4;
	(xrf1) =	vsort.dscd.msk.f32 $0xffff, v52, v1;
	v52 =	vld [tilespmem:s16+$0xFFFFFFC0]  }
0x1a0: {  	v50 =	vpop (erf);
	v40 =	vperm.xlane v57, v4;
	v61 =	vsel vm0, v59, v58;
	(erf) = vpow2.f32 v33;
	(xrf1) =	vsort.dscd.msk.f32 $0xffff, v53, v2  }
0x1a1: {  	v31 =	vperm.xlane v31, v4;
	v62, v63, _ =	vpop (xrf1);
	v53 =	vand.u32 $0xFE, v24;
	(xrf1) =	vsort.dscd.msk.f32 $0xffff, v12, v61  }
0x1a2: {  	v35 =	vsel vm0, v62, v39;
	v56 =	vsel vm0, v63, v40;
	v33 =	vbroadcast v53, $0x0;
	v36, v12, _ =	vpop (xrf1);
	(xrf1) =	vsort.dscd.msk.f32 $0xffff, v29, v0  }
0x1a3: {  	v30 =	vperm.xlane v30, v4;
	v54 =	vperm.xlane v23, v4;
	v29, v24, _ =	vpop (xrf1);
	(xrf1) =	vsort.dscd.msk.f32 $0xffff, v35, v56  }
0x1a4: {  	v59 =	vperm.xlane v48, v4;
	v57 =	vor.u32 v5, v33;
	v55, v23, _ =	vpop (xrf1);
	(xrf1) =	vsort.dscd.msk.f32 $0xffff, v52, v0  }
0x1a5: {  	v31 =	vsel vm0, v38, v31;
	v30 =	vsel vm0, v41, v30;
	v60 =	vperm.xlane v49, v4;
	(xrf0) =	vmax.scan.msk.f32 $0xffff, v55;
	v62, v61, _ =	vpop (xrf1)  }
0x1a6: {  	v58 =	vpop (erf);
	(xrf1) =	vsort.dscd.msk.f32 $0xffff, v31, v30;
	v30 =	vsel vm0, v62, v59  }
0x1a7: {  	v32 =	vmul.f32 v58, v32;
	v31 =	vsel vm0, v61, v60;
	v63, v44, _ =	vpop (xrf1)  }
0x1a8: {  	v33 =	vpop (erf);
	(xrf1) =	vsort.dscd.msk.f32 $0xffff, v30, v31;
	v31 =	vperm.xlane v63, v4  }
0x1a9: {  	[tilespmem:v57+s15+$0x0] =	vst.idx.msk $0xff, v32;
	v30 =	vpop (erf)  }
0x1aa: {  	v37 =	vsel vm0, v42, v37;
	v45 =	vsel vm0, v43, v54;
	[tilespmem:v57+s17+$0x0] =	vst.idx.msk $0xff, v14;
	v14, v48, _ =	vpop (xrf1)  }
0x1ab: {  	(xrf1) =	vsort.dscd.msk.f32 $0xffff, v37, v45;
	v35 =	vperm.xlane v44, v4;
	v41 =	vnsel vm0, $0x0, v30;
	v30, _, _ =	vpop (xrf0)  }
0x1ac: {  	v49 =	vld [tilespmem:s0+$0xFFFFFFF0];
	(xrf2) =	vadd.scan.msk.f32 $0xffff, v41;
	v14 =	vsel vm0, v14, v31;
	v30 =	vbroadcast v30, $0xF;
	v31, v51, _ =	vpop (xrf1)  }
0x1ad: {  	v32 =	vsel vm0, v48, v35;
	v31 =	vperm.xlane v31, v4;
	v37 =	vperm.xlane v51, v4;
	v52, v53, _ =	vpop (xrf1)  }
0x1ae: {  	v47 =	vbroadcast v47, $0xF;
	(xrf1) =	vsort.dscd.msk.f32 $0xffff, v14, v32;
	v30 =	vsub.f32 v55, v30;
	v54 =	vperm.xlane v52, v4;
	v57, v56, _ =	vpop (xrf1)  }
0x1af: {  	(xrf0) =	vmax.scan.msk.f32 $0xffff, v36;
	v55 =	vperm.xlane v53, v4;
	v42, v43, _ =	vpop (xrf1);
	v14 =	vsel vm0, v57, v31;
	v31 =	vsel vm0, v56, v37  }
0x1b0: {  	s29 =	simm.s32 $0x980;
	v17 =	vsub.f32 v17, v47;
	v60, v59, _ =	vpop (xrf1);
	(xrf1) =	vsort.dscd.msk.f32 $0xffff, v14, v31  }
0x1b1: {  	v58 =	vld [tilespmem:s29+$0x10];
	v30 =	vmul.f32 $1.442695020e+00, v30;
	v31 =	vsel vm0, v60, v54;
	v61 =	vsel vm0, v59, v55;
	(xrf1) =	vsort.dscd.msk.f32 $0xffff, v49, v3  }
0x1b2: {  	s16 =	simm.s32 $0x103;
	v14 =	vld [tilespmem:s29+$0x30];
	(xrf1) =	vsort.dscd.msk.f32 $0xffff, v31, v61  }
0x1b3: {  	v17 =	vmul.f32 $1.442695020e+00, v17;
	(erf) = vpow2.f32 v30;
	v30 =	vmov s16  }
0x1b4: {  	s26 =	simm.s32 $0x105;
	v62 =	vld [tilespmem:s29+$0x20];
	v30 =	vand.u32 $0x1FF, v30  }
0x1b5: {  	v52, _, _ =	vpop (xrf0);
	(erf) = vpow2.f32 v17;
	v17 =	vbroadcast v30, $0x0;
	v30 =	vmov s26  }
0x1b6: {  	v53 =	vld [tilespmem:s29+$0x0];
	(xrf1) =	vsort.dscd.msk.f32 $0xffff, v58, v1;
	v31, _, _ =	vpop (xrf2);
	v30 =	vand.u32 $0x1FF, v30  }
0x1b7: {  	v63, v44, _ =	vpop (xrf1);
	v54 =	vld [tilespmem:s29+$0xFFFFFFB0];
	v17 =	vor.u32 v5, v17;
	(xrf1) =	vsort.dscd.msk.f32 $0xffff, v14, v3;
	v14 =	vbroadcast v31, $0xF;
	v56 =	vbroadcast v30, $0x0  }
0x1b8: {  	v11 =	vmul.f32 v11, v8;
	s2 =	simm.s32 $0xF;
	(xrf0) =	vmax.scan.msk.f32 $0xffff, v21;
	v55 =	vld [tilespmem:s29+$0xFFFFFF90];
	v38, v37, _ =	vpop (xrf1)  }
0x1b9: {  	v57 =	vld [tilespmem:s29+$0xFFFFFFA0];
	v60 =	vmov s2;
	v35, v34, _ =	vpop (xrf1);
	v31 =	vnsel vm0, $0x0, v50;
	(xrf1) =	vsort.dscd.msk.f32 $0xffff, v62, v2;
	v49 =	vor.u32 v5, v56  }
0x1ba: {  	v13 =	vmul.f32 v16, v13;
	v61 =	vand.u32 $0xFF, v60;
	(xrf2) =	vadd.scan.msk.f32 $0xffff, v31;
	(erf) = vrcp.f32 v14;
	v32, v30, _ =	vpop (xrf1)  }
0x1bb: {  	v16 =	vperm.xlane v42, v4;
	v58 =	vld [tilespmem:s29+$0xFFFFFF80];
	v47 =	vbroadcast v61, $0x0;
	(xrf1) =	vsort.dscd.msk.f32 $0xffff, v53, v0;
	v14, v8, _ =	vpop (xrf1)  }
0x1bc: {  	(xrf1) =	vsort.dscd.msk.f32 $0xffff, v54, v3;
	v59 =	vpop (erf);
	[tilespmem:v17+s15+$0x0] =	vst.idx.msk $0xff, v11  }
0x1bd: {  	v16 =	vsel vm0, v63, v16;
	v63 =	vbroadcast v52, $0xF;
	(xrf1) =	vsort.dscd.msk.f32 $0xffff, v55, v1;
	[tilespmem:v17+s17+$0x0] =	vst.idx.msk $0xff, v9;
	v39, v17, _ =	vpop (xrf1)  }
0x1be: {  	s13 =	simm.s32 $0x107;
	v62 =	vld [tilespmem:s0+$0xFFFFFFD0];
	(xrf1) =	vsort.dscd.msk.f32 $0xffff, v57, v2;
	v11 =	vnsel vm0, $0x0, v59;
	[tilespmem:v49+s15+$0x0] =	vst.idx.msk $0xff, v13;
	v13 =	vperm.xlane v43, v4;
	v53, v54, _ =	vpop (xrf1)  }
0x1bf: {  	v55 =	vor.u32 v5, v47;
	v9 =	vmov s13;
	(xrf2) =	vadd.scan.msk.f32 $0xffff, v11;
	v43 =	vperm.xlane v53, v4;
	v47, v51, _ =	vpop (xrf1)  }
0x1c0: {  	v36 =	vsub.f32 v36, v63;
	(xrf1) =	vsort.dscd.msk.f32 $0xffff, v58, v0;
	v9 =	vand.u32 $0x1FF, v9;
	v13 =	vsel vm0, v44, v13;
	v57, v58, _ =	vpop (xrf1)  }
0x1c1: {  	v50, _, _ =	vpop (xrf0);
	v9 =	vbroadcast v9, $0x0;
	v56 =	vperm.xlane v54, v4;
	(xrf1) =	vsort.dscd.msk.f32 $0xffff, v16, v13;
	v13 =	vsel vm0, v57, v43  }
0x1c2: {  	v42 =	vpop (erf);
	(xrf0) =	vmax.scan.msk.f32 $0xffff, v39;
	[tilespmem:v49+s17+$0x0] =	vst.idx.msk $0xff, v10;
	v10 =	vld [tilespmem:s0+$0xFFFFFFE0]  }
0x1c3: {  	v20 =	vmul.f32 v22, v20;
	v36 =	vmul.f32 $1.442695020e+00, v36;
	v16 =	vpop (erf);
	(xrf1) =	vsort.dscd.msk.f32 $0xffff, v62, v1;
	v40 =	vsel vm0, v58, v56  }
0x1c4: {  	v22 =	vperm.xlane v27, v4;
	v16 =	vmul.f32 v16, v41;
	(xrf1) =	vsort.dscd.msk.f32 $0xffff, v13, v40;
	v13, v27, _ =	vpop (xrf1)  }
0x1c5: {  	v60 =	vor.u32 v5, v9;
	(erf) = vpow2.f32 v36;
	v9, v61, _ =	vpop (xrf1)  }
0x1c6: {  	v59, _, _ =	vpop (xrf2);
	[tilespmem:v55+s15+$0x0] =	vst.idx.msk $0xff, v16;
	v62 =	vperm.xlane v9, v4;
	v36 =	vperm.xlane v61, v4  }
0x1c7: {  	[tilespmem:v55+s17+$0x0] =	vst.idx.msk $0xff, v28;
	(xrf1) =	vsort.dscd.msk.f32 $0xffff, v10, v2;
	v28, v63, _ =	vpop (xrf1)  }
0x1c8: {  	v46, _, _ =	vpop (xrf0);
	v10 =	vperm.xlane v13, v4;
	v13 =	vsel vm0, v28, v62;
	v28 =	vsel vm0, v63, v36  }
0x1c9: {  	v41 =	vbroadcast v46, $0xF;
	v49, _, _ =	vpop (xrf2)  }
0x1ca: {  	s14 =	simm.s32 $0x109;
	v45 =	vbroadcast v59, $0xF;
	[tilespmem:v60+s15+$0x0] =	vst.idx.msk $0xff, v20;
	v20 =	vbroadcast v49, $0xF  }
0x1cb: {  	v16 =	vmov s14;
	v48 =	vld [tilespmem:s24+$0x70];
	v27 =	vperm.xlane v27, v4  }
0x1cc: {  	v24 =	vperm.xlane v24, v4;
	(erf) = vrcp.f32 v45;
	v16 =	vand.u32 $0x1FF, v16;
	(xrf1) =	vsort.dscd.msk.f32 $0xffff, v13, v28;
	v13, v28, _ =	vpop (xrf1)  }
0x1cd: {  	v52 =	vld [tilespmem:s24+$0x50];
	v10 =	vsel vm0, v13, v10;
	v13, v53, _ =	vpop (xrf1);
	v27 =	vsel vm0, v28, v27;
	v28 =	vsub.f32 v39, v41  }
0x1ce: {  	v54 =	vld [tilespmem:s24+$0x60];
	[tilespmem:v60+s17+$0x0] =	vst.idx.msk $0xff, v15;
	v15 =	vbroadcast v16, $0x0;
	v39, v41, _ =	vpop (xrf1);
	v13 =	vperm.xlane v13, v4  }
0x1cf: {  	(erf) = vrcp.f32 v20;
	(xrf1) =	vsort.dscd.msk.f32 $0xffff, v10, v27;
	v16, v20, _ =	vpop (xrf1);
	v27 =	vmul.f32 $1.442695020e+00, v28  }
0x1d0: {  	v9 =	vnsel vm0, $0x0, v42;
	v10 =	vld [tilespmem:s24+$0x40];
	(xrf1) =	vsort.dscd.msk.f32 $0xffff, v48, v3;
	v13 =	vsel vm0, v16, v13;
	v16 =	vperm.xlane v53, v4  }
0x1d1: {  	v26 =	vmul.f32 v33, v26;
	(xrf2) =	vadd.scan.msk.f32 $0xffff, v9;
	v28 =	vperm.xlane v29, v4  }
0x1d2: {  	s26 =	simm.s32 $0xC;
	v29 =	vpop (erf);
	v55 =	vperm.xlane v39, v4;
	(xrf1) =	vsort.dscd.msk.f32 $0xffff, v52, v1;
	v16 =	vsel vm0, v20, v16;
	v20 =	vld [tilespmem:s0+$0xFFFFFFC0]  }
0x1d3: {  	v58 =	vmov s26;
	v57 =	vperm.xlane v41, v4;
	(erf) = vpow2.f32 v27;
	(xrf1) =	vsort.dscd.msk.f32 $0xffff, v54, v2;
	v27, v56, _ =	vpop (xrf1)  }
0x1d4: {  	v28 =	vsel vm0, v38, v28;
	(xrf1) =	vsort.dscd.msk.f32 $0xffff, v13, v16;
	v16 =	vand.u32 $0xFE, v58;
	v27 =	vsel vm0, v27, v55  }
0x1d5: {  	s16 =	simm.s32 $0x10B;
	v24 =	vsel vm0, v37, v24;
	v40, v13, _ =	vpop (xrf1);
	v33 =	vsel vm0, v56, v57;
	(xrf1) =	vsort.dscd.msk.f32 $0xffff, v10, v0;
	v16 =	vbroadcast v16, $0x0  }
0x1d6: {  	v25 =	vperm.xlane v25, v4;
	v63 =	vmov s16;
	v59, v60, _ =	vpop (xrf1);
	(xrf1) =	vsort.dscd.msk.f32 $0xffff, v27, v33  }
0x1d7: {  	v62 =	vperm.xlane v47, v4;
	v38 =	vand.u32 $0x1FF, v63;
	v16 =	vor.u32 v5, v16;
	v27, v10, _ =	vpop (xrf1);
	(xrf1) =	vsort.dscd.msk.f32 $0xffff, v20, v0  }
0x1d8: {  	v22 =	vsel vm0, v35, v22;
	v25 =	vsel vm0, v34, v25;
	v47 =	vbroadcast v38, $0x0;
	(xrf1) =	vsort.dscd.msk.f32 $0xffff, v28, v24;
	v24, v28, _ =	vpop (xrf1)  }
0x1d9: {  	v46 =	vperm.xlane v51, v4;
	v15 =	vor.u32 v5, v15;
	v20 =	vpop (erf);
	(xrf0) =	vmax.scan.msk.f32 $0xffff, v27;
	v24 =	vsel vm0, v24, v62  }
0x1da: {  	v61 =	vbroadcast v50, $0xF;
	v34 =	vor.u32 v5, v47;
	v48 =	vpop (erf);
	v20 =	vmul.f32 v20, v31  }
0x1db: {  	v28 =	vsel vm0, v28, v46;
	v31, v49, _ =	vpop (xrf1)  }
0x1dc: {  	v21 =	vsub.f32 v21, v61;
	(xrf1) =	vsort.dscd.msk.f32 $0xffff, v24, v28;
	[tilespmem:v16+s15+$0x0] =	vst.idx.msk $0xff, v20;
	v24 =	vpop (erf)  }
0x1dd: {  	v11 =	vmul.f32 v48, v11;
	(xrf1) =	vsort.dscd.msk.f32 $0xffff, v22, v25;
	[tilespmem:v16+s17+$0x0] =	vst.idx.msk $0xff, v18;
	v16, v22, _ =	vpop (xrf1)  }
0x1de: {  	[tilespmem:v15+s15+$0x0] =	vst.idx.msk $0xff, v26;
	v26 =	vmul.f32 $1.442695020e+00, v21;
	v21 =	vperm.xlane v31, v4;
	v18, v31, _ =	vpop (xrf1)  }
0x1df: {  	v25 =	vperm.xlane v30, v4;
	v30 =	vperm.xlane v49, v4;
	[tilespmem:v34+s15+$0x0] =	vst.idx.msk $0xff, v11;
	v28 =	vnsel vm0, $0x0, v24;
	v20, _, _ =	vpop (xrf0)  }
0x1e0: {  	v16 =	vsel vm0, v16, v21;
	(xrf0) =	vmax.scan.msk.f32 $0xffff, v40;
	v53 =	vperm.xlane v18, v4;
	v11 =	vbroadcast v20, $0xF;
	v20, v52, _ =	vpop (xrf1)  }
0x1e1: {  	v24 =	vld [tilespmem:s28+$0xFFFFFFF0];
	v30 =	vsel vm0, v22, v30;
	(xrf2) =	vadd.scan.msk.f32 $0xffff, v28;
	v55, v54, _ =	vpop (xrf1)  }
0x1e2: {  	v45, _, _ =	vpop (xrf2);
	v31 =	vperm.xlane v31, v4;
	(xrf1) =	vsort.dscd.msk.f32 $0xffff, v16, v30;
	v30 =	vsel vm0, v55, v53  }
0x1e3: {  	s14 =	simm.s32 $0xA80;
	[tilespmem:v15+s17+$0x0] =	vst.idx.msk $0xff, v19;
	v21 =	vnsel vm0, $0x0, v29;
	v11 =	vsub.f32 v27, v11;
	v16, v27, _ =	vpop (xrf1)  }
0x1e4: {  	v35 =	vld [tilespmem:s14+$0xFFFFFFA0];
	v15 =	vperm.xlane v59, v4;
	v51 =	vperm.xlane v60, v4;
	(xrf2) =	vadd.scan.msk.f32 $0xffff, v21;
	v31 =	vsel vm0, v54, v31;
	v57, v58, _ =	vpop (xrf1)  }
0x1e5: {  	v36 =	vld [tilespmem:s14+$0xFFFFFF80];
	v20 =	vperm.xlane v20, v4;
	(xrf1) =	vsort.dscd.msk.f32 $0xffff, v30, v31;
	v11 =	vmul.f32 $1.442695020e+00, v11;
	v30, v60, _ =	vpop (xrf1)  }
0x1e6: {  	v56 =	vld [tilespmem:s14+$0x10];
	v29 =	vperm.xlane v52, v4;
	v27 =	vperm.xlane v27, v4;
	(xrf1) =	vsort.dscd.msk.f32 $0xffff, v24, v3;
	v24, _, _ =	vpop (xrf0)  }
0x1e7: {  	v59 =	vld [tilespmem:s14+$0x30];
	v20 =	vsel vm0, v57, v20;
	(erf) = vpow2.f32 v11;
	v11 =	vbroadcast v24, $0xF  }
0x1e8: {  	v62 =	vld [tilespmem:s14+$0x20]  }
0x1e9: {  	[tilespmem:v34+s17+$0x0] =	vst.idx.msk $0xff, v23;
	v34 =	vld [tilespmem:s14+$0x0];
	v29 =	vsel vm0, v58, v29;
	(xrf0) =	vmax.scan.msk.f32 $0xffff, v14;
	v11 =	vsub.f32 v40, v11  }
0x1ea: {  	v61 =	vbroadcast v45, $0xF;
	v19 =	vld [tilespmem:s28+$0xFFFFFFD0];
	v16 =	vperm.xlane v16, v4;
	(xrf1) =	vsort.dscd.msk.f32 $0xffff, v20, v29;
	v20, v23, _ =	vpop (xrf1)  }
0x1eb: {  	v50 =	vperm.xlane v32, v4;
	v22 =	vld [tilespmem:s28+$0xFFFFFFC0];
	v32 =	vsel vm0, v60, v27;
	(erf) = vpow2.f32 v26;
	v27, v63, _ =	vpop (xrf1)  }
0x1ec: {  	s31 =	simm.s32 $0x10;
	v18 =	vld [tilespmem:s28+$0xFFFFFFE0];
	v30 =	vsel vm0, v30, v16;
	(erf) = vrcp.f32 v61;
	(xrf1) =	vsort.dscd.msk.f32 $0xffff, v56, v1;
	v24 =	vsel vm0, v20, v15;
	v15, _, _ =	vpop (xrf2)  }
0x1ed: {  	s30 =	simm.s32 $0x12;
	s1 =	simm.s32 $0x0;
	s13 =	simm.s32 $0xA80;
	v31 =	vld [tilespmem:s14+$0xFFFFFFB0];
	v26 =	vsel vm0, v23, v51;
	(xrf1) =	vsort.dscd.msk.f32 $0xffff, v59, v3;
	v23 =	vsel vm0, v27, v50;
	v37 =	vbroadcast v15, $0xF;
	v15, v29, _ =	vpop (xrf1)  }
0x1ee: {  	s16 =	simm.s32 $0x16;
	s0 =	simm.s32 $0xE;
	s28 =	simm.s32 $0x14;
	v16 =	vld [tilespmem:s14+$0xFFFFFF90];
	v25 =	vsel vm0, v63, v25;
	(xrf1) =	vsort.dscd.msk.f32 $0xffff, v62, v2;
	v33 =	vmul.f32 $1.442695020e+00, v11;
	v20 =	vperm.xlane v15, v4;
	v27, v11, _ =	vpop (xrf1)  }
.LBB2_2:
0x1ef: {  	p0 =	slt.u32 s16, $0xFE;
	(erf) = vrcp.f32 v37;
	v37, _, _ =	vpop (xrf2);
	v15 =	vperm.xlane v29, v4;
	s2 =	sadd.s32 $0x100, s1;
	s1 =	smov.u32 s19  }
0x1f0: {  	v29, _, _ =	vpop (xrf0)  }
0x1f1: {  	v39 =	vbroadcast v29, $0xF  }
0x1f2: {  	s19 =	smov.u32 s20;
	s20 =	smov.u32 s21;
	s21 =	smov.u32 s22;
	(xrf1) =	vsort.dscd.msk.f32 $0xffff, v34, v0;
	v34 =	vbroadcast v37, $0xF;
	v37 =	vmov s2  }
0x1f3: {  	s22 =	smov.u32 s23;
	s23 =	smov.u32 s26;
	s2 =	sadd.s32 $0x1, s31;
	(xrf1) =	vsort.dscd.msk.f32 $0xffff, v31, v3;
	v31 =	vpop (erf);
	v37 =	vand.u32 $0x1FE, v37  }
0x1f4: {  	s26 =	smov.u32 s0;
	s0 =	smov.u32 s31;
	s31 =	smov.u32 s30;
	(xrf1) =	vsort.dscd.msk.f32 $0xffff, v16, v1;
	v16 =	vmov s2;
	v29 =	vnsel vm0, $0x0, v31;
	v31 =	vpop (erf);
	v37 =	vbroadcast v37, $0x0  }
0x1f5: {  	s30 =	smov.u32 s28;
	s28 =	smov.u32 s16;
	v16 =	vand.u32 $0xFF, v16;
	(xrf2) =	vadd.scan.msk.f32 $0xffff, v29;
	v42 =	vsub.f32 v14, v39;
	v31 =	vnsel vm0, $0x0, v31;
	v38 =	vpop (erf)  }
0x1f6: {  	(xrf1) =	vsort.dscd.msk.f32 $0xffff, v35, v2;
	v43 =	vbroadcast v16, $0x0;
	v38 =	vmul.f32 v38, v9;
	v37 =	vor.u32 v5, v37;
	v35, v39, _ =	vpop (xrf1)  }
0x1f7: {  	v14 =	vmov v27;
	v9 =	vmov v31;
	v16 =	vmul.f32 $1.442695020e+00, v42;
	(xrf1) =	vsort.dscd.msk.f32 $0xffff, v36, v0;
	v36, v41, _ =	vpop (xrf1)  }
0x1f8: {  	v27 =	vor.u32 v5, v43;
	(xrf0) =	vmax.scan.msk.f32 $0xffff, v35;
	v43 =	vperm.xlane v36, v4;
	v36 =	vperm.xlane v41, v4;
	v40, v41, _ =	vpop (xrf1)  }
0x1f9: {  	(xrf1) =	vsort.dscd.msk.f32 $0xffff, v30, v32;
	v30, v32, _ =	vpop (xrf1);
	v40 =	vperm.xlane v40, v4;
	v41 =	vperm.xlane v41, v4  }
0x1fa: {  	(erf) = vpow2.f32 v33;
	v33 =	vpop (erf);
	v42 =	vsel vm0, v30, v43;
	v36 =	vsel vm0, v32, v36;
	(xrf1) =	vsort.dscd.msk.f32 $0xffff, v19, v1  }
0x1fb: {  	v19, v32, _ =	vpop (xrf1);
	v28 =	vmul.f32 v33, v28;
	(xrf1) =	vsort.dscd.msk.f32 $0xffff, v42, v36;
	[tilespmem:v37+s15+$0x0] =	vst.idx.msk $0xff, v38  }
0x1fc: {  	v30, v31, _ =	vpop (xrf1);
	(xrf2) =	vadd.scan.msk.f32 $0xffff, v9;
	[tilespmem:v37+s17+$0x0] =	vst.idx.msk $0xff, v6  }
0x1fd: {  	v6 =	vmovc v7;
	v7 =	vmovc v8;
	v8 =	vmov v11;
	v11 =	vperm.xlane v19, v4;
	v30 =	vperm.xlane v30, v4  }
0x1fe: {  	v38 =	vperm.xlane v32, v4;
	v37 =	vperm.xlane v31, v4;
	[tilespmem:v27+s15+$0x0] =	vst.idx.msk $0xff, v28;
	v33, v36, _ =	vpop (xrf1)  }
0x1ff: {  	v19, _, _ =	vpop (xrf0);
	[tilespmem:v27+s17+$0x0] =	vst.idx.msk $0xff, v17;
	v17 =	vmov s26;
	(xrf1) =	vsort.dscd.msk.f32 $0xffff, v18, v2;
	v27 =	vsel vm0, v33, v30  }
0x200: {  	v28 =	vsel vm0, v36, v37;
	v30 =	vld [tilespmem:s25+$0x70];
	v31, _, _ =	vpop (xrf2);
	v19 =	vbroadcast v19, $0xF;
	v17 =	vand.u32 $0xFE, v17  }
0x201: {  	v36, v33, _ =	vpop (xrf1);
	(xrf1) =	vsort.dscd.msk.f32 $0xffff, v27, v28;
	v27 =	vld [tilespmem:s25+$0x50];
	v28 =	vbroadcast v31, $0xF;
	v37 =	vbroadcast v17, $0x0  }
0x202: {  	v11 =	vsel vm0, v36, v11;
	v31, v32, _ =	vpop (xrf1);
	v36 =	vld [tilespmem:s25+$0x60];
	(erf) = vrcp.f32 v34;
	v43 =	vsel vm0, v33, v38  }
0x203: {  	v19 =	vsub.f32 v35, v19;
	v18, v33, _ =	vpop (xrf1);
	(erf) = vrcp.f32 v28;
	v28 =	vperm.xlane v31, v4  }
0x204: {  	v42 =	vperm.xlane v32, v4;
	v17 =	vmov v39;
	(xrf1) =	vsort.dscd.msk.f32 $0xffff, v11, v43;
	v11 =	vld [tilespmem:s25+$0x40];
	v32 =	vpop (erf);
	v18 =	vperm.xlane v18, v4  }
0x205: {  	s2 =	sadd.s32 $0x101, s23;
	v19 =	vmul.f32 $1.442695020e+00, v19;
	v33 =	vperm.xlane v33, v4;
	v38, v35, _ =	vpop (xrf1);
	v32 =	vnsel vm0, $0x0, v32;
	(xrf1) =	vsort.dscd.msk.f32 $0xffff, v30, v3  }
0x206: {  	v28 =	vsel vm0, v38, v28;
	v31, v34, _ =	vpop (xrf1)  }
0x207: {  	v38 =	vsel vm0, v35, v42;
	(xrf1) =	vsort.dscd.msk.f32 $0xffff, v27, v1;
	v35 =	vmov s2;
	v18 =	vsel vm0, v31, v18  }
0x208: {  	(erf) = vpow2.f32 v19;
	(xrf1) =	vsort.dscd.msk.f32 $0xffff, v36, v2;
	v19 =	vand.u32 $0x1FF, v35;
	v27, _, _ =	vpop (xrf2)  }
0x209: {  	(xrf1) =	vsort.dscd.msk.f32 $0xffff, v28, v38;
	v36, v30, _ =	vpop (xrf1);
	v19 =	vbroadcast v19, $0x0;
	v27 =	vbroadcast v27, $0xF  }
0x20a: {  	v38 =	vsel vm0, v34, v33;
	(xrf1) =	vsort.dscd.msk.f32 $0xffff, v11, v0;
	v11 =	vor.u32 v5, v37;
	v31, v33, _ =	vpop (xrf1)  }
0x20b: {  	(xrf1) =	vsort.dscd.msk.f32 $0xffff, v18, v38;
	v35 =	vperm.xlane v31, v4;
	v19 =	vor.u32 v5, v19;
	v34, v18, _ =	vpop (xrf1)  }
0x20c: {  	v33 =	vperm.xlane v33, v4;
	v28 =	vpop (erf);
	(xrf0) =	vmax.scan.msk.f32 $0xffff, v34  }
0x20d: {  	v28 =	vmul.f32 v28, v21;
	(xrf1) =	vsort.dscd.msk.f32 $0xffff, v22, v0;
	v22 =	vpop (erf)  }
0x20e: {  	v21 =	vmov v32;
	v22 =	vmul.f32 v22, v29  }
0x20f: {  	v29, v31, _ =	vpop (xrf1);
	(xrf1) =	vsort.dscd.msk.f32 $0xffff, v24, v26  }
0x210: {  	[tilespmem:v11+s15+$0x0] =	vst.idx.msk $0xff, v28;
	v24 =	vsel vm0, v29, v40;
	v26 =	vsel vm0, v31, v41  }
0x211: {  	[tilespmem:v19+s15+$0x0] =	vst.idx.msk $0xff, v22;
	v28, v29, _ =	vpop (xrf1);
	(xrf1) =	vsort.dscd.msk.f32 $0xffff, v24, v26  }
0x212: {  	v22 =	vpop (erf);
	[tilespmem:v19+s17+$0x0] =	vst.idx.msk $0xff, v10;
	(xrf1) =	vsort.dscd.msk.f32 $0xffff, v23, v25;
	v10 =	vmov v18  }
0x213: {  	v32 =	vperm.xlane v28, v4;
	v28 =	vnsel vm0, $0x0, v22;
	[tilespmem:v11+s17+$0x0] =	vst.idx.msk $0xff, v12;
	v11, _, _ =	vpop (xrf0);
	v12 =	vmov v13  }
0x214: {  	v13 =	vmov v30;
	v19, v22, _ =	vpop (xrf1);
	(xrf2) =	vadd.scan.msk.f32 $0xffff, v28;
	v23 =	vld [tilespmem:s24+$0xFFFFFFF0];
	v11 =	vbroadcast v11, $0xF  }
0x215: {  	v24 =	vperm.xlane v29, v4;
	v25 =	vsel vm0, v19, v32;
	(xrf0) =	vmax.scan.msk.f32 $0xffff, v36;
	v18, v26, _ =	vpop (xrf1);
	v19 =	vld [tilespmem:s24+$0xFFFFFFD0]  }
0x216: {  	v29 =	vperm.xlane v18, v4;
	v26 =	vperm.xlane v26, v4;
	v30, v31, _ =	vpop (xrf1);
	v18 =	vld [tilespmem:s24+$0xFFFFFFE0];
	v11 =	vsub.f32 v34, v11  }
0x217: {  	s14 =	sadd.s32 $0x100, s14;
	v24 =	vsel vm0, v22, v24;
	v30 =	vperm.xlane v30, v4;
	v31 =	vperm.xlane v31, v4;
	(xrf2) =	vadd.scan.msk.f32 $0xffff, v21;
	v32, v34, _ =	vpop (xrf1);
	v22 =	vld [tilespmem:s24+$0xFFFFFFC0];
	s24 =	smov.u32 s25;
	s25 =	smov.u32 s29  }
0x218: {  	s29 =	smov.u32 s13;
	s13 =	smov.u32 s14;
	v37 =	vld [tilespmem:s14+$0x10];
	v40, v39, _ =	vpop (xrf1);
	(xrf1) =	vsort.dscd.msk.f32 $0xffff, v25, v24;
	v41 =	vsel vm0, v32, v29;
	v25 =	vsel vm0, v34, v26;
	v42 =	vmul.f32 $1.442695020e+00, v11  }
0x219: {  	v29 =	vld [tilespmem:s14+$0x30];
	v40 =	vperm.xlane v40, v4;
	v32 =	vperm.xlane v39, v4;
	v34, v38, _ =	vpop (xrf1);
	(xrf1) =	vsort.dscd.msk.f32 $0xffff, v41, v25  }
0x21a: {  	v25 =	vld [tilespmem:s14+$0x20];
	v24, v39, _ =	vpop (xrf1);
	v34 =	vsel vm0, v34, v30;
	v38 =	vsel vm0, v38, v31;
	(xrf1) =	vsort.dscd.msk.f32 $0xffff, v23, v3;
	(erf) = vpow2.f32 v42  }
0x21b: {  	v31 =	vld [tilespmem:s14+$0xFFFFFFB0];
	v30 =	vsel vm0, v24, v40;
	v32 =	vsel vm0, v39, v32;
	v11, _, _ =	vpop (xrf0);
	(xrf1) =	vsort.dscd.msk.f32 $0xffff, v34, v38;
	(erf) = vpow2.f32 v16  }
.Ltmp0:
0x21c: {  	v16 =	vld [tilespmem:s14+$0xFFFFFF90];
	v39 =	vbroadcast v11, $0xF;
	v23, v26, _ =	vpop (xrf1);
	(xrf0) =	vmax.scan.msk.f32 $0xffff, v14;
	(erf) = vrcp.f32 v27;
	(pc) =	sbr.rel @p0 .LBB2_2-.Ltmp0, $4  }
0x21d: {  	v34 =	vld [tilespmem:s14+$0x0];
	(xrf1) =	vsort.dscd.msk.f32 $0xffff, v37, v1;
	v24 =	vsel vm0, v23, v35;
	v26 =	vsel vm0, v26, v33;
	v23, v27, _ =	vpop (xrf1)  }
0x21e: {  	v35 =	vld [tilespmem:s14+$0xFFFFFFA0];
	(xrf1) =	vsort.dscd.msk.f32 $0xffff, v29, v3;
	v38 =	vsub.f32 v36, v39;
	v33, _, _ =	vpop (xrf2);
	v23 =	vsel vm0, v23, v20  }
0x21f: {  	v36 =	vld [tilespmem:s14+$0xFFFFFF80];
	(xrf1) =	vsort.dscd.msk.f32 $0xffff, v25, v2;
	v37 =	vbroadcast v33, $0xF;
	v20, v29, _ =	vpop (xrf1);
	v25 =	vsel vm0, v27, v15  }
0x220: {  	s16 =	sadd.s32 $0x2, s16;
	v33 =	vmul.f32 $1.442695020e+00, v38;
	v20 =	vperm.xlane v20, v4;
	v27, v11, _ =	vpop (xrf1)  }
0x221: {  	_ = 	snop  }
0x222: {  	(erf) = vrcp.f32 v37;
	v48, _, _ =	vpop (xrf2);
	(xrf1) =	vsort.dscd.msk.f32 $0xffff, v34, v0  }
0x223: {  	(xrf1) =	vsort.dscd.msk.f32 $0xffff, v31, v3;
	v15 =	vpop (erf)  }
0x224: {  	s2 =	sadd.s32 $0x1, s31;
	v34, _, _ =	vpop (xrf0);
	(xrf1) =	vsort.dscd.msk.f32 $0xffff, v16, v1;
	v15 =	vnsel vm0, $0x0, v15  }
0x225: {  	v49 =	vmov s2;
	v38 =	vpop (erf);
	(xrf2) =	vadd.scan.msk.f32 $0xffff, v15  }
0x226: {  	v39 =	vand.u32 $0xFF, v49;
	(xrf1) =	vsort.dscd.msk.f32 $0xffff, v35, v2;
	v50, v31, _ =	vpop (xrf1)  }
0x227: {  	v39 =	vbroadcast v39, $0x0;
	v51, v40, _ =	vpop (xrf1);
	(xrf0) =	vmax.scan.msk.f32 $0xffff, v50  }
0x228: {  	(xrf1) =	vsort.dscd.msk.f32 $0xffff, v36, v0;
	v40 =	vperm.xlane v40, v4;
	v41, v42, _ =	vpop (xrf1)  }
0x229: {  	v39 =	vor.u32 v5, v39;
	(xrf1) =	vsort.dscd.msk.f32 $0xffff, v30, v32;
	v36 =	vperm.xlane v51, v4;
	v30, v32, _ =	vpop (xrf1)  }
0x22a: {  	v16 =	vpop (erf);
	v32 =	vsel vm0, v32, v40  }
0x22b: {  	(xrf1) =	vsort.dscd.msk.f32 $0xffff, v19, v1;
	v43 =	vpop (erf);
	v30 =	vsel vm0, v30, v36  }
0x22c: {  	v53, v52, _ =	vpop (xrf1);
	v28 =	vmul.f32 v43, v28;
	(xrf1) =	vsort.dscd.msk.f32 $0xffff, v30, v32  }
0x22d: {  	(erf) = vpow2.f32 v33;
	v56, _, _ =	vpop (xrf0)  }
0x22e: {  	v19 =	vperm.xlane v53, v4;
	[tilespmem:v39+s15+$0x0] =	vst.idx.msk $0xff, v28;
	v30, v32, _ =	vpop (xrf1);
	v44 =	vbroadcast v56, $0xF  }
0x22f: {  	[tilespmem:v39+s17+$0x0] =	vst.idx.msk $0xff, v17;
	v30 =	vperm.xlane v30, v4;
	v32 =	vperm.xlane v32, v4;
	v54, v55, _ =	vpop (xrf1)  }
0x230: {  	v57 =	vbroadcast v48, $0xF;
	(xrf1) =	vsort.dscd.msk.f32 $0xffff, v18, v2;
	v36 =	vperm.xlane v52, v4;
	v60 =	vld [tilespmem:s25+$0x70];
	v61, _, _ =	vpop (xrf2);
	v18 =	vsub.f32 v50, v44  }
0x231: {  	v45 =	vld [tilespmem:s25+$0x50];
	v62, v63, _ =	vpop (xrf1);
	v46 =	vbroadcast v61, $0xF;
	v58 =	vsel vm0, v54, v30;
	v59 =	vsel vm0, v55, v32  }
0x232: {  	(erf) = vrcp.f32 v57;
	v47 =	vld [tilespmem:s25+$0x60];
	v19 =	vsel vm0, v62, v19;
	v50, v49, _ =	vpop (xrf1);
	(xrf1) =	vsort.dscd.msk.f32 $0xffff, v58, v59;
	v18 =	vmul.f32 $1.442695020e+00, v18  }
0x233: {  	v48 =	vsel vm0, v63, v36;
	(erf) = vrcp.f32 v46;
	v52, v51, _ =	vpop (xrf1);
	v54 =	vperm.xlane v50, v4  }
0x234: {  	v53 =	vld [tilespmem:s25+$0x40];
	(xrf1) =	vsort.dscd.msk.f32 $0xffff, v19, v48;
	v57, v56, _ =	vpop (xrf1);
	(erf) = vpow2.f32 v18  }
0x235: {  	v55 =	vperm.xlane v49, v4;
	(xrf1) =	vsort.dscd.msk.f32 $0xffff, v60, v3;
	v32 =	vsel vm0, v57, v54  }
0x236: {  	v58, v59, _ =	vpop (xrf1);
	(xrf1) =	vsort.dscd.msk.f32 $0xffff, v45, v1  }
0x237: {  	v37 =	vpop (erf);
	v35 =	vsel vm0, v56, v55;
	(xrf1) =	vsort.dscd.msk.f32 $0xffff, v47, v2  }
0x238: {  	v19 =	vperm.xlane v52, v4;
	v60 =	vmov s0;
	v36, v28, _ =	vpop (xrf1);
	(xrf1) =	vsort.dscd.msk.f32 $0xffff, v32, v35  }
0x239: {  	v30 =	vperm.xlane v51, v4;
	v18 =	vand.u32 $0xFE, v60;
	v33, v32, _ =	vpop (xrf1);
	(xrf1) =	vsort.dscd.msk.f32 $0xffff, v53, v0  }
0x23a: {  	v18 =	vbroadcast v18, $0x0;
	v61, v17, _ =	vpop (xrf1)  }
0x23b: {  	v44 =	vpop (erf);
	v39 =	vsel vm0, v58, v19;
	v30 =	vsel vm0, v59, v30;
	(xrf0) =	vmax.scan.msk.f32 $0xffff, v61  }
0x23c: {  	v62 =	vor.u32 v5, v18;
	v18 =	vnsel vm0, $0x0, v38;
	(xrf1) =	vsort.dscd.msk.f32 $0xffff, v39, v30;
	v19 =	vpop (erf)  }
0x23d: {  	(xrf2) =	vadd.scan.msk.f32 $0xffff, v18;
	v48 =	vpop (erf)  }
0x23e: {  	v45, v63, _ =	vpop (xrf1);
	(xrf1) =	vsort.dscd.msk.f32 $0xffff, v22, v0;
	v22 =	vnsel vm0, $0x0, v48  }
0x23f: {  	v41 =	vperm.xlane v41, v4;
	v42 =	vperm.xlane v42, v4;
	(xrf2) =	vadd.scan.msk.f32 $0xffff, v22  }
0x240: {  	v21 =	vmul.f32 v44, v21;
	v47, v46, _ =	vpop (xrf1);
	(xrf1) =	vsort.dscd.msk.f32 $0xffff, v24, v26  }
0x241: {  	v50 =	vsel vm0, v45, v41;
	v51 =	vsel vm0, v63, v42;
	v49, _, _ =	vpop (xrf0);
	(xrf0) =	vmax.scan.msk.f32 $0xffff, v36  }
0x242: {  	[tilespmem:v62+s15+$0x0] =	vst.idx.msk $0xff, v21;
	v52 =	vperm.xlane v47, v4;
	v53, v54, _ =	vpop (xrf1);
	(xrf1) =	vsort.dscd.msk.f32 $0xffff, v50, v51  }
0x243: {  	[tilespmem:v62+s17+$0x0] =	vst.idx.msk $0xff, v12;
	v55 =	vbroadcast v49, $0xF;
	v56 =	vperm.xlane v46, v4;
	v24, v26, _ =	vpop (xrf1);
	(xrf1) =	vsort.dscd.msk.f32 $0xffff, v23, v25  }
0x244: {  	v57 =	vld [tilespmem:s24+$0xFFFFFFF0];
	v58 =	vsel vm0, v53, v52;
	v24 =	vperm.xlane v24, v4;
	v26 =	vperm.xlane v26, v4;
	v30, v38, _ =	vpop (xrf1)  }
0x245: {  	v12 =	vsub.f32 v61, v55;
	v21 =	vsel vm0, v54, v56;
	v30 =	vperm.xlane v30, v4;
	v61, v60, _ =	vpop (xrf1)  }
0x246: {  	(xrf1) =	vsort.dscd.msk.f32 $0xffff, v58, v21;
	v63, v62, _ =	vpop (xrf1);
	v24 =	vsel vm0, v61, v24;
	v45 =	vsel vm0, v60, v26  }
0x247: {  	v59 =	vperm.xlane v38, v4;
	v12 =	vmul.f32 $1.442695020e+00, v12;
	v47, v46, _ =	vpop (xrf1);
	(xrf1) =	vsort.dscd.msk.f32 $0xffff, v24, v45  }
0x248: {  	v50 =	vbroadcast v34, $0xF;
	v54, _, _ =	vpop (xrf0);
	(xrf0) =	vmax.scan.msk.f32 $0xffff, v27  }
0x249: {  	v48 =	vsel vm0, v47, v30;
	v49 =	vsel vm0, v46, v59;
	(xrf1) =	vsort.dscd.msk.f32 $0xffff, v57, v3;
	(erf) = vpow2.f32 v12  }
0x24a: {  	v37 =	vnsel vm0, $0x0, v37;
	v51, _, _ =	vpop (xrf2);
	v12 =	vsub.f32 v14, v50;
	(xrf1) =	vsort.dscd.msk.f32 $0xffff, v48, v49  }
0x24b: {  	v56, _, _ =	vpop (xrf2);
	(xrf2) =	vadd.scan.msk.f32 $0xffff, v37  }
0x24c: {  	v12 =	vmul.f32 $1.442695020e+00, v12  }
0x24d: {  	v53, v52, _ =	vpop (xrf1)  }
0x24e: {  	v39, v41, _ =	vpop (xrf1);
	(erf) = vpow2.f32 v12  }
0x24f: {  	v55 =	vbroadcast v51, $0xF;
	v46, _, _ =	vpop (xrf0)  }
0x250: {  	v42, v43, _ =	vpop (xrf1)  }
0x251: {  	v57 =	vbroadcast v56, $0xF;
	(erf) = vrcp.f32 v55;
	v26, v25, _ =	vpop (xrf1)  }
0x252: {  	v58 =	vpop (erf)  }
0x253: {  	v21 =	vperm.xlane v63, v4;
	v30, v12, _ =	vpop (xrf1);
	(erf) = vrcp.f32 v57;
	v14 =	vnsel vm0, $0x0, v58  }
0x254: {  	s16 =	sadd.s32 $0x1, s30;
	(xrf2) =	vadd.scan.msk.f32 $0xffff, v14;
	v60, v34, _ =	vpop (xrf1)  }
0x255: {  	v40 =	vperm.xlane v62, v4;
	v45 =	vmov s16;
	v59 =	vld [tilespmem:s24+$0xFFFFFFD0];
	v21 =	vsel vm0, v53, v21;
	(xrf0) =	vmax.scan.msk.f32 $0xffff, v60;
	v53, _, _ =	vpop (xrf2)  }
0x256: {  	v62 =	vbroadcast v54, $0xF;
	v45 =	vand.u32 $0xFF, v45;
	v48, v63, _ =	vpop (xrf1)  }
0x257: {  	v61 =	vsel vm0, v52, v40;
	v49 =	vbroadcast v45, $0x0;
	v50 =	vpop (erf)  }
0x258: {  	v35 =	vsub.f32 v36, v62;
	v38 =	vperm.xlane v48, v4;
	v40 =	vperm.xlane v63, v4;
	v47, v48, _ =	vpop (xrf1)  }
0x259: {  	v36 =	vor.u32 v5, v49;
	(xrf1) =	vsort.dscd.msk.f32 $0xffff, v21, v61;
	v21, v24, _ =	vpop (xrf1)  }
0x25a: {  	v35 =	vmul.f32 $1.442695020e+00, v35;
	v23 =	vpop (erf);
	(xrf1) =	vsort.dscd.msk.f32 $0xffff, v59, v1;
	v21 =	vsel vm0, v21, v38;
	v24 =	vsel vm0, v24, v40  }
0x25b: {  	v54 =	vbroadcast v53, $0xF;
	(xrf1) =	vsort.dscd.msk.f32 $0xffff, v21, v24;
	v51, _, _ =	vpop (xrf0)  }
0x25c: {  	(erf) = vpow2.f32 v35;
	v52 =	vpop (erf);
	v21 =	vbroadcast v51, $0xF  }
0x25d: {  	(erf) = vrcp.f32 v54;
	v22 =	vmul.f32 v52, v22  }
0x25e: {  	v55, _, _ =	vpop (xrf2);
	v21 =	vsub.f32 v60, v21  }
0x25f: {  	v57 =	vld [tilespmem:s24+$0xFFFFFFE0];
	[tilespmem:v36+s15+$0x0] =	vst.idx.msk $0xff, v22;
	v56 =	vbroadcast v55, $0xF  }
0x260: {  	[tilespmem:v36+s17+$0x0] =	vst.idx.msk $0xff, v31;
	v21 =	vmul.f32 $1.442695020e+00, v21  }
0x261: {  	v58 =	vld [tilespmem:s29+$0x70];
	(erf) = vrcp.f32 v56  }
0x262: {  	v36 =	vld [tilespmem:s29+$0x50];
	(erf) = vpow2.f32 v21  }
0x263: {  	v59 =	vld [tilespmem:s29+$0x60]  }
0x264: {  	(xrf1) =	vsort.dscd.msk.f32 $0xffff, v57, v2;
	v22 =	vnsel vm0, $0x0, v50  }
0x265: {  	(xrf2) =	vadd.scan.msk.f32 $0xffff, v22;
	v35 =	vpop (erf)  }
0x266: {  	v60 =	vld [tilespmem:s29+$0x40];
	v49 =	vpop (erf);
	(xrf1) =	vsort.dscd.msk.f32 $0xffff, v58, v3  }
0x267: {  	v40, v31, _ =	vpop (xrf1);
	(xrf1) =	vsort.dscd.msk.f32 $0xffff, v36, v1  }
0x268: {  	v44, v45, _ =	vpop (xrf1);
	(xrf1) =	vsort.dscd.msk.f32 $0xffff, v59, v2  }
0x269: {  	v61, v21, _ =	vpop (xrf1)  }
0x26a: {  	v50 =	vmov s31;
	(xrf0) =	vmax.scan.msk.f32 $0xffff, v61;
	v24 =	vpop (erf)  }
0x26b: {  	v50 =	vand.u32 $0xFE, v50;
	(xrf1) =	vsort.dscd.msk.f32 $0xffff, v60, v0;
	v62 =	vpop (erf)  }
0x26c: {  	v51 =	vld [tilespmem:s24+$0xFFFFFFC0];
	v50 =	vbroadcast v50, $0x0;
	v38 =	vnsel vm0, $0x0, v62  }
0x26d: {  	(xrf2) =	vadd.scan.msk.f32 $0xffff, v38  }
0x26e: {  	v32 =	vperm.xlane v32, v4;
	v50 =	vor.u32 v5, v50  }
0x26f: {  	v63 =	vbroadcast v46, $0xF  }
0x270: {  	v33 =	vperm.xlane v33, v4;
	v32 =	vsel vm0, v41, v32;
	v46, _, _ =	vpop (xrf0)  }
0x271: {  	v52 =	vsub.f32 v27, v63;
	v37 =	vmul.f32 v49, v37;
	(xrf1) =	vsort.dscd.msk.f32 $0xffff, v51, v0;
	v41 =	vbroadcast v46, $0xF  }
0x272: {  	v29 =	vperm.xlane v29, v4;
	v33 =	vsel vm0, v39, v33;
	v20 =	vsel vm0, v42, v20;
	v54, _, _ =	vpop (xrf2)  }
0x273: {  	v53 =	vperm.xlane v47, v4;
	v27 =	vmul.f32 $1.442695020e+00, v52;
	[tilespmem:v50+s15+$0x0] =	vst.idx.msk $0xff, v37;
	v56, v57, _ =	vpop (xrf1);
	v36 =	vsub.f32 v61, v41  }
0x274: {  	v29 =	vsel vm0, v43, v29;
	v55 =	vperm.xlane v48, v4;
	[tilespmem:v50+s17+$0x0] =	vst.idx.msk $0xff, v13;
	v58 =	vbroadcast v54, $0xF;
	v60, v59, _ =	vpop (xrf1)  }
0x275: {  	(xrf1) =	vsort.dscd.msk.f32 $0xffff, v33, v32;
	v39 =	vsel vm0, v56, v53;
	v62 =	vld [tilespmem:s25+$0xFFFFFFF0];
	v13 =	vperm.xlane v60, v4;
	v63, v46, _ =	vpop (xrf1);
	v36 =	vmul.f32 $1.442695020e+00, v36  }
0x276: {  	(xrf0) =	vmax.scan.msk.f32 $0xffff, v40;
	v61 =	vsel vm0, v57, v55;
	v47 =	vperm.xlane v59, v4;
	v48 =	vperm.xlane v63, v4;
	v49, v50, _ =	vpop (xrf1)  }
0x277: {  	(xrf1) =	vsort.dscd.msk.f32 $0xffff, v39, v61;
	v51 =	vperm.xlane v46, v4;
	v13 =	vsel vm0, v49, v13;
	(erf) = vpow2.f32 v36;
	v52, _, _ =	vpop (xrf2)  }
0x278: {  	(xrf1) =	vsort.dscd.msk.f32 $0xffff, v20, v29;
	v32 =	vsel vm0, v50, v47;
	(erf) = vpow2.f32 v27;
	v53 =	vbroadcast v52, $0xF  }
0x279: {  	v55, v54, _ =	vpop (xrf1);
	(xrf1) =	vsort.dscd.msk.f32 $0xffff, v13, v32;
	(erf) = vrcp.f32 v58  }
0x27a: {  	v56 =	vsel vm0, v55, v48;
	v20 =	vsel vm0, v54, v51;
	(xrf1) =	vsort.dscd.msk.f32 $0xffff, v62, v3;
	(erf) = vrcp.f32 v53  }
0x27b: {  	(xrf1) =	vsort.dscd.msk.f32 $0xffff, v56, v20  }
0x27c: {  	s24 =	sadd.s32 $0x1, s28  }
0x27d: {  	v57 =	vmov s24  }
0x27e: {  	v13 =	vand.u32 $0xFF, v57;
	v58, _, _ =	vpop (xrf0)  }
0x27f: {  	v29 =	vnsel vm0, $0x0, v35;
	v13 =	vbroadcast v13, $0x0;
	v32, v33, _ =	vpop (xrf1)  }
0x280: {  	(xrf2) =	vadd.scan.msk.f32 $0xffff, v29;
	v39 =	vpop (erf)  }
0x281: {  	v59 =	vor.u32 v5, v13;
	v41 =	vpop (erf)  }
0x282: {  	v20 =	vpop (erf)  }
0x283: {  	v60 =	vpop (erf)  }
0x284: {  	v43, v46, _ =	vpop (xrf1);
	v38 =	vmul.f32 v60, v38  }
0x285: {  	v47 =	vld [tilespmem:s25+$0xFFFFFFD0];
	v36, v35, _ =	vpop (xrf1)  }
0x286: {  	v27 =	vbroadcast v58, $0xF;
	v37, v13, _ =	vpop (xrf1);
	[tilespmem:v59+s15+$0x0] =	vst.idx.msk $0xff, v38  }
0x287: {  	v62, v61, _ =	vpop (xrf1);
	v38 =	vld [tilespmem:s25+$0xFFFFFFE0];
	[tilespmem:v59+s17+$0x0] =	vst.idx.msk $0xff, v34  }
0x288: {  	v27 =	vsub.f32 v40, v27;
	v63 =	vperm.xlane v62, v4;
	v56 =	vperm.xlane v61, v4;
	v57, v58, _ =	vpop (xrf1);
	v59 =	vld [tilespmem:s13+$0x70]  }
0x289: {  	v61, v60, _ =	vpop (xrf1);
	v52 =	vld [tilespmem:s13+$0x50]  }
0x28a: {  	v27 =	vmul.f32 $1.442695020e+00, v27;
	v53, _, _ =	vpop (xrf2);
	(xrf1) =	vsort.dscd.msk.f32 $0xffff, v47, v1;
	v34 =	vsel vm0, v61, v63;
	v40 =	vsel vm0, v60, v56;
	v62 =	vld [tilespmem:s13+$0x60]  }
0x28b: {  	v63 =	vbroadcast v53, $0xF;
	(xrf1) =	vsort.dscd.msk.f32 $0xffff, v34, v40  }
0x28c: {  	(erf) = vpow2.f32 v27;
	v40 =	vld [tilespmem:s13+$0x40];
	(xrf1) =	vsort.dscd.msk.f32 $0xffff, v38, v2  }
0x28d: {  	(erf) = vrcp.f32 v63;
	(xrf1) =	vsort.dscd.msk.f32 $0xffff, v59, v3  }
0x28e: {  	(xrf1) =	vsort.dscd.msk.f32 $0xffff, v52, v1  }
0x28f: {  	(xrf1) =	vsort.dscd.msk.f32 $0xffff, v62, v2  }
0x290: {  	v50 =	vmov s30  }
0x291: {  	v34 =	vand.u32 $0xFE, v50;
	(xrf1) =	vsort.dscd.msk.f32 $0xffff, v40, v0  }
0x292: {  	v51 =	vbroadcast v34, $0x0;
	_ =	sdelay $0x1  }
0x293: {  	v27 =	vor.u32 v5, v51  }
0x294: {  	v26 =	vperm.xlane v26, v4;
	v38 =	vpop (erf);
	v52 =	vld [tilespmem:s25+$0xFFFFFFC0]  }
0x295: {  	v54 =	vperm.xlane v45, v4;
	v42 =	vperm.xlane v57, v4;
	v55 =	vpop (erf)  }
0x296: {  	v53 =	vperm.xlane v44, v4;
	v29 =	vmul.f32 v55, v29  }
0x297: {  	v33 =	vsel vm0, v33, v54;
	v26 =	vsel vm0, v43, v26;
	v56 =	vperm.xlane v25, v4;
	v40, v43, _ =	vpop (xrf1)  }
0x298: {  	v57 =	vperm.xlane v58, v4;
	v32 =	vsel vm0, v32, v53;
	[tilespmem:v27+s15+$0x0] =	vst.idx.msk $0xff, v29;
	v45, v25, _ =	vpop (xrf1)  }
0x299: {  	v58 =	vsel vm0, v46, v56;
	(xrf1) =	vsort.dscd.msk.f32 $0xffff, v52, v0;
	[tilespmem:v27+s17+$0x0] =	vst.idx.msk $0xff, v28;
	v60, v59, _ =	vpop (xrf1)  }
0x29a: {  	(xrf1) =	vsort.dscd.msk.f32 $0xffff, v32, v33;
	v63 =	vld [tilespmem:s29+$0xFFFFFFF0];
	v61 =	vsel vm0, v60, v42;
	v62 =	vsel vm0, v59, v57;
	v42, v44, _ =	vpop (xrf1)  }
0x29b: {  	(xrf1) =	vsort.dscd.msk.f32 $0xffff, v61, v62;
	v46 =	vperm.xlane v42, v4;
	v47 =	vperm.xlane v44, v4;
	v48, v49, _ =	vpop (xrf1)  }
0x29c: {  	(xrf1) =	vsort.dscd.msk.f32 $0xffff, v26, v58;
	v50 =	vperm.xlane v48, v4;
	v51, v52, _ =	vpop (xrf1)  }
0x29d: {  	(xrf0) =	vmax.scan.msk.f32 $0xffff, v30;
	v34 =	vperm.xlane v49, v4;
	v27 =	vsel vm0, v51, v46;
	v28 =	vsel vm0, v52, v47  }
0x29e: {  	v53, v54, _ =	vpop (xrf1);
	(xrf1) =	vsort.dscd.msk.f32 $0xffff, v27, v28  }
0x29f: {  	v26 =	vsel vm0, v53, v50;
	v55 =	vsel vm0, v54, v34;
	(xrf1) =	vsort.dscd.msk.f32 $0xffff, v63, v3  }
0x2a0: {  	(xrf1) =	vsort.dscd.msk.f32 $0xffff, v26, v55  }
0x2a1: {  	(xrf0) =	vmax.scan.msk.f32 $0xffff, v45;
	_ =	sdelay $0x2  }
0x2a2: {  	v28 =	vnsel vm0, $0x0, v39  }
0x2a3: {  	(xrf2) =	vadd.scan.msk.f32 $0xffff, v28  }
0x2a4: {  	v56, _, _ =	vpop (xrf0)  }
0x2a5: {  	v57, _, _ =	vpop (xrf0)  }
0x2a6: {  	v39, v42, _ =	vpop (xrf1)  }
0x2a7: {  	v44, v46, _ =	vpop (xrf1)  }
0x2a8: {  	v58 =	vld [tilespmem:s29+$0xFFFFFFD0];
	v47, v48, _ =	vpop (xrf1)  }
0x2a9: {  	v49, v26, _ =	vpop (xrf1)  }
0x2aa: {  	v29 =	vnsel vm0, $0x0, v41;
	v32 =	vbroadcast v57, $0xF;
	v59, v60, _ =	vpop (xrf1)  }
0x2ab: {  	v38 =	vnsel vm0, $0x0, v38;
	(xrf2) =	vadd.scan.msk.f32 $0xffff, v29;
	v34 =	vperm.xlane v59, v4;
	v41 =	vperm.xlane v60, v4;
	v50, v51, _ =	vpop (xrf1)  }
0x2ac: {  	v32 =	vsub.f32 v45, v32;
	(xrf2) =	vadd.scan.msk.f32 $0xffff, v38;
	v62, v61, _ =	vpop (xrf1)  }
0x2ad: {  	v63, _, _ =	vpop (xrf2);
	(xrf1) =	vsort.dscd.msk.f32 $0xffff, v58, v1;
	v34 =	vsel vm0, v62, v34;
	v41 =	vsel vm0, v61, v41  }
0x2ae: {  	v53 =	vbroadcast v63, $0xF;
	(xrf1) =	vsort.dscd.msk.f32 $0xffff, v34, v41  }
0x2af: {  	v32 =	vmul.f32 $1.442695020e+00, v32  }
0x2b0: {  	(erf) = vrcp.f32 v53  }
0x2b1: {  	v27 =	vbroadcast v56, $0xF;
	(erf) = vpow2.f32 v32;
	_ =	sdelay $0x1  }
0x2b2: {  	v27 =	vsub.f32 v30, v27;
	_ =	sdelay $0x1  }
0x2b3: {  	v27 =	vmul.f32 $1.442695020e+00, v27;
	v54, _, _ =	vpop (xrf2)  }
0x2b4: {  	v55 =	vld [tilespmem:s29+$0xFFFFFFE0];
	v30 =	vbroadcast v54, $0xF;
	v56, _, _ =	vpop (xrf2)  }
0x2b5: {  	v57 =	vbroadcast v56, $0xF;
	(erf) = vpow2.f32 v27  }
0x2b6: {  	(erf) = vrcp.f32 v30  }
0x2b7: {  	(xrf0) =	vmax.scan.msk.f32 $0xffff, v37;
	v32 =	vpop (erf);
	(erf) = vrcp.f32 v57  }
0x2b8: {  	v58 =	vpop (erf)  }
0x2b9: {  	v59 =	vmov s28;
	(xrf1) =	vsort.dscd.msk.f32 $0xffff, v55, v2;
	v30 =	vnsel vm0, $0x0, v58;
	v41, v45, _ =	vpop (xrf1)  }
0x2ba: {  	v33 =	vand.u32 $0xFE, v59;
	(xrf2) =	vadd.scan.msk.f32 $0xffff, v30;
	v34, v27, _ =	vpop (xrf1)  }
0x2bb: {  	v33 =	vbroadcast v33, $0x0;
	(xrf0) =	vmax.scan.msk.f32 $0xffff, v34;
	_ =	sdelay $0x1  }
0x2bc: {  	v52, _, _ =	vpop (xrf0)  }
0x2bd: {  	v60 =	vpop (erf)  }
0x2be: {  	v56 =	vld [tilespmem:s29+$0xFFFFFFC0];
	v54 =	vor.u32 v5, v33;
	v33 =	vpop (erf)  }
0x2bf: {  	v55 =	vpop (erf)  }
0x2c0: {  	v36 =	vperm.xlane v36, v4;
	v63 =	vperm.xlane v43, v4;
	v61, _, _ =	vpop (xrf0)  }
0x2c1: {  	v38 =	vmul.f32 v55, v38;
	v55 =	vbroadcast v61, $0xF  }
0x2c2: {  	v59 =	vperm.xlane v50, v4;
	v62 =	vperm.xlane v40, v4  }
0x2c3: {  	(xrf1) =	vsort.dscd.msk.f32 $0xffff, v56, v0;
	[tilespmem:v54+s15+$0x0] =	vst.idx.msk $0xff, v38;
	v58, _, _ =	vpop (xrf2);
	v57 =	vsub.f32 v34, v55  }
0x2c4: {  	v40 =	vsel vm0, v42, v63;
	[tilespmem:v54+s17+$0x0] =	vst.idx.msk $0xff, v31;
	v34 =	vnsel vm0, $0x0, v60;
	v60 =	vbroadcast v58, $0xF  }
0x2c5: {  	v38 =	vsel vm0, v39, v62;
	v54 =	vld [tilespmem:s13+$0xFFFFFFF0];
	v61 =	vperm.xlane v51, v4;
	v43 =	vmul.f32 $1.442695020e+00, v57  }
0x2c6: {  	v35 =	vperm.xlane v35, v4;
	v62, v63, _ =	vpop (xrf1);
	(xrf1) =	vsort.dscd.msk.f32 $0xffff, v38, v40;
	v56 =	vld [tilespmem:s13+$0xFFFFFFD0];
	(erf) = vrcp.f32 v60  }
0x2c7: {  	v31 =	vsel vm0, v62, v59;
	v55 =	vsel vm0, v63, v61;
	(xrf2) =	vadd.scan.msk.f32 $0xffff, v34;
	v57 =	vld [tilespmem:s13+$0xFFFFFFE0];
	(erf) = vpow2.f32 v43  }
0x2c8: {  	v36 =	vsel vm0, v44, v36;
	v35 =	vsel vm0, v46, v35;
	(xrf1) =	vsort.dscd.msk.f32 $0xffff, v31, v55  }
0x2c9: {  	(xrf1) =	vsort.dscd.msk.f32 $0xffff, v36, v35  }
0x2ca: {  	(xrf1) =	vsort.dscd.msk.f32 $0xffff, v54, v3  }
0x2cb: {  	(xrf1) =	vsort.dscd.msk.f32 $0xffff, v56, v1  }
0x2cc: {  	v59 =	vld [tilespmem:s13+$0xFFFFFFC0];
	(xrf1) =	vsort.dscd.msk.f32 $0xffff, v57, v2  }
0x2cd: {  	(xrf0) =	vmax.scan.msk.f32 $0xffff, v49;
	_ =	sdelay $0x1  }
0x2ce: {  	v36 =	vpop (erf)  }
0x2cf: {  	v60 =	vbroadcast v52, $0xF;
	v58 =	vpop (erf)  }
0x2d0: {  	v61, v62, _ =	vpop (xrf1);
	(xrf1) =	vsort.dscd.msk.f32 $0xffff, v59, v0;
	v35 =	vnsel vm0, $0x0, v58  }
0x2d1: {  	v31 =	vsub.f32 v37, v60;
	(xrf2) =	vadd.scan.msk.f32 $0xffff, v35  }
0x2d2: {  	v57, _, _ =	vpop (xrf0)  }
0x2d3: {  	v45 =	vperm.xlane v45, v4;
	v63, v43, _ =	vpop (xrf1)  }
0x2d4: {  	v41 =	vperm.xlane v41, v4;
	v39, _, _ =	vpop (xrf2)  }
0x2d5: {  	v42 =	vsel vm0, v62, v45;
	v44, v46, _ =	vpop (xrf1)  }
0x2d6: {  	v40 =	vsel vm0, v61, v41;
	v55 =	vmul.f32 $1.442695020e+00, v31;
	v51, v31, _ =	vpop (xrf1)  }
0x2d7: {  	v48 =	vperm.xlane v48, v4;
	v56 =	vperm.xlane v47, v4;
	v59, v58, _ =	vpop (xrf1)  }
0x2d8: {  	(xrf1) =	vsort.dscd.msk.f32 $0xffff, v40, v42;
	v41 =	vperm.xlane v59, v4;
	v60 =	vperm.xlane v58, v4;
	v62, v61, _ =	vpop (xrf1)  }
0x2d9: {  	(erf) = vpow2.f32 v55;
	v47 =	vbroadcast v57, $0xF;
	v37 =	vsel vm0, v63, v56;
	v40, v42, _ =	vpop (xrf1)  }
0x2da: {  	v39 =	vbroadcast v39, $0xF;
	v40 =	vsel vm0, v40, v41;
	v45 =	vsel vm0, v42, v60  }
0x2db: {  	v48 =	vsel vm0, v43, v48;
	v49 =	vsub.f32 v49, v47;
	(xrf1) =	vsort.dscd.msk.f32 $0xffff, v40, v45;
	v63, _, _ =	vpop (xrf2)  }
0x2dc: {  	(erf) = vrcp.f32 v39;
	(xrf1) =	vsort.dscd.msk.f32 $0xffff, v37, v48;
	v38 =	vbroadcast v63, $0xF  }
0x2dd: {  	v53 =	vmul.f32 $1.442695020e+00, v49;
	v55 =	vperm.xlane v62, v4  }
0x2de: {  	v56 =	vperm.xlane v61, v4;
	(erf) = vrcp.f32 v38  }
0x2df: {  	v40, v41, _ =	vpop (xrf1);
	(erf) = vpow2.f32 v53  }
0x2e0: {  	v37 =	vsel vm0, v40, v55;
	v39 =	vsel vm0, v41, v56  }
0x2e1: {  	(xrf1) =	vsort.dscd.msk.f32 $0xffff, v37, v39  }
0x2e2: {  	v54 =	vpop (erf)  }
0x2e3: {  	v38 =	vnsel vm0, $0x0, v54  }
0x2e4: {  	(xrf2) =	vadd.scan.msk.f32 $0xffff, v38  }
0x2e5: {  	(xrf0) =	vmax.scan.msk.f32 $0xffff, v51;
	v45 =	vpop (erf)  }
0x2e6: {  	v57, v58, _ =	vpop (xrf1)  }
0x2e7: {  	v42 =	vpop (erf)  }
0x2e8: {  	v59 =	vpop (erf)  }
0x2e9: {  	v60, v47, _ =	vpop (xrf1);
	v39 =	vnsel vm0, $0x0, v59  }
0x2ea: {  	v61, v37, _ =	vpop (xrf1);
	(xrf2) =	vadd.scan.msk.f32 $0xffff, v39  }
0x2eb: {  	v62, _, _ =	vpop (xrf0);
	(xrf0) =	vmax.scan.msk.f32 $0xffff, v61  }
0x2ec: {  	v49 =	vbroadcast v62, $0xF  }
0x2ed: {  	v44 =	vperm.xlane v44, v4;
	v46 =	vperm.xlane v46, v4  }
0x2ee: {  	v49 =	vsub.f32 v51, v49;
	v43 =	vperm.xlane v60, v4;
	v52 =	vperm.xlane v47, v4;
	v63, _, _ =	vpop (xrf2)  }
0x2ef: {  	v40 =	vsel vm0, v57, v44;
	v41 =	vsel vm0, v58, v46;
	v50 =	vbroadcast v63, $0xF;
	v54, v53, _ =	vpop (xrf1)  }
0x2f0: {  	(xrf1) =	vsort.dscd.msk.f32 $0xffff, v40, v41;
	v43 =	vsel vm0, v54, v43;
	v41 =	vsel vm0, v53, v52  }
0x2f1: {  	(erf) = vrcp.f32 v50;
	(xrf1) =	vsort.dscd.msk.f32 $0xffff, v43, v41;
	v51, _, _ =	vpop (xrf0)  }
0x2f2: {  	v50 =	vmul.f32 $1.442695020e+00, v49;
	v40 =	vbroadcast v51, $0xF;
	_ =	sdelay $0x1  }
0x2f3: {  	(erf) = vpow2.f32 v50;
	v40 =	vsub.f32 v61, v40;
	v55, _, _ =	vpop (xrf2)  }
0x2f4: {  	v56 =	vbroadcast v55, $0xF  }
0x2f5: {  	v40 =	vmul.f32 $1.442695020e+00, v40  }
0x2f6: {  	(erf) = vrcp.f32 v56  }
0x2f7: {  	(erf) = vpow2.f32 v40;
	_ =	sdelay $0x3  }
0x2f8: {  	v47 =	vpop (erf)  }
0x2f9: {  	v57 =	vpop (erf)  }
0x2fa: {  	v58, v40, _ =	vpop (xrf1)  }
0x2fb: {  	v44 =	vnsel vm0, $0x0, v57;
	v60, v41, _ =	vpop (xrf1)  }
0x2fc: {  	(xrf2) =	vadd.scan.msk.f32 $0xffff, v44;
	v46 =	vpop (erf)  }
0x2fd: {  	(xrf0) =	vmax.scan.msk.f32 $0xffff, v58;
	v59 =	vpop (erf)  }
0x2fe: {  	(xrf0) =	vmax.scan.msk.f32 $0xffff, v60;
	v43 =	vnsel vm0, $0x0, v59  }
0x2ff: {  	(xrf2) =	vadd.scan.msk.f32 $0xffff, v43;
	_ =	sdelay $0x3  }
0x300: {  	v61, _, _ =	vpop (xrf0)  }
0x301: {  	v50 =	vbroadcast v61, $0xF  }
0x302: {  	v63, _, _ =	vpop (xrf0)  }
0x303: {  	s1 =	sadd.s32 $0x100, s1;
	v62, _, _ =	vpop (xrf2);
	v48 =	vsub.f32 v58, v50  }
0x304: {  	v56 =	vmov s1;
	v50 =	vbroadcast v63, $0xF;
	v51 =	vbroadcast v62, $0xF  }
0x305: {  	v52 =	vand.u32 $0x1FE, v56;
	v48 =	vmul.f32 $1.442695020e+00, v48  }
0x306: {  	s29 =	sadd.s32 $0x101, s26;
	v57 =	vbroadcast v52, $0x0;
	v49 =	vsub.f32 v60, v50;
	(erf) = vrcp.f32 v51;
	v58, _, _ =	vpop (xrf2)  }
0x307: {  	v59 =	vmov s29;
	(erf) = vpow2.f32 v48;
	v50 =	vbroadcast v58, $0xF  }
0x308: {  	s2 =	sadd.s32 $0x100, s19;
	v51 =	vor.u32 v5, v57;
	v48 =	vand.u32 $0x1FF, v59;
	v49 =	vmul.f32 $1.442695020e+00, v49  }
0x309: {  	v60 =	vmov s2;
	v48 =	vbroadcast v48, $0x0;
	(erf) = vrcp.f32 v50  }
0x30a: {  	v61 =	vand.u32 $0x1FE, v60;
	(erf) = vpow2.f32 v49  }
0x30b: {  	v9 =	vmul.f32 v16, v9;
	s13 =	sadd.s32 $0x101, s0;
	v48 =	vor.u32 v5, v48;
	v49 =	vbroadcast v61, $0x0  }
0x30c: {  	v63 =	vmov s13  }
0x30d: {  	s14 =	sadd.s32 $0x100, s20;
	v52 =	vand.u32 $0x1FF, v63;
	[tilespmem:v51+s15+$0x0] =	vst.idx.msk $0xff, v9;
	v62 =	vor.u32 v5, v49  }
0x30e: {  	s16 =	sadd.s32 $0x101, s31;
	v53 =	vmov s14;
	[tilespmem:v51+s17+$0x0] =	vst.idx.msk $0xff, v6;
	v6 =	vbroadcast v52, $0x0;
	v50 =	vmul.f32 v19, v15  }
0x30f: {  	v54 =	vmul.f32 v23, v18;
	v56 =	vmov s16;
	v18 =	vpop (erf);
	v15 =	vand.u32 $0x1FE, v53  }
0x310: {  	v6 =	vor.u32 v5, v6;
	v58 =	vand.u32 $0x1FF, v56;
	v57 =	vpop (erf);
	v55 =	vbroadcast v15, $0x0;
	[tilespmem:v48+s15+$0x0] =	vst.idx.msk $0xff, v50  }
0x311: {  	s19 =	sadd.s32 $0x100, s21;
	v9 =	vbroadcast v58, $0x0;
	v15 =	vnsel vm0, $0x0, v57;
	[tilespmem:v48+s17+$0x0] =	vst.idx.msk $0xff, v10  }
0x312: {  	v59 =	vmov s19;
	(xrf2) =	vadd.scan.msk.f32 $0xffff, v15;
	v10 =	vor.u32 v5, v55;
	[tilespmem:v62+s15+$0x0] =	vst.idx.msk $0xff, v54;
	v19 =	vpop (erf)  }
0x313: {  	s20 =	sadd.s32 $0x101, s30;
	v61 =	vand.u32 $0x1FE, v59;
	v9 =	vor.u32 v5, v9;
	[tilespmem:v62+s17+$0x0] =	vst.idx.msk $0xff, v7;
	v7 =	vmul.f32 v24, v14;
	v60 =	vpop (erf)  }
0x314: {  	v14 =	vbroadcast v61, $0x0;
	v62 =	vmov s20;
	v16 =	vnsel vm0, $0x0, v60  }
0x315: {  	v63 =	vand.u32 $0x1FF, v62;
	[tilespmem:v6+s15+$0x0] =	vst.idx.msk $0xff, v7;
	v7 =	vmul.f32 v20, v22;
	(xrf2) =	vadd.scan.msk.f32 $0xffff, v16  }
0x316: {  	s21 =	sadd.s32 $0x100, s22;
	v20 =	vbroadcast v63, $0x0;
	[tilespmem:v6+s17+$0x0] =	vst.idx.msk $0xff, v17;
	v6 =	vor.u32 v5, v14  }
0x317: {  	s22 =	sadd.s32 $0x101, s28;
	v22 =	vmov s21;
	[tilespmem:v10+s15+$0x0] =	vst.idx.msk $0xff, v7;
	v7 =	vmul.f32 v32, v28  }
0x318: {  	v17 =	vand.u32 $0x1FE, v22;
	v23 =	vor.u32 v5, v20;
	v28 =	vmov s22  }
0x319: {  	s24 =	sadd.s32 $0x100, s23;
	v24 =	vbroadcast v17, $0x0;
	v14 =	vand.u32 $0x1FF, v28;
	[tilespmem:v9+s15+$0x0] =	vst.idx.msk $0xff, v7;
	v7 =	vmul.f32 v33, v29  }
0x31a: {  	s25 =	sadd.s32 $0x100, s26;
	v34 =	vmul.f32 v45, v34;
	[tilespmem:v10+s17+$0x0] =	vst.idx.msk $0xff, v8;
	v32 =	vbroadcast v14, $0x0;
	v33 =	vmov s24  }
0x31b: {  	v45 =	vmov s25;
	v29 =	vor.u32 v5, v24;
	v14 =	vand.u32 $0x1FE, v33;
	[tilespmem:v6+s15+$0x0] =	vst.idx.msk $0xff, v7  }
0x31c: {  	v48, _, _ =	vpop (xrf2);
	v7 =	vmul.f32 v36, v30;
	v36 =	vbroadcast v14, $0x0;
	[tilespmem:v6+s17+$0x0] =	vst.idx.msk $0xff, v11;
	v6 =	vor.u32 v5, v32  }
0x31d: {  	s26 =	sadd.s32 $0x100, s0;
	[tilespmem:v9+s17+$0x0] =	vst.idx.msk $0xff, v21;
	v14 =	vbroadcast v48, $0xF;
	v11 =	vand.u32 $0x1FE, v45  }
0x31e: {  	v51 =	vmov s26;
	[tilespmem:v23+s15+$0x0] =	vst.idx.msk $0xff, v7;
	v49 =	vor.u32 v5, v36;
	v50 =	vbroadcast v11, $0x0  }
0x31f: {  	v7 =	vmul.f32 v42, v35;
	v11 =	vand.u32 $0x1FE, v51;
	(erf) = vrcp.f32 v14;
	[tilespmem:v23+s17+$0x0] =	vst.idx.msk $0xff, v25;
	v52, _, _ =	vpop (xrf2)  }
0x320: {  	s29 =	sadd.s32 $0x100, s31;
	[tilespmem:v29+s15+$0x0] =	vst.idx.msk $0xff, v34;
	v55 =	vbroadcast v11, $0x0;
	v54 =	vor.u32 v5, v50;
	v53 =	vbroadcast v52, $0xF  }
0x321: {  	v56 =	vmov s29;
	[tilespmem:v6+s15+$0x0] =	vst.idx.msk $0xff, v7;
	v7 =	vmul.f32 v47, v38  }
0x322: {  	s30 =	sadd.s32 $0x100, s30;
	v11 =	vand.u32 $0x1FE, v56;
	[tilespmem:v6+s17+$0x0] =	vst.idx.msk $0xff, v27;
	v6 =	vor.u32 v5, v55;
	(erf) = vrcp.f32 v53  }
0x323: {  	s31 =	sadd.s32 $0x100, s28;
	v58 =	vmov s30;
	v57 =	vbroadcast v11, $0x0;
	[tilespmem:v49+s15+$0x0] =	vst.idx.msk $0xff, v7;
	v7 =	vmul.f32 v46, v39  }
0x324: {  	v61 =	vmov s31;
	[tilespmem:v29+s17+$0x0] =	vst.idx.msk $0xff, v12;
	v11 =	vand.u32 $0x1FE, v58  }
0x325: {  	v60 =	vbroadcast v11, $0x0;
	v59 =	vor.u32 v5, v57;
	[tilespmem:v54+s15+$0x0] =	vst.idx.msk $0xff, v7;
	v7 =	vmul.f32 v18, v44  }
0x326: {  	v11 =	vand.u32 $0x1FE, v61;
	[tilespmem:v49+s17+$0x0] =	vst.idx.msk $0xff, v13  }
0x327: {  	v63 =	vbroadcast v11, $0x0;
	v62 =	vor.u32 v5, v60;
	[tilespmem:v6+s15+$0x0] =	vst.idx.msk $0xff, v7;
	v7 =	vmul.f32 v19, v43  }
0x328: {  	[tilespmem:v54+s17+$0x0] =	vst.idx.msk $0xff, v26  }
0x329: {  	v10 =	vor.u32 v5, v63;
	[tilespmem:v6+s17+$0x0] =	vst.idx.msk $0xff, v31;
	v6 =	vpop (erf)  }
0x32a: {  	[tilespmem:v59+s15+$0x0] =	vst.idx.msk $0xff, v7;
	v6 =	vmul.f32 v6, v15  }
0x32b: {  	[tilespmem:v59+s17+$0x0] =	vst.idx.msk $0xff, v37;
	v7 =	vpop (erf)  }
0x32c: {  	[tilespmem:v62+s15+$0x0] =	vst.idx.msk $0xff, v6;
	v6 =	vmul.f32 v7, v16  }
0x32d: {  	[tilespmem:v62+s17+$0x0] =	vst.idx.msk $0xff, v40  }
0x32e: {  	[tilespmem:v10+s15+$0x0] =	vst.idx.msk $0xff, v6  }
0x32f: {  	[tilespmem:v10+s17+$0x0] =	vst.idx.msk $0xff, v41  }
0x330: {  	[hbm4b:s8+s12] =	stream.strided.scatter [tilespmem:s15], [sflag:$0x1], $0x1000, s15, s12, $0x38;
	[tilespmem:$0xC000] =	vst v63  }
0x331: {  	s18 =	sadd.s32 $0x1, s18;
	_ =	swait.ge [sflag:s11], $0x1000  }
0x332: {  	p0 =	sne.s32 s18, s10;
	[sflag:s11] =	ssyncset.done $0x0  }
.Ltmp1:
0x333: {  	[sflag:s11] =	ssyncadd.s32 $0xFFFFF000;
	(pc) =	sbr.rel @p0 .LBB2_1-.Ltmp1, $4  }
0x334: {  	[hbm4b:s9+s12] =	stream.strided.scatter [tilespmem:s17], [sflag:$0x1], $0x1000, s15, s12, $0x38;
	[tilespmem:$0xC000] =	vst v63  }
0x335: {  	_ =	swait.ge [sflag:s11], $0x1000  }
0x336: {  	[sflag:s11] =	ssyncset.done $0x0  }
0x337: {  	[sflag:s11] =	ssyncadd.s32 $0xFFFFF000  }
0x338: {  	_ =	sfence.sel $0x180000  }
0x339: {  	[bflag:$0x0] =	sbarrier.arrive $0xFFFF  }
0x33a: {  	_ =	strace $0x9000004A  }
0x33b: {  	s0 =	stileid.u32;
	[bflag:$0x2] =	sbarrier.arrive $0xFFFF  }
0x33c: {  	p0 =	sne.s32 s0, $0x0;
	s0 =	rddreg [dreg:$0x3]  }
0x33d: {  	s0 =	sadd.s32 @!p0 $0x100000, s0  }
0x33e: {  	[sflag:s0] =	ssyncadd.tile.s32 @!p0 $0x1;
	_ =	shalt  }
.Lfunc_end2:
_tile_overlayer_lowered:
.L_overlay_start_2:
0x33f: {  	(tag) =	ssettag $0x2  }
0x340: {  	s0 =	rddreg [dreg:$0x0];
	s2 =	stileid.u32  }
0x341: {  	s1 =	rddreg [dreg:$0x1];
	p0 =	sne.s32 s2, $0x0  }
0x342: {  	s3 =	rddreg [dreg:$0x2];
	[bflag:$0x3] =	sbarrier.arrive $0xFFFF;
	s2 =	simm.s32 @!p0 $0x1C01  }
0x343: {  	[timem:s3], [sflag:s2] =	dma.local @!p0 [hbm:s0], s1  }
0x344: {  	s0 =	simm.s32 @!p0 $0x1  }
0x345: {  	_ =	swait.ge @!p0 [sflag:s0], s1  }
0x346: {  	s1 =	ssub.s32 @!p0 $0x0, s1;
	[sflag:s0] =	ssyncset.done @!p0 $0x0  }
0x347: {  	[sflag:s0] =	ssyncadd.s32 @!p0 s1  }
0x348: {  	[bflag:$0x3] =	sbarrier.arrive $0xFFFF  }
0x349: {  	_ =	shalt  }

</sc_bundles>
